<compile_context>
chip_gen: v7x
topology: tpu7x:2x2x1
jax: 0.10.2.dev20260603
libtpu: 0.0.44.dev20260713+nightly
codegen_flags: <defaults>
</compile_context>

<pallas_src>
import functools

import jax
import jax.numpy as jnp
from jax import lax
from jax.experimental import pallas as pl
from jax.experimental.pallas import tpu as pltpu
from jax.experimental.pallas import tpu_sc as plsc

_N = 100000
_E = 1600000
_DEPTH = 4
_NT = 16
_NODES_PT = 6272
_NP = _NT * _NODES_PT
_EPT = _E // _NT
_ECHUNK = 10000
_NCHUNK = _EPT // _ECHUNK
_HID = 64
_MLP_BL = 12800
_MLP_QL = 512


def _bf(v):
    return v.astype(jnp.bfloat16).astype(jnp.float32)


def _mlp_body(ea_ref, w1t_ref, b1_ref, w2_ref, b2_ref, out_ref):
    w1t = _bf(w1t_ref[...])
    w2 = _bf(w2_ref[...])
    for q in range(_MLP_BL // _MLP_QL):
        sl = slice(q * _MLP_QL, (q + 1) * _MLP_QL)
        ea = _bf(ea_ref[:, sl])
        h = (w1t[:, 0:1] * ea[0:1, :]
             + w1t[:, 1:2] * ea[1:2, :]
             + w1t[:, 2:3] * ea[2:3, :]) + b1_ref[...]
        h = _bf(jnp.maximum(h, 0.0))
        out_ref[:, sl] = (
            jnp.sum(h * w2, axis=0, keepdims=True) + b2_ref[...])


def _edge_weights(eaT, W1, b1, W2, b2):
    out = pl.pallas_call(
        _mlp_body,
        grid=(_E // _MLP_BL,),
        in_specs=[
            pl.BlockSpec((3, _MLP_BL), lambda i: (0, i)),
            pl.BlockSpec((_HID, 3), lambda i: (0, 0)),
            pl.BlockSpec((_HID, 1), lambda i: (0, 0)),
            pl.BlockSpec((_HID, 1), lambda i: (0, 0)),
            pl.BlockSpec((1, 1), lambda i: (0, 0)),
        ],
        out_specs=pl.BlockSpec((1, _MLP_BL), lambda i: (0, i)),
        out_shape=jax.ShapeDtypeStruct((1, _E), jnp.float32),
    )(eaT, W1.T, b1.reshape(_HID, 1), W2, b2.reshape(1, 1))
    return out.reshape(_E)


def _sc_message_passing(ei, w, x3p, r16, b16):
    mesh = plsc.VectorSubcoreMesh(
        core_axis_name="c", subcore_axis_name="s", num_cores=1)

    @functools.partial(
        pl.kernel,
        mesh=mesh,
        compiler_params=pltpu.CompilerParams(
            use_tc_tiling_on_sc=False, needs_layout_passes=False),
        out_type=jax.ShapeDtypeStruct((_NP,), jnp.float32),
        scratch_types=[
            pltpu.VMEM((_ECHUNK,), jnp.int32),
            pltpu.VMEM((_ECHUNK,), jnp.int32),
            pltpu.VMEM((_ECHUNK,), jnp.int32),
            pltpu.VMEM((_ECHUNK,), jnp.int32),
            pltpu.VMEM((_ECHUNK,), jnp.float32),
            pltpu.VMEM((_ECHUNK,), jnp.float32),
            pltpu.VMEM((_ECHUNK,), jnp.float32),
            pltpu.VMEM((_ECHUNK,), jnp.float32),
            pltpu.VMEM((_ECHUNK,), jnp.float32),
            pltpu.VMEM((_NODES_PT,), jnp.float32),
            pltpu.VMEM((_NODES_PT,), jnp.float32),
            pltpu.VMEM((_NODES_PT,), jnp.float32),
            pltpu.VMEM((16,), jnp.float32),
            pltpu.VMEM((16,), jnp.float32),
            pltpu.VMEM_SHARED((_NP,), jnp.float32),
            pltpu.VMEM_SHARED((_NP,), jnp.float32),
            pltpu.VMEM_SHARED((_NP,), jnp.float32),
            pltpu.SemaphoreType.DMA,
            pltpu.SemaphoreType.DMA,
            pltpu.SemaphoreType.DMA,
            pltpu.SemaphoreType.DMA,
            pltpu.SemaphoreType.DMA,
            pltpu.SemaphoreType.DMA,
            pltpu.SemaphoreType.DMA,
            pltpu.SemaphoreType.DMA,
            pltpu.SemaphoreType.DMA,
            pltpu.SemaphoreType.DMA,
            pltpu.SemaphoreType.DMA,
            pltpu.SemaphoreType.DMA,
        ],
    )
    def body(ei_hbm, w_hbm, x3_hbm, r_hbm, b_hbm, out_hbm,
             src0, src1, dst0, dst1, w0, w1, vals0, vals1, ones_v,
             acc_v, deg_v, xold_v, r_v, b_v,
             xk_sh, acc_sh, deg_sh,
             s_src0, s_src1, s_dst0, s_dst1, s_w0, s_w1,
             s_gat0, s_gat1, s_sct0, s_sct1, s_dg0, s_dg1):
        srcb = (src0, src1)
        dstb = (dst0, dst1)
        wb = (w0, w1)
        valsb = (vals0, vals1)
        s_src = (s_src0, s_src1)
        s_dst = (s_dst0, s_dst1)
        s_w = (s_w0, s_w1)
        s_gat = (s_gat0, s_gat1)
        s_sct = (s_sct0, s_sct1)
        s_dg = (s_dg0, s_dg1)

        tid = lax.axis_index("s")
        ebase = tid * _EPT
        nbase = tid * _NODES_PT
        nslice = pl.ds(nbase, _NODES_PT)

        pltpu.sync_copy(r_hbm, r_v)
        pltpu.sync_copy(b_hbm, b_v)
        root = r_v[...]
        bias = b_v[...]

        pltpu.sync_copy(x3_hbm.at[nslice], xk_sh.at[nslice])

        def fillz(i, _):
            xold_v[pl.ds(i * 16, 16)] = jnp.zeros((16,), jnp.float32)
            return 0
        lax.fori_loop(0, _NODES_PT // 16, fillz, 0)

        def fill1(i, _):
            ones_v[pl.ds(i * 16, 16)] = jnp.full((16,), 1.0, jnp.float32)
            return 0
        lax.fori_loop(0, _ECHUNK // 16, fill1, 0)

        pltpu.sync_copy(xold_v, acc_sh.at[nslice])
        pltpu.sync_copy(xold_v, deg_sh.at[nslice])
        plsc.subcore_barrier()

        def echunk(c):
            return pl.ds(ebase + c * _ECHUNK, _ECHUNK)

        def issue_in(c, b):
            return (
                pltpu.async_copy(ei_hbm.at[0, echunk(c)], srcb[b], s_src[b]),
                pltpu.async_copy(w_hbm.at[echunk(c)], wb[b], s_w[b]),
                pltpu.async_copy(ei_hbm.at[1, echunk(c)], dstb[b], s_dst[b]),
            )

        def chunk_loop(count_deg):
            ins = [None] * _NCHUNK
            gats = [None] * _NCHUNK
            scts = [None] * _NCHUNK
            dscts = [None] * _NCHUNK
            ins[0] = issue_in(0, 0)
            ins[0][0].wait()
            gats[0] = pltpu.async_copy(xk_sh.at[src0], vals0, s_gat0)
            for c in range(_NCHUNK):
                b = c & 1
                if c >= 1:
                    scts[c - 1].wait()
                    if count_deg:
                        dscts[c - 1].wait()
                if c + 1 < _NCHUNK:
                    ins[c + 1] = issue_in(c + 1, 1 - b)
                gats[c].wait()
                ins[c][1].wait()

                def mul(i, _):
                    s = pl.ds(i * 16, 16)
                    valsb[b][s] = valsb[b][s] * wb[b][s]
                    return 0
                lax.fori_loop(0, _ECHUNK // 16, mul, 0)

                ins[c][2].wait()
                scts[c] = pltpu.async_copy(
                    valsb[b], acc_sh.at[dstb[b]], s_sct[b], add=True)
                if count_deg:
                    dscts[c] = pltpu.async_copy(
                        ones_v, deg_sh.at[dstb[b]], s_dg[b], add=True)
                if c + 1 < _NCHUNK:
                    ins[c + 1][0].wait()
                    gats[c + 1] = pltpu.async_copy(
                        xk_sh.at[srcb[1 - b]], valsb[1 - b], s_gat[1 - b])
            scts[_NCHUNK - 1].wait()
            if count_deg:
                dscts[_NCHUNK - 1].wait()
            plsc.subcore_barrier()

        def update():
            pltpu.sync_copy(acc_sh.at[nslice], acc_v)
            pltpu.sync_copy(xk_sh.at[nslice], xold_v)

            def upd(i, _):
                s = pl.ds(i * 16, 16)
                acc_v[s] = jnp.maximum(
                    acc_v[s] * deg_v[s] + xold_v[s] * root + bias, 0.0)
                return 0
            lax.fori_loop(0, _NODES_PT // 16, upd, 0)

            def zer(i, _):
                xold_v[pl.ds(i * 16, 16)] = jnp.zeros((16,), jnp.float32)
                return 0
            lax.fori_loop(0, _NODES_PT // 16, zer, 0)
            pltpu.sync_copy(xold_v, acc_sh.at[nslice])
            pltpu.sync_copy(acc_v, xk_sh.at[nslice])
            pltpu.sync_copy(acc_v, out_hbm.at[nslice])
            plsc.subcore_barrier()

        chunk_loop(count_deg=True)
        pltpu.sync_copy(deg_sh.at[nslice], deg_v)

        def inv(i, _):
            s = pl.ds(i * 16, 16)
            deg_v[s] = 1.0 / jnp.maximum(deg_v[s], 1.0)
            return 0
        lax.fori_loop(0, _NODES_PT // 16, inv, 0)
        update()

        def depth_body(t, _):
            chunk_loop(count_deg=False)
            update()
            return 0
        lax.fori_loop(1, _DEPTH, depth_body, 0)

    return body(ei, w, x3p, r16, b16)


def kernel(x, edge_index, edge_attr, W1, b1, W2, b2, root, bias):
    w = _edge_weights(edge_attr.T, W1, b1, W2, b2)
    x3p = jnp.pad(x[:, 2], (0, _NP - _N))
    r16 = jnp.full((16,), root[0, 0], jnp.float32)
    b16 = jnp.full((16,), bias[0], jnp.float32)
    out = _sc_message_passing(edge_index, w, x3p, r16, b16)
    return out[:_N].reshape(_N, 1)

# --- scband reference (transcript-rebuilt; emitter-appended) ---
"""Pipeline reference for scband-net-mp-one-68805376082311 (READ-ONLY COPY).

The authoritative reference and input builder live on the scoring server;
editing this copy changes nothing except your own understanding.
"""

import jax, jax.numpy as jnp
import numpy as np

N = 100000
E = 1600000
WIDTH = 64
DEPTH = 4


def setup_inputs(seed: int = 0) -> dict:
    key = jax.random.key(seed)
    ks = jax.random.split(key, 10)
    x = jax.random.uniform(ks[0], (N, 3), dtype=jnp.float32)
    edge_index = jax.random.randint(ks[1], (2, E), 0, N, dtype=jnp.int32)
    edge_attr = jax.random.uniform(ks[2], (E, 3), dtype=jnp.float32)
    # kernel: Linear(3, width) -> ReLU -> Linear(width, 1)
    W1 = jax.random.normal(ks[3], (3, WIDTH), dtype=jnp.float32) * (1.0 / np.sqrt(3.0))
    b1 = jnp.zeros((WIDTH,), dtype=jnp.float32)
    W2 = jax.random.normal(ks[4], (WIDTH, 1), dtype=jnp.float32) * (1.0 / np.sqrt(WIDTH))
    b2 = jnp.zeros((1,), dtype=jnp.float32)
    # NNConv_old root weight and bias (in_channels=1, out_channels=1)
    root = jax.random.normal(ks[5], (1, 1), dtype=jnp.float32)
    bias = jnp.zeros((1,), dtype=jnp.float32)
    return {"x": x, "edge_index": edge_index, "edge_attr": edge_attr,
            "W1": W1, "b1": b1, "W2": W2, "b2": b2, "root": root, "bias": bias}


def reference(x, edge_index, edge_attr, W1, b1, W2, b2, root, bias):
    # Net_MP_one.forward: x = data.x[:, 2]; then 4x: x = relu(NNConv_old(x, edge_index, edge_attr))
    src = edge_index[0]  # x_j gathered from source nodes
    dst = edge_index[1]  # aggregation (scatter-mean) at target nodes
    # edge kernel weights: nn(edge_attr).view(E, 1, 1) -- identical every depth iteration
    h = jnp.maximum(edge_attr @ W1 + b1, 0.0)
    w = h @ W2 + b2  # [E, 1], per-edge 1x1 weight
    # degree for scatter-mean (PyG mean aggr: zero-degree nodes stay 0)
    deg = jax.ops.segment_sum(jnp.ones((E,), dtype=jnp.float32), dst, num_segments=N)
    deg = jnp.maximum(deg, 1.0)
    xk = x[:, 2:3]  # [N, 1]
    for _ in range(DEPTH):
        msg = xk[src] * w  # message: matmul(x_j[...,1], weight[E,1,1]) -> [E,1]
        aggr = jax.ops.segment_sum(msg, dst, num_segments=N) / deg[:, None]
        xk = jnp.maximum(aggr + xk @ root + bias, 0.0)  # update + outer F.relu
    return xk

if __name__ == "__main__":
    import jax
    _d = setup_inputs()
    print(jax.jit(kernel)(*tuple(_d.values())))

</pallas_src>

<mosaic_0001>
#map = affine_map<(d0, d1) -> (0, 0)>
#map1 = affine_map<(d0, d1) -> (0)>
module attributes {stable_mosaic.version = 14 : i64} {
  func.func @body(%arg0: i32, %arg1: i32, %arg2: memref<2x1600000xi32, #tpu.memory_space<hbm>>, %arg3: memref<1600000xf32, #tpu.memory_space<hbm>>, %arg4: memref<100352xf32, #tpu.memory_space<hbm>>, %arg5: memref<16xf32, #tpu.memory_space<hbm>>, %arg6: memref<16xf32, #tpu.memory_space<hbm>>, %arg7: memref<100352xf32, #tpu.memory_space<hbm>>, %arg8: memref<10000xi32, #tpu.memory_space<vmem>>, %arg9: memref<10000xi32, #tpu.memory_space<vmem>>, %arg10: memref<10000xi32, #tpu.memory_space<vmem>>, %arg11: memref<10000xi32, #tpu.memory_space<vmem>>, %arg12: memref<10000xf32, #tpu.memory_space<vmem>>, %arg13: memref<10000xf32, #tpu.memory_space<vmem>>, %arg14: memref<10000xf32, #tpu.memory_space<vmem>>, %arg15: memref<10000xf32, #tpu.memory_space<vmem>>, %arg16: memref<10000xf32, #tpu.memory_space<vmem>>, %arg17: memref<6272xf32, #tpu.memory_space<vmem>>, %arg18: memref<6272xf32, #tpu.memory_space<vmem>>, %arg19: memref<6272xf32, #tpu.memory_space<vmem>>, %arg20: memref<16xf32, #tpu.memory_space<vmem>>, %arg21: memref<16xf32, #tpu.memory_space<vmem>>, %arg22: memref<100352xf32, #tpu.memory_space<vmem_shared>>, %arg23: memref<100352xf32, #tpu.memory_space<vmem_shared>>, %arg24: memref<100352xf32, #tpu.memory_space<vmem_shared>>, %arg25: memref<!tpu.dma_semaphore, #tpu.memory_space<semaphore_mem>>, %arg26: memref<!tpu.dma_semaphore, #tpu.memory_space<semaphore_mem>>, %arg27: memref<!tpu.dma_semaphore, #tpu.memory_space<semaphore_mem>>, %arg28: memref<!tpu.dma_semaphore, #tpu.memory_space<semaphore_mem>>, %arg29: memref<!tpu.dma_semaphore, #tpu.memory_space<semaphore_mem>>, %arg30: memref<!tpu.dma_semaphore, #tpu.memory_space<semaphore_mem>>, %arg31: memref<!tpu.dma_semaphore, #tpu.memory_space<semaphore_mem>>, %arg32: memref<!tpu.dma_semaphore, #tpu.memory_space<semaphore_mem>>, %arg33: memref<!tpu.dma_semaphore, #tpu.memory_space<semaphore_mem>>, %arg34: memref<!tpu.dma_semaphore, #tpu.memory_space<semaphore_mem>>, %arg35: memref<!tpu.dma_semaphore, #tpu.memory_space<semaphore_mem>>, %arg36: memref<!tpu.dma_semaphore, #tpu.memory_space<semaphore_mem>>) attributes {dimension_semantics = [#tpu.dimension_semantics<core_parallel>, #tpu.dimension_semantics<subcore_parallel>], iteration_bounds = array<i64: 1, 16>, scalar_prefetch = 0 : i64, scratch_operands = 29 : i64, tpu.core_type = #tpu.core_type<sc_vector_subcore>, window_params = [{transform_indices = #map}, {transform_indices = #map1}, {transform_indices = #map1}, {transform_indices = #map1}, {transform_indices = #map1}, {transform_indices = #map1}]} {
    %mul3A = arith.constant 100000 : i32
    %mul3A_0 = arith.muli %arg1, %mul3A : i32
    %mul3A_1 = arith.constant 6272 : i32
    %mul3A_2 = arith.muli %arg1, %mul3A_1 : i32
    "tpu.region"() ({
      %run_scoped3A = tpu.sem_alloc : memref<!tpu.dma_semaphore, #tpu.memory_space<semaphore_mem>>
      tpu.enqueue_dma source(%arg5 : memref<16xf32, #tpu.memory_space<hbm>>) target(%arg20 : memref<16xf32, #tpu.memory_space<vmem>>) target_semaphore(%run_scoped3A : memref<!tpu.dma_semaphore, #tpu.memory_space<semaphore_mem>>)
      tpu.wait_dma2 semaphore(%run_scoped3A : memref<!tpu.dma_semaphore, #tpu.memory_space<semaphore_mem>>) src(%arg5 : memref<16xf32, #tpu.memory_space<hbm>>) dst(%arg20 : memref<16xf32, #tpu.memory_space<vmem>>)
      tpu.yield
    }) : () -> ()
    "tpu.region"() ({
      %run_scoped3A = tpu.sem_alloc : memref<!tpu.dma_semaphore, #tpu.memory_space<semaphore_mem>>
      tpu.enqueue_dma source(%arg6 : memref<16xf32, #tpu.memory_space<hbm>>) target(%arg21 : memref<16xf32, #tpu.memory_space<vmem>>) target_semaphore(%run_scoped3A : memref<!tpu.dma_semaphore, #tpu.memory_space<semaphore_mem>>)
      tpu.wait_dma2 semaphore(%run_scoped3A : memref<!tpu.dma_semaphore, #tpu.memory_space<semaphore_mem>>) src(%arg6 : memref<16xf32, #tpu.memory_space<hbm>>) dst(%arg21 : memref<16xf32, #tpu.memory_space<vmem>>)
      tpu.yield
    }) : () -> ()
    %get3A = arith.constant 0 : index
    %get3A_3 = tpu.vector_load %arg20[%get3A] {strides = array<i32>} : memref<16xf32, #tpu.memory_space<vmem>>, vector<16xf32>,
    %get3A_4 = arith.constant 0 : index
    %get3A_5 = tpu.vector_load %arg21[%get3A_4] {strides = array<i32>} : memref<16xf32, #tpu.memory_space<vmem>>, vector<16xf32>,
    "tpu.region"() ({
      %run_scoped3A = tpu.sem_alloc : memref<!tpu.dma_semaphore, #tpu.memory_space<semaphore_mem>>
      %dma_start3A_536 = tpu.memref_slice %arg22[%mul3A_2] : memref<100352xf32, #tpu.memory_space<vmem_shared>> -> memref<6272xf32, #tpu.memory_space<vmem_shared>>
      %dma_start3A_537 = tpu.memref_slice %arg4[%mul3A_2] : memref<100352xf32, #tpu.memory_space<hbm>> -> memref<6272xf32, #tpu.memory_space<hbm>>
      tpu.enqueue_dma source(%dma_start3A_537 : memref<6272xf32, #tpu.memory_space<hbm>>) target(%dma_start3A_536 : memref<6272xf32, #tpu.memory_space<vmem_shared>>) target_semaphore(%run_scoped3A : memref<!tpu.dma_semaphore, #tpu.memory_space<semaphore_mem>>)
      %dma_wait3A_538 = tpu.memref_slice %arg22[%mul3A_2] : memref<100352xf32, #tpu.memory_space<vmem_shared>> -> memref<6272xf32, #tpu.memory_space<vmem_shared>>
      %dma_wait3A_539 = tpu.memref_slice %arg4[%mul3A_2] : memref<100352xf32, #tpu.memory_space<hbm>> -> memref<6272xf32, #tpu.memory_space<hbm>>
      tpu.wait_dma2 semaphore(%run_scoped3A : memref<!tpu.dma_semaphore, #tpu.memory_space<semaphore_mem>>) src(%dma_wait3A_539 : memref<6272xf32, #tpu.memory_space<hbm>>) dst(%dma_wait3A_538 : memref<6272xf32, #tpu.memory_space<vmem_shared>>)
      tpu.yield
    }) : () -> ()
    %scan3A = arith.constant 0 : i32
    %scan3A_6 = arith.constant 0 : i32
    %scan3A_7 = arith.constant 392 : i32
    %scan3A_8 = arith.addi %scan3A_6, %scan3A_7 : i32
    %scan3A_9 = arith.constant 1 : i32
    %scan3A_10 = scf.for %scan3A_536 = %scan3A_6 to %scan3A_8 step %scan3A_9 iter_args(%scan3A_537 = %scan3A) -> (i32)  : i32 {
      %broadcast_in_dim3A = arith.constant 0.000000e+00 : f32
      %broadcast_in_dim3A_538 = vector.broadcast %broadcast_in_dim3A : f32 to vector<16xf32>
      %mul3A_539 = arith.constant 16 : i32
      %mul3A_540 = arith.muli %scan3A_536, %mul3A_539 : i32
      %swap3A = arith.index_cast %mul3A_540 : i32 to index
      %swap3A_541 = tpu.vector_load %arg19[%swap3A] {strides = array<i32>} : memref<6272xf32, #tpu.memory_space<vmem>>, vector<16xf32>,
      tpu.vector_store %arg19[%swap3A], %broadcast_in_dim3A_538 {strides = array<i32>} : memref<6272xf32, #tpu.memory_space<vmem>>, vector<16xf32>,
      %scan3A_542 = arith.constant 0 : i32
      scf.yield %scan3A_542 : i32
    }
    %scan3A_11 = arith.constant 392 : i32
    %scan3A_12 = arith.constant 0 : i32
    %scan3A_13 = arith.constant 0 : i32
    %scan3A_14 = arith.constant 625 : i32
    %scan3A_15 = arith.addi %scan3A_13, %scan3A_14 : i32
    %scan3A_16 = arith.constant 1 : i32
    %scan3A_17 = scf.for %scan3A_536 = %scan3A_13 to %scan3A_15 step %scan3A_16 iter_args(%scan3A_537 = %scan3A_12) -> (i32)  : i32 {
      %broadcast_in_dim3A = arith.constant 1.000000e+00 : f32
      %broadcast_in_dim3A_538 = vector.broadcast %broadcast_in_dim3A : f32 to vector<16xf32>
      %mul3A_539 = arith.constant 16 : i32
      %mul3A_540 = arith.muli %scan3A_536, %mul3A_539 : i32
      %swap3A = arith.index_cast %mul3A_540 : i32 to index
      %swap3A_541 = tpu.vector_load %arg16[%swap3A] {strides = array<i32>} : memref<10000xf32, #tpu.memory_space<vmem>>, vector<16xf32>,
      tpu.vector_store %arg16[%swap3A], %broadcast_in_dim3A_538 {strides = array<i32>} : memref<10000xf32, #tpu.memory_space<vmem>>, vector<16xf32>,
      %scan3A_542 = arith.constant 0 : i32
      scf.yield %scan3A_542 : i32
    }
    %scan3A_18 = arith.constant 625 : i32
    "tpu.region"() ({
      %run_scoped3A = tpu.sem_alloc : memref<!tpu.dma_semaphore, #tpu.memory_space<semaphore_mem>>
      %dma_start3A_536 = tpu.memref_slice %arg23[%mul3A_2] : memref<100352xf32, #tpu.memory_space<vmem_shared>> -> memref<6272xf32, #tpu.memory_space<vmem_shared>>
      %dma_start3A_537 = tpu.memref_slice %arg23[%mul3A_2] : memref<100352xf32, #tpu.memory_space<vmem_shared>> -> memref<6272xf32, #tpu.memory_space<vmem_shared>>
      tpu.enqueue_dma source(%arg19 : memref<6272xf32, #tpu.memory_space<vmem>>) target(%dma_start3A_537 : memref<6272xf32, #tpu.memory_space<vmem_shared>>) target_semaphore(%run_scoped3A : memref<!tpu.dma_semaphore, #tpu.memory_space<semaphore_mem>>)
      %dma_wait3A_538 = tpu.memref_slice %arg23[%mul3A_2] : memref<100352xf32, #tpu.memory_space<vmem_shared>> -> memref<6272xf32, #tpu.memory_space<vmem_shared>>
      %dma_wait3A_539 = tpu.memref_slice %arg23[%mul3A_2] : memref<100352xf32, #tpu.memory_space<vmem_shared>> -> memref<6272xf32, #tpu.memory_space<vmem_shared>>
      tpu.wait_dma2 semaphore(%run_scoped3A : memref<!tpu.dma_semaphore, #tpu.memory_space<semaphore_mem>>) src(%arg19 : memref<6272xf32, #tpu.memory_space<vmem>>) dst(%dma_wait3A_539 : memref<6272xf32, #tpu.memory_space<vmem_shared>>)
      tpu.yield
    }) : () -> ()
    "tpu.region"() ({
      %run_scoped3A = tpu.sem_alloc : memref<!tpu.dma_semaphore, #tpu.memory_space<semaphore_mem>>
      %dma_start3A_536 = tpu.memref_slice %arg24[%mul3A_2] : memref<100352xf32, #tpu.memory_space<vmem_shared>> -> memref<6272xf32, #tpu.memory_space<vmem_shared>>
      %dma_start3A_537 = tpu.memref_slice %arg24[%mul3A_2] : memref<100352xf32, #tpu.memory_space<vmem_shared>> -> memref<6272xf32, #tpu.memory_space<vmem_shared>>
      tpu.enqueue_dma source(%arg19 : memref<6272xf32, #tpu.memory_space<vmem>>) target(%dma_start3A_537 : memref<6272xf32, #tpu.memory_space<vmem_shared>>) target_semaphore(%run_scoped3A : memref<!tpu.dma_semaphore, #tpu.memory_space<semaphore_mem>>)
      %dma_wait3A_538 = tpu.memref_slice %arg24[%mul3A_2] : memref<100352xf32, #tpu.memory_space<vmem_shared>> -> memref<6272xf32, #tpu.memory_space<vmem_shared>>
      %dma_wait3A_539 = tpu.memref_slice %arg24[%mul3A_2] : memref<100352xf32, #tpu.memory_space<vmem_shared>> -> memref<6272xf32, #tpu.memory_space<vmem_shared>>
      tpu.wait_dma2 semaphore(%run_scoped3A : memref<!tpu.dma_semaphore, #tpu.memory_space<semaphore_mem>>) src(%arg19 : memref<6272xf32, #tpu.memory_space<vmem>>) dst(%dma_wait3A_539 : memref<6272xf32, #tpu.memory_space<vmem_shared>>)
      tpu.yield
    }) : () -> ()
    %barrier3A = arith.constant 0 : index
    tpu.barrier barrier_id(%barrier3A)
    %add3A = arith.constant 0 : i32
    %add3A_19 = arith.addi %mul3A_0, %add3A : i32
    %dma_start3A = arith.constant 0 : i32
    %dma_start3A_20 = tpu.memref_slice %arg2[%dma_start3A, %add3A_19] : memref<2x1600000xi32, #tpu.memory_space<hbm>> -> memref<1x10000xi32, #tpu.memory_space<hbm>>
    %dma_start3A_21 = tpu.memref_squeeze %dma_start3A_20 : memref<1x10000xi32, #tpu.memory_space<hbm>> -> memref<10000xi32, #tpu.memory_space<hbm>>
    %dma_start3A_22 = tpu.memref_slice %arg2[%dma_start3A, %add3A_19] : memref<2x1600000xi32, #tpu.memory_space<hbm>> -> memref<1x10000xi32, #tpu.memory_space<hbm>>
    %dma_start3A_23 = tpu.memref_squeeze %dma_start3A_22 : memref<1x10000xi32, #tpu.memory_space<hbm>> -> memref<10000xi32, #tpu.memory_space<hbm>>
    tpu.enqueue_dma source(%dma_start3A_23 : memref<10000xi32, #tpu.memory_space<hbm>>) target(%arg8 : memref<10000xi32, #tpu.memory_space<vmem>>) target_semaphore(%arg25 : memref<!tpu.dma_semaphore, #tpu.memory_space<semaphore_mem>>)
    %add3A_24 = arith.constant 0 : i32
    %add3A_25 = arith.addi %mul3A_0, %add3A_24 : i32
    %dma_start3A_26 = tpu.memref_slice %arg3[%add3A_25] : memref<1600000xf32, #tpu.memory_space<hbm>> -> memref<10000xf32, #tpu.memory_space<hbm>>
    %dma_start3A_27 = tpu.memref_slice %arg3[%add3A_25] : memref<1600000xf32, #tpu.memory_space<hbm>> -> memref<10000xf32, #tpu.memory_space<hbm>>
    tpu.enqueue_dma source(%dma_start3A_27 : memref<10000xf32, #tpu.memory_space<hbm>>) target(%arg12 : memref<10000xf32, #tpu.memory_space<vmem>>) target_semaphore(%arg29 : memref<!tpu.dma_semaphore, #tpu.memory_space<semaphore_mem>>)
    %add3A_28 = arith.constant 0 : i32
    %add3A_29 = arith.addi %mul3A_0, %add3A_28 : i32
    %dma_start3A_30 = arith.constant 1 : i32
    %dma_start3A_31 = tpu.memref_slice %arg2[%dma_start3A_30, %add3A_29] : memref<2x1600000xi32, #tpu.memory_space<hbm>> -> memref<1x10000xi32, #tpu.memory_space<hbm>>
    %dma_start3A_32 = tpu.memref_squeeze %dma_start3A_31 : memref<1x10000xi32, #tpu.memory_space<hbm>> -> memref<10000xi32, #tpu.memory_space<hbm>>
    %dma_start3A_33 = tpu.memref_slice %arg2[%dma_start3A_30, %add3A_29] : memref<2x1600000xi32, #tpu.memory_space<hbm>> -> memref<1x10000xi32, #tpu.memory_space<hbm>>
    %dma_start3A_34 = tpu.memref_squeeze %dma_start3A_33 : memref<1x10000xi32, #tpu.memory_space<hbm>> -> memref<10000xi32, #tpu.memory_space<hbm>>
    tpu.enqueue_dma source(%dma_start3A_34 : memref<10000xi32, #tpu.memory_space<hbm>>) target(%arg10 : memref<10000xi32, #tpu.memory_space<vmem>>) target_semaphore(%arg27 : memref<!tpu.dma_semaphore, #tpu.memory_space<semaphore_mem>>)
    %dma_wait3A = arith.constant 0 : i32
    %dma_wait3A_35 = tpu.memref_slice %arg2[%dma_wait3A, %add3A_19] : memref<2x1600000xi32, #tpu.memory_space<hbm>> -> memref<1x10000xi32, #tpu.memory_space<hbm>>
    %dma_wait3A_36 = tpu.memref_squeeze %dma_wait3A_35 : memref<1x10000xi32, #tpu.memory_space<hbm>> -> memref<10000xi32, #tpu.memory_space<hbm>>
    %dma_wait3A_37 = tpu.memref_slice %arg2[%dma_wait3A, %add3A_19] : memref<2x1600000xi32, #tpu.memory_space<hbm>> -> memref<1x10000xi32, #tpu.memory_space<hbm>>
    %dma_wait3A_38 = tpu.memref_squeeze %dma_wait3A_37 : memref<1x10000xi32, #tpu.memory_space<hbm>> -> memref<10000xi32, #tpu.memory_space<hbm>>
    tpu.wait_dma2 semaphore(%arg25 : memref<!tpu.dma_semaphore, #tpu.memory_space<semaphore_mem>>) src(%dma_wait3A_38 : memref<10000xi32, #tpu.memory_space<hbm>>) dst(%arg8 : memref<10000xi32, #tpu.memory_space<vmem>>)
    %dma_start3A_39 = arith.constant 0 : i32
    %dma_start3A_40 = tpu.memref_slice %arg22[%dma_start3A_39] : memref<100352xf32, #tpu.memory_space<vmem_shared>> -> memref<100352xf32, #tpu.memory_space<vmem_shared>>
    tpu.enqueue_indirect_dma source(%dma_start3A_40 : memref<100352xf32, #tpu.memory_space<vmem_shared>>) target(%arg14 : memref<10000xf32, #tpu.memory_space<vmem>>) offsets(%arg8 : memref<10000xi32, #tpu.memory_space<vmem>>) semaphore(%arg31 : memref<!tpu.dma_semaphore, #tpu.memory_space<semaphore_mem>>)
    %add3A_41 = arith.constant 10000 : i32
    %add3A_42 = arith.addi %mul3A_0, %add3A_41 : i32
    %dma_start3A_43 = arith.constant 0 : i32
    %dma_start3A_44 = tpu.memref_slice %arg2[%dma_start3A_43, %add3A_42] : memref<2x1600000xi32, #tpu.memory_space<hbm>> -> memref<1x10000xi32, #tpu.memory_space<hbm>>
    %dma_start3A_45 = tpu.memref_squeeze %dma_start3A_44 : memref<1x10000xi32, #tpu.memory_space<hbm>> -> memref<10000xi32, #tpu.memory_space<hbm>>
    %dma_start3A_46 = tpu.memref_slice %arg2[%dma_start3A_43, %add3A_42] : memref<2x1600000xi32, #tpu.memory_space<hbm>> -> memref<1x10000xi32, #tpu.memory_space<hbm>>
    %dma_start3A_47 = tpu.memref_squeeze %dma_start3A_46 : memref<1x10000xi32, #tpu.memory_space<hbm>> -> memref<10000xi32, #tpu.memory_space<hbm>>
    tpu.enqueue_dma source(%dma_start3A_47 : memref<10000xi32, #tpu.memory_space<hbm>>) target(%arg9 : memref<10000xi32, #tpu.memory_space<vmem>>) target_semaphore(%arg26 : memref<!tpu.dma_semaphore, #tpu.memory_space<semaphore_mem>>)
    %add3A_48 = arith.constant 10000 : i32
    %add3A_49 = arith.addi %mul3A_0, %add3A_48 : i32
    %dma_start3A_50 = tpu.memref_slice %arg3[%add3A_49] : memref<1600000xf32, #tpu.memory_space<hbm>> -> memref<10000xf32, #tpu.memory_space<hbm>>
    %dma_start3A_51 = tpu.memref_slice %arg3[%add3A_49] : memref<1600000xf32, #tpu.memory_space<hbm>> -> memref<10000xf32, #tpu.memory_space<hbm>>
    tpu.enqueue_dma source(%dma_start3A_51 : memref<10000xf32, #tpu.memory_space<hbm>>) target(%arg13 : memref<10000xf32, #tpu.memory_space<vmem>>) target_semaphore(%arg30 : memref<!tpu.dma_semaphore, #tpu.memory_space<semaphore_mem>>)
    %add3A_52 = arith.constant 10000 : i32
    %add3A_53 = arith.addi %mul3A_0, %add3A_52 : i32
    %dma_start3A_54 = arith.constant 1 : i32
    %dma_start3A_55 = tpu.memref_slice %arg2[%dma_start3A_54, %add3A_53] : memref<2x1600000xi32, #tpu.memory_space<hbm>> -> memref<1x10000xi32, #tpu.memory_space<hbm>>
    %dma_start3A_56 = tpu.memref_squeeze %dma_start3A_55 : memref<1x10000xi32, #tpu.memory_space<hbm>> -> memref<10000xi32, #tpu.memory_space<hbm>>
    %dma_start3A_57 = tpu.memref_slice %arg2[%dma_start3A_54, %add3A_53] : memref<2x1600000xi32, #tpu.memory_space<hbm>> -> memref<1x10000xi32, #tpu.memory_space<hbm>>
    %dma_start3A_58 = tpu.memref_squeeze %dma_start3A_57 : memref<1x10000xi32, #tpu.memory_space<hbm>> -> memref<10000xi32, #tpu.memory_space<hbm>>
    tpu.enqueue_dma source(%dma_start3A_58 : memref<10000xi32, #tpu.memory_space<hbm>>) target(%arg11 : memref<10000xi32, #tpu.memory_space<vmem>>) target_semaphore(%arg28 : memref<!tpu.dma_semaphore, #tpu.memory_space<semaphore_mem>>)
    %dma_wait3A_59 = arith.constant 0 : i32
    %dma_wait3A_60 = tpu.memref_slice %arg22[%dma_wait3A_59] : memref<100352xf32, #tpu.memory_space<vmem_shared>> -> memref<100352xf32, #tpu.memory_space<vmem_shared>>
    tpu.wait_indirect_dma semaphore(%arg31 : memref<!tpu.dma_semaphore, #tpu.memory_space<semaphore_mem>>) src(%dma_wait3A_60 : memref<100352xf32, #tpu.memory_space<vmem_shared>>) dst(%arg14 : memref<10000xf32, #tpu.memory_space<vmem>>)
    %dma_wait3A_61 = tpu.memref_slice %arg3[%add3A_25] : memref<1600000xf32, #tpu.memory_space<hbm>> -> memref<10000xf32, #tpu.memory_space<hbm>>
    %dma_wait3A_62 = tpu.memref_slice %arg3[%add3A_25] : memref<1600000xf32, #tpu.memory_space<hbm>> -> memref<10000xf32, #tpu.memory_space<hbm>>
    tpu.wait_dma2 semaphore(%arg29 : memref<!tpu.dma_semaphore, #tpu.memory_space<semaphore_mem>>) src(%dma_wait3A_62 : memref<10000xf32, #tpu.memory_space<hbm>>) dst(%arg12 : memref<10000xf32, #tpu.memory_space<vmem>>)
    %scan3A_63 = arith.constant 0 : i32
    %scan3A_64 = arith.constant 0 : i32
    %scan3A_65 = arith.constant 625 : i32
    %scan3A_66 = arith.addi %scan3A_64, %scan3A_65 : i32
    %scan3A_67 = arith.constant 1 : i32
    %scan3A_68 = scf.for %scan3A_536 = %scan3A_64 to %scan3A_66 step %scan3A_67 iter_args(%scan3A_537 = %scan3A_63) -> (i32)  : i32 {
      %mul3A_538 = arith.constant 16 : i32
      %mul3A_539 = arith.muli %scan3A_536, %mul3A_538 : i32
      %get3A_540 = arith.index_cast %mul3A_539 : i32 to index
      %get3A_541 = tpu.vector_load %arg14[%get3A_540] {strides = array<i32>} : memref<10000xf32, #tpu.memory_space<vmem>>, vector<16xf32>,
      %get3A_542 = arith.index_cast %mul3A_539 : i32 to index
      %get3A_543 = tpu.vector_load %arg12[%get3A_542] {strides = array<i32>} : memref<10000xf32, #tpu.memory_space<vmem>>, vector<16xf32>,
      %mul3A_544 = arith.mulf %get3A_541, %get3A_543 : vector<16xf32>
      %swap3A = arith.index_cast %mul3A_539 : i32 to index
      %swap3A_545 = tpu.vector_load %arg14[%swap3A] {strides = array<i32>} : memref<10000xf32, #tpu.memory_space<vmem>>, vector<16xf32>,
      tpu.vector_store %arg14[%swap3A], %mul3A_544 {strides = array<i32>} : memref<10000xf32, #tpu.memory_space<vmem>>, vector<16xf32>,
      %scan3A_546 = arith.constant 0 : i32
      scf.yield %scan3A_546 : i32
    }
    %scan3A_69 = arith.constant 625 : i32
    %dma_wait3A_70 = arith.constant 1 : i32
    %dma_wait3A_71 = tpu.memref_slice %arg2[%dma_wait3A_70, %add3A_29] : memref<2x1600000xi32, #tpu.memory_space<hbm>> -> memref<1x10000xi32, #tpu.memory_space<hbm>>
    %dma_wait3A_72 = tpu.memref_squeeze %dma_wait3A_71 : memref<1x10000xi32, #tpu.memory_space<hbm>> -> memref<10000xi32, #tpu.memory_space<hbm>>
    %dma_wait3A_73 = tpu.memref_slice %arg2[%dma_wait3A_70, %add3A_29] : memref<2x1600000xi32, #tpu.memory_space<hbm>> -> memref<1x10000xi32, #tpu.memory_space<hbm>>
    %dma_wait3A_74 = tpu.memref_squeeze %dma_wait3A_73 : memref<1x10000xi32, #tpu.memory_space<hbm>> -> memref<10000xi32, #tpu.memory_space<hbm>>
    tpu.wait_dma2 semaphore(%arg27 : memref<!tpu.dma_semaphore, #tpu.memory_space<semaphore_mem>>) src(%dma_wait3A_74 : memref<10000xi32, #tpu.memory_space<hbm>>) dst(%arg10 : memref<10000xi32, #tpu.memory_space<vmem>>)
    %dma_start3A_75 = arith.constant 0 : i32
    %dma_start3A_76 = tpu.memref_slice %arg23[%dma_start3A_75] : memref<100352xf32, #tpu.memory_space<vmem_shared>> -> memref<100352xf32, #tpu.memory_space<vmem_shared>>
    tpu.enqueue_indirect_dma source(%arg14 : memref<10000xf32, #tpu.memory_space<vmem>>) target(%dma_start3A_76 : memref<100352xf32, #tpu.memory_space<vmem_shared>>) offsets(%arg10 : memref<10000xi32, #tpu.memory_space<vmem>>) semaphore(%arg33 : memref<!tpu.dma_semaphore, #tpu.memory_space<semaphore_mem>>) {add = true}
    %dma_start3A_77 = arith.constant 0 : i32
    %dma_start3A_78 = tpu.memref_slice %arg24[%dma_start3A_77] : memref<100352xf32, #tpu.memory_space<vmem_shared>> -> memref<100352xf32, #tpu.memory_space<vmem_shared>>
    tpu.enqueue_indirect_dma source(%arg16 : memref<10000xf32, #tpu.memory_space<vmem>>) target(%dma_start3A_78 : memref<100352xf32, #tpu.memory_space<vmem_shared>>) offsets(%arg10 : memref<10000xi32, #tpu.memory_space<vmem>>) semaphore(%arg35 : memref<!tpu.dma_semaphore, #tpu.memory_space<semaphore_mem>>) {add = true}
    %dma_wait3A_79 = arith.constant 0 : i32
    %dma_wait3A_80 = tpu.memref_slice %arg2[%dma_wait3A_79, %add3A_42] : memref<2x1600000xi32, #tpu.memory_space<hbm>> -> memref<1x10000xi32, #tpu.memory_space<hbm>>
    %dma_wait3A_81 = tpu.memref_squeeze %dma_wait3A_80 : memref<1x10000xi32, #tpu.memory_space<hbm>> -> memref<10000xi32, #tpu.memory_space<hbm>>
    %dma_wait3A_82 = tpu.memref_slice %arg2[%dma_wait3A_79, %add3A_42] : memref<2x1600000xi32, #tpu.memory_space<hbm>> -> memref<1x10000xi32, #tpu.memory_space<hbm>>
    %dma_wait3A_83 = tpu.memref_squeeze %dma_wait3A_82 : memref<1x10000xi32, #tpu.memory_space<hbm>> -> memref<10000xi32, #tpu.memory_space<hbm>>
    tpu.wait_dma2 semaphore(%arg26 : memref<!tpu.dma_semaphore, #tpu.memory_space<semaphore_mem>>) src(%dma_wait3A_83 : memref<10000xi32, #tpu.memory_space<hbm>>) dst(%arg9 : memref<10000xi32, #tpu.memory_space<vmem>>)
    %dma_start3A_84 = arith.constant 0 : i32
    %dma_start3A_85 = tpu.memref_slice %arg22[%dma_start3A_84] : memref<100352xf32, #tpu.memory_space<vmem_shared>> -> memref<100352xf32, #tpu.memory_space<vmem_shared>>
    tpu.enqueue_indirect_dma source(%dma_start3A_85 : memref<100352xf32, #tpu.memory_space<vmem_shared>>) target(%arg15 : memref<10000xf32, #tpu.memory_space<vmem>>) offsets(%arg9 : memref<10000xi32, #tpu.memory_space<vmem>>) semaphore(%arg32 : memref<!tpu.dma_semaphore, #tpu.memory_space<semaphore_mem>>)
    %dma_wait3A_86 = arith.constant 0 : i32
    %dma_wait3A_87 = tpu.memref_slice %arg23[%dma_wait3A_86] : memref<100352xf32, #tpu.memory_space<vmem_shared>> -> memref<100352xf32, #tpu.memory_space<vmem_shared>>
    tpu.wait_indirect_dma semaphore(%arg33 : memref<!tpu.dma_semaphore, #tpu.memory_space<semaphore_mem>>) src(%arg14 : memref<10000xf32, #tpu.memory_space<vmem>>) dst(%dma_wait3A_87 : memref<100352xf32, #tpu.memory_space<vmem_shared>>)
    %dma_wait3A_88 = arith.constant 0 : i32
    %dma_wait3A_89 = tpu.memref_slice %arg24[%dma_wait3A_88] : memref<100352xf32, #tpu.memory_space<vmem_shared>> -> memref<100352xf32, #tpu.memory_space<vmem_shared>>
    tpu.wait_indirect_dma semaphore(%arg35 : memref<!tpu.dma_semaphore, #tpu.memory_space<semaphore_mem>>) src(%arg16 : memref<10000xf32, #tpu.memory_space<vmem>>) dst(%dma_wait3A_89 : memref<100352xf32, #tpu.memory_space<vmem_shared>>)
    %add3A_90 = arith.constant 20000 : i32
    %add3A_91 = arith.addi %mul3A_0, %add3A_90 : i32
    %dma_start3A_92 = arith.constant 0 : i32
    %dma_start3A_93 = tpu.memref_slice %arg2[%dma_start3A_92, %add3A_91] : memref<2x1600000xi32, #tpu.memory_space<hbm>> -> memref<1x10000xi32, #tpu.memory_space<hbm>>
    %dma_start3A_94 = tpu.memref_squeeze %dma_start3A_93 : memref<1x10000xi32, #tpu.memory_space<hbm>> -> memref<10000xi32, #tpu.memory_space<hbm>>
    %dma_start3A_95 = tpu.memref_slice %arg2[%dma_start3A_92, %add3A_91] : memref<2x1600000xi32, #tpu.memory_space<hbm>> -> memref<1x10000xi32, #tpu.memory_space<hbm>>
    %dma_start3A_96 = tpu.memref_squeeze %dma_start3A_95 : memref<1x10000xi32, #tpu.memory_space<hbm>> -> memref<10000xi32, #tpu.memory_space<hbm>>
    tpu.enqueue_dma source(%dma_start3A_96 : memref<10000xi32, #tpu.memory_space<hbm>>) target(%arg8 : memref<10000xi32, #tpu.memory_space<vmem>>) target_semaphore(%arg25 : memref<!tpu.dma_semaphore, #tpu.memory_space<semaphore_mem>>)
    %add3A_97 = arith.constant 20000 : i32
    %add3A_98 = arith.addi %mul3A_0, %add3A_97 : i32
    %dma_start3A_99 = tpu.memref_slice %arg3[%add3A_98] : memref<1600000xf32, #tpu.memory_space<hbm>> -> memref<10000xf32, #tpu.memory_space<hbm>>
    %dma_start3A_100 = tpu.memref_slice %arg3[%add3A_98] : memref<1600000xf32, #tpu.memory_space<hbm>> -> memref<10000xf32, #tpu.memory_space<hbm>>
    tpu.enqueue_dma source(%dma_start3A_100 : memref<10000xf32, #tpu.memory_space<hbm>>) target(%arg12 : memref<10000xf32, #tpu.memory_space<vmem>>) target_semaphore(%arg29 : memref<!tpu.dma_semaphore, #tpu.memory_space<semaphore_mem>>)
    %add3A_101 = arith.constant 20000 : i32
    %add3A_102 = arith.addi %mul3A_0, %add3A_101 : i32
    %dma_start3A_103 = arith.constant 1 : i32
    %dma_start3A_104 = tpu.memref_slice %arg2[%dma_start3A_103, %add3A_102] : memref<2x1600000xi32, #tpu.memory_space<hbm>> -> memref<1x10000xi32, #tpu.memory_space<hbm>>
    %dma_start3A_105 = tpu.memref_squeeze %dma_start3A_104 : memref<1x10000xi32, #tpu.memory_space<hbm>> -> memref<10000xi32, #tpu.memory_space<hbm>>
    %dma_start3A_106 = tpu.memref_slice %arg2[%dma_start3A_103, %add3A_102] : memref<2x1600000xi32, #tpu.memory_space<hbm>> -> memref<1x10000xi32, #tpu.memory_space<hbm>>
    %dma_start3A_107 = tpu.memref_squeeze %dma_start3A_106 : memref<1x10000xi32, #tpu.memory_space<hbm>> -> memref<10000xi32, #tpu.memory_space<hbm>>
    tpu.enqueue_dma source(%dma_start3A_107 : memref<10000xi32, #tpu.memory_space<hbm>>) target(%arg10 : memref<10000xi32, #tpu.memory_space<vmem>>) target_semaphore(%arg27 : memref<!tpu.dma_semaphore, #tpu.memory_space<semaphore_mem>>)
    %dma_wait3A_108 = arith.constant 0 : i32
    %dma_wait3A_109 = tpu.memref_slice %arg22[%dma_wait3A_108] : memref<100352xf32, #tpu.memory_space<vmem_shared>> -> memref<100352xf32, #tpu.memory_space<vmem_shared>>
    tpu.wait_indirect_dma semaphore(%arg32 : memref<!tpu.dma_semaphore, #tpu.memory_space<semaphore_mem>>) src(%dma_wait3A_109 : memref<100352xf32, #tpu.memory_space<vmem_shared>>) dst(%arg15 : memref<10000xf32, #tpu.memory_space<vmem>>)
    %dma_wait3A_110 = tpu.memref_slice %arg3[%add3A_49] : memref<1600000xf32, #tpu.memory_space<hbm>> -> memref<10000xf32, #tpu.memory_space<hbm>>
    %dma_wait3A_111 = tpu.memref_slice %arg3[%add3A_49] : memref<1600000xf32, #tpu.memory_space<hbm>> -> memref<10000xf32, #tpu.memory_space<hbm>>
    tpu.wait_dma2 semaphore(%arg30 : memref<!tpu.dma_semaphore, #tpu.memory_space<semaphore_mem>>) src(%dma_wait3A_111 : memref<10000xf32, #tpu.memory_space<hbm>>) dst(%arg13 : memref<10000xf32, #tpu.memory_space<vmem>>)
    %scan3A_112 = arith.constant 0 : i32
    %scan3A_113 = arith.constant 0 : i32
    %scan3A_114 = arith.constant 625 : i32
    %scan3A_115 = arith.addi %scan3A_113, %scan3A_114 : i32
    %scan3A_116 = arith.constant 1 : i32
    %scan3A_117 = scf.for %scan3A_536 = %scan3A_113 to %scan3A_115 step %scan3A_116 iter_args(%scan3A_537 = %scan3A_112) -> (i32)  : i32 {
      %mul3A_538 = arith.constant 16 : i32
      %mul3A_539 = arith.muli %scan3A_536, %mul3A_538 : i32
      %get3A_540 = arith.index_cast %mul3A_539 : i32 to index
      %get3A_541 = tpu.vector_load %arg15[%get3A_540] {strides = array<i32>} : memref<10000xf32, #tpu.memory_space<vmem>>, vector<16xf32>,
      %get3A_542 = arith.index_cast %mul3A_539 : i32 to index
      %get3A_543 = tpu.vector_load %arg13[%get3A_542] {strides = array<i32>} : memref<10000xf32, #tpu.memory_space<vmem>>, vector<16xf32>,
      %mul3A_544 = arith.mulf %get3A_541, %get3A_543 : vector<16xf32>
      %swap3A = arith.index_cast %mul3A_539 : i32 to index
      %swap3A_545 = tpu.vector_load %arg15[%swap3A] {strides = array<i32>} : memref<10000xf32, #tpu.memory_space<vmem>>, vector<16xf32>,
      tpu.vector_store %arg15[%swap3A], %mul3A_544 {strides = array<i32>} : memref<10000xf32, #tpu.memory_space<vmem>>, vector<16xf32>,
      %scan3A_546 = arith.constant 0 : i32
      scf.yield %scan3A_546 : i32
    }
    %scan3A_118 = arith.constant 625 : i32
    %dma_wait3A_119 = arith.constant 1 : i32
    %dma_wait3A_120 = tpu.memref_slice %arg2[%dma_wait3A_119, %add3A_53] : memref<2x1600000xi32, #tpu.memory_space<hbm>> -> memref<1x10000xi32, #tpu.memory_space<hbm>>
    %dma_wait3A_121 = tpu.memref_squeeze %dma_wait3A_120 : memref<1x10000xi32, #tpu.memory_space<hbm>> -> memref<10000xi32, #tpu.memory_space<hbm>>
    %dma_wait3A_122 = tpu.memref_slice %arg2[%dma_wait3A_119, %add3A_53] : memref<2x1600000xi32, #tpu.memory_space<hbm>> -> memref<1x10000xi32, #tpu.memory_space<hbm>>
    %dma_wait3A_123 = tpu.memref_squeeze %dma_wait3A_122 : memref<1x10000xi32, #tpu.memory_space<hbm>> -> memref<10000xi32, #tpu.memory_space<hbm>>
    tpu.wait_dma2 semaphore(%arg28 : memref<!tpu.dma_semaphore, #tpu.memory_space<semaphore_mem>>) src(%dma_wait3A_123 : memref<10000xi32, #tpu.memory_space<hbm>>) dst(%arg11 : memref<10000xi32, #tpu.memory_space<vmem>>)
    %dma_start3A_124 = arith.constant 0 : i32
    %dma_start3A_125 = tpu.memref_slice %arg23[%dma_start3A_124] : memref<100352xf32, #tpu.memory_space<vmem_shared>> -> memref<100352xf32, #tpu.memory_space<vmem_shared>>
    tpu.enqueue_indirect_dma source(%arg15 : memref<10000xf32, #tpu.memory_space<vmem>>) target(%dma_start3A_125 : memref<100352xf32, #tpu.memory_space<vmem_shared>>) offsets(%arg11 : memref<10000xi32, #tpu.memory_space<vmem>>) semaphore(%arg34 : memref<!tpu.dma_semaphore, #tpu.memory_space<semaphore_mem>>) {add = true}
    %dma_start3A_126 = arith.constant 0 : i32
    %dma_start3A_127 = tpu.memref_slice %arg24[%dma_start3A_126] : memref<100352xf32, #tpu.memory_space<vmem_shared>> -> memref<100352xf32, #tpu.memory_space<vmem_shared>>
    tpu.enqueue_indirect_dma source(%arg16 : memref<10000xf32, #tpu.memory_space<vmem>>) target(%dma_start3A_127 : memref<100352xf32, #tpu.memory_space<vmem_shared>>) offsets(%arg11 : memref<10000xi32, #tpu.memory_space<vmem>>) semaphore(%arg36 : memref<!tpu.dma_semaphore, #tpu.memory_space<semaphore_mem>>) {add = true}
    %dma_wait3A_128 = arith.constant 0 : i32
    %dma_wait3A_129 = tpu.memref_slice %arg2[%dma_wait3A_128, %add3A_91] : memref<2x1600000xi32, #tpu.memory_space<hbm>> -> memref<1x10000xi32, #tpu.memory_space<hbm>>
    %dma_wait3A_130 = tpu.memref_squeeze %dma_wait3A_129 : memref<1x10000xi32, #tpu.memory_space<hbm>> -> memref<10000xi32, #tpu.memory_space<hbm>>
    %dma_wait3A_131 = tpu.memref_slice %arg2[%dma_wait3A_128, %add3A_91] : memref<2x1600000xi32, #tpu.memory_space<hbm>> -> memref<1x10000xi32, #tpu.memory_space<hbm>>
    %dma_wait3A_132 = tpu.memref_squeeze %dma_wait3A_131 : memref<1x10000xi32, #tpu.memory_space<hbm>> -> memref<10000xi32, #tpu.memory_space<hbm>>
    tpu.wait_dma2 semaphore(%arg25 : memref<!tpu.dma_semaphore, #tpu.memory_space<semaphore_mem>>) src(%dma_wait3A_132 : memref<10000xi32, #tpu.memory_space<hbm>>) dst(%arg8 : memref<10000xi32, #tpu.memory_space<vmem>>)
    %dma_start3A_133 = arith.constant 0 : i32
    %dma_start3A_134 = tpu.memref_slice %arg22[%dma_start3A_133] : memref<100352xf32, #tpu.memory_space<vmem_shared>> -> memref<100352xf32, #tpu.memory_space<vmem_shared>>
    tpu.enqueue_indirect_dma source(%dma_start3A_134 : memref<100352xf32, #tpu.memory_space<vmem_shared>>) target(%arg14 : memref<10000xf32, #tpu.memory_space<vmem>>) offsets(%arg8 : memref<10000xi32, #tpu.memory_space<vmem>>) semaphore(%arg31 : memref<!tpu.dma_semaphore, #tpu.memory_space<semaphore_mem>>)
    %dma_wait3A_135 = arith.constant 0 : i32
    %dma_wait3A_136 = tpu.memref_slice %arg23[%dma_wait3A_135] : memref<100352xf32, #tpu.memory_space<vmem_shared>> -> memref<100352xf32, #tpu.memory_space<vmem_shared>>
    tpu.wait_indirect_dma semaphore(%arg34 : memref<!tpu.dma_semaphore, #tpu.memory_space<semaphore_mem>>) src(%arg15 : memref<10000xf32, #tpu.memory_space<vmem>>) dst(%dma_wait3A_136 : memref<100352xf32, #tpu.memory_space<vmem_shared>>)
    %dma_wait3A_137 = arith.constant 0 : i32
    %dma_wait3A_138 = tpu.memref_slice %arg24[%dma_wait3A_137] : memref<100352xf32, #tpu.memory_space<vmem_shared>> -> memref<100352xf32, #tpu.memory_space<vmem_shared>>
    tpu.wait_indirect_dma semaphore(%arg36 : memref<!tpu.dma_semaphore, #tpu.memory_space<semaphore_mem>>) src(%arg16 : memref<10000xf32, #tpu.memory_space<vmem>>) dst(%dma_wait3A_138 : memref<100352xf32, #tpu.memory_space<vmem_shared>>)
    %add3A_139 = arith.constant 30000 : i32
    %add3A_140 = arith.addi %mul3A_0, %add3A_139 : i32
    %dma_start3A_141 = arith.constant 0 : i32
    %dma_start3A_142 = tpu.memref_slice %arg2[%dma_start3A_141, %add3A_140] : memref<2x1600000xi32, #tpu.memory_space<hbm>> -> memref<1x10000xi32, #tpu.memory_space<hbm>>
    %dma_start3A_143 = tpu.memref_squeeze %dma_start3A_142 : memref<1x10000xi32, #tpu.memory_space<hbm>> -> memref<10000xi32, #tpu.memory_space<hbm>>
    %dma_start3A_144 = tpu.memref_slice %arg2[%dma_start3A_141, %add3A_140] : memref<2x1600000xi32, #tpu.memory_space<hbm>> -> memref<1x10000xi32, #tpu.memory_space<hbm>>
    %dma_start3A_145 = tpu.memref_squeeze %dma_start3A_144 : memref<1x10000xi32, #tpu.memory_space<hbm>> -> memref<10000xi32, #tpu.memory_space<hbm>>
    tpu.enqueue_dma source(%dma_start3A_145 : memref<10000xi32, #tpu.memory_space<hbm>>) target(%arg9 : memref<10000xi32, #tpu.memory_space<vmem>>) target_semaphore(%arg26 : memref<!tpu.dma_semaphore, #tpu.memory_space<semaphore_mem>>)
    %add3A_146 = arith.constant 30000 : i32
    %add3A_147 = arith.addi %mul3A_0, %add3A_146 : i32
    %dma_start3A_148 = tpu.memref_slice %arg3[%add3A_147] : memref<1600000xf32, #tpu.memory_space<hbm>> -> memref<10000xf32, #tpu.memory_space<hbm>>
    %dma_start3A_149 = tpu.memref_slice %arg3[%add3A_147] : memref<1600000xf32, #tpu.memory_space<hbm>> -> memref<10000xf32, #tpu.memory_space<hbm>>
    tpu.enqueue_dma source(%dma_start3A_149 : memref<10000xf32, #tpu.memory_space<hbm>>) target(%arg13 : memref<10000xf32, #tpu.memory_space<vmem>>) target_semaphore(%arg30 : memref<!tpu.dma_semaphore, #tpu.memory_space<semaphore_mem>>)
    %add3A_150 = arith.constant 30000 : i32
    %add3A_151 = arith.addi %mul3A_0, %add3A_150 : i32
    %dma_start3A_152 = arith.constant 1 : i32
    %dma_start3A_153 = tpu.memref_slice %arg2[%dma_start3A_152, %add3A_151] : memref<2x1600000xi32, #tpu.memory_space<hbm>> -> memref<1x10000xi32, #tpu.memory_space<hbm>>
    %dma_start3A_154 = tpu.memref_squeeze %dma_start3A_153 : memref<1x10000xi32, #tpu.memory_space<hbm>> -> memref<10000xi32, #tpu.memory_space<hbm>>
    %dma_start3A_155 = tpu.memref_slice %arg2[%dma_start3A_152, %add3A_151] : memref<2x1600000xi32, #tpu.memory_space<hbm>> -> memref<1x10000xi32, #tpu.memory_space<hbm>>
    %dma_start3A_156 = tpu.memref_squeeze %dma_start3A_155 : memref<1x10000xi32, #tpu.memory_space<hbm>> -> memref<10000xi32, #tpu.memory_space<hbm>>
    tpu.enqueue_dma source(%dma_start3A_156 : memref<10000xi32, #tpu.memory_space<hbm>>) target(%arg11 : memref<10000xi32, #tpu.memory_space<vmem>>) target_semaphore(%arg28 : memref<!tpu.dma_semaphore, #tpu.memory_space<semaphore_mem>>)
    %dma_wait3A_157 = arith.constant 0 : i32
    %dma_wait3A_158 = tpu.memref_slice %arg22[%dma_wait3A_157] : memref<100352xf32, #tpu.memory_space<vmem_shared>> -> memref<100352xf32, #tpu.memory_space<vmem_shared>>
    tpu.wait_indirect_dma semaphore(%arg31 : memref<!tpu.dma_semaphore, #tpu.memory_space<semaphore_mem>>) src(%dma_wait3A_158 : memref<100352xf32, #tpu.memory_space<vmem_shared>>) dst(%arg14 : memref<10000xf32, #tpu.memory_space<vmem>>)
    %dma_wait3A_159 = tpu.memref_slice %arg3[%add3A_98] : memref<1600000xf32, #tpu.memory_space<hbm>> -> memref<10000xf32, #tpu.memory_space<hbm>>
    %dma_wait3A_160 = tpu.memref_slice %arg3[%add3A_98] : memref<1600000xf32, #tpu.memory_space<hbm>> -> memref<10000xf32, #tpu.memory_space<hbm>>
    tpu.wait_dma2 semaphore(%arg29 : memref<!tpu.dma_semaphore, #tpu.memory_space<semaphore_mem>>) src(%dma_wait3A_160 : memref<10000xf32, #tpu.memory_space<hbm>>) dst(%arg12 : memref<10000xf32, #tpu.memory_space<vmem>>)
    %scan3A_161 = arith.constant 0 : i32
    %scan3A_162 = arith.constant 0 : i32
    %scan3A_163 = arith.constant 625 : i32
    %scan3A_164 = arith.addi %scan3A_162, %scan3A_163 : i32
    %scan3A_165 = arith.constant 1 : i32
    %scan3A_166 = scf.for %scan3A_536 = %scan3A_162 to %scan3A_164 step %scan3A_165 iter_args(%scan3A_537 = %scan3A_161) -> (i32)  : i32 {
      %mul3A_538 = arith.constant 16 : i32
      %mul3A_539 = arith.muli %scan3A_536, %mul3A_538 : i32
      %get3A_540 = arith.index_cast %mul3A_539 : i32 to index
      %get3A_541 = tpu.vector_load %arg14[%get3A_540] {strides = array<i32>} : memref<10000xf32, #tpu.memory_space<vmem>>, vector<16xf32>,
      %get3A_542 = arith.index_cast %mul3A_539 : i32 to index
      %get3A_543 = tpu.vector_load %arg12[%get3A_542] {strides = array<i32>} : memref<10000xf32, #tpu.memory_space<vmem>>, vector<16xf32>,
      %mul3A_544 = arith.mulf %get3A_541, %get3A_543 : vector<16xf32>
      %swap3A = arith.index_cast %mul3A_539 : i32 to index
      %swap3A_545 = tpu.vector_load %arg14[%swap3A] {strides = array<i32>} : memref<10000xf32, #tpu.memory_space<vmem>>, vector<16xf32>,
      tpu.vector_store %arg14[%swap3A], %mul3A_544 {strides = array<i32>} : memref<10000xf32, #tpu.memory_space<vmem>>, vector<16xf32>,
      %scan3A_546 = arith.constant 0 : i32
      scf.yield %scan3A_546 : i32
    }
    %scan3A_167 = arith.constant 625 : i32
    %dma_wait3A_168 = arith.constant 1 : i32
    %dma_wait3A_169 = tpu.memref_slice %arg2[%dma_wait3A_168, %add3A_102] : memref<2x1600000xi32, #tpu.memory_space<hbm>> -> memref<1x10000xi32, #tpu.memory_space<hbm>>
    %dma_wait3A_170 = tpu.memref_squeeze %dma_wait3A_169 : memref<1x10000xi32, #tpu.memory_space<hbm>> -> memref<10000xi32, #tpu.memory_space<hbm>>
    %dma_wait3A_171 = tpu.memref_slice %arg2[%dma_wait3A_168, %add3A_102] : memref<2x1600000xi32, #tpu.memory_space<hbm>> -> memref<1x10000xi32, #tpu.memory_space<hbm>>
    %dma_wait3A_172 = tpu.memref_squeeze %dma_wait3A_171 : memref<1x10000xi32, #tpu.memory_space<hbm>> -> memref<10000xi32, #tpu.memory_space<hbm>>
    tpu.wait_dma2 semaphore(%arg27 : memref<!tpu.dma_semaphore, #tpu.memory_space<semaphore_mem>>) src(%dma_wait3A_172 : memref<10000xi32, #tpu.memory_space<hbm>>) dst(%arg10 : memref<10000xi32, #tpu.memory_space<vmem>>)
    %dma_start3A_173 = arith.constant 0 : i32
    %dma_start3A_174 = tpu.memref_slice %arg23[%dma_start3A_173] : memref<100352xf32, #tpu.memory_space<vmem_shared>> -> memref<100352xf32, #tpu.memory_space<vmem_shared>>
    tpu.enqueue_indirect_dma source(%arg14 : memref<10000xf32, #tpu.memory_space<vmem>>) target(%dma_start3A_174 : memref<100352xf32, #tpu.memory_space<vmem_shared>>) offsets(%arg10 : memref<10000xi32, #tpu.memory_space<vmem>>) semaphore(%arg33 : memref<!tpu.dma_semaphore, #tpu.memory_space<semaphore_mem>>) {add = true}
    %dma_start3A_175 = arith.constant 0 : i32
    %dma_start3A_176 = tpu.memref_slice %arg24[%dma_start3A_175] : memref<100352xf32, #tpu.memory_space<vmem_shared>> -> memref<100352xf32, #tpu.memory_space<vmem_shared>>
    tpu.enqueue_indirect_dma source(%arg16 : memref<10000xf32, #tpu.memory_space<vmem>>) target(%dma_start3A_176 : memref<100352xf32, #tpu.memory_space<vmem_shared>>) offsets(%arg10 : memref<10000xi32, #tpu.memory_space<vmem>>) semaphore(%arg35 : memref<!tpu.dma_semaphore, #tpu.memory_space<semaphore_mem>>) {add = true}
    %dma_wait3A_177 = arith.constant 0 : i32
    %dma_wait3A_178 = tpu.memref_slice %arg2[%dma_wait3A_177, %add3A_140] : memref<2x1600000xi32, #tpu.memory_space<hbm>> -> memref<1x10000xi32, #tpu.memory_space<hbm>>
    %dma_wait3A_179 = tpu.memref_squeeze %dma_wait3A_178 : memref<1x10000xi32, #tpu.memory_space<hbm>> -> memref<10000xi32, #tpu.memory_space<hbm>>
    %dma_wait3A_180 = tpu.memref_slice %arg2[%dma_wait3A_177, %add3A_140] : memref<2x1600000xi32, #tpu.memory_space<hbm>> -> memref<1x10000xi32, #tpu.memory_space<hbm>>
    %dma_wait3A_181 = tpu.memref_squeeze %dma_wait3A_180 : memref<1x10000xi32, #tpu.memory_space<hbm>> -> memref<10000xi32, #tpu.memory_space<hbm>>
    tpu.wait_dma2 semaphore(%arg26 : memref<!tpu.dma_semaphore, #tpu.memory_space<semaphore_mem>>) src(%dma_wait3A_181 : memref<10000xi32, #tpu.memory_space<hbm>>) dst(%arg9 : memref<10000xi32, #tpu.memory_space<vmem>>)
    %dma_start3A_182 = arith.constant 0 : i32
    %dma_start3A_183 = tpu.memref_slice %arg22[%dma_start3A_182] : memref<100352xf32, #tpu.memory_space<vmem_shared>> -> memref<100352xf32, #tpu.memory_space<vmem_shared>>
    tpu.enqueue_indirect_dma source(%dma_start3A_183 : memref<100352xf32, #tpu.memory_space<vmem_shared>>) target(%arg15 : memref<10000xf32, #tpu.memory_space<vmem>>) offsets(%arg9 : memref<10000xi32, #tpu.memory_space<vmem>>) semaphore(%arg32 : memref<!tpu.dma_semaphore, #tpu.memory_space<semaphore_mem>>)
    %dma_wait3A_184 = arith.constant 0 : i32
    %dma_wait3A_185 = tpu.memref_slice %arg23[%dma_wait3A_184] : memref<100352xf32, #tpu.memory_space<vmem_shared>> -> memref<100352xf32, #tpu.memory_space<vmem_shared>>
    tpu.wait_indirect_dma semaphore(%arg33 : memref<!tpu.dma_semaphore, #tpu.memory_space<semaphore_mem>>) src(%arg14 : memref<10000xf32, #tpu.memory_space<vmem>>) dst(%dma_wait3A_185 : memref<100352xf32, #tpu.memory_space<vmem_shared>>)
    %dma_wait3A_186 = arith.constant 0 : i32
    %dma_wait3A_187 = tpu.memref_slice %arg24[%dma_wait3A_186] : memref<100352xf32, #tpu.memory_space<vmem_shared>> -> memref<100352xf32, #tpu.memory_space<vmem_shared>>
    tpu.wait_indirect_dma semaphore(%arg35 : memref<!tpu.dma_semaphore, #tpu.memory_space<semaphore_mem>>) src(%arg16 : memref<10000xf32, #tpu.memory_space<vmem>>) dst(%dma_wait3A_187 : memref<100352xf32, #tpu.memory_space<vmem_shared>>)
    %add3A_188 = arith.constant 40000 : i32
    %add3A_189 = arith.addi %mul3A_0, %add3A_188 : i32
    %dma_start3A_190 = arith.constant 0 : i32
    %dma_start3A_191 = tpu.memref_slice %arg2[%dma_start3A_190, %add3A_189] : memref<2x1600000xi32, #tpu.memory_space<hbm>> -> memref<1x10000xi32, #tpu.memory_space<hbm>>
    %dma_start3A_192 = tpu.memref_squeeze %dma_start3A_191 : memref<1x10000xi32, #tpu.memory_space<hbm>> -> memref<10000xi32, #tpu.memory_space<hbm>>
    %dma_start3A_193 = tpu.memref_slice %arg2[%dma_start3A_190, %add3A_189] : memref<2x1600000xi32, #tpu.memory_space<hbm>> -> memref<1x10000xi32, #tpu.memory_space<hbm>>
    %dma_start3A_194 = tpu.memref_squeeze %dma_start3A_193 : memref<1x10000xi32, #tpu.memory_space<hbm>> -> memref<10000xi32, #tpu.memory_space<hbm>>
    tpu.enqueue_dma source(%dma_start3A_194 : memref<10000xi32, #tpu.memory_space<hbm>>) target(%arg8 : memref<10000xi32, #tpu.memory_space<vmem>>) target_semaphore(%arg25 : memref<!tpu.dma_semaphore, #tpu.memory_space<semaphore_mem>>)
    %add3A_195 = arith.constant 40000 : i32
    %add3A_196 = arith.addi %mul3A_0, %add3A_195 : i32
    %dma_start3A_197 = tpu.memref_slice %arg3[%add3A_196] : memref<1600000xf32, #tpu.memory_space<hbm>> -> memref<10000xf32, #tpu.memory_space<hbm>>
    %dma_start3A_198 = tpu.memref_slice %arg3[%add3A_196] : memref<1600000xf32, #tpu.memory_space<hbm>> -> memref<10000xf32, #tpu.memory_space<hbm>>
    tpu.enqueue_dma source(%dma_start3A_198 : memref<10000xf32, #tpu.memory_space<hbm>>) target(%arg12 : memref<10000xf32, #tpu.memory_space<vmem>>) target_semaphore(%arg29 : memref<!tpu.dma_semaphore, #tpu.memory_space<semaphore_mem>>)
    %add3A_199 = arith.constant 40000 : i32
    %add3A_200 = arith.addi %mul3A_0, %add3A_199 : i32
    %dma_start3A_201 = arith.constant 1 : i32
    %dma_start3A_202 = tpu.memref_slice %arg2[%dma_start3A_201, %add3A_200] : memref<2x1600000xi32, #tpu.memory_space<hbm>> -> memref<1x10000xi32, #tpu.memory_space<hbm>>
    %dma_start3A_203 = tpu.memref_squeeze %dma_start3A_202 : memref<1x10000xi32, #tpu.memory_space<hbm>> -> memref<10000xi32, #tpu.memory_space<hbm>>
    %dma_start3A_204 = tpu.memref_slice %arg2[%dma_start3A_201, %add3A_200] : memref<2x1600000xi32, #tpu.memory_space<hbm>> -> memref<1x10000xi32, #tpu.memory_space<hbm>>
    %dma_start3A_205 = tpu.memref_squeeze %dma_start3A_204 : memref<1x10000xi32, #tpu.memory_space<hbm>> -> memref<10000xi32, #tpu.memory_space<hbm>>
    tpu.enqueue_dma source(%dma_start3A_205 : memref<10000xi32, #tpu.memory_space<hbm>>) target(%arg10 : memref<10000xi32, #tpu.memory_space<vmem>>) target_semaphore(%arg27 : memref<!tpu.dma_semaphore, #tpu.memory_space<semaphore_mem>>)
    %dma_wait3A_206 = arith.constant 0 : i32
    %dma_wait3A_207 = tpu.memref_slice %arg22[%dma_wait3A_206] : memref<100352xf32, #tpu.memory_space<vmem_shared>> -> memref<100352xf32, #tpu.memory_space<vmem_shared>>
    tpu.wait_indirect_dma semaphore(%arg32 : memref<!tpu.dma_semaphore, #tpu.memory_space<semaphore_mem>>) src(%dma_wait3A_207 : memref<100352xf32, #tpu.memory_space<vmem_shared>>) dst(%arg15 : memref<10000xf32, #tpu.memory_space<vmem>>)
    %dma_wait3A_208 = tpu.memref_slice %arg3[%add3A_147] : memref<1600000xf32, #tpu.memory_space<hbm>> -> memref<10000xf32, #tpu.memory_space<hbm>>
    %dma_wait3A_209 = tpu.memref_slice %arg3[%add3A_147] : memref<1600000xf32, #tpu.memory_space<hbm>> -> memref<10000xf32, #tpu.memory_space<hbm>>
    tpu.wait_dma2 semaphore(%arg30 : memref<!tpu.dma_semaphore, #tpu.memory_space<semaphore_mem>>) src(%dma_wait3A_209 : memref<10000xf32, #tpu.memory_space<hbm>>) dst(%arg13 : memref<10000xf32, #tpu.memory_space<vmem>>)
    %scan3A_210 = arith.constant 0 : i32
    %scan3A_211 = arith.constant 0 : i32
    %scan3A_212 = arith.constant 625 : i32
    %scan3A_213 = arith.addi %scan3A_211, %scan3A_212 : i32
    %scan3A_214 = arith.constant 1 : i32
    %scan3A_215 = scf.for %scan3A_536 = %scan3A_211 to %scan3A_213 step %scan3A_214 iter_args(%scan3A_537 = %scan3A_210) -> (i32)  : i32 {
      %mul3A_538 = arith.constant 16 : i32
      %mul3A_539 = arith.muli %scan3A_536, %mul3A_538 : i32
      %get3A_540 = arith.index_cast %mul3A_539 : i32 to index
      %get3A_541 = tpu.vector_load %arg15[%get3A_540] {strides = array<i32>} : memref<10000xf32, #tpu.memory_space<vmem>>, vector<16xf32>,
      %get3A_542 = arith.index_cast %mul3A_539 : i32 to index
      %get3A_543 = tpu.vector_load %arg13[%get3A_542] {strides = array<i32>} : memref<10000xf32, #tpu.memory_space<vmem>>, vector<16xf32>,
      %mul3A_544 = arith.mulf %get3A_541, %get3A_543 : vector<16xf32>
      %swap3A = arith.index_cast %mul3A_539 : i32 to index
      %swap3A_545 = tpu.vector_load %arg15[%swap3A] {strides = array<i32>} : memref<10000xf32, #tpu.memory_space<vmem>>, vector<16xf32>,
      tpu.vector_store %arg15[%swap3A], %mul3A_544 {strides = array<i32>} : memref<10000xf32, #tpu.memory_space<vmem>>, vector<16xf32>,
      %scan3A_546 = arith.constant 0 : i32
      scf.yield %scan3A_546 : i32
    }
    %scan3A_216 = arith.constant 625 : i32
    %dma_wait3A_217 = arith.constant 1 : i32
    %dma_wait3A_218 = tpu.memref_slice %arg2[%dma_wait3A_217, %add3A_151] : memref<2x1600000xi32, #tpu.memory_space<hbm>> -> memref<1x10000xi32, #tpu.memory_space<hbm>>
    %dma_wait3A_219 = tpu.memref_squeeze %dma_wait3A_218 : memref<1x10000xi32, #tpu.memory_space<hbm>> -> memref<10000xi32, #tpu.memory_space<hbm>>
    %dma_wait3A_220 = tpu.memref_slice %arg2[%dma_wait3A_217, %add3A_151] : memref<2x1600000xi32, #tpu.memory_space<hbm>> -> memref<1x10000xi32, #tpu.memory_space<hbm>>
    %dma_wait3A_221 = tpu.memref_squeeze %dma_wait3A_220 : memref<1x10000xi32, #tpu.memory_space<hbm>> -> memref<10000xi32, #tpu.memory_space<hbm>>
    tpu.wait_dma2 semaphore(%arg28 : memref<!tpu.dma_semaphore, #tpu.memory_space<semaphore_mem>>) src(%dma_wait3A_221 : memref<10000xi32, #tpu.memory_space<hbm>>) dst(%arg11 : memref<10000xi32, #tpu.memory_space<vmem>>)
    %dma_start3A_222 = arith.constant 0 : i32
    %dma_start3A_223 = tpu.memref_slice %arg23[%dma_start3A_222] : memref<100352xf32, #tpu.memory_space<vmem_shared>> -> memref<100352xf32, #tpu.memory_space<vmem_shared>>
    tpu.enqueue_indirect_dma source(%arg15 : memref<10000xf32, #tpu.memory_space<vmem>>) target(%dma_start3A_223 : memref<100352xf32, #tpu.memory_space<vmem_shared>>) offsets(%arg11 : memref<10000xi32, #tpu.memory_space<vmem>>) semaphore(%arg34 : memref<!tpu.dma_semaphore, #tpu.memory_space<semaphore_mem>>) {add = true}
    %dma_start3A_224 = arith.constant 0 : i32
    %dma_start3A_225 = tpu.memref_slice %arg24[%dma_start3A_224] : memref<100352xf32, #tpu.memory_space<vmem_shared>> -> memref<100352xf32, #tpu.memory_space<vmem_shared>>
    tpu.enqueue_indirect_dma source(%arg16 : memref<10000xf32, #tpu.memory_space<vmem>>) target(%dma_start3A_225 : memref<100352xf32, #tpu.memory_space<vmem_shared>>) offsets(%arg11 : memref<10000xi32, #tpu.memory_space<vmem>>) semaphore(%arg36 : memref<!tpu.dma_semaphore, #tpu.memory_space<semaphore_mem>>) {add = true}
    %dma_wait3A_226 = arith.constant 0 : i32
    %dma_wait3A_227 = tpu.memref_slice %arg2[%dma_wait3A_226, %add3A_189] : memref<2x1600000xi32, #tpu.memory_space<hbm>> -> memref<1x10000xi32, #tpu.memory_space<hbm>>
    %dma_wait3A_228 = tpu.memref_squeeze %dma_wait3A_227 : memref<1x10000xi32, #tpu.memory_space<hbm>> -> memref<10000xi32, #tpu.memory_space<hbm>>
    %dma_wait3A_229 = tpu.memref_slice %arg2[%dma_wait3A_226, %add3A_189] : memref<2x1600000xi32, #tpu.memory_space<hbm>> -> memref<1x10000xi32, #tpu.memory_space<hbm>>
    %dma_wait3A_230 = tpu.memref_squeeze %dma_wait3A_229 : memref<1x10000xi32, #tpu.memory_space<hbm>> -> memref<10000xi32, #tpu.memory_space<hbm>>
    tpu.wait_dma2 semaphore(%arg25 : memref<!tpu.dma_semaphore, #tpu.memory_space<semaphore_mem>>) src(%dma_wait3A_230 : memref<10000xi32, #tpu.memory_space<hbm>>) dst(%arg8 : memref<10000xi32, #tpu.memory_space<vmem>>)
    %dma_start3A_231 = arith.constant 0 : i32
    %dma_start3A_232 = tpu.memref_slice %arg22[%dma_start3A_231] : memref<100352xf32, #tpu.memory_space<vmem_shared>> -> memref<100352xf32, #tpu.memory_space<vmem_shared>>
    tpu.enqueue_indirect_dma source(%dma_start3A_232 : memref<100352xf32, #tpu.memory_space<vmem_shared>>) target(%arg14 : memref<10000xf32, #tpu.memory_space<vmem>>) offsets(%arg8 : memref<10000xi32, #tpu.memory_space<vmem>>) semaphore(%arg31 : memref<!tpu.dma_semaphore, #tpu.memory_space<semaphore_mem>>)
    %dma_wait3A_233 = arith.constant 0 : i32
    %dma_wait3A_234 = tpu.memref_slice %arg23[%dma_wait3A_233] : memref<100352xf32, #tpu.memory_space<vmem_shared>> -> memref<100352xf32, #tpu.memory_space<vmem_shared>>
    tpu.wait_indirect_dma semaphore(%arg34 : memref<!tpu.dma_semaphore, #tpu.memory_space<semaphore_mem>>) src(%arg15 : memref<10000xf32, #tpu.memory_space<vmem>>) dst(%dma_wait3A_234 : memref<100352xf32, #tpu.memory_space<vmem_shared>>)
    %dma_wait3A_235 = arith.constant 0 : i32
    %dma_wait3A_236 = tpu.memref_slice %arg24[%dma_wait3A_235] : memref<100352xf32, #tpu.memory_space<vmem_shared>> -> memref<100352xf32, #tpu.memory_space<vmem_shared>>
    tpu.wait_indirect_dma semaphore(%arg36 : memref<!tpu.dma_semaphore, #tpu.memory_space<semaphore_mem>>) src(%arg16 : memref<10000xf32, #tpu.memory_space<vmem>>) dst(%dma_wait3A_236 : memref<100352xf32, #tpu.memory_space<vmem_shared>>)
    %add3A_237 = arith.constant 50000 : i32
    %add3A_238 = arith.addi %mul3A_0, %add3A_237 : i32
    %dma_start3A_239 = arith.constant 0 : i32
    %dma_start3A_240 = tpu.memref_slice %arg2[%dma_start3A_239, %add3A_238] : memref<2x1600000xi32, #tpu.memory_space<hbm>> -> memref<1x10000xi32, #tpu.memory_space<hbm>>
    %dma_start3A_241 = tpu.memref_squeeze %dma_start3A_240 : memref<1x10000xi32, #tpu.memory_space<hbm>> -> memref<10000xi32, #tpu.memory_space<hbm>>
    %dma_start3A_242 = tpu.memref_slice %arg2[%dma_start3A_239, %add3A_238] : memref<2x1600000xi32, #tpu.memory_space<hbm>> -> memref<1x10000xi32, #tpu.memory_space<hbm>>
    %dma_start3A_243 = tpu.memref_squeeze %dma_start3A_242 : memref<1x10000xi32, #tpu.memory_space<hbm>> -> memref<10000xi32, #tpu.memory_space<hbm>>
    tpu.enqueue_dma source(%dma_start3A_243 : memref<10000xi32, #tpu.memory_space<hbm>>) target(%arg9 : memref<10000xi32, #tpu.memory_space<vmem>>) target_semaphore(%arg26 : memref<!tpu.dma_semaphore, #tpu.memory_space<semaphore_mem>>)
    %add3A_244 = arith.constant 50000 : i32
    %add3A_245 = arith.addi %mul3A_0, %add3A_244 : i32
    %dma_start3A_246 = tpu.memref_slice %arg3[%add3A_245] : memref<1600000xf32, #tpu.memory_space<hbm>> -> memref<10000xf32, #tpu.memory_space<hbm>>
    %dma_start3A_247 = tpu.memref_slice %arg3[%add3A_245] : memref<1600000xf32, #tpu.memory_space<hbm>> -> memref<10000xf32, #tpu.memory_space<hbm>>
    tpu.enqueue_dma source(%dma_start3A_247 : memref<10000xf32, #tpu.memory_space<hbm>>) target(%arg13 : memref<10000xf32, #tpu.memory_space<vmem>>) target_semaphore(%arg30 : memref<!tpu.dma_semaphore, #tpu.memory_space<semaphore_mem>>)
    %add3A_248 = arith.constant 50000 : i32
    %add3A_249 = arith.addi %mul3A_0, %add3A_248 : i32
    %dma_start3A_250 = arith.constant 1 : i32
    %dma_start3A_251 = tpu.memref_slice %arg2[%dma_start3A_250, %add3A_249] : memref<2x1600000xi32, #tpu.memory_space<hbm>> -> memref<1x10000xi32, #tpu.memory_space<hbm>>
    %dma_start3A_252 = tpu.memref_squeeze %dma_start3A_251 : memref<1x10000xi32, #tpu.memory_space<hbm>> -> memref<10000xi32, #tpu.memory_space<hbm>>
    %dma_start3A_253 = tpu.memref_slice %arg2[%dma_start3A_250, %add3A_249] : memref<2x1600000xi32, #tpu.memory_space<hbm>> -> memref<1x10000xi32, #tpu.memory_space<hbm>>
    %dma_start3A_254 = tpu.memref_squeeze %dma_start3A_253 : memref<1x10000xi32, #tpu.memory_space<hbm>> -> memref<10000xi32, #tpu.memory_space<hbm>>
    tpu.enqueue_dma source(%dma_start3A_254 : memref<10000xi32, #tpu.memory_space<hbm>>) target(%arg11 : memref<10000xi32, #tpu.memory_space<vmem>>) target_semaphore(%arg28 : memref<!tpu.dma_semaphore, #tpu.memory_space<semaphore_mem>>)
    %dma_wait3A_255 = arith.constant 0 : i32
    %dma_wait3A_256 = tpu.memref_slice %arg22[%dma_wait3A_255] : memref<100352xf32, #tpu.memory_space<vmem_shared>> -> memref<100352xf32, #tpu.memory_space<vmem_shared>>
    tpu.wait_indirect_dma semaphore(%arg31 : memref<!tpu.dma_semaphore, #tpu.memory_space<semaphore_mem>>) src(%dma_wait3A_256 : memref<100352xf32, #tpu.memory_space<vmem_shared>>) dst(%arg14 : memref<10000xf32, #tpu.memory_space<vmem>>)
    %dma_wait3A_257 = tpu.memref_slice %arg3[%add3A_196] : memref<1600000xf32, #tpu.memory_space<hbm>> -> memref<10000xf32, #tpu.memory_space<hbm>>
    %dma_wait3A_258 = tpu.memref_slice %arg3[%add3A_196] : memref<1600000xf32, #tpu.memory_space<hbm>> -> memref<10000xf32, #tpu.memory_space<hbm>>
    tpu.wait_dma2 semaphore(%arg29 : memref<!tpu.dma_semaphore, #tpu.memory_space<semaphore_mem>>) src(%dma_wait3A_258 : memref<10000xf32, #tpu.memory_space<hbm>>) dst(%arg12 : memref<10000xf32, #tpu.memory_space<vmem>>)
    %scan3A_259 = arith.constant 0 : i32
    %scan3A_260 = arith.constant 0 : i32
    %scan3A_261 = arith.constant 625 : i32
    %scan3A_262 = arith.addi %scan3A_260, %scan3A_261 : i32
    %scan3A_263 = arith.constant 1 : i32
    %scan3A_264 = scf.for %scan3A_536 = %scan3A_260 to %scan3A_262 step %scan3A_263 iter_args(%scan3A_537 = %scan3A_259) -> (i32)  : i32 {
      %mul3A_538 = arith.constant 16 : i32
      %mul3A_539 = arith.muli %scan3A_536, %mul3A_538 : i32
      %get3A_540 = arith.index_cast %mul3A_539 : i32 to index
      %get3A_541 = tpu.vector_load %arg14[%get3A_540] {strides = array<i32>} : memref<10000xf32, #tpu.memory_space<vmem>>, vector<16xf32>,
      %get3A_542 = arith.index_cast %mul3A_539 : i32 to index
      %get3A_543 = tpu.vector_load %arg12[%get3A_542] {strides = array<i32>} : memref<10000xf32, #tpu.memory_space<vmem>>, vector<16xf32>,
      %mul3A_544 = arith.mulf %get3A_541, %get3A_543 : vector<16xf32>
      %swap3A = arith.index_cast %mul3A_539 : i32 to index
      %swap3A_545 = tpu.vector_load %arg14[%swap3A] {strides = array<i32>} : memref<10000xf32, #tpu.memory_space<vmem>>, vector<16xf32>,
      tpu.vector_store %arg14[%swap3A], %mul3A_544 {strides = array<i32>} : memref<10000xf32, #tpu.memory_space<vmem>>, vector<16xf32>,
      %scan3A_546 = arith.constant 0 : i32
      scf.yield %scan3A_546 : i32
    }
    %scan3A_265 = arith.constant 625 : i32
    %dma_wait3A_266 = arith.constant 1 : i32
    %dma_wait3A_267 = tpu.memref_slice %arg2[%dma_wait3A_266, %add3A_200] : memref<2x1600000xi32, #tpu.memory_space<hbm>> -> memref<1x10000xi32, #tpu.memory_space<hbm>>
    %dma_wait3A_268 = tpu.memref_squeeze %dma_wait3A_267 : memref<1x10000xi32, #tpu.memory_space<hbm>> -> memref<10000xi32, #tpu.memory_space<hbm>>
    %dma_wait3A_269 = tpu.memref_slice %arg2[%dma_wait3A_266, %add3A_200] : memref<2x1600000xi32, #tpu.memory_space<hbm>> -> memref<1x10000xi32, #tpu.memory_space<hbm>>
    %dma_wait3A_270 = tpu.memref_squeeze %dma_wait3A_269 : memref<1x10000xi32, #tpu.memory_space<hbm>> -> memref<10000xi32, #tpu.memory_space<hbm>>
    tpu.wait_dma2 semaphore(%arg27 : memref<!tpu.dma_semaphore, #tpu.memory_space<semaphore_mem>>) src(%dma_wait3A_270 : memref<10000xi32, #tpu.memory_space<hbm>>) dst(%arg10 : memref<10000xi32, #tpu.memory_space<vmem>>)
    %dma_start3A_271 = arith.constant 0 : i32
    %dma_start3A_272 = tpu.memref_slice %arg23[%dma_start3A_271] : memref<100352xf32, #tpu.memory_space<vmem_shared>> -> memref<100352xf32, #tpu.memory_space<vmem_shared>>
    tpu.enqueue_indirect_dma source(%arg14 : memref<10000xf32, #tpu.memory_space<vmem>>) target(%dma_start3A_272 : memref<100352xf32, #tpu.memory_space<vmem_shared>>) offsets(%arg10 : memref<10000xi32, #tpu.memory_space<vmem>>) semaphore(%arg33 : memref<!tpu.dma_semaphore, #tpu.memory_space<semaphore_mem>>) {add = true}
    %dma_start3A_273 = arith.constant 0 : i32
    %dma_start3A_274 = tpu.memref_slice %arg24[%dma_start3A_273] : memref<100352xf32, #tpu.memory_space<vmem_shared>> -> memref<100352xf32, #tpu.memory_space<vmem_shared>>
    tpu.enqueue_indirect_dma source(%arg16 : memref<10000xf32, #tpu.memory_space<vmem>>) target(%dma_start3A_274 : memref<100352xf32, #tpu.memory_space<vmem_shared>>) offsets(%arg10 : memref<10000xi32, #tpu.memory_space<vmem>>) semaphore(%arg35 : memref<!tpu.dma_semaphore, #tpu.memory_space<semaphore_mem>>) {add = true}
    %dma_wait3A_275 = arith.constant 0 : i32
    %dma_wait3A_276 = tpu.memref_slice %arg2[%dma_wait3A_275, %add3A_238] : memref<2x1600000xi32, #tpu.memory_space<hbm>> -> memref<1x10000xi32, #tpu.memory_space<hbm>>
    %dma_wait3A_277 = tpu.memref_squeeze %dma_wait3A_276 : memref<1x10000xi32, #tpu.memory_space<hbm>> -> memref<10000xi32, #tpu.memory_space<hbm>>
    %dma_wait3A_278 = tpu.memref_slice %arg2[%dma_wait3A_275, %add3A_238] : memref<2x1600000xi32, #tpu.memory_space<hbm>> -> memref<1x10000xi32, #tpu.memory_space<hbm>>
    %dma_wait3A_279 = tpu.memref_squeeze %dma_wait3A_278 : memref<1x10000xi32, #tpu.memory_space<hbm>> -> memref<10000xi32, #tpu.memory_space<hbm>>
    tpu.wait_dma2 semaphore(%arg26 : memref<!tpu.dma_semaphore, #tpu.memory_space<semaphore_mem>>) src(%dma_wait3A_279 : memref<10000xi32, #tpu.memory_space<hbm>>) dst(%arg9 : memref<10000xi32, #tpu.memory_space<vmem>>)
    %dma_start3A_280 = arith.constant 0 : i32
    %dma_start3A_281 = tpu.memref_slice %arg22[%dma_start3A_280] : memref<100352xf32, #tpu.memory_space<vmem_shared>> -> memref<100352xf32, #tpu.memory_space<vmem_shared>>
    tpu.enqueue_indirect_dma source(%dma_start3A_281 : memref<100352xf32, #tpu.memory_space<vmem_shared>>) target(%arg15 : memref<10000xf32, #tpu.memory_space<vmem>>) offsets(%arg9 : memref<10000xi32, #tpu.memory_space<vmem>>) semaphore(%arg32 : memref<!tpu.dma_semaphore, #tpu.memory_space<semaphore_mem>>)
    %dma_wait3A_282 = arith.constant 0 : i32
    %dma_wait3A_283 = tpu.memref_slice %arg23[%dma_wait3A_282] : memref<100352xf32, #tpu.memory_space<vmem_shared>> -> memref<100352xf32, #tpu.memory_space<vmem_shared>>
    tpu.wait_indirect_dma semaphore(%arg33 : memref<!tpu.dma_semaphore, #tpu.memory_space<semaphore_mem>>) src(%arg14 : memref<10000xf32, #tpu.memory_space<vmem>>) dst(%dma_wait3A_283 : memref<100352xf32, #tpu.memory_space<vmem_shared>>)
    %dma_wait3A_284 = arith.constant 0 : i32
    %dma_wait3A_285 = tpu.memref_slice %arg24[%dma_wait3A_284] : memref<100352xf32, #tpu.memory_space<vmem_shared>> -> memref<100352xf32, #tpu.memory_space<vmem_shared>>
    tpu.wait_indirect_dma semaphore(%arg35 : memref<!tpu.dma_semaphore, #tpu.memory_space<semaphore_mem>>) src(%arg16 : memref<10000xf32, #tpu.memory_space<vmem>>) dst(%dma_wait3A_285 : memref<100352xf32, #tpu.memory_space<vmem_shared>>)
    %add3A_286 = arith.constant 60000 : i32
    %add3A_287 = arith.addi %mul3A_0, %add3A_286 : i32
    %dma_start3A_288 = arith.constant 0 : i32
    %dma_start3A_289 = tpu.memref_slice %arg2[%dma_start3A_288, %add3A_287] : memref<2x1600000xi32, #tpu.memory_space<hbm>> -> memref<1x10000xi32, #tpu.memory_space<hbm>>
    %dma_start3A_290 = tpu.memref_squeeze %dma_start3A_289 : memref<1x10000xi32, #tpu.memory_space<hbm>> -> memref<10000xi32, #tpu.memory_space<hbm>>
    %dma_start3A_291 = tpu.memref_slice %arg2[%dma_start3A_288, %add3A_287] : memref<2x1600000xi32, #tpu.memory_space<hbm>> -> memref<1x10000xi32, #tpu.memory_space<hbm>>
    %dma_start3A_292 = tpu.memref_squeeze %dma_start3A_291 : memref<1x10000xi32, #tpu.memory_space<hbm>> -> memref<10000xi32, #tpu.memory_space<hbm>>
    tpu.enqueue_dma source(%dma_start3A_292 : memref<10000xi32, #tpu.memory_space<hbm>>) target(%arg8 : memref<10000xi32, #tpu.memory_space<vmem>>) target_semaphore(%arg25 : memref<!tpu.dma_semaphore, #tpu.memory_space<semaphore_mem>>)
    %add3A_293 = arith.constant 60000 : i32
    %add3A_294 = arith.addi %mul3A_0, %add3A_293 : i32
    %dma_start3A_295 = tpu.memref_slice %arg3[%add3A_294] : memref<1600000xf32, #tpu.memory_space<hbm>> -> memref<10000xf32, #tpu.memory_space<hbm>>
    %dma_start3A_296 = tpu.memref_slice %arg3[%add3A_294] : memref<1600000xf32, #tpu.memory_space<hbm>> -> memref<10000xf32, #tpu.memory_space<hbm>>
    tpu.enqueue_dma source(%dma_start3A_296 : memref<10000xf32, #tpu.memory_space<hbm>>) target(%arg12 : memref<10000xf32, #tpu.memory_space<vmem>>) target_semaphore(%arg29 : memref<!tpu.dma_semaphore, #tpu.memory_space<semaphore_mem>>)
    %add3A_297 = arith.constant 60000 : i32
    %add3A_298 = arith.addi %mul3A_0, %add3A_297 : i32
    %dma_start3A_299 = arith.constant 1 : i32
    %dma_start3A_300 = tpu.memref_slice %arg2[%dma_start3A_299, %add3A_298] : memref<2x1600000xi32, #tpu.memory_space<hbm>> -> memref<1x10000xi32, #tpu.memory_space<hbm>>
    %dma_start3A_301 = tpu.memref_squeeze %dma_start3A_300 : memref<1x10000xi32, #tpu.memory_space<hbm>> -> memref<10000xi32, #tpu.memory_space<hbm>>
    %dma_start3A_302 = tpu.memref_slice %arg2[%dma_start3A_299, %add3A_298] : memref<2x1600000xi32, #tpu.memory_space<hbm>> -> memref<1x10000xi32, #tpu.memory_space<hbm>>
    %dma_start3A_303 = tpu.memref_squeeze %dma_start3A_302 : memref<1x10000xi32, #tpu.memory_space<hbm>> -> memref<10000xi32, #tpu.memory_space<hbm>>
    tpu.enqueue_dma source(%dma_start3A_303 : memref<10000xi32, #tpu.memory_space<hbm>>) target(%arg10 : memref<10000xi32, #tpu.memory_space<vmem>>) target_semaphore(%arg27 : memref<!tpu.dma_semaphore, #tpu.memory_space<semaphore_mem>>)
    %dma_wait3A_304 = arith.constant 0 : i32
    %dma_wait3A_305 = tpu.memref_slice %arg22[%dma_wait3A_304] : memref<100352xf32, #tpu.memory_space<vmem_shared>> -> memref<100352xf32, #tpu.memory_space<vmem_shared>>
    tpu.wait_indirect_dma semaphore(%arg32 : memref<!tpu.dma_semaphore, #tpu.memory_space<semaphore_mem>>) src(%dma_wait3A_305 : memref<100352xf32, #tpu.memory_space<vmem_shared>>) dst(%arg15 : memref<10000xf32, #tpu.memory_space<vmem>>)
    %dma_wait3A_306 = tpu.memref_slice %arg3[%add3A_245] : memref<1600000xf32, #tpu.memory_space<hbm>> -> memref<10000xf32, #tpu.memory_space<hbm>>
    %dma_wait3A_307 = tpu.memref_slice %arg3[%add3A_245] : memref<1600000xf32, #tpu.memory_space<hbm>> -> memref<10000xf32, #tpu.memory_space<hbm>>
    tpu.wait_dma2 semaphore(%arg30 : memref<!tpu.dma_semaphore, #tpu.memory_space<semaphore_mem>>) src(%dma_wait3A_307 : memref<10000xf32, #tpu.memory_space<hbm>>) dst(%arg13 : memref<10000xf32, #tpu.memory_space<vmem>>)
    %scan3A_308 = arith.constant 0 : i32
    %scan3A_309 = arith.constant 0 : i32
    %scan3A_310 = arith.constant 625 : i32
    %scan3A_311 = arith.addi %scan3A_309, %scan3A_310 : i32
    %scan3A_312 = arith.constant 1 : i32
    %scan3A_313 = scf.for %scan3A_536 = %scan3A_309 to %scan3A_311 step %scan3A_312 iter_args(%scan3A_537 = %scan3A_308) -> (i32)  : i32 {
      %mul3A_538 = arith.constant 16 : i32
      %mul3A_539 = arith.muli %scan3A_536, %mul3A_538 : i32
      %get3A_540 = arith.index_cast %mul3A_539 : i32 to index
      %get3A_541 = tpu.vector_load %arg15[%get3A_540] {strides = array<i32>} : memref<10000xf32, #tpu.memory_space<vmem>>, vector<16xf32>,
      %get3A_542 = arith.index_cast %mul3A_539 : i32 to index
      %get3A_543 = tpu.vector_load %arg13[%get3A_542] {strides = array<i32>} : memref<10000xf32, #tpu.memory_space<vmem>>, vector<16xf32>,
      %mul3A_544 = arith.mulf %get3A_541, %get3A_543 : vector<16xf32>
      %swap3A = arith.index_cast %mul3A_539 : i32 to index
      %swap3A_545 = tpu.vector_load %arg15[%swap3A] {strides = array<i32>} : memref<10000xf32, #tpu.memory_space<vmem>>, vector<16xf32>,
      tpu.vector_store %arg15[%swap3A], %mul3A_544 {strides = array<i32>} : memref<10000xf32, #tpu.memory_space<vmem>>, vector<16xf32>,
      %scan3A_546 = arith.constant 0 : i32
      scf.yield %scan3A_546 : i32
    }
    %scan3A_314 = arith.constant 625 : i32
    %dma_wait3A_315 = arith.constant 1 : i32
    %dma_wait3A_316 = tpu.memref_slice %arg2[%dma_wait3A_315, %add3A_249] : memref<2x1600000xi32, #tpu.memory_space<hbm>> -> memref<1x10000xi32, #tpu.memory_space<hbm>>
    %dma_wait3A_317 = tpu.memref_squeeze %dma_wait3A_316 : memref<1x10000xi32, #tpu.memory_space<hbm>> -> memref<10000xi32, #tpu.memory_space<hbm>>
    %dma_wait3A_318 = tpu.memref_slice %arg2[%dma_wait3A_315, %add3A_249] : memref<2x1600000xi32, #tpu.memory_space<hbm>> -> memref<1x10000xi32, #tpu.memory_space<hbm>>
    %dma_wait3A_319 = tpu.memref_squeeze %dma_wait3A_318 : memref<1x10000xi32, #tpu.memory_space<hbm>> -> memref<10000xi32, #tpu.memory_space<hbm>>
    tpu.wait_dma2 semaphore(%arg28 : memref<!tpu.dma_semaphore, #tpu.memory_space<semaphore_mem>>) src(%dma_wait3A_319 : memref<10000xi32, #tpu.memory_space<hbm>>) dst(%arg11 : memref<10000xi32, #tpu.memory_space<vmem>>)
    %dma_start3A_320 = arith.constant 0 : i32
    %dma_start3A_321 = tpu.memref_slice %arg23[%dma_start3A_320] : memref<100352xf32, #tpu.memory_space<vmem_shared>> -> memref<100352xf32, #tpu.memory_space<vmem_shared>>
    tpu.enqueue_indirect_dma source(%arg15 : memref<10000xf32, #tpu.memory_space<vmem>>) target(%dma_start3A_321 : memref<100352xf32, #tpu.memory_space<vmem_shared>>) offsets(%arg11 : memref<10000xi32, #tpu.memory_space<vmem>>) semaphore(%arg34 : memref<!tpu.dma_semaphore, #tpu.memory_space<semaphore_mem>>) {add = true}
    %dma_start3A_322 = arith.constant 0 : i32
    %dma_start3A_323 = tpu.memref_slice %arg24[%dma_start3A_322] : memref<100352xf32, #tpu.memory_space<vmem_shared>> -> memref<100352xf32, #tpu.memory_space<vmem_shared>>
    tpu.enqueue_indirect_dma source(%arg16 : memref<10000xf32, #tpu.memory_space<vmem>>) target(%dma_start3A_323 : memref<100352xf32, #tpu.memory_space<vmem_shared>>) offsets(%arg11 : memref<10000xi32, #tpu.memory_space<vmem>>) semaphore(%arg36 : memref<!tpu.dma_semaphore, #tpu.memory_space<semaphore_mem>>) {add = true}
    %dma_wait3A_324 = arith.constant 0 : i32
    %dma_wait3A_325 = tpu.memref_slice %arg2[%dma_wait3A_324, %add3A_287] : memref<2x1600000xi32, #tpu.memory_space<hbm>> -> memref<1x10000xi32, #tpu.memory_space<hbm>>
    %dma_wait3A_326 = tpu.memref_squeeze %dma_wait3A_325 : memref<1x10000xi32, #tpu.memory_space<hbm>> -> memref<10000xi32, #tpu.memory_space<hbm>>
    %dma_wait3A_327 = tpu.memref_slice %arg2[%dma_wait3A_324, %add3A_287] : memref<2x1600000xi32, #tpu.memory_space<hbm>> -> memref<1x10000xi32, #tpu.memory_space<hbm>>
    %dma_wait3A_328 = tpu.memref_squeeze %dma_wait3A_327 : memref<1x10000xi32, #tpu.memory_space<hbm>> -> memref<10000xi32, #tpu.memory_space<hbm>>
    tpu.wait_dma2 semaphore(%arg25 : memref<!tpu.dma_semaphore, #tpu.memory_space<semaphore_mem>>) src(%dma_wait3A_328 : memref<10000xi32, #tpu.memory_space<hbm>>) dst(%arg8 : memref<10000xi32, #tpu.memory_space<vmem>>)
    %dma_start3A_329 = arith.constant 0 : i32
    %dma_start3A_330 = tpu.memref_slice %arg22[%dma_start3A_329] : memref<100352xf32, #tpu.memory_space<vmem_shared>> -> memref<100352xf32, #tpu.memory_space<vmem_shared>>
    tpu.enqueue_indirect_dma source(%dma_start3A_330 : memref<100352xf32, #tpu.memory_space<vmem_shared>>) target(%arg14 : memref<10000xf32, #tpu.memory_space<vmem>>) offsets(%arg8 : memref<10000xi32, #tpu.memory_space<vmem>>) semaphore(%arg31 : memref<!tpu.dma_semaphore, #tpu.memory_space<semaphore_mem>>)
    %dma_wait3A_331 = arith.constant 0 : i32
    %dma_wait3A_332 = tpu.memref_slice %arg23[%dma_wait3A_331] : memref<100352xf32, #tpu.memory_space<vmem_shared>> -> memref<100352xf32, #tpu.memory_space<vmem_shared>>
    tpu.wait_indirect_dma semaphore(%arg34 : memref<!tpu.dma_semaphore, #tpu.memory_space<semaphore_mem>>) src(%arg15 : memref<10000xf32, #tpu.memory_space<vmem>>) dst(%dma_wait3A_332 : memref<100352xf32, #tpu.memory_space<vmem_shared>>)
    %dma_wait3A_333 = arith.constant 0 : i32
    %dma_wait3A_334 = tpu.memref_slice %arg24[%dma_wait3A_333] : memref<100352xf32, #tpu.memory_space<vmem_shared>> -> memref<100352xf32, #tpu.memory_space<vmem_shared>>
    tpu.wait_indirect_dma semaphore(%arg36 : memref<!tpu.dma_semaphore, #tpu.memory_space<semaphore_mem>>) src(%arg16 : memref<10000xf32, #tpu.memory_space<vmem>>) dst(%dma_wait3A_334 : memref<100352xf32, #tpu.memory_space<vmem_shared>>)
    %add3A_335 = arith.constant 70000 : i32
    %add3A_336 = arith.addi %mul3A_0, %add3A_335 : i32
    %dma_start3A_337 = arith.constant 0 : i32
    %dma_start3A_338 = tpu.memref_slice %arg2[%dma_start3A_337, %add3A_336] : memref<2x1600000xi32, #tpu.memory_space<hbm>> -> memref<1x10000xi32, #tpu.memory_space<hbm>>
    %dma_start3A_339 = tpu.memref_squeeze %dma_start3A_338 : memref<1x10000xi32, #tpu.memory_space<hbm>> -> memref<10000xi32, #tpu.memory_space<hbm>>
    %dma_start3A_340 = tpu.memref_slice %arg2[%dma_start3A_337, %add3A_336] : memref<2x1600000xi32, #tpu.memory_space<hbm>> -> memref<1x10000xi32, #tpu.memory_space<hbm>>
    %dma_start3A_341 = tpu.memref_squeeze %dma_start3A_340 : memref<1x10000xi32, #tpu.memory_space<hbm>> -> memref<10000xi32, #tpu.memory_space<hbm>>
    tpu.enqueue_dma source(%dma_start3A_341 : memref<10000xi32, #tpu.memory_space<hbm>>) target(%arg9 : memref<10000xi32, #tpu.memory_space<vmem>>) target_semaphore(%arg26 : memref<!tpu.dma_semaphore, #tpu.memory_space<semaphore_mem>>)
    %add3A_342 = arith.constant 70000 : i32
    %add3A_343 = arith.addi %mul3A_0, %add3A_342 : i32
    %dma_start3A_344 = tpu.memref_slice %arg3[%add3A_343] : memref<1600000xf32, #tpu.memory_space<hbm>> -> memref<10000xf32, #tpu.memory_space<hbm>>
    %dma_start3A_345 = tpu.memref_slice %arg3[%add3A_343] : memref<1600000xf32, #tpu.memory_space<hbm>> -> memref<10000xf32, #tpu.memory_space<hbm>>
    tpu.enqueue_dma source(%dma_start3A_345 : memref<10000xf32, #tpu.memory_space<hbm>>) target(%arg13 : memref<10000xf32, #tpu.memory_space<vmem>>) target_semaphore(%arg30 : memref<!tpu.dma_semaphore, #tpu.memory_space<semaphore_mem>>)
    %add3A_346 = arith.constant 70000 : i32
    %add3A_347 = arith.addi %mul3A_0, %add3A_346 : i32
    %dma_start3A_348 = arith.constant 1 : i32
    %dma_start3A_349 = tpu.memref_slice %arg2[%dma_start3A_348, %add3A_347] : memref<2x1600000xi32, #tpu.memory_space<hbm>> -> memref<1x10000xi32, #tpu.memory_space<hbm>>
    %dma_start3A_350 = tpu.memref_squeeze %dma_start3A_349 : memref<1x10000xi32, #tpu.memory_space<hbm>> -> memref<10000xi32, #tpu.memory_space<hbm>>
    %dma_start3A_351 = tpu.memref_slice %arg2[%dma_start3A_348, %add3A_347] : memref<2x1600000xi32, #tpu.memory_space<hbm>> -> memref<1x10000xi32, #tpu.memory_space<hbm>>
    %dma_start3A_352 = tpu.memref_squeeze %dma_start3A_351 : memref<1x10000xi32, #tpu.memory_space<hbm>> -> memref<10000xi32, #tpu.memory_space<hbm>>
    tpu.enqueue_dma source(%dma_start3A_352 : memref<10000xi32, #tpu.memory_space<hbm>>) target(%arg11 : memref<10000xi32, #tpu.memory_space<vmem>>) target_semaphore(%arg28 : memref<!tpu.dma_semaphore, #tpu.memory_space<semaphore_mem>>)
    %dma_wait3A_353 = arith.constant 0 : i32
    %dma_wait3A_354 = tpu.memref_slice %arg22[%dma_wait3A_353] : memref<100352xf32, #tpu.memory_space<vmem_shared>> -> memref<100352xf32, #tpu.memory_space<vmem_shared>>
    tpu.wait_indirect_dma semaphore(%arg31 : memref<!tpu.dma_semaphore, #tpu.memory_space<semaphore_mem>>) src(%dma_wait3A_354 : memref<100352xf32, #tpu.memory_space<vmem_shared>>) dst(%arg14 : memref<10000xf32, #tpu.memory_space<vmem>>)
    %dma_wait3A_355 = tpu.memref_slice %arg3[%add3A_294] : memref<1600000xf32, #tpu.memory_space<hbm>> -> memref<10000xf32, #tpu.memory_space<hbm>>
    %dma_wait3A_356 = tpu.memref_slice %arg3[%add3A_294] : memref<1600000xf32, #tpu.memory_space<hbm>> -> memref<10000xf32, #tpu.memory_space<hbm>>
    tpu.wait_dma2 semaphore(%arg29 : memref<!tpu.dma_semaphore, #tpu.memory_space<semaphore_mem>>) src(%dma_wait3A_356 : memref<10000xf32, #tpu.memory_space<hbm>>) dst(%arg12 : memref<10000xf32, #tpu.memory_space<vmem>>)
    %scan3A_357 = arith.constant 0 : i32
    %scan3A_358 = arith.constant 0 : i32
    %scan3A_359 = arith.constant 625 : i32
    %scan3A_360 = arith.addi %scan3A_358, %scan3A_359 : i32
    %scan3A_361 = arith.constant 1 : i32
    %scan3A_362 = scf.for %scan3A_536 = %scan3A_358 to %scan3A_360 step %scan3A_361 iter_args(%scan3A_537 = %scan3A_357) -> (i32)  : i32 {
      %mul3A_538 = arith.constant 16 : i32
      %mul3A_539 = arith.muli %scan3A_536, %mul3A_538 : i32
      %get3A_540 = arith.index_cast %mul3A_539 : i32 to index
      %get3A_541 = tpu.vector_load %arg14[%get3A_540] {strides = array<i32>} : memref<10000xf32, #tpu.memory_space<vmem>>, vector<16xf32>,
      %get3A_542 = arith.index_cast %mul3A_539 : i32 to index
      %get3A_543 = tpu.vector_load %arg12[%get3A_542] {strides = array<i32>} : memref<10000xf32, #tpu.memory_space<vmem>>, vector<16xf32>,
      %mul3A_544 = arith.mulf %get3A_541, %get3A_543 : vector<16xf32>
      %swap3A = arith.index_cast %mul3A_539 : i32 to index
      %swap3A_545 = tpu.vector_load %arg14[%swap3A] {strides = array<i32>} : memref<10000xf32, #tpu.memory_space<vmem>>, vector<16xf32>,
      tpu.vector_store %arg14[%swap3A], %mul3A_544 {strides = array<i32>} : memref<10000xf32, #tpu.memory_space<vmem>>, vector<16xf32>,
      %scan3A_546 = arith.constant 0 : i32
      scf.yield %scan3A_546 : i32
    }
    %scan3A_363 = arith.constant 625 : i32
    %dma_wait3A_364 = arith.constant 1 : i32
    %dma_wait3A_365 = tpu.memref_slice %arg2[%dma_wait3A_364, %add3A_298] : memref<2x1600000xi32, #tpu.memory_space<hbm>> -> memref<1x10000xi32, #tpu.memory_space<hbm>>
    %dma_wait3A_366 = tpu.memref_squeeze %dma_wait3A_365 : memref<1x10000xi32, #tpu.memory_space<hbm>> -> memref<10000xi32, #tpu.memory_space<hbm>>
    %dma_wait3A_367 = tpu.memref_slice %arg2[%dma_wait3A_364, %add3A_298] : memref<2x1600000xi32, #tpu.memory_space<hbm>> -> memref<1x10000xi32, #tpu.memory_space<hbm>>
    %dma_wait3A_368 = tpu.memref_squeeze %dma_wait3A_367 : memref<1x10000xi32, #tpu.memory_space<hbm>> -> memref<10000xi32, #tpu.memory_space<hbm>>
    tpu.wait_dma2 semaphore(%arg27 : memref<!tpu.dma_semaphore, #tpu.memory_space<semaphore_mem>>) src(%dma_wait3A_368 : memref<10000xi32, #tpu.memory_space<hbm>>) dst(%arg10 : memref<10000xi32, #tpu.memory_space<vmem>>)
    %dma_start3A_369 = arith.constant 0 : i32
    %dma_start3A_370 = tpu.memref_slice %arg23[%dma_start3A_369] : memref<100352xf32, #tpu.memory_space<vmem_shared>> -> memref<100352xf32, #tpu.memory_space<vmem_shared>>
    tpu.enqueue_indirect_dma source(%arg14 : memref<10000xf32, #tpu.memory_space<vmem>>) target(%dma_start3A_370 : memref<100352xf32, #tpu.memory_space<vmem_shared>>) offsets(%arg10 : memref<10000xi32, #tpu.memory_space<vmem>>) semaphore(%arg33 : memref<!tpu.dma_semaphore, #tpu.memory_space<semaphore_mem>>) {add = true}
    %dma_start3A_371 = arith.constant 0 : i32
    %dma_start3A_372 = tpu.memref_slice %arg24[%dma_start3A_371] : memref<100352xf32, #tpu.memory_space<vmem_shared>> -> memref<100352xf32, #tpu.memory_space<vmem_shared>>
    tpu.enqueue_indirect_dma source(%arg16 : memref<10000xf32, #tpu.memory_space<vmem>>) target(%dma_start3A_372 : memref<100352xf32, #tpu.memory_space<vmem_shared>>) offsets(%arg10 : memref<10000xi32, #tpu.memory_space<vmem>>) semaphore(%arg35 : memref<!tpu.dma_semaphore, #tpu.memory_space<semaphore_mem>>) {add = true}
    %dma_wait3A_373 = arith.constant 0 : i32
    %dma_wait3A_374 = tpu.memref_slice %arg2[%dma_wait3A_373, %add3A_336] : memref<2x1600000xi32, #tpu.memory_space<hbm>> -> memref<1x10000xi32, #tpu.memory_space<hbm>>
    %dma_wait3A_375 = tpu.memref_squeeze %dma_wait3A_374 : memref<1x10000xi32, #tpu.memory_space<hbm>> -> memref<10000xi32, #tpu.memory_space<hbm>>
    %dma_wait3A_376 = tpu.memref_slice %arg2[%dma_wait3A_373, %add3A_336] : memref<2x1600000xi32, #tpu.memory_space<hbm>> -> memref<1x10000xi32, #tpu.memory_space<hbm>>
    %dma_wait3A_377 = tpu.memref_squeeze %dma_wait3A_376 : memref<1x10000xi32, #tpu.memory_space<hbm>> -> memref<10000xi32, #tpu.memory_space<hbm>>
    tpu.wait_dma2 semaphore(%arg26 : memref<!tpu.dma_semaphore, #tpu.memory_space<semaphore_mem>>) src(%dma_wait3A_377 : memref<10000xi32, #tpu.memory_space<hbm>>) dst(%arg9 : memref<10000xi32, #tpu.memory_space<vmem>>)
    %dma_start3A_378 = arith.constant 0 : i32
    %dma_start3A_379 = tpu.memref_slice %arg22[%dma_start3A_378] : memref<100352xf32, #tpu.memory_space<vmem_shared>> -> memref<100352xf32, #tpu.memory_space<vmem_shared>>
    tpu.enqueue_indirect_dma source(%dma_start3A_379 : memref<100352xf32, #tpu.memory_space<vmem_shared>>) target(%arg15 : memref<10000xf32, #tpu.memory_space<vmem>>) offsets(%arg9 : memref<10000xi32, #tpu.memory_space<vmem>>) semaphore(%arg32 : memref<!tpu.dma_semaphore, #tpu.memory_space<semaphore_mem>>)
    %dma_wait3A_380 = arith.constant 0 : i32
    %dma_wait3A_381 = tpu.memref_slice %arg23[%dma_wait3A_380] : memref<100352xf32, #tpu.memory_space<vmem_shared>> -> memref<100352xf32, #tpu.memory_space<vmem_shared>>
    tpu.wait_indirect_dma semaphore(%arg33 : memref<!tpu.dma_semaphore, #tpu.memory_space<semaphore_mem>>) src(%arg14 : memref<10000xf32, #tpu.memory_space<vmem>>) dst(%dma_wait3A_381 : memref<100352xf32, #tpu.memory_space<vmem_shared>>)
    %dma_wait3A_382 = arith.constant 0 : i32
    %dma_wait3A_383 = tpu.memref_slice %arg24[%dma_wait3A_382] : memref<100352xf32, #tpu.memory_space<vmem_shared>> -> memref<100352xf32, #tpu.memory_space<vmem_shared>>
    tpu.wait_indirect_dma semaphore(%arg35 : memref<!tpu.dma_semaphore, #tpu.memory_space<semaphore_mem>>) src(%arg16 : memref<10000xf32, #tpu.memory_space<vmem>>) dst(%dma_wait3A_383 : memref<100352xf32, #tpu.memory_space<vmem_shared>>)
    %add3A_384 = arith.constant 80000 : i32
    %add3A_385 = arith.addi %mul3A_0, %add3A_384 : i32
    %dma_start3A_386 = arith.constant 0 : i32
    %dma_start3A_387 = tpu.memref_slice %arg2[%dma_start3A_386, %add3A_385] : memref<2x1600000xi32, #tpu.memory_space<hbm>> -> memref<1x10000xi32, #tpu.memory_space<hbm>>
    %dma_start3A_388 = tpu.memref_squeeze %dma_start3A_387 : memref<1x10000xi32, #tpu.memory_space<hbm>> -> memref<10000xi32, #tpu.memory_space<hbm>>
    %dma_start3A_389 = tpu.memref_slice %arg2[%dma_start3A_386, %add3A_385] : memref<2x1600000xi32, #tpu.memory_space<hbm>> -> memref<1x10000xi32, #tpu.memory_space<hbm>>
    %dma_start3A_390 = tpu.memref_squeeze %dma_start3A_389 : memref<1x10000xi32, #tpu.memory_space<hbm>> -> memref<10000xi32, #tpu.memory_space<hbm>>
    tpu.enqueue_dma source(%dma_start3A_390 : memref<10000xi32, #tpu.memory_space<hbm>>) target(%arg8 : memref<10000xi32, #tpu.memory_space<vmem>>) target_semaphore(%arg25 : memref<!tpu.dma_semaphore, #tpu.memory_space<semaphore_mem>>)
    %add3A_391 = arith.constant 80000 : i32
    %add3A_392 = arith.addi %mul3A_0, %add3A_391 : i32
    %dma_start3A_393 = tpu.memref_slice %arg3[%add3A_392] : memref<1600000xf32, #tpu.memory_space<hbm>> -> memref<10000xf32, #tpu.memory_space<hbm>>
    %dma_start3A_394 = tpu.memref_slice %arg3[%add3A_392] : memref<1600000xf32, #tpu.memory_space<hbm>> -> memref<10000xf32, #tpu.memory_space<hbm>>
    tpu.enqueue_dma source(%dma_start3A_394 : memref<10000xf32, #tpu.memory_space<hbm>>) target(%arg12 : memref<10000xf32, #tpu.memory_space<vmem>>) target_semaphore(%arg29 : memref<!tpu.dma_semaphore, #tpu.memory_space<semaphore_mem>>)
    %add3A_395 = arith.constant 80000 : i32
    %add3A_396 = arith.addi %mul3A_0, %add3A_395 : i32
    %dma_start3A_397 = arith.constant 1 : i32
    %dma_start3A_398 = tpu.memref_slice %arg2[%dma_start3A_397, %add3A_396] : memref<2x1600000xi32, #tpu.memory_space<hbm>> -> memref<1x10000xi32, #tpu.memory_space<hbm>>
    %dma_start3A_399 = tpu.memref_squeeze %dma_start3A_398 : memref<1x10000xi32, #tpu.memory_space<hbm>> -> memref<10000xi32, #tpu.memory_space<hbm>>
    %dma_start3A_400 = tpu.memref_slice %arg2[%dma_start3A_397, %add3A_396] : memref<2x1600000xi32, #tpu.memory_space<hbm>> -> memref<1x10000xi32, #tpu.memory_space<hbm>>
    %dma_start3A_401 = tpu.memref_squeeze %dma_start3A_400 : memref<1x10000xi32, #tpu.memory_space<hbm>> -> memref<10000xi32, #tpu.memory_space<hbm>>
    tpu.enqueue_dma source(%dma_start3A_401 : memref<10000xi32, #tpu.memory_space<hbm>>) target(%arg10 : memref<10000xi32, #tpu.memory_space<vmem>>) target_semaphore(%arg27 : memref<!tpu.dma_semaphore, #tpu.memory_space<semaphore_mem>>)
    %dma_wait3A_402 = arith.constant 0 : i32
    %dma_wait3A_403 = tpu.memref_slice %arg22[%dma_wait3A_402] : memref<100352xf32, #tpu.memory_space<vmem_shared>> -> memref<100352xf32, #tpu.memory_space<vmem_shared>>
    tpu.wait_indirect_dma semaphore(%arg32 : memref<!tpu.dma_semaphore, #tpu.memory_space<semaphore_mem>>) src(%dma_wait3A_403 : memref<100352xf32, #tpu.memory_space<vmem_shared>>) dst(%arg15 : memref<10000xf32, #tpu.memory_space<vmem>>)
    %dma_wait3A_404 = tpu.memref_slice %arg3[%add3A_343] : memref<1600000xf32, #tpu.memory_space<hbm>> -> memref<10000xf32, #tpu.memory_space<hbm>>
    %dma_wait3A_405 = tpu.memref_slice %arg3[%add3A_343] : memref<1600000xf32, #tpu.memory_space<hbm>> -> memref<10000xf32, #tpu.memory_space<hbm>>
    tpu.wait_dma2 semaphore(%arg30 : memref<!tpu.dma_semaphore, #tpu.memory_space<semaphore_mem>>) src(%dma_wait3A_405 : memref<10000xf32, #tpu.memory_space<hbm>>) dst(%arg13 : memref<10000xf32, #tpu.memory_space<vmem>>)
    %scan3A_406 = arith.constant 0 : i32
    %scan3A_407 = arith.constant 0 : i32
    %scan3A_408 = arith.constant 625 : i32
    %scan3A_409 = arith.addi %scan3A_407, %scan3A_408 : i32
    %scan3A_410 = arith.constant 1 : i32
    %scan3A_411 = scf.for %scan3A_536 = %scan3A_407 to %scan3A_409 step %scan3A_410 iter_args(%scan3A_537 = %scan3A_406) -> (i32)  : i32 {
      %mul3A_538 = arith.constant 16 : i32
      %mul3A_539 = arith.muli %scan3A_536, %mul3A_538 : i32
      %get3A_540 = arith.index_cast %mul3A_539 : i32 to index
      %get3A_541 = tpu.vector_load %arg15[%get3A_540] {strides = array<i32>} : memref<10000xf32, #tpu.memory_space<vmem>>, vector<16xf32>,
      %get3A_542 = arith.index_cast %mul3A_539 : i32 to index
      %get3A_543 = tpu.vector_load %arg13[%get3A_542] {strides = array<i32>} : memref<10000xf32, #tpu.memory_space<vmem>>, vector<16xf32>,
      %mul3A_544 = arith.mulf %get3A_541, %get3A_543 : vector<16xf32>
      %swap3A = arith.index_cast %mul3A_539 : i32 to index
      %swap3A_545 = tpu.vector_load %arg15[%swap3A] {strides = array<i32>} : memref<10000xf32, #tpu.memory_space<vmem>>, vector<16xf32>,
      tpu.vector_store %arg15[%swap3A], %mul3A_544 {strides = array<i32>} : memref<10000xf32, #tpu.memory_space<vmem>>, vector<16xf32>,
      %scan3A_546 = arith.constant 0 : i32
      scf.yield %scan3A_546 : i32
    }
    %scan3A_412 = arith.constant 625 : i32
    %dma_wait3A_413 = arith.constant 1 : i32
    %dma_wait3A_414 = tpu.memref_slice %arg2[%dma_wait3A_413, %add3A_347] : memref<2x1600000xi32, #tpu.memory_space<hbm>> -> memref<1x10000xi32, #tpu.memory_space<hbm>>
    %dma_wait3A_415 = tpu.memref_squeeze %dma_wait3A_414 : memref<1x10000xi32, #tpu.memory_space<hbm>> -> memref<10000xi32, #tpu.memory_space<hbm>>
    %dma_wait3A_416 = tpu.memref_slice %arg2[%dma_wait3A_413, %add3A_347] : memref<2x1600000xi32, #tpu.memory_space<hbm>> -> memref<1x10000xi32, #tpu.memory_space<hbm>>
    %dma_wait3A_417 = tpu.memref_squeeze %dma_wait3A_416 : memref<1x10000xi32, #tpu.memory_space<hbm>> -> memref<10000xi32, #tpu.memory_space<hbm>>
    tpu.wait_dma2 semaphore(%arg28 : memref<!tpu.dma_semaphore, #tpu.memory_space<semaphore_mem>>) src(%dma_wait3A_417 : memref<10000xi32, #tpu.memory_space<hbm>>) dst(%arg11 : memref<10000xi32, #tpu.memory_space<vmem>>)
    %dma_start3A_418 = arith.constant 0 : i32
    %dma_start3A_419 = tpu.memref_slice %arg23[%dma_start3A_418] : memref<100352xf32, #tpu.memory_space<vmem_shared>> -> memref<100352xf32, #tpu.memory_space<vmem_shared>>
    tpu.enqueue_indirect_dma source(%arg15 : memref<10000xf32, #tpu.memory_space<vmem>>) target(%dma_start3A_419 : memref<100352xf32, #tpu.memory_space<vmem_shared>>) offsets(%arg11 : memref<10000xi32, #tpu.memory_space<vmem>>) semaphore(%arg34 : memref<!tpu.dma_semaphore, #tpu.memory_space<semaphore_mem>>) {add = true}
    %dma_start3A_420 = arith.constant 0 : i32
    %dma_start3A_421 = tpu.memref_slice %arg24[%dma_start3A_420] : memref<100352xf32, #tpu.memory_space<vmem_shared>> -> memref<100352xf32, #tpu.memory_space<vmem_shared>>
    tpu.enqueue_indirect_dma source(%arg16 : memref<10000xf32, #tpu.memory_space<vmem>>) target(%dma_start3A_421 : memref<100352xf32, #tpu.memory_space<vmem_shared>>) offsets(%arg11 : memref<10000xi32, #tpu.memory_space<vmem>>) semaphore(%arg36 : memref<!tpu.dma_semaphore, #tpu.memory_space<semaphore_mem>>) {add = true}
    %dma_wait3A_422 = arith.constant 0 : i32
    %dma_wait3A_423 = tpu.memref_slice %arg2[%dma_wait3A_422, %add3A_385] : memref<2x1600000xi32, #tpu.memory_space<hbm>> -> memref<1x10000xi32, #tpu.memory_space<hbm>>
    %dma_wait3A_424 = tpu.memref_squeeze %dma_wait3A_423 : memref<1x10000xi32, #tpu.memory_space<hbm>> -> memref<10000xi32, #tpu.memory_space<hbm>>
    %dma_wait3A_425 = tpu.memref_slice %arg2[%dma_wait3A_422, %add3A_385] : memref<2x1600000xi32, #tpu.memory_space<hbm>> -> memref<1x10000xi32, #tpu.memory_space<hbm>>
    %dma_wait3A_426 = tpu.memref_squeeze %dma_wait3A_425 : memref<1x10000xi32, #tpu.memory_space<hbm>> -> memref<10000xi32, #tpu.memory_space<hbm>>
    tpu.wait_dma2 semaphore(%arg25 : memref<!tpu.dma_semaphore, #tpu.memory_space<semaphore_mem>>) src(%dma_wait3A_426 : memref<10000xi32, #tpu.memory_space<hbm>>) dst(%arg8 : memref<10000xi32, #tpu.memory_space<vmem>>)
    %dma_start3A_427 = arith.constant 0 : i32
    %dma_start3A_428 = tpu.memref_slice %arg22[%dma_start3A_427] : memref<100352xf32, #tpu.memory_space<vmem_shared>> -> memref<100352xf32, #tpu.memory_space<vmem_shared>>
    tpu.enqueue_indirect_dma source(%dma_start3A_428 : memref<100352xf32, #tpu.memory_space<vmem_shared>>) target(%arg14 : memref<10000xf32, #tpu.memory_space<vmem>>) offsets(%arg8 : memref<10000xi32, #tpu.memory_space<vmem>>) semaphore(%arg31 : memref<!tpu.dma_semaphore, #tpu.memory_space<semaphore_mem>>)
    %dma_wait3A_429 = arith.constant 0 : i32
    %dma_wait3A_430 = tpu.memref_slice %arg23[%dma_wait3A_429] : memref<100352xf32, #tpu.memory_space<vmem_shared>> -> memref<100352xf32, #tpu.memory_space<vmem_shared>>
    tpu.wait_indirect_dma semaphore(%arg34 : memref<!tpu.dma_semaphore, #tpu.memory_space<semaphore_mem>>) src(%arg15 : memref<10000xf32, #tpu.memory_space<vmem>>) dst(%dma_wait3A_430 : memref<100352xf32, #tpu.memory_space<vmem_shared>>)
    %dma_wait3A_431 = arith.constant 0 : i32
    %dma_wait3A_432 = tpu.memref_slice %arg24[%dma_wait3A_431] : memref<100352xf32, #tpu.memory_space<vmem_shared>> -> memref<100352xf32, #tpu.memory_space<vmem_shared>>
    tpu.wait_indirect_dma semaphore(%arg36 : memref<!tpu.dma_semaphore, #tpu.memory_space<semaphore_mem>>) src(%arg16 : memref<10000xf32, #tpu.memory_space<vmem>>) dst(%dma_wait3A_432 : memref<100352xf32, #tpu.memory_space<vmem_shared>>)
    %add3A_433 = arith.constant 90000 : i32
    %add3A_434 = arith.addi %mul3A_0, %add3A_433 : i32
    %dma_start3A_435 = arith.constant 0 : i32
    %dma_start3A_436 = tpu.memref_slice %arg2[%dma_start3A_435, %add3A_434] : memref<2x1600000xi32, #tpu.memory_space<hbm>> -> memref<1x10000xi32, #tpu.memory_space<hbm>>
    %dma_start3A_437 = tpu.memref_squeeze %dma_start3A_436 : memref<1x10000xi32, #tpu.memory_space<hbm>> -> memref<10000xi32, #tpu.memory_space<hbm>>
    %dma_start3A_438 = tpu.memref_slice %arg2[%dma_start3A_435, %add3A_434] : memref<2x1600000xi32, #tpu.memory_space<hbm>> -> memref<1x10000xi32, #tpu.memory_space<hbm>>
    %dma_start3A_439 = tpu.memref_squeeze %dma_start3A_438 : memref<1x10000xi32, #tpu.memory_space<hbm>> -> memref<10000xi32, #tpu.memory_space<hbm>>
    tpu.enqueue_dma source(%dma_start3A_439 : memref<10000xi32, #tpu.memory_space<hbm>>) target(%arg9 : memref<10000xi32, #tpu.memory_space<vmem>>) target_semaphore(%arg26 : memref<!tpu.dma_semaphore, #tpu.memory_space<semaphore_mem>>)
    %add3A_440 = arith.constant 90000 : i32
    %add3A_441 = arith.addi %mul3A_0, %add3A_440 : i32
    %dma_start3A_442 = tpu.memref_slice %arg3[%add3A_441] : memref<1600000xf32, #tpu.memory_space<hbm>> -> memref<10000xf32, #tpu.memory_space<hbm>>
    %dma_start3A_443 = tpu.memref_slice %arg3[%add3A_441] : memref<1600000xf32, #tpu.memory_space<hbm>> -> memref<10000xf32, #tpu.memory_space<hbm>>
    tpu.enqueue_dma source(%dma_start3A_443 : memref<10000xf32, #tpu.memory_space<hbm>>) target(%arg13 : memref<10000xf32, #tpu.memory_space<vmem>>) target_semaphore(%arg30 : memref<!tpu.dma_semaphore, #tpu.memory_space<semaphore_mem>>)
    %add3A_444 = arith.constant 90000 : i32
    %add3A_445 = arith.addi %mul3A_0, %add3A_444 : i32
    %dma_start3A_446 = arith.constant 1 : i32
    %dma_start3A_447 = tpu.memref_slice %arg2[%dma_start3A_446, %add3A_445] : memref<2x1600000xi32, #tpu.memory_space<hbm>> -> memref<1x10000xi32, #tpu.memory_space<hbm>>
    %dma_start3A_448 = tpu.memref_squeeze %dma_start3A_447 : memref<1x10000xi32, #tpu.memory_space<hbm>> -> memref<10000xi32, #tpu.memory_space<hbm>>
    %dma_start3A_449 = tpu.memref_slice %arg2[%dma_start3A_446, %add3A_445] : memref<2x1600000xi32, #tpu.memory_space<hbm>> -> memref<1x10000xi32, #tpu.memory_space<hbm>>
    %dma_start3A_450 = tpu.memref_squeeze %dma_start3A_449 : memref<1x10000xi32, #tpu.memory_space<hbm>> -> memref<10000xi32, #tpu.memory_space<hbm>>
    tpu.enqueue_dma source(%dma_start3A_450 : memref<10000xi32, #tpu.memory_space<hbm>>) target(%arg11 : memref<10000xi32, #tpu.memory_space<vmem>>) target_semaphore(%arg28 : memref<!tpu.dma_semaphore, #tpu.memory_space<semaphore_mem>>)
    %dma_wait3A_451 = arith.constant 0 : i32
    %dma_wait3A_452 = tpu.memref_slice %arg22[%dma_wait3A_451] : memref<100352xf32, #tpu.memory_space<vmem_shared>> -> memref<100352xf32, #tpu.memory_space<vmem_shared>>
    tpu.wait_indirect_dma semaphore(%arg31 : memref<!tpu.dma_semaphore, #tpu.memory_space<semaphore_mem>>) src(%dma_wait3A_452 : memref<100352xf32, #tpu.memory_space<vmem_shared>>) dst(%arg14 : memref<10000xf32, #tpu.memory_space<vmem>>)
    %dma_wait3A_453 = tpu.memref_slice %arg3[%add3A_392] : memref<1600000xf32, #tpu.memory_space<hbm>> -> memref<10000xf32, #tpu.memory_space<hbm>>
    %dma_wait3A_454 = tpu.memref_slice %arg3[%add3A_392] : memref<1600000xf32, #tpu.memory_space<hbm>> -> memref<10000xf32, #tpu.memory_space<hbm>>
    tpu.wait_dma2 semaphore(%arg29 : memref<!tpu.dma_semaphore, #tpu.memory_space<semaphore_mem>>) src(%dma_wait3A_454 : memref<10000xf32, #tpu.memory_space<hbm>>) dst(%arg12 : memref<10000xf32, #tpu.memory_space<vmem>>)
    %scan3A_455 = arith.constant 0 : i32
    %scan3A_456 = arith.constant 0 : i32
    %scan3A_457 = arith.constant 625 : i32
    %scan3A_458 = arith.addi %scan3A_456, %scan3A_457 : i32
    %scan3A_459 = arith.constant 1 : i32
    %scan3A_460 = scf.for %scan3A_536 = %scan3A_456 to %scan3A_458 step %scan3A_459 iter_args(%scan3A_537 = %scan3A_455) -> (i32)  : i32 {
      %mul3A_538 = arith.constant 16 : i32
      %mul3A_539 = arith.muli %scan3A_536, %mul3A_538 : i32
      %get3A_540 = arith.index_cast %mul3A_539 : i32 to index
      %get3A_541 = tpu.vector_load %arg14[%get3A_540] {strides = array<i32>} : memref<10000xf32, #tpu.memory_space<vmem>>, vector<16xf32>,
      %get3A_542 = arith.index_cast %mul3A_539 : i32 to index
      %get3A_543 = tpu.vector_load %arg12[%get3A_542] {strides = array<i32>} : memref<10000xf32, #tpu.memory_space<vmem>>, vector<16xf32>,
      %mul3A_544 = arith.mulf %get3A_541, %get3A_543 : vector<16xf32>
      %swap3A = arith.index_cast %mul3A_539 : i32 to index
      %swap3A_545 = tpu.vector_load %arg14[%swap3A] {strides = array<i32>} : memref<10000xf32, #tpu.memory_space<vmem>>, vector<16xf32>,
      tpu.vector_store %arg14[%swap3A], %mul3A_544 {strides = array<i32>} : memref<10000xf32, #tpu.memory_space<vmem>>, vector<16xf32>,
      %scan3A_546 = arith.constant 0 : i32
      scf.yield %scan3A_546 : i32
    }
    %scan3A_461 = arith.constant 625 : i32
    %dma_wait3A_462 = arith.constant 1 : i32
    %dma_wait3A_463 = tpu.memref_slice %arg2[%dma_wait3A_462, %add3A_396] : memref<2x1600000xi32, #tpu.memory_space<hbm>> -> memref<1x10000xi32, #tpu.memory_space<hbm>>
    %dma_wait3A_464 = tpu.memref_squeeze %dma_wait3A_463 : memref<1x10000xi32, #tpu.memory_space<hbm>> -> memref<10000xi32, #tpu.memory_space<hbm>>
    %dma_wait3A_465 = tpu.memref_slice %arg2[%dma_wait3A_462, %add3A_396] : memref<2x1600000xi32, #tpu.memory_space<hbm>> -> memref<1x10000xi32, #tpu.memory_space<hbm>>
    %dma_wait3A_466 = tpu.memref_squeeze %dma_wait3A_465 : memref<1x10000xi32, #tpu.memory_space<hbm>> -> memref<10000xi32, #tpu.memory_space<hbm>>
    tpu.wait_dma2 semaphore(%arg27 : memref<!tpu.dma_semaphore, #tpu.memory_space<semaphore_mem>>) src(%dma_wait3A_466 : memref<10000xi32, #tpu.memory_space<hbm>>) dst(%arg10 : memref<10000xi32, #tpu.memory_space<vmem>>)
    %dma_start3A_467 = arith.constant 0 : i32
    %dma_start3A_468 = tpu.memref_slice %arg23[%dma_start3A_467] : memref<100352xf32, #tpu.memory_space<vmem_shared>> -> memref<100352xf32, #tpu.memory_space<vmem_shared>>
    tpu.enqueue_indirect_dma source(%arg14 : memref<10000xf32, #tpu.memory_space<vmem>>) target(%dma_start3A_468 : memref<100352xf32, #tpu.memory_space<vmem_shared>>) offsets(%arg10 : memref<10000xi32, #tpu.memory_space<vmem>>) semaphore(%arg33 : memref<!tpu.dma_semaphore, #tpu.memory_space<semaphore_mem>>) {add = true}
    %dma_start3A_469 = arith.constant 0 : i32
    %dma_start3A_470 = tpu.memref_slice %arg24[%dma_start3A_469] : memref<100352xf32, #tpu.memory_space<vmem_shared>> -> memref<100352xf32, #tpu.memory_space<vmem_shared>>
    tpu.enqueue_indirect_dma source(%arg16 : memref<10000xf32, #tpu.memory_space<vmem>>) target(%dma_start3A_470 : memref<100352xf32, #tpu.memory_space<vmem_shared>>) offsets(%arg10 : memref<10000xi32, #tpu.memory_space<vmem>>) semaphore(%arg35 : memref<!tpu.dma_semaphore, #tpu.memory_space<semaphore_mem>>) {add = true}
    %dma_wait3A_471 = arith.constant 0 : i32
    %dma_wait3A_472 = tpu.memref_slice %arg2[%dma_wait3A_471, %add3A_434] : memref<2x1600000xi32, #tpu.memory_space<hbm>> -> memref<1x10000xi32, #tpu.memory_space<hbm>>
    %dma_wait3A_473 = tpu.memref_squeeze %dma_wait3A_472 : memref<1x10000xi32, #tpu.memory_space<hbm>> -> memref<10000xi32, #tpu.memory_space<hbm>>
    %dma_wait3A_474 = tpu.memref_slice %arg2[%dma_wait3A_471, %add3A_434] : memref<2x1600000xi32, #tpu.memory_space<hbm>> -> memref<1x10000xi32, #tpu.memory_space<hbm>>
    %dma_wait3A_475 = tpu.memref_squeeze %dma_wait3A_474 : memref<1x10000xi32, #tpu.memory_space<hbm>> -> memref<10000xi32, #tpu.memory_space<hbm>>
    tpu.wait_dma2 semaphore(%arg26 : memref<!tpu.dma_semaphore, #tpu.memory_space<semaphore_mem>>) src(%dma_wait3A_475 : memref<10000xi32, #tpu.memory_space<hbm>>) dst(%arg9 : memref<10000xi32, #tpu.memory_space<vmem>>)
    %dma_start3A_476 = arith.constant 0 : i32
    %dma_start3A_477 = tpu.memref_slice %arg22[%dma_start3A_476] : memref<100352xf32, #tpu.memory_space<vmem_shared>> -> memref<100352xf32, #tpu.memory_space<vmem_shared>>
    tpu.enqueue_indirect_dma source(%dma_start3A_477 : memref<100352xf32, #tpu.memory_space<vmem_shared>>) target(%arg15 : memref<10000xf32, #tpu.memory_space<vmem>>) offsets(%arg9 : memref<10000xi32, #tpu.memory_space<vmem>>) semaphore(%arg32 : memref<!tpu.dma_semaphore, #tpu.memory_space<semaphore_mem>>)
    %dma_wait3A_478 = arith.constant 0 : i32
    %dma_wait3A_479 = tpu.memref_slice %arg23[%dma_wait3A_478] : memref<100352xf32, #tpu.memory_space<vmem_shared>> -> memref<100352xf32, #tpu.memory_space<vmem_shared>>
    tpu.wait_indirect_dma semaphore(%arg33 : memref<!tpu.dma_semaphore, #tpu.memory_space<semaphore_mem>>) src(%arg14 : memref<10000xf32, #tpu.memory_space<vmem>>) dst(%dma_wait3A_479 : memref<100352xf32, #tpu.memory_space<vmem_shared>>)
    %dma_wait3A_480 = arith.constant 0 : i32
    %dma_wait3A_481 = tpu.memref_slice %arg24[%dma_wait3A_480] : memref<100352xf32, #tpu.memory_space<vmem_shared>> -> memref<100352xf32, #tpu.memory_space<vmem_shared>>
    tpu.wait_indirect_dma semaphore(%arg35 : memref<!tpu.dma_semaphore, #tpu.memory_space<semaphore_mem>>) src(%arg16 : memref<10000xf32, #tpu.memory_space<vmem>>) dst(%dma_wait3A_481 : memref<100352xf32, #tpu.memory_space<vmem_shared>>)
    %dma_wait3A_482 = arith.constant 0 : i32
    %dma_wait3A_483 = tpu.memref_slice %arg22[%dma_wait3A_482] : memref<100352xf32, #tpu.memory_space<vmem_shared>> -> memref<100352xf32, #tpu.memory_space<vmem_shared>>
    tpu.wait_indirect_dma semaphore(%arg32 : memref<!tpu.dma_semaphore, #tpu.memory_space<semaphore_mem>>) src(%dma_wait3A_483 : memref<100352xf32, #tpu.memory_space<vmem_shared>>) dst(%arg15 : memref<10000xf32, #tpu.memory_space<vmem>>)
    %dma_wait3A_484 = tpu.memref_slice %arg3[%add3A_441] : memref<1600000xf32, #tpu.memory_space<hbm>> -> memref<10000xf32, #tpu.memory_space<hbm>>
    %dma_wait3A_485 = tpu.memref_slice %arg3[%add3A_441] : memref<1600000xf32, #tpu.memory_space<hbm>> -> memref<10000xf32, #tpu.memory_space<hbm>>
    tpu.wait_dma2 semaphore(%arg30 : memref<!tpu.dma_semaphore, #tpu.memory_space<semaphore_mem>>) src(%dma_wait3A_485 : memref<10000xf32, #tpu.memory_space<hbm>>) dst(%arg13 : memref<10000xf32, #tpu.memory_space<vmem>>)
    %scan3A_486 = arith.constant 0 : i32
    %scan3A_487 = arith.constant 0 : i32
    %scan3A_488 = arith.constant 625 : i32
    %scan3A_489 = arith.addi %scan3A_487, %scan3A_488 : i32
    %scan3A_490 = arith.constant 1 : i32
    %scan3A_491 = scf.for %scan3A_536 = %scan3A_487 to %scan3A_489 step %scan3A_490 iter_args(%scan3A_537 = %scan3A_486) -> (i32)  : i32 {
      %mul3A_538 = arith.constant 16 : i32
      %mul3A_539 = arith.muli %scan3A_536, %mul3A_538 : i32
      %get3A_540 = arith.index_cast %mul3A_539 : i32 to index
      %get3A_541 = tpu.vector_load %arg15[%get3A_540] {strides = array<i32>} : memref<10000xf32, #tpu.memory_space<vmem>>, vector<16xf32>,
      %get3A_542 = arith.index_cast %mul3A_539 : i32 to index
      %get3A_543 = tpu.vector_load %arg13[%get3A_542] {strides = array<i32>} : memref<10000xf32, #tpu.memory_space<vmem>>, vector<16xf32>,
      %mul3A_544 = arith.mulf %get3A_541, %get3A_543 : vector<16xf32>
      %swap3A = arith.index_cast %mul3A_539 : i32 to index
      %swap3A_545 = tpu.vector_load %arg15[%swap3A] {strides = array<i32>} : memref<10000xf32, #tpu.memory_space<vmem>>, vector<16xf32>,
      tpu.vector_store %arg15[%swap3A], %mul3A_544 {strides = array<i32>} : memref<10000xf32, #tpu.memory_space<vmem>>, vector<16xf32>,
      %scan3A_546 = arith.constant 0 : i32
      scf.yield %scan3A_546 : i32
    }
    %scan3A_492 = arith.constant 625 : i32
    %dma_wait3A_493 = arith.constant 1 : i32
    %dma_wait3A_494 = tpu.memref_slice %arg2[%dma_wait3A_493, %add3A_445] : memref<2x1600000xi32, #tpu.memory_space<hbm>> -> memref<1x10000xi32, #tpu.memory_space<hbm>>
    %dma_wait3A_495 = tpu.memref_squeeze %dma_wait3A_494 : memref<1x10000xi32, #tpu.memory_space<hbm>> -> memref<10000xi32, #tpu.memory_space<hbm>>
    %dma_wait3A_496 = tpu.memref_slice %arg2[%dma_wait3A_493, %add3A_445] : memref<2x1600000xi32, #tpu.memory_space<hbm>> -> memref<1x10000xi32, #tpu.memory_space<hbm>>
    %dma_wait3A_497 = tpu.memref_squeeze %dma_wait3A_496 : memref<1x10000xi32, #tpu.memory_space<hbm>> -> memref<10000xi32, #tpu.memory_space<hbm>>
    tpu.wait_dma2 semaphore(%arg28 : memref<!tpu.dma_semaphore, #tpu.memory_space<semaphore_mem>>) src(%dma_wait3A_497 : memref<10000xi32, #tpu.memory_space<hbm>>) dst(%arg11 : memref<10000xi32, #tpu.memory_space<vmem>>)
    %dma_start3A_498 = arith.constant 0 : i32
    %dma_start3A_499 = tpu.memref_slice %arg23[%dma_start3A_498] : memref<100352xf32, #tpu.memory_space<vmem_shared>> -> memref<100352xf32, #tpu.memory_space<vmem_shared>>
    tpu.enqueue_indirect_dma source(%arg15 : memref<10000xf32, #tpu.memory_space<vmem>>) target(%dma_start3A_499 : memref<100352xf32, #tpu.memory_space<vmem_shared>>) offsets(%arg11 : memref<10000xi32, #tpu.memory_space<vmem>>) semaphore(%arg34 : memref<!tpu.dma_semaphore, #tpu.memory_space<semaphore_mem>>) {add = true}
    %dma_start3A_500 = arith.constant 0 : i32
    %dma_start3A_501 = tpu.memref_slice %arg24[%dma_start3A_500] : memref<100352xf32, #tpu.memory_space<vmem_shared>> -> memref<100352xf32, #tpu.memory_space<vmem_shared>>
    tpu.enqueue_indirect_dma source(%arg16 : memref<10000xf32, #tpu.memory_space<vmem>>) target(%dma_start3A_501 : memref<100352xf32, #tpu.memory_space<vmem_shared>>) offsets(%arg11 : memref<10000xi32, #tpu.memory_space<vmem>>) semaphore(%arg36 : memref<!tpu.dma_semaphore, #tpu.memory_space<semaphore_mem>>) {add = true}
    %dma_wait3A_502 = arith.constant 0 : i32
    %dma_wait3A_503 = tpu.memref_slice %arg23[%dma_wait3A_502] : memref<100352xf32, #tpu.memory_space<vmem_shared>> -> memref<100352xf32, #tpu.memory_space<vmem_shared>>
    tpu.wait_indirect_dma semaphore(%arg34 : memref<!tpu.dma_semaphore, #tpu.memory_space<semaphore_mem>>) src(%arg15 : memref<10000xf32, #tpu.memory_space<vmem>>) dst(%dma_wait3A_503 : memref<100352xf32, #tpu.memory_space<vmem_shared>>)
    %dma_wait3A_504 = arith.constant 0 : i32
    %dma_wait3A_505 = tpu.memref_slice %arg24[%dma_wait3A_504] : memref<100352xf32, #tpu.memory_space<vmem_shared>> -> memref<100352xf32, #tpu.memory_space<vmem_shared>>
    tpu.wait_indirect_dma semaphore(%arg36 : memref<!tpu.dma_semaphore, #tpu.memory_space<semaphore_mem>>) src(%arg16 : memref<10000xf32, #tpu.memory_space<vmem>>) dst(%dma_wait3A_505 : memref<100352xf32, #tpu.memory_space<vmem_shared>>)
    %barrier3A_506 = arith.constant 0 : index
    tpu.barrier barrier_id(%barrier3A_506)
    "tpu.region"() ({
      %run_scoped3A = tpu.sem_alloc : memref<!tpu.dma_semaphore, #tpu.memory_space<semaphore_mem>>
      %dma_start3A_536 = tpu.memref_slice %arg24[%mul3A_2] : memref<100352xf32, #tpu.memory_space<vmem_shared>> -> memref<6272xf32, #tpu.memory_space<vmem_shared>>
      %dma_start3A_537 = tpu.memref_slice %arg24[%mul3A_2] : memref<100352xf32, #tpu.memory_space<vmem_shared>> -> memref<6272xf32, #tpu.memory_space<vmem_shared>>
      tpu.enqueue_dma source(%dma_start3A_537 : memref<6272xf32, #tpu.memory_space<vmem_shared>>) target(%arg18 : memref<6272xf32, #tpu.memory_space<vmem>>) target_semaphore(%run_scoped3A : memref<!tpu.dma_semaphore, #tpu.memory_space<semaphore_mem>>)
      %dma_wait3A_538 = tpu.memref_slice %arg24[%mul3A_2] : memref<100352xf32, #tpu.memory_space<vmem_shared>> -> memref<6272xf32, #tpu.memory_space<vmem_shared>>
      %dma_wait3A_539 = tpu.memref_slice %arg24[%mul3A_2] : memref<100352xf32, #tpu.memory_space<vmem_shared>> -> memref<6272xf32, #tpu.memory_space<vmem_shared>>
      tpu.wait_dma2 semaphore(%run_scoped3A : memref<!tpu.dma_semaphore, #tpu.memory_space<semaphore_mem>>) src(%dma_wait3A_539 : memref<6272xf32, #tpu.memory_space<vmem_shared>>) dst(%arg18 : memref<6272xf32, #tpu.memory_space<vmem>>)
      tpu.yield
    }) : () -> ()
    %scan3A_507 = arith.constant 0 : i32
    %scan3A_508 = arith.constant 0 : i32
    %scan3A_509 = arith.constant 392 : i32
    %scan3A_510 = arith.addi %scan3A_508, %scan3A_509 : i32
    %scan3A_511 = arith.constant 1 : i32
    %scan3A_512 = scf.for %scan3A_536 = %scan3A_508 to %scan3A_510 step %scan3A_511 iter_args(%scan3A_537 = %scan3A_507) -> (i32)  : i32 {
      %mul3A_538 = arith.constant 16 : i32
      %mul3A_539 = arith.muli %scan3A_536, %mul3A_538 : i32
      %get3A_540 = arith.index_cast %mul3A_539 : i32 to index
      %get3A_541 = tpu.vector_load %arg18[%get3A_540] {strides = array<i32>} : memref<6272xf32, #tpu.memory_space<vmem>>, vector<16xf32>,
      %max3A = arith.constant 1.000000e+00 : f32
      %max3A_542 = vector.broadcast %max3A : f32 to vector<16xf32>
      %max3A_543 = arith.maximumf %get3A_541, %max3A_542 : vector<16xf32>
      %div3A = arith.constant 1.000000e+00 : f32
      %div3A_544 = vector.broadcast %div3A : f32 to vector<16xf32>
      %div3A_545 = arith.divf %div3A_544, %max3A_543 : vector<16xf32>
      %swap3A = arith.index_cast %mul3A_539 : i32 to index
      %swap3A_546 = tpu.vector_load %arg18[%swap3A] {strides = array<i32>} : memref<6272xf32, #tpu.memory_space<vmem>>, vector<16xf32>,
      tpu.vector_store %arg18[%swap3A], %div3A_545 {strides = array<i32>} : memref<6272xf32, #tpu.memory_space<vmem>>, vector<16xf32>,
      %scan3A_547 = arith.constant 0 : i32
      scf.yield %scan3A_547 : i32
    }
    %scan3A_513 = arith.constant 392 : i32
    "tpu.region"() ({
      %run_scoped3A = tpu.sem_alloc : memref<!tpu.dma_semaphore, #tpu.memory_space<semaphore_mem>>
      %dma_start3A_536 = tpu.memref_slice %arg23[%mul3A_2] : memref<100352xf32, #tpu.memory_space<vmem_shared>> -> memref<6272xf32, #tpu.memory_space<vmem_shared>>
      %dma_start3A_537 = tpu.memref_slice %arg23[%mul3A_2] : memref<100352xf32, #tpu.memory_space<vmem_shared>> -> memref<6272xf32, #tpu.memory_space<vmem_shared>>
      tpu.enqueue_dma source(%dma_start3A_537 : memref<6272xf32, #tpu.memory_space<vmem_shared>>) target(%arg17 : memref<6272xf32, #tpu.memory_space<vmem>>) target_semaphore(%run_scoped3A : memref<!tpu.dma_semaphore, #tpu.memory_space<semaphore_mem>>)
      %dma_wait3A_538 = tpu.memref_slice %arg23[%mul3A_2] : memref<100352xf32, #tpu.memory_space<vmem_shared>> -> memref<6272xf32, #tpu.memory_space<vmem_shared>>
      %dma_wait3A_539 = tpu.memref_slice %arg23[%mul3A_2] : memref<100352xf32, #tpu.memory_space<vmem_shared>> -> memref<6272xf32, #tpu.memory_space<vmem_shared>>
      tpu.wait_dma2 semaphore(%run_scoped3A : memref<!tpu.dma_semaphore, #tpu.memory_space<semaphore_mem>>) src(%dma_wait3A_539 : memref<6272xf32, #tpu.memory_space<vmem_shared>>) dst(%arg17 : memref<6272xf32, #tpu.memory_space<vmem>>)
      tpu.yield
    }) : () -> ()
    "tpu.region"() ({
      %run_scoped3A = tpu.sem_alloc : memref<!tpu.dma_semaphore, #tpu.memory_space<semaphore_mem>>
      %dma_start3A_536 = tpu.memref_slice %arg22[%mul3A_2] : memref<100352xf32, #tpu.memory_space<vmem_shared>> -> memref<6272xf32, #tpu.memory_space<vmem_shared>>
      %dma_start3A_537 = tpu.memref_slice %arg22[%mul3A_2] : memref<100352xf32, #tpu.memory_space<vmem_shared>> -> memref<6272xf32, #tpu.memory_space<vmem_shared>>
      tpu.enqueue_dma source(%dma_start3A_537 : memref<6272xf32, #tpu.memory_space<vmem_shared>>) target(%arg19 : memref<6272xf32, #tpu.memory_space<vmem>>) target_semaphore(%run_scoped3A : memref<!tpu.dma_semaphore, #tpu.memory_space<semaphore_mem>>)
      %dma_wait3A_538 = tpu.memref_slice %arg22[%mul3A_2] : memref<100352xf32, #tpu.memory_space<vmem_shared>> -> memref<6272xf32, #tpu.memory_space<vmem_shared>>
      %dma_wait3A_539 = tpu.memref_slice %arg22[%mul3A_2] : memref<100352xf32, #tpu.memory_space<vmem_shared>> -> memref<6272xf32, #tpu.memory_space<vmem_shared>>
      tpu.wait_dma2 semaphore(%run_scoped3A : memref<!tpu.dma_semaphore, #tpu.memory_space<semaphore_mem>>) src(%dma_wait3A_539 : memref<6272xf32, #tpu.memory_space<vmem_shared>>) dst(%arg19 : memref<6272xf32, #tpu.memory_space<vmem>>)
      tpu.yield
    }) : () -> ()
    %scan3A_514 = arith.constant 0 : i32
    %scan3A_515 = arith.constant 0 : i32
    %scan3A_516 = arith.constant 392 : i32
    %scan3A_517 = arith.addi %scan3A_515, %scan3A_516 : i32
    %scan3A_518 = arith.constant 1 : i32
    %scan3A_519 = scf.for %scan3A_536 = %scan3A_515 to %scan3A_517 step %scan3A_518 iter_args(%scan3A_537 = %scan3A_514) -> (i32)  : i32 {
      %mul3A_538 = arith.constant 16 : i32
      %mul3A_539 = arith.muli %scan3A_536, %mul3A_538 : i32
      %get3A_540 = arith.index_cast %mul3A_539 : i32 to index
      %get3A_541 = tpu.vector_load %arg17[%get3A_540] {strides = array<i32>} : memref<6272xf32, #tpu.memory_space<vmem>>, vector<16xf32>,
      %get3A_542 = arith.index_cast %mul3A_539 : i32 to index
      %get3A_543 = tpu.vector_load %arg18[%get3A_542] {strides = array<i32>} : memref<6272xf32, #tpu.memory_space<vmem>>, vector<16xf32>,
      %mul3A_544 = arith.mulf %get3A_541, %get3A_543 : vector<16xf32>
      %get3A_545 = arith.index_cast %mul3A_539 : i32 to index
      %get3A_546 = tpu.vector_load %arg19[%get3A_545] {strides = array<i32>} : memref<6272xf32, #tpu.memory_space<vmem>>, vector<16xf32>,
      %mul3A_547 = arith.mulf %get3A_546, %get3A_3 : vector<16xf32>
      %add3A_548 = arith.addf %mul3A_544, %mul3A_547 : vector<16xf32>
      %add3A_549 = arith.addf %add3A_548, %get3A_5 : vector<16xf32>
      %max3A = arith.constant 0.000000e+00 : f32
      %max3A_550 = vector.broadcast %max3A : f32 to vector<16xf32>
      %max3A_551 = arith.maximumf %add3A_549, %max3A_550 : vector<16xf32>
      %swap3A = arith.index_cast %mul3A_539 : i32 to index
      %swap3A_552 = tpu.vector_load %arg17[%swap3A] {strides = array<i32>} : memref<6272xf32, #tpu.memory_space<vmem>>, vector<16xf32>,
      tpu.vector_store %arg17[%swap3A], %max3A_551 {strides = array<i32>} : memref<6272xf32, #tpu.memory_space<vmem>>, vector<16xf32>,
      %scan3A_553 = arith.constant 0 : i32
      scf.yield %scan3A_553 : i32
    }
    %scan3A_520 = arith.constant 392 : i32
    %scan3A_521 = arith.constant 0 : i32
    %scan3A_522 = arith.constant 0 : i32
    %scan3A_523 = arith.constant 392 : i32
    %scan3A_524 = arith.addi %scan3A_522, %scan3A_523 : i32
    %scan3A_525 = arith.constant 1 : i32
    %scan3A_526 = scf.for %scan3A_536 = %scan3A_522 to %scan3A_524 step %scan3A_525 iter_args(%scan3A_537 = %scan3A_521) -> (i32)  : i32 {
      %broadcast_in_dim3A = arith.constant 0.000000e+00 : f32
      %broadcast_in_dim3A_538 = vector.broadcast %broadcast_in_dim3A : f32 to vector<16xf32>
      %mul3A_539 = arith.constant 16 : i32
      %mul3A_540 = arith.muli %scan3A_536, %mul3A_539 : i32
      %swap3A = arith.index_cast %mul3A_540 : i32 to index
      %swap3A_541 = tpu.vector_load %arg19[%swap3A] {strides = array<i32>} : memref<6272xf32, #tpu.memory_space<vmem>>, vector<16xf32>,
      tpu.vector_store %arg19[%swap3A], %broadcast_in_dim3A_538 {strides = array<i32>} : memref<6272xf32, #tpu.memory_space<vmem>>, vector<16xf32>,
      %scan3A_542 = arith.constant 0 : i32
      scf.yield %scan3A_542 : i32
    }
    %scan3A_527 = arith.constant 392 : i32
    "tpu.region"() ({
      %run_scoped3A = tpu.sem_alloc : memref<!tpu.dma_semaphore, #tpu.memory_space<semaphore_mem>>
      %dma_start3A_536 = tpu.memref_slice %arg23[%mul3A_2] : memref<100352xf32, #tpu.memory_space<vmem_shared>> -> memref<6272xf32, #tpu.memory_space<vmem_shared>>
      %dma_start3A_537 = tpu.memref_slice %arg23[%mul3A_2] : memref<100352xf32, #tpu.memory_space<vmem_shared>> -> memref<6272xf32, #tpu.memory_space<vmem_shared>>
      tpu.enqueue_dma source(%arg19 : memref<6272xf32, #tpu.memory_space<vmem>>) target(%dma_start3A_537 : memref<6272xf32, #tpu.memory_space<vmem_shared>>) target_semaphore(%run_scoped3A : memref<!tpu.dma_semaphore, #tpu.memory_space<semaphore_mem>>)
      %dma_wait3A_538 = tpu.memref_slice %arg23[%mul3A_2] : memref<100352xf32, #tpu.memory_space<vmem_shared>> -> memref<6272xf32, #tpu.memory_space<vmem_shared>>
      %dma_wait3A_539 = tpu.memref_slice %arg23[%mul3A_2] : memref<100352xf32, #tpu.memory_space<vmem_shared>> -> memref<6272xf32, #tpu.memory_space<vmem_shared>>
      tpu.wait_dma2 semaphore(%run_scoped3A : memref<!tpu.dma_semaphore, #tpu.memory_space<semaphore_mem>>) src(%arg19 : memref<6272xf32, #tpu.memory_space<vmem>>) dst(%dma_wait3A_539 : memref<6272xf32, #tpu.memory_space<vmem_shared>>)
      tpu.yield
    }) : () -> ()
    "tpu.region"() ({
      %run_scoped3A = tpu.sem_alloc : memref<!tpu.dma_semaphore, #tpu.memory_space<semaphore_mem>>
      %dma_start3A_536 = tpu.memref_slice %arg22[%mul3A_2] : memref<100352xf32, #tpu.memory_space<vmem_shared>> -> memref<6272xf32, #tpu.memory_space<vmem_shared>>
      %dma_start3A_537 = tpu.memref_slice %arg22[%mul3A_2] : memref<100352xf32, #tpu.memory_space<vmem_shared>> -> memref<6272xf32, #tpu.memory_space<vmem_shared>>
      tpu.enqueue_dma source(%arg17 : memref<6272xf32, #tpu.memory_space<vmem>>) target(%dma_start3A_537 : memref<6272xf32, #tpu.memory_space<vmem_shared>>) target_semaphore(%run_scoped3A : memref<!tpu.dma_semaphore, #tpu.memory_space<semaphore_mem>>)
      %dma_wait3A_538 = tpu.memref_slice %arg22[%mul3A_2] : memref<100352xf32, #tpu.memory_space<vmem_shared>> -> memref<6272xf32, #tpu.memory_space<vmem_shared>>
      %dma_wait3A_539 = tpu.memref_slice %arg22[%mul3A_2] : memref<100352xf32, #tpu.memory_space<vmem_shared>> -> memref<6272xf32, #tpu.memory_space<vmem_shared>>
      tpu.wait_dma2 semaphore(%run_scoped3A : memref<!tpu.dma_semaphore, #tpu.memory_space<semaphore_mem>>) src(%arg17 : memref<6272xf32, #tpu.memory_space<vmem>>) dst(%dma_wait3A_539 : memref<6272xf32, #tpu.memory_space<vmem_shared>>)
      tpu.yield
    }) : () -> ()
    "tpu.region"() ({
      %run_scoped3A = tpu.sem_alloc : memref<!tpu.dma_semaphore, #tpu.memory_space<semaphore_mem>>
      %dma_start3A_536 = tpu.memref_slice %arg7[%mul3A_2] : memref<100352xf32, #tpu.memory_space<hbm>> -> memref<6272xf32, #tpu.memory_space<hbm>>
      %dma_start3A_537 = tpu.memref_slice %arg7[%mul3A_2] : memref<100352xf32, #tpu.memory_space<hbm>> -> memref<6272xf32, #tpu.memory_space<hbm>>
      tpu.enqueue_dma source(%arg17 : memref<6272xf32, #tpu.memory_space<vmem>>) target(%dma_start3A_537 : memref<6272xf32, #tpu.memory_space<hbm>>) target_semaphore(%run_scoped3A : memref<!tpu.dma_semaphore, #tpu.memory_space<semaphore_mem>>)
      %dma_wait3A_538 = tpu.memref_slice %arg7[%mul3A_2] : memref<100352xf32, #tpu.memory_space<hbm>> -> memref<6272xf32, #tpu.memory_space<hbm>>
      %dma_wait3A_539 = tpu.memref_slice %arg7[%mul3A_2] : memref<100352xf32, #tpu.memory_space<hbm>> -> memref<6272xf32, #tpu.memory_space<hbm>>
      tpu.wait_dma2 semaphore(%run_scoped3A : memref<!tpu.dma_semaphore, #tpu.memory_space<semaphore_mem>>) src(%arg17 : memref<6272xf32, #tpu.memory_space<vmem>>) dst(%dma_wait3A_539 : memref<6272xf32, #tpu.memory_space<hbm>>)
      tpu.yield
    }) : () -> ()
    %barrier3A_528 = arith.constant 0 : index
    tpu.barrier barrier_id(%barrier3A_528)
    %scan3A_529 = arith.constant 0 : i32
    %scan3A_530 = arith.constant 1 : i32
    %scan3A_531 = arith.constant 3 : i32
    %scan3A_532 = arith.addi %scan3A_530, %scan3A_531 : i32
    %scan3A_533 = arith.constant 1 : i32
    %scan3A_534 = scf.for %scan3A_536 = %scan3A_530 to %scan3A_532 step %scan3A_533 iter_args(%scan3A_537 = %scan3A_529) -> (i32)  : i32 {
      %add3A_538 = arith.constant 0 : i32
      %add3A_539 = arith.addi %mul3A_0, %add3A_538 : i32
      %dma_start3A_540 = arith.constant 0 : i32
      %dma_start3A_541 = tpu.memref_slice %arg2[%dma_start3A_540, %add3A_539] : memref<2x1600000xi32, #tpu.memory_space<hbm>> -> memref<1x10000xi32, #tpu.memory_space<hbm>>
      %dma_start3A_542 = tpu.memref_squeeze %dma_start3A_541 : memref<1x10000xi32, #tpu.memory_space<hbm>> -> memref<10000xi32, #tpu.memory_space<hbm>>
      %dma_start3A_543 = tpu.memref_slice %arg2[%dma_start3A_540, %add3A_539] : memref<2x1600000xi32, #tpu.memory_space<hbm>> -> memref<1x10000xi32, #tpu.memory_space<hbm>>
      %dma_start3A_544 = tpu.memref_squeeze %dma_start3A_543 : memref<1x10000xi32, #tpu.memory_space<hbm>> -> memref<10000xi32, #tpu.memory_space<hbm>>
      tpu.enqueue_dma source(%dma_start3A_544 : memref<10000xi32, #tpu.memory_space<hbm>>) target(%arg8 : memref<10000xi32, #tpu.memory_space<vmem>>) target_semaphore(%arg25 : memref<!tpu.dma_semaphore, #tpu.memory_space<semaphore_mem>>)
      %add3A_545 = arith.constant 0 : i32
      %add3A_546 = arith.addi %mul3A_0, %add3A_545 : i32
      %dma_start3A_547 = tpu.memref_slice %arg3[%add3A_546] : memref<1600000xf32, #tpu.memory_space<hbm>> -> memref<10000xf32, #tpu.memory_space<hbm>>
      %dma_start3A_548 = tpu.memref_slice %arg3[%add3A_546] : memref<1600000xf32, #tpu.memory_space<hbm>> -> memref<10000xf32, #tpu.memory_space<hbm>>
      tpu.enqueue_dma source(%dma_start3A_548 : memref<10000xf32, #tpu.memory_space<hbm>>) target(%arg12 : memref<10000xf32, #tpu.memory_space<vmem>>) target_semaphore(%arg29 : memref<!tpu.dma_semaphore, #tpu.memory_space<semaphore_mem>>)
      %add3A_549 = arith.constant 0 : i32
      %add3A_550 = arith.addi %mul3A_0, %add3A_549 : i32
      %dma_start3A_551 = arith.constant 1 : i32
      %dma_start3A_552 = tpu.memref_slice %arg2[%dma_start3A_551, %add3A_550] : memref<2x1600000xi32, #tpu.memory_space<hbm>> -> memref<1x10000xi32, #tpu.memory_space<hbm>>
      %dma_start3A_553 = tpu.memref_squeeze %dma_start3A_552 : memref<1x10000xi32, #tpu.memory_space<hbm>> -> memref<10000xi32, #tpu.memory_space<hbm>>
      %dma_start3A_554 = tpu.memref_slice %arg2[%dma_start3A_551, %add3A_550] : memref<2x1600000xi32, #tpu.memory_space<hbm>> -> memref<1x10000xi32, #tpu.memory_space<hbm>>
      %dma_start3A_555 = tpu.memref_squeeze %dma_start3A_554 : memref<1x10000xi32, #tpu.memory_space<hbm>> -> memref<10000xi32, #tpu.memory_space<hbm>>
      tpu.enqueue_dma source(%dma_start3A_555 : memref<10000xi32, #tpu.memory_space<hbm>>) target(%arg10 : memref<10000xi32, #tpu.memory_space<vmem>>) target_semaphore(%arg27 : memref<!tpu.dma_semaphore, #tpu.memory_space<semaphore_mem>>)
      %dma_wait3A_556 = arith.constant 0 : i32
      %dma_wait3A_557 = tpu.memref_slice %arg2[%dma_wait3A_556, %add3A_539] : memref<2x1600000xi32, #tpu.memory_space<hbm>> -> memref<1x10000xi32, #tpu.memory_space<hbm>>
      %dma_wait3A_558 = tpu.memref_squeeze %dma_wait3A_557 : memref<1x10000xi32, #tpu.memory_space<hbm>> -> memref<10000xi32, #tpu.memory_space<hbm>>
      %dma_wait3A_559 = tpu.memref_slice %arg2[%dma_wait3A_556, %add3A_539] : memref<2x1600000xi32, #tpu.memory_space<hbm>> -> memref<1x10000xi32, #tpu.memory_space<hbm>>
      %dma_wait3A_560 = tpu.memref_squeeze %dma_wait3A_559 : memref<1x10000xi32, #tpu.memory_space<hbm>> -> memref<10000xi32, #tpu.memory_space<hbm>>
      tpu.wait_dma2 semaphore(%arg25 : memref<!tpu.dma_semaphore, #tpu.memory_space<semaphore_mem>>) src(%dma_wait3A_560 : memref<10000xi32, #tpu.memory_space<hbm>>) dst(%arg8 : memref<10000xi32, #tpu.memory_space<vmem>>)
      %dma_start3A_561 = arith.constant 0 : i32
      %dma_start3A_562 = tpu.memref_slice %arg22[%dma_start3A_561] : memref<100352xf32, #tpu.memory_space<vmem_shared>> -> memref<100352xf32, #tpu.memory_space<vmem_shared>>
      tpu.enqueue_indirect_dma source(%dma_start3A_562 : memref<100352xf32, #tpu.memory_space<vmem_shared>>) target(%arg14 : memref<10000xf32, #tpu.memory_space<vmem>>) offsets(%arg8 : memref<10000xi32, #tpu.memory_space<vmem>>) semaphore(%arg31 : memref<!tpu.dma_semaphore, #tpu.memory_space<semaphore_mem>>)
      %add3A_563 = arith.constant 10000 : i32
      %add3A_564 = arith.addi %mul3A_0, %add3A_563 : i32
      %dma_start3A_565 = arith.constant 0 : i32
      %dma_start3A_566 = tpu.memref_slice %arg2[%dma_start3A_565, %add3A_564] : memref<2x1600000xi32, #tpu.memory_space<hbm>> -> memref<1x10000xi32, #tpu.memory_space<hbm>>
      %dma_start3A_567 = tpu.memref_squeeze %dma_start3A_566 : memref<1x10000xi32, #tpu.memory_space<hbm>> -> memref<10000xi32, #tpu.memory_space<hbm>>
      %dma_start3A_568 = tpu.memref_slice %arg2[%dma_start3A_565, %add3A_564] : memref<2x1600000xi32, #tpu.memory_space<hbm>> -> memref<1x10000xi32, #tpu.memory_space<hbm>>
      %dma_start3A_569 = tpu.memref_squeeze %dma_start3A_568 : memref<1x10000xi32, #tpu.memory_space<hbm>> -> memref<10000xi32, #tpu.memory_space<hbm>>
      tpu.enqueue_dma source(%dma_start3A_569 : memref<10000xi32, #tpu.memory_space<hbm>>) target(%arg9 : memref<10000xi32, #tpu.memory_space<vmem>>) target_semaphore(%arg26 : memref<!tpu.dma_semaphore, #tpu.memory_space<semaphore_mem>>)
      %add3A_570 = arith.constant 10000 : i32
      %add3A_571 = arith.addi %mul3A_0, %add3A_570 : i32
      %dma_start3A_572 = tpu.memref_slice %arg3[%add3A_571] : memref<1600000xf32, #tpu.memory_space<hbm>> -> memref<10000xf32, #tpu.memory_space<hbm>>
      %dma_start3A_573 = tpu.memref_slice %arg3[%add3A_571] : memref<1600000xf32, #tpu.memory_space<hbm>> -> memref<10000xf32, #tpu.memory_space<hbm>>
      tpu.enqueue_dma source(%dma_start3A_573 : memref<10000xf32, #tpu.memory_space<hbm>>) target(%arg13 : memref<10000xf32, #tpu.memory_space<vmem>>) target_semaphore(%arg30 : memref<!tpu.dma_semaphore, #tpu.memory_space<semaphore_mem>>)
      %add3A_574 = arith.constant 10000 : i32
      %add3A_575 = arith.addi %mul3A_0, %add3A_574 : i32
      %dma_start3A_576 = arith.constant 1 : i32
      %dma_start3A_577 = tpu.memref_slice %arg2[%dma_start3A_576, %add3A_575] : memref<2x1600000xi32, #tpu.memory_space<hbm>> -> memref<1x10000xi32, #tpu.memory_space<hbm>>
      %dma_start3A_578 = tpu.memref_squeeze %dma_start3A_577 : memref<1x10000xi32, #tpu.memory_space<hbm>> -> memref<10000xi32, #tpu.memory_space<hbm>>
      %dma_start3A_579 = tpu.memref_slice %arg2[%dma_start3A_576, %add3A_575] : memref<2x1600000xi32, #tpu.memory_space<hbm>> -> memref<1x10000xi32, #tpu.memory_space<hbm>>
      %dma_start3A_580 = tpu.memref_squeeze %dma_start3A_579 : memref<1x10000xi32, #tpu.memory_space<hbm>> -> memref<10000xi32, #tpu.memory_space<hbm>>
      tpu.enqueue_dma source(%dma_start3A_580 : memref<10000xi32, #tpu.memory_space<hbm>>) target(%arg11 : memref<10000xi32, #tpu.memory_space<vmem>>) target_semaphore(%arg28 : memref<!tpu.dma_semaphore, #tpu.memory_space<semaphore_mem>>)
      %dma_wait3A_581 = arith.constant 0 : i32
      %dma_wait3A_582 = tpu.memref_slice %arg22[%dma_wait3A_581] : memref<100352xf32, #tpu.memory_space<vmem_shared>> -> memref<100352xf32, #tpu.memory_space<vmem_shared>>
      tpu.wait_indirect_dma semaphore(%arg31 : memref<!tpu.dma_semaphore, #tpu.memory_space<semaphore_mem>>) src(%dma_wait3A_582 : memref<100352xf32, #tpu.memory_space<vmem_shared>>) dst(%arg14 : memref<10000xf32, #tpu.memory_space<vmem>>)
      %dma_wait3A_583 = tpu.memref_slice %arg3[%add3A_546] : memref<1600000xf32, #tpu.memory_space<hbm>> -> memref<10000xf32, #tpu.memory_space<hbm>>
      %dma_wait3A_584 = tpu.memref_slice %arg3[%add3A_546] : memref<1600000xf32, #tpu.memory_space<hbm>> -> memref<10000xf32, #tpu.memory_space<hbm>>
      tpu.wait_dma2 semaphore(%arg29 : memref<!tpu.dma_semaphore, #tpu.memory_space<semaphore_mem>>) src(%dma_wait3A_584 : memref<10000xf32, #tpu.memory_space<hbm>>) dst(%arg12 : memref<10000xf32, #tpu.memory_space<vmem>>)
      %scan3A_585 = arith.constant 0 : i32
      %scan3A_586 = arith.constant 0 : i32
      %scan3A_587 = arith.constant 625 : i32
      %scan3A_588 = arith.addi %scan3A_586, %scan3A_587 : i32
      %scan3A_589 = arith.constant 1 : i32
      %scan3A_590 = scf.for %scan3A_1005 = %scan3A_586 to %scan3A_588 step %scan3A_589 iter_args(%scan3A_1006 = %scan3A_585) -> (i32)  : i32 {
        %mul3A_1007 = arith.constant 16 : i32
        %mul3A_1008 = arith.muli %scan3A_1005, %mul3A_1007 : i32
        %get3A_1009 = arith.index_cast %mul3A_1008 : i32 to index
        %get3A_1010 = tpu.vector_load %arg14[%get3A_1009] {strides = array<i32>} : memref<10000xf32, #tpu.memory_space<vmem>>, vector<16xf32>,
        %get3A_1011 = arith.index_cast %mul3A_1008 : i32 to index
        %get3A_1012 = tpu.vector_load %arg12[%get3A_1011] {strides = array<i32>} : memref<10000xf32, #tpu.memory_space<vmem>>, vector<16xf32>,
        %mul3A_1013 = arith.mulf %get3A_1010, %get3A_1012 : vector<16xf32>
        %swap3A = arith.index_cast %mul3A_1008 : i32 to index
        %swap3A_1014 = tpu.vector_load %arg14[%swap3A] {strides = array<i32>} : memref<10000xf32, #tpu.memory_space<vmem>>, vector<16xf32>,
        tpu.vector_store %arg14[%swap3A], %mul3A_1013 {strides = array<i32>} : memref<10000xf32, #tpu.memory_space<vmem>>, vector<16xf32>,
        %scan3A_1015 = arith.constant 0 : i32
        scf.yield %scan3A_1015 : i32
      }
      %scan3A_591 = arith.constant 625 : i32
      %dma_wait3A_592 = arith.constant 1 : i32
      %dma_wait3A_593 = tpu.memref_slice %arg2[%dma_wait3A_592, %add3A_550] : memref<2x1600000xi32, #tpu.memory_space<hbm>> -> memref<1x10000xi32, #tpu.memory_space<hbm>>
      %dma_wait3A_594 = tpu.memref_squeeze %dma_wait3A_593 : memref<1x10000xi32, #tpu.memory_space<hbm>> -> memref<10000xi32, #tpu.memory_space<hbm>>
      %dma_wait3A_595 = tpu.memref_slice %arg2[%dma_wait3A_592, %add3A_550] : memref<2x1600000xi32, #tpu.memory_space<hbm>> -> memref<1x10000xi32, #tpu.memory_space<hbm>>
      %dma_wait3A_596 = tpu.memref_squeeze %dma_wait3A_595 : memref<1x10000xi32, #tpu.memory_space<hbm>> -> memref<10000xi32, #tpu.memory_space<hbm>>
      tpu.wait_dma2 semaphore(%arg27 : memref<!tpu.dma_semaphore, #tpu.memory_space<semaphore_mem>>) src(%dma_wait3A_596 : memref<10000xi32, #tpu.memory_space<hbm>>) dst(%arg10 : memref<10000xi32, #tpu.memory_space<vmem>>)
      %dma_start3A_597 = arith.constant 0 : i32
      %dma_start3A_598 = tpu.memref_slice %arg23[%dma_start3A_597] : memref<100352xf32, #tpu.memory_space<vmem_shared>> -> memref<100352xf32, #tpu.memory_space<vmem_shared>>
      tpu.enqueue_indirect_dma source(%arg14 : memref<10000xf32, #tpu.memory_space<vmem>>) target(%dma_start3A_598 : memref<100352xf32, #tpu.memory_space<vmem_shared>>) offsets(%arg10 : memref<10000xi32, #tpu.memory_space<vmem>>) semaphore(%arg33 : memref<!tpu.dma_semaphore, #tpu.memory_space<semaphore_mem>>) {add = true}
      %dma_wait3A_599 = arith.constant 0 : i32
      %dma_wait3A_600 = tpu.memref_slice %arg2[%dma_wait3A_599, %add3A_564] : memref<2x1600000xi32, #tpu.memory_space<hbm>> -> memref<1x10000xi32, #tpu.memory_space<hbm>>
      %dma_wait3A_601 = tpu.memref_squeeze %dma_wait3A_600 : memref<1x10000xi32, #tpu.memory_space<hbm>> -> memref<10000xi32, #tpu.memory_space<hbm>>
      %dma_wait3A_602 = tpu.memref_slice %arg2[%dma_wait3A_599, %add3A_564] : memref<2x1600000xi32, #tpu.memory_space<hbm>> -> memref<1x10000xi32, #tpu.memory_space<hbm>>
      %dma_wait3A_603 = tpu.memref_squeeze %dma_wait3A_602 : memref<1x10000xi32, #tpu.memory_space<hbm>> -> memref<10000xi32, #tpu.memory_space<hbm>>
      tpu.wait_dma2 semaphore(%arg26 : memref<!tpu.dma_semaphore, #tpu.memory_space<semaphore_mem>>) src(%dma_wait3A_603 : memref<10000xi32, #tpu.memory_space<hbm>>) dst(%arg9 : memref<10000xi32, #tpu.memory_space<vmem>>)
      %dma_start3A_604 = arith.constant 0 : i32
      %dma_start3A_605 = tpu.memref_slice %arg22[%dma_start3A_604] : memref<100352xf32, #tpu.memory_space<vmem_shared>> -> memref<100352xf32, #tpu.memory_space<vmem_shared>>
      tpu.enqueue_indirect_dma source(%dma_start3A_605 : memref<100352xf32, #tpu.memory_space<vmem_shared>>) target(%arg15 : memref<10000xf32, #tpu.memory_space<vmem>>) offsets(%arg9 : memref<10000xi32, #tpu.memory_space<vmem>>) semaphore(%arg32 : memref<!tpu.dma_semaphore, #tpu.memory_space<semaphore_mem>>)
      %dma_wait3A_606 = arith.constant 0 : i32
      %dma_wait3A_607 = tpu.memref_slice %arg23[%dma_wait3A_606] : memref<100352xf32, #tpu.memory_space<vmem_shared>> -> memref<100352xf32, #tpu.memory_space<vmem_shared>>
      tpu.wait_indirect_dma semaphore(%arg33 : memref<!tpu.dma_semaphore, #tpu.memory_space<semaphore_mem>>) src(%arg14 : memref<10000xf32, #tpu.memory_space<vmem>>) dst(%dma_wait3A_607 : memref<100352xf32, #tpu.memory_space<vmem_shared>>)
      %add3A_608 = arith.constant 20000 : i32
      %add3A_609 = arith.addi %mul3A_0, %add3A_608 : i32
      %dma_start3A_610 = arith.constant 0 : i32
      %dma_start3A_611 = tpu.memref_slice %arg2[%dma_start3A_610, %add3A_609] : memref<2x1600000xi32, #tpu.memory_space<hbm>> -> memref<1x10000xi32, #tpu.memory_space<hbm>>
      %dma_start3A_612 = tpu.memref_squeeze %dma_start3A_611 : memref<1x10000xi32, #tpu.memory_space<hbm>> -> memref<10000xi32, #tpu.memory_space<hbm>>
      %dma_start3A_613 = tpu.memref_slice %arg2[%dma_start3A_610, %add3A_609] : memref<2x1600000xi32, #tpu.memory_space<hbm>> -> memref<1x10000xi32, #tpu.memory_space<hbm>>
      %dma_start3A_614 = tpu.memref_squeeze %dma_start3A_613 : memref<1x10000xi32, #tpu.memory_space<hbm>> -> memref<10000xi32, #tpu.memory_space<hbm>>
      tpu.enqueue_dma source(%dma_start3A_614 : memref<10000xi32, #tpu.memory_space<hbm>>) target(%arg8 : memref<10000xi32, #tpu.memory_space<vmem>>) target_semaphore(%arg25 : memref<!tpu.dma_semaphore, #tpu.memory_space<semaphore_mem>>)
      %add3A_615 = arith.constant 20000 : i32
      %add3A_616 = arith.addi %mul3A_0, %add3A_615 : i32
      %dma_start3A_617 = tpu.memref_slice %arg3[%add3A_616] : memref<1600000xf32, #tpu.memory_space<hbm>> -> memref<10000xf32, #tpu.memory_space<hbm>>
      %dma_start3A_618 = tpu.memref_slice %arg3[%add3A_616] : memref<1600000xf32, #tpu.memory_space<hbm>> -> memref<10000xf32, #tpu.memory_space<hbm>>
      tpu.enqueue_dma source(%dma_start3A_618 : memref<10000xf32, #tpu.memory_space<hbm>>) target(%arg12 : memref<10000xf32, #tpu.memory_space<vmem>>) target_semaphore(%arg29 : memref<!tpu.dma_semaphore, #tpu.memory_space<semaphore_mem>>)
      %add3A_619 = arith.constant 20000 : i32
      %add3A_620 = arith.addi %mul3A_0, %add3A_619 : i32
      %dma_start3A_621 = arith.constant 1 : i32
      %dma_start3A_622 = tpu.memref_slice %arg2[%dma_start3A_621, %add3A_620] : memref<2x1600000xi32, #tpu.memory_space<hbm>> -> memref<1x10000xi32, #tpu.memory_space<hbm>>
      %dma_start3A_623 = tpu.memref_squeeze %dma_start3A_622 : memref<1x10000xi32, #tpu.memory_space<hbm>> -> memref<10000xi32, #tpu.memory_space<hbm>>
      %dma_start3A_624 = tpu.memref_slice %arg2[%dma_start3A_621, %add3A_620] : memref<2x1600000xi32, #tpu.memory_space<hbm>> -> memref<1x10000xi32, #tpu.memory_space<hbm>>
      %dma_start3A_625 = tpu.memref_squeeze %dma_start3A_624 : memref<1x10000xi32, #tpu.memory_space<hbm>> -> memref<10000xi32, #tpu.memory_space<hbm>>
      tpu.enqueue_dma source(%dma_start3A_625 : memref<10000xi32, #tpu.memory_space<hbm>>) target(%arg10 : memref<10000xi32, #tpu.memory_space<vmem>>) target_semaphore(%arg27 : memref<!tpu.dma_semaphore, #tpu.memory_space<semaphore_mem>>)
      %dma_wait3A_626 = arith.constant 0 : i32
      %dma_wait3A_627 = tpu.memref_slice %arg22[%dma_wait3A_626] : memref<100352xf32, #tpu.memory_space<vmem_shared>> -> memref<100352xf32, #tpu.memory_space<vmem_shared>>
      tpu.wait_indirect_dma semaphore(%arg32 : memref<!tpu.dma_semaphore, #tpu.memory_space<semaphore_mem>>) src(%dma_wait3A_627 : memref<100352xf32, #tpu.memory_space<vmem_shared>>) dst(%arg15 : memref<10000xf32, #tpu.memory_space<vmem>>)
      %dma_wait3A_628 = tpu.memref_slice %arg3[%add3A_571] : memref<1600000xf32, #tpu.memory_space<hbm>> -> memref<10000xf32, #tpu.memory_space<hbm>>
      %dma_wait3A_629 = tpu.memref_slice %arg3[%add3A_571] : memref<1600000xf32, #tpu.memory_space<hbm>> -> memref<10000xf32, #tpu.memory_space<hbm>>
      tpu.wait_dma2 semaphore(%arg30 : memref<!tpu.dma_semaphore, #tpu.memory_space<semaphore_mem>>) src(%dma_wait3A_629 : memref<10000xf32, #tpu.memory_space<hbm>>) dst(%arg13 : memref<10000xf32, #tpu.memory_space<vmem>>)
      %scan3A_630 = arith.constant 0 : i32
      %scan3A_631 = arith.constant 0 : i32
      %scan3A_632 = arith.constant 625 : i32
      %scan3A_633 = arith.addi %scan3A_631, %scan3A_632 : i32
      %scan3A_634 = arith.constant 1 : i32
      %scan3A_635 = scf.for %scan3A_1005 = %scan3A_631 to %scan3A_633 step %scan3A_634 iter_args(%scan3A_1006 = %scan3A_630) -> (i32)  : i32 {
        %mul3A_1007 = arith.constant 16 : i32
        %mul3A_1008 = arith.muli %scan3A_1005, %mul3A_1007 : i32
        %get3A_1009 = arith.index_cast %mul3A_1008 : i32 to index
        %get3A_1010 = tpu.vector_load %arg15[%get3A_1009] {strides = array<i32>} : memref<10000xf32, #tpu.memory_space<vmem>>, vector<16xf32>,
        %get3A_1011 = arith.index_cast %mul3A_1008 : i32 to index
        %get3A_1012 = tpu.vector_load %arg13[%get3A_1011] {strides = array<i32>} : memref<10000xf32, #tpu.memory_space<vmem>>, vector<16xf32>,
        %mul3A_1013 = arith.mulf %get3A_1010, %get3A_1012 : vector<16xf32>
        %swap3A = arith.index_cast %mul3A_1008 : i32 to index
        %swap3A_1014 = tpu.vector_load %arg15[%swap3A] {strides = array<i32>} : memref<10000xf32, #tpu.memory_space<vmem>>, vector<16xf32>,
        tpu.vector_store %arg15[%swap3A], %mul3A_1013 {strides = array<i32>} : memref<10000xf32, #tpu.memory_space<vmem>>, vector<16xf32>,
        %scan3A_1015 = arith.constant 0 : i32
        scf.yield %scan3A_1015 : i32
      }
      %scan3A_636 = arith.constant 625 : i32
      %dma_wait3A_637 = arith.constant 1 : i32
      %dma_wait3A_638 = tpu.memref_slice %arg2[%dma_wait3A_637, %add3A_575] : memref<2x1600000xi32, #tpu.memory_space<hbm>> -> memref<1x10000xi32, #tpu.memory_space<hbm>>
      %dma_wait3A_639 = tpu.memref_squeeze %dma_wait3A_638 : memref<1x10000xi32, #tpu.memory_space<hbm>> -> memref<10000xi32, #tpu.memory_space<hbm>>
      %dma_wait3A_640 = tpu.memref_slice %arg2[%dma_wait3A_637, %add3A_575] : memref<2x1600000xi32, #tpu.memory_space<hbm>> -> memref<1x10000xi32, #tpu.memory_space<hbm>>
      %dma_wait3A_641 = tpu.memref_squeeze %dma_wait3A_640 : memref<1x10000xi32, #tpu.memory_space<hbm>> -> memref<10000xi32, #tpu.memory_space<hbm>>
      tpu.wait_dma2 semaphore(%arg28 : memref<!tpu.dma_semaphore, #tpu.memory_space<semaphore_mem>>) src(%dma_wait3A_641 : memref<10000xi32, #tpu.memory_space<hbm>>) dst(%arg11 : memref<10000xi32, #tpu.memory_space<vmem>>)
      %dma_start3A_642 = arith.constant 0 : i32
      %dma_start3A_643 = tpu.memref_slice %arg23[%dma_start3A_642] : memref<100352xf32, #tpu.memory_space<vmem_shared>> -> memref<100352xf32, #tpu.memory_space<vmem_shared>>
      tpu.enqueue_indirect_dma source(%arg15 : memref<10000xf32, #tpu.memory_space<vmem>>) target(%dma_start3A_643 : memref<100352xf32, #tpu.memory_space<vmem_shared>>) offsets(%arg11 : memref<10000xi32, #tpu.memory_space<vmem>>) semaphore(%arg34 : memref<!tpu.dma_semaphore, #tpu.memory_space<semaphore_mem>>) {add = true}
      %dma_wait3A_644 = arith.constant 0 : i32
      %dma_wait3A_645 = tpu.memref_slice %arg2[%dma_wait3A_644, %add3A_609] : memref<2x1600000xi32, #tpu.memory_space<hbm>> -> memref<1x10000xi32, #tpu.memory_space<hbm>>
      %dma_wait3A_646 = tpu.memref_squeeze %dma_wait3A_645 : memref<1x10000xi32, #tpu.memory_space<hbm>> -> memref<10000xi32, #tpu.memory_space<hbm>>
      %dma_wait3A_647 = tpu.memref_slice %arg2[%dma_wait3A_644, %add3A_609] : memref<2x1600000xi32, #tpu.memory_space<hbm>> -> memref<1x10000xi32, #tpu.memory_space<hbm>>
      %dma_wait3A_648 = tpu.memref_squeeze %dma_wait3A_647 : memref<1x10000xi32, #tpu.memory_space<hbm>> -> memref<10000xi32, #tpu.memory_space<hbm>>
      tpu.wait_dma2 semaphore(%arg25 : memref<!tpu.dma_semaphore, #tpu.memory_space<semaphore_mem>>) src(%dma_wait3A_648 : memref<10000xi32, #tpu.memory_space<hbm>>) dst(%arg8 : memref<10000xi32, #tpu.memory_space<vmem>>)
      %dma_start3A_649 = arith.constant 0 : i32
      %dma_start3A_650 = tpu.memref_slice %arg22[%dma_start3A_649] : memref<100352xf32, #tpu.memory_space<vmem_shared>> -> memref<100352xf32, #tpu.memory_space<vmem_shared>>
      tpu.enqueue_indirect_dma source(%dma_start3A_650 : memref<100352xf32, #tpu.memory_space<vmem_shared>>) target(%arg14 : memref<10000xf32, #tpu.memory_space<vmem>>) offsets(%arg8 : memref<10000xi32, #tpu.memory_space<vmem>>) semaphore(%arg31 : memref<!tpu.dma_semaphore, #tpu.memory_space<semaphore_mem>>)
      %dma_wait3A_651 = arith.constant 0 : i32
      %dma_wait3A_652 = tpu.memref_slice %arg23[%dma_wait3A_651] : memref<100352xf32, #tpu.memory_space<vmem_shared>> -> memref<100352xf32, #tpu.memory_space<vmem_shared>>
      tpu.wait_indirect_dma semaphore(%arg34 : memref<!tpu.dma_semaphore, #tpu.memory_space<semaphore_mem>>) src(%arg15 : memref<10000xf32, #tpu.memory_space<vmem>>) dst(%dma_wait3A_652 : memref<100352xf32, #tpu.memory_space<vmem_shared>>)
      %add3A_653 = arith.constant 30000 : i32
      %add3A_654 = arith.addi %mul3A_0, %add3A_653 : i32
      %dma_start3A_655 = arith.constant 0 : i32
      %dma_start3A_656 = tpu.memref_slice %arg2[%dma_start3A_655, %add3A_654] : memref<2x1600000xi32, #tpu.memory_space<hbm>> -> memref<1x10000xi32, #tpu.memory_space<hbm>>
      %dma_start3A_657 = tpu.memref_squeeze %dma_start3A_656 : memref<1x10000xi32, #tpu.memory_space<hbm>> -> memref<10000xi32, #tpu.memory_space<hbm>>
      %dma_start3A_658 = tpu.memref_slice %arg2[%dma_start3A_655, %add3A_654] : memref<2x1600000xi32, #tpu.memory_space<hbm>> -> memref<1x10000xi32, #tpu.memory_space<hbm>>
      %dma_start3A_659 = tpu.memref_squeeze %dma_start3A_658 : memref<1x10000xi32, #tpu.memory_space<hbm>> -> memref<10000xi32, #tpu.memory_space<hbm>>
      tpu.enqueue_dma source(%dma_start3A_659 : memref<10000xi32, #tpu.memory_space<hbm>>) target(%arg9 : memref<10000xi32, #tpu.memory_space<vmem>>) target_semaphore(%arg26 : memref<!tpu.dma_semaphore, #tpu.memory_space<semaphore_mem>>)
      %add3A_660 = arith.constant 30000 : i32
      %add3A_661 = arith.addi %mul3A_0, %add3A_660 : i32
      %dma_start3A_662 = tpu.memref_slice %arg3[%add3A_661] : memref<1600000xf32, #tpu.memory_space<hbm>> -> memref<10000xf32, #tpu.memory_space<hbm>>
      %dma_start3A_663 = tpu.memref_slice %arg3[%add3A_661] : memref<1600000xf32, #tpu.memory_space<hbm>> -> memref<10000xf32, #tpu.memory_space<hbm>>
      tpu.enqueue_dma source(%dma_start3A_663 : memref<10000xf32, #tpu.memory_space<hbm>>) target(%arg13 : memref<10000xf32, #tpu.memory_space<vmem>>) target_semaphore(%arg30 : memref<!tpu.dma_semaphore, #tpu.memory_space<semaphore_mem>>)
      %add3A_664 = arith.constant 30000 : i32
      %add3A_665 = arith.addi %mul3A_0, %add3A_664 : i32
      %dma_start3A_666 = arith.constant 1 : i32
      %dma_start3A_667 = tpu.memref_slice %arg2[%dma_start3A_666, %add3A_665] : memref<2x1600000xi32, #tpu.memory_space<hbm>> -> memref<1x10000xi32, #tpu.memory_space<hbm>>
      %dma_start3A_668 = tpu.memref_squeeze %dma_start3A_667 : memref<1x10000xi32, #tpu.memory_space<hbm>> -> memref<10000xi32, #tpu.memory_space<hbm>>
      %dma_start3A_669 = tpu.memref_slice %arg2[%dma_start3A_666, %add3A_665] : memref<2x1600000xi32, #tpu.memory_space<hbm>> -> memref<1x10000xi32, #tpu.memory_space<hbm>>
      %dma_start3A_670 = tpu.memref_squeeze %dma_start3A_669 : memref<1x10000xi32, #tpu.memory_space<hbm>> -> memref<10000xi32, #tpu.memory_space<hbm>>
      tpu.enqueue_dma source(%dma_start3A_670 : memref<10000xi32, #tpu.memory_space<hbm>>) target(%arg11 : memref<10000xi32, #tpu.memory_space<vmem>>) target_semaphore(%arg28 : memref<!tpu.dma_semaphore, #tpu.memory_space<semaphore_mem>>)
      %dma_wait3A_671 = arith.constant 0 : i32
      %dma_wait3A_672 = tpu.memref_slice %arg22[%dma_wait3A_671] : memref<100352xf32, #tpu.memory_space<vmem_shared>> -> memref<100352xf32, #tpu.memory_space<vmem_shared>>
      tpu.wait_indirect_dma semaphore(%arg31 : memref<!tpu.dma_semaphore, #tpu.memory_space<semaphore_mem>>) src(%dma_wait3A_672 : memref<100352xf32, #tpu.memory_space<vmem_shared>>) dst(%arg14 : memref<10000xf32, #tpu.memory_space<vmem>>)
      %dma_wait3A_673 = tpu.memref_slice %arg3[%add3A_616] : memref<1600000xf32, #tpu.memory_space<hbm>> -> memref<10000xf32, #tpu.memory_space<hbm>>
      %dma_wait3A_674 = tpu.memref_slice %arg3[%add3A_616] : memref<1600000xf32, #tpu.memory_space<hbm>> -> memref<10000xf32, #tpu.memory_space<hbm>>
      tpu.wait_dma2 semaphore(%arg29 : memref<!tpu.dma_semaphore, #tpu.memory_space<semaphore_mem>>) src(%dma_wait3A_674 : memref<10000xf32, #tpu.memory_space<hbm>>) dst(%arg12 : memref<10000xf32, #tpu.memory_space<vmem>>)
      %scan3A_675 = arith.constant 0 : i32
      %scan3A_676 = arith.constant 0 : i32
      %scan3A_677 = arith.constant 625 : i32
      %scan3A_678 = arith.addi %scan3A_676, %scan3A_677 : i32
      %scan3A_679 = arith.constant 1 : i32
      %scan3A_680 = scf.for %scan3A_1005 = %scan3A_676 to %scan3A_678 step %scan3A_679 iter_args(%scan3A_1006 = %scan3A_675) -> (i32)  : i32 {
        %mul3A_1007 = arith.constant 16 : i32
        %mul3A_1008 = arith.muli %scan3A_1005, %mul3A_1007 : i32
        %get3A_1009 = arith.index_cast %mul3A_1008 : i32 to index
        %get3A_1010 = tpu.vector_load %arg14[%get3A_1009] {strides = array<i32>} : memref<10000xf32, #tpu.memory_space<vmem>>, vector<16xf32>,
        %get3A_1011 = arith.index_cast %mul3A_1008 : i32 to index
        %get3A_1012 = tpu.vector_load %arg12[%get3A_1011] {strides = array<i32>} : memref<10000xf32, #tpu.memory_space<vmem>>, vector<16xf32>,
        %mul3A_1013 = arith.mulf %get3A_1010, %get3A_1012 : vector<16xf32>
        %swap3A = arith.index_cast %mul3A_1008 : i32 to index
        %swap3A_1014 = tpu.vector_load %arg14[%swap3A] {strides = array<i32>} : memref<10000xf32, #tpu.memory_space<vmem>>, vector<16xf32>,
        tpu.vector_store %arg14[%swap3A], %mul3A_1013 {strides = array<i32>} : memref<10000xf32, #tpu.memory_space<vmem>>, vector<16xf32>,
        %scan3A_1015 = arith.constant 0 : i32
        scf.yield %scan3A_1015 : i32
      }
      %scan3A_681 = arith.constant 625 : i32
      %dma_wait3A_682 = arith.constant 1 : i32
      %dma_wait3A_683 = tpu.memref_slice %arg2[%dma_wait3A_682, %add3A_620] : memref<2x1600000xi32, #tpu.memory_space<hbm>> -> memref<1x10000xi32, #tpu.memory_space<hbm>>
      %dma_wait3A_684 = tpu.memref_squeeze %dma_wait3A_683 : memref<1x10000xi32, #tpu.memory_space<hbm>> -> memref<10000xi32, #tpu.memory_space<hbm>>
      %dma_wait3A_685 = tpu.memref_slice %arg2[%dma_wait3A_682, %add3A_620] : memref<2x1600000xi32, #tpu.memory_space<hbm>> -> memref<1x10000xi32, #tpu.memory_space<hbm>>
      %dma_wait3A_686 = tpu.memref_squeeze %dma_wait3A_685 : memref<1x10000xi32, #tpu.memory_space<hbm>> -> memref<10000xi32, #tpu.memory_space<hbm>>
      tpu.wait_dma2 semaphore(%arg27 : memref<!tpu.dma_semaphore, #tpu.memory_space<semaphore_mem>>) src(%dma_wait3A_686 : memref<10000xi32, #tpu.memory_space<hbm>>) dst(%arg10 : memref<10000xi32, #tpu.memory_space<vmem>>)
      %dma_start3A_687 = arith.constant 0 : i32
      %dma_start3A_688 = tpu.memref_slice %arg23[%dma_start3A_687] : memref<100352xf32, #tpu.memory_space<vmem_shared>> -> memref<100352xf32, #tpu.memory_space<vmem_shared>>
      tpu.enqueue_indirect_dma source(%arg14 : memref<10000xf32, #tpu.memory_space<vmem>>) target(%dma_start3A_688 : memref<100352xf32, #tpu.memory_space<vmem_shared>>) offsets(%arg10 : memref<10000xi32, #tpu.memory_space<vmem>>) semaphore(%arg33 : memref<!tpu.dma_semaphore, #tpu.memory_space<semaphore_mem>>) {add = true}
      %dma_wait3A_689 = arith.constant 0 : i32
      %dma_wait3A_690 = tpu.memref_slice %arg2[%dma_wait3A_689, %add3A_654] : memref<2x1600000xi32, #tpu.memory_space<hbm>> -> memref<1x10000xi32, #tpu.memory_space<hbm>>
      %dma_wait3A_691 = tpu.memref_squeeze %dma_wait3A_690 : memref<1x10000xi32, #tpu.memory_space<hbm>> -> memref<10000xi32, #tpu.memory_space<hbm>>
      %dma_wait3A_692 = tpu.memref_slice %arg2[%dma_wait3A_689, %add3A_654] : memref<2x1600000xi32, #tpu.memory_space<hbm>> -> memref<1x10000xi32, #tpu.memory_space<hbm>>
      %dma_wait3A_693 = tpu.memref_squeeze %dma_wait3A_692 : memref<1x10000xi32, #tpu.memory_space<hbm>> -> memref<10000xi32, #tpu.memory_space<hbm>>
      tpu.wait_dma2 semaphore(%arg26 : memref<!tpu.dma_semaphore, #tpu.memory_space<semaphore_mem>>) src(%dma_wait3A_693 : memref<10000xi32, #tpu.memory_space<hbm>>) dst(%arg9 : memref<10000xi32, #tpu.memory_space<vmem>>)
      %dma_start3A_694 = arith.constant 0 : i32
      %dma_start3A_695 = tpu.memref_slice %arg22[%dma_start3A_694] : memref<100352xf32, #tpu.memory_space<vmem_shared>> -> memref<100352xf32, #tpu.memory_space<vmem_shared>>
      tpu.enqueue_indirect_dma source(%dma_start3A_695 : memref<100352xf32, #tpu.memory_space<vmem_shared>>) target(%arg15 : memref<10000xf32, #tpu.memory_space<vmem>>) offsets(%arg9 : memref<10000xi32, #tpu.memory_space<vmem>>) semaphore(%arg32 : memref<!tpu.dma_semaphore, #tpu.memory_space<semaphore_mem>>)
      %dma_wait3A_696 = arith.constant 0 : i32
      %dma_wait3A_697 = tpu.memref_slice %arg23[%dma_wait3A_696] : memref<100352xf32, #tpu.memory_space<vmem_shared>> -> memref<100352xf32, #tpu.memory_space<vmem_shared>>
      tpu.wait_indirect_dma semaphore(%arg33 : memref<!tpu.dma_semaphore, #tpu.memory_space<semaphore_mem>>) src(%arg14 : memref<10000xf32, #tpu.memory_space<vmem>>) dst(%dma_wait3A_697 : memref<100352xf32, #tpu.memory_space<vmem_shared>>)
      %add3A_698 = arith.constant 40000 : i32
      %add3A_699 = arith.addi %mul3A_0, %add3A_698 : i32
      %dma_start3A_700 = arith.constant 0 : i32
      %dma_start3A_701 = tpu.memref_slice %arg2[%dma_start3A_700, %add3A_699] : memref<2x1600000xi32, #tpu.memory_space<hbm>> -> memref<1x10000xi32, #tpu.memory_space<hbm>>
      %dma_start3A_702 = tpu.memref_squeeze %dma_start3A_701 : memref<1x10000xi32, #tpu.memory_space<hbm>> -> memref<10000xi32, #tpu.memory_space<hbm>>
      %dma_start3A_703 = tpu.memref_slice %arg2[%dma_start3A_700, %add3A_699] : memref<2x1600000xi32, #tpu.memory_space<hbm>> -> memref<1x10000xi32, #tpu.memory_space<hbm>>
      %dma_start3A_704 = tpu.memref_squeeze %dma_start3A_703 : memref<1x10000xi32, #tpu.memory_space<hbm>> -> memref<10000xi32, #tpu.memory_space<hbm>>
      tpu.enqueue_dma source(%dma_start3A_704 : memref<10000xi32, #tpu.memory_space<hbm>>) target(%arg8 : memref<10000xi32, #tpu.memory_space<vmem>>) target_semaphore(%arg25 : memref<!tpu.dma_semaphore, #tpu.memory_space<semaphore_mem>>)
      %add3A_705 = arith.constant 40000 : i32
      %add3A_706 = arith.addi %mul3A_0, %add3A_705 : i32
      %dma_start3A_707 = tpu.memref_slice %arg3[%add3A_706] : memref<1600000xf32, #tpu.memory_space<hbm>> -> memref<10000xf32, #tpu.memory_space<hbm>>
      %dma_start3A_708 = tpu.memref_slice %arg3[%add3A_706] : memref<1600000xf32, #tpu.memory_space<hbm>> -> memref<10000xf32, #tpu.memory_space<hbm>>
      tpu.enqueue_dma source(%dma_start3A_708 : memref<10000xf32, #tpu.memory_space<hbm>>) target(%arg12 : memref<10000xf32, #tpu.memory_space<vmem>>) target_semaphore(%arg29 : memref<!tpu.dma_semaphore, #tpu.memory_space<semaphore_mem>>)
      %add3A_709 = arith.constant 40000 : i32
      %add3A_710 = arith.addi %mul3A_0, %add3A_709 : i32
      %dma_start3A_711 = arith.constant 1 : i32
      %dma_start3A_712 = tpu.memref_slice %arg2[%dma_start3A_711, %add3A_710] : memref<2x1600000xi32, #tpu.memory_space<hbm>> -> memref<1x10000xi32, #tpu.memory_space<hbm>>
      %dma_start3A_713 = tpu.memref_squeeze %dma_start3A_712 : memref<1x10000xi32, #tpu.memory_space<hbm>> -> memref<10000xi32, #tpu.memory_space<hbm>>
      %dma_start3A_714 = tpu.memref_slice %arg2[%dma_start3A_711, %add3A_710] : memref<2x1600000xi32, #tpu.memory_space<hbm>> -> memref<1x10000xi32, #tpu.memory_space<hbm>>
      %dma_start3A_715 = tpu.memref_squeeze %dma_start3A_714 : memref<1x10000xi32, #tpu.memory_space<hbm>> -> memref<10000xi32, #tpu.memory_space<hbm>>
      tpu.enqueue_dma source(%dma_start3A_715 : memref<10000xi32, #tpu.memory_space<hbm>>) target(%arg10 : memref<10000xi32, #tpu.memory_space<vmem>>) target_semaphore(%arg27 : memref<!tpu.dma_semaphore, #tpu.memory_space<semaphore_mem>>)
      %dma_wait3A_716 = arith.constant 0 : i32
      %dma_wait3A_717 = tpu.memref_slice %arg22[%dma_wait3A_716] : memref<100352xf32, #tpu.memory_space<vmem_shared>> -> memref<100352xf32, #tpu.memory_space<vmem_shared>>
      tpu.wait_indirect_dma semaphore(%arg32 : memref<!tpu.dma_semaphore, #tpu.memory_space<semaphore_mem>>) src(%dma_wait3A_717 : memref<100352xf32, #tpu.memory_space<vmem_shared>>) dst(%arg15 : memref<10000xf32, #tpu.memory_space<vmem>>)
      %dma_wait3A_718 = tpu.memref_slice %arg3[%add3A_661] : memref<1600000xf32, #tpu.memory_space<hbm>> -> memref<10000xf32, #tpu.memory_space<hbm>>
      %dma_wait3A_719 = tpu.memref_slice %arg3[%add3A_661] : memref<1600000xf32, #tpu.memory_space<hbm>> -> memref<10000xf32, #tpu.memory_space<hbm>>
      tpu.wait_dma2 semaphore(%arg30 : memref<!tpu.dma_semaphore, #tpu.memory_space<semaphore_mem>>) src(%dma_wait3A_719 : memref<10000xf32, #tpu.memory_space<hbm>>) dst(%arg13 : memref<10000xf32, #tpu.memory_space<vmem>>)
      %scan3A_720 = arith.constant 0 : i32
      %scan3A_721 = arith.constant 0 : i32
      %scan3A_722 = arith.constant 625 : i32
      %scan3A_723 = arith.addi %scan3A_721, %scan3A_722 : i32
      %scan3A_724 = arith.constant 1 : i32
      %scan3A_725 = scf.for %scan3A_1005 = %scan3A_721 to %scan3A_723 step %scan3A_724 iter_args(%scan3A_1006 = %scan3A_720) -> (i32)  : i32 {
        %mul3A_1007 = arith.constant 16 : i32
        %mul3A_1008 = arith.muli %scan3A_1005, %mul3A_1007 : i32
        %get3A_1009 = arith.index_cast %mul3A_1008 : i32 to index
        %get3A_1010 = tpu.vector_load %arg15[%get3A_1009] {strides = array<i32>} : memref<10000xf32, #tpu.memory_space<vmem>>, vector<16xf32>,
        %get3A_1011 = arith.index_cast %mul3A_1008 : i32 to index
        %get3A_1012 = tpu.vector_load %arg13[%get3A_1011] {strides = array<i32>} : memref<10000xf32, #tpu.memory_space<vmem>>, vector<16xf32>,
        %mul3A_1013 = arith.mulf %get3A_1010, %get3A_1012 : vector<16xf32>
        %swap3A = arith.index_cast %mul3A_1008 : i32 to index
        %swap3A_1014 = tpu.vector_load %arg15[%swap3A] {strides = array<i32>} : memref<10000xf32, #tpu.memory_space<vmem>>, vector<16xf32>,
        tpu.vector_store %arg15[%swap3A], %mul3A_1013 {strides = array<i32>} : memref<10000xf32, #tpu.memory_space<vmem>>, vector<16xf32>,
        %scan3A_1015 = arith.constant 0 : i32
        scf.yield %scan3A_1015 : i32
      }
      %scan3A_726 = arith.constant 625 : i32
      %dma_wait3A_727 = arith.constant 1 : i32
      %dma_wait3A_728 = tpu.memref_slice %arg2[%dma_wait3A_727, %add3A_665] : memref<2x1600000xi32, #tpu.memory_space<hbm>> -> memref<1x10000xi32, #tpu.memory_space<hbm>>
      %dma_wait3A_729 = tpu.memref_squeeze %dma_wait3A_728 : memref<1x10000xi32, #tpu.memory_space<hbm>> -> memref<10000xi32, #tpu.memory_space<hbm>>
      %dma_wait3A_730 = tpu.memref_slice %arg2[%dma_wait3A_727, %add3A_665] : memref<2x1600000xi32, #tpu.memory_space<hbm>> -> memref<1x10000xi32, #tpu.memory_space<hbm>>
      %dma_wait3A_731 = tpu.memref_squeeze %dma_wait3A_730 : memref<1x10000xi32, #tpu.memory_space<hbm>> -> memref<10000xi32, #tpu.memory_space<hbm>>
      tpu.wait_dma2 semaphore(%arg28 : memref<!tpu.dma_semaphore, #tpu.memory_space<semaphore_mem>>) src(%dma_wait3A_731 : memref<10000xi32, #tpu.memory_space<hbm>>) dst(%arg11 : memref<10000xi32, #tpu.memory_space<vmem>>)
      %dma_start3A_732 = arith.constant 0 : i32
      %dma_start3A_733 = tpu.memref_slice %arg23[%dma_start3A_732] : memref<100352xf32, #tpu.memory_space<vmem_shared>> -> memref<100352xf32, #tpu.memory_space<vmem_shared>>
      tpu.enqueue_indirect_dma source(%arg15 : memref<10000xf32, #tpu.memory_space<vmem>>) target(%dma_start3A_733 : memref<100352xf32, #tpu.memory_space<vmem_shared>>) offsets(%arg11 : memref<10000xi32, #tpu.memory_space<vmem>>) semaphore(%arg34 : memref<!tpu.dma_semaphore, #tpu.memory_space<semaphore_mem>>) {add = true}
      %dma_wait3A_734 = arith.constant 0 : i32
      %dma_wait3A_735 = tpu.memref_slice %arg2[%dma_wait3A_734, %add3A_699] : memref<2x1600000xi32, #tpu.memory_space<hbm>> -> memref<1x10000xi32, #tpu.memory_space<hbm>>
      %dma_wait3A_736 = tpu.memref_squeeze %dma_wait3A_735 : memref<1x10000xi32, #tpu.memory_space<hbm>> -> memref<10000xi32, #tpu.memory_space<hbm>>
      %dma_wait3A_737 = tpu.memref_slice %arg2[%dma_wait3A_734, %add3A_699] : memref<2x1600000xi32, #tpu.memory_space<hbm>> -> memref<1x10000xi32, #tpu.memory_space<hbm>>
      %dma_wait3A_738 = tpu.memref_squeeze %dma_wait3A_737 : memref<1x10000xi32, #tpu.memory_space<hbm>> -> memref<10000xi32, #tpu.memory_space<hbm>>
      tpu.wait_dma2 semaphore(%arg25 : memref<!tpu.dma_semaphore, #tpu.memory_space<semaphore_mem>>) src(%dma_wait3A_738 : memref<10000xi32, #tpu.memory_space<hbm>>) dst(%arg8 : memref<10000xi32, #tpu.memory_space<vmem>>)
      %dma_start3A_739 = arith.constant 0 : i32
      %dma_start3A_740 = tpu.memref_slice %arg22[%dma_start3A_739] : memref<100352xf32, #tpu.memory_space<vmem_shared>> -> memref<100352xf32, #tpu.memory_space<vmem_shared>>
      tpu.enqueue_indirect_dma source(%dma_start3A_740 : memref<100352xf32, #tpu.memory_space<vmem_shared>>) target(%arg14 : memref<10000xf32, #tpu.memory_space<vmem>>) offsets(%arg8 : memref<10000xi32, #tpu.memory_space<vmem>>) semaphore(%arg31 : memref<!tpu.dma_semaphore, #tpu.memory_space<semaphore_mem>>)
      %dma_wait3A_741 = arith.constant 0 : i32
      %dma_wait3A_742 = tpu.memref_slice %arg23[%dma_wait3A_741] : memref<100352xf32, #tpu.memory_space<vmem_shared>> -> memref<100352xf32, #tpu.memory_space<vmem_shared>>
      tpu.wait_indirect_dma semaphore(%arg34 : memref<!tpu.dma_semaphore, #tpu.memory_space<semaphore_mem>>) src(%arg15 : memref<10000xf32, #tpu.memory_space<vmem>>) dst(%dma_wait3A_742 : memref<100352xf32, #tpu.memory_space<vmem_shared>>)
      %add3A_743 = arith.constant 50000 : i32
      %add3A_744 = arith.addi %mul3A_0, %add3A_743 : i32
      %dma_start3A_745 = arith.constant 0 : i32
      %dma_start3A_746 = tpu.memref_slice %arg2[%dma_start3A_745, %add3A_744] : memref<2x1600000xi32, #tpu.memory_space<hbm>> -> memref<1x10000xi32, #tpu.memory_space<hbm>>
      %dma_start3A_747 = tpu.memref_squeeze %dma_start3A_746 : memref<1x10000xi32, #tpu.memory_space<hbm>> -> memref<10000xi32, #tpu.memory_space<hbm>>
      %dma_start3A_748 = tpu.memref_slice %arg2[%dma_start3A_745, %add3A_744] : memref<2x1600000xi32, #tpu.memory_space<hbm>> -> memref<1x10000xi32, #tpu.memory_space<hbm>>
      %dma_start3A_749 = tpu.memref_squeeze %dma_start3A_748 : memref<1x10000xi32, #tpu.memory_space<hbm>> -> memref<10000xi32, #tpu.memory_space<hbm>>
      tpu.enqueue_dma source(%dma_start3A_749 : memref<10000xi32, #tpu.memory_space<hbm>>) target(%arg9 : memref<10000xi32, #tpu.memory_space<vmem>>) target_semaphore(%arg26 : memref<!tpu.dma_semaphore, #tpu.memory_space<semaphore_mem>>)
      %add3A_750 = arith.constant 50000 : i32
      %add3A_751 = arith.addi %mul3A_0, %add3A_750 : i32
      %dma_start3A_752 = tpu.memref_slice %arg3[%add3A_751] : memref<1600000xf32, #tpu.memory_space<hbm>> -> memref<10000xf32, #tpu.memory_space<hbm>>
      %dma_start3A_753 = tpu.memref_slice %arg3[%add3A_751] : memref<1600000xf32, #tpu.memory_space<hbm>> -> memref<10000xf32, #tpu.memory_space<hbm>>
      tpu.enqueue_dma source(%dma_start3A_753 : memref<10000xf32, #tpu.memory_space<hbm>>) target(%arg13 : memref<10000xf32, #tpu.memory_space<vmem>>) target_semaphore(%arg30 : memref<!tpu.dma_semaphore, #tpu.memory_space<semaphore_mem>>)
      %add3A_754 = arith.constant 50000 : i32
      %add3A_755 = arith.addi %mul3A_0, %add3A_754 : i32
      %dma_start3A_756 = arith.constant 1 : i32
      %dma_start3A_757 = tpu.memref_slice %arg2[%dma_start3A_756, %add3A_755] : memref<2x1600000xi32, #tpu.memory_space<hbm>> -> memref<1x10000xi32, #tpu.memory_space<hbm>>
      %dma_start3A_758 = tpu.memref_squeeze %dma_start3A_757 : memref<1x10000xi32, #tpu.memory_space<hbm>> -> memref<10000xi32, #tpu.memory_space<hbm>>
      %dma_start3A_759 = tpu.memref_slice %arg2[%dma_start3A_756, %add3A_755] : memref<2x1600000xi32, #tpu.memory_space<hbm>> -> memref<1x10000xi32, #tpu.memory_space<hbm>>
      %dma_start3A_760 = tpu.memref_squeeze %dma_start3A_759 : memref<1x10000xi32, #tpu.memory_space<hbm>> -> memref<10000xi32, #tpu.memory_space<hbm>>
      tpu.enqueue_dma source(%dma_start3A_760 : memref<10000xi32, #tpu.memory_space<hbm>>) target(%arg11 : memref<10000xi32, #tpu.memory_space<vmem>>) target_semaphore(%arg28 : memref<!tpu.dma_semaphore, #tpu.memory_space<semaphore_mem>>)
      %dma_wait3A_761 = arith.constant 0 : i32
      %dma_wait3A_762 = tpu.memref_slice %arg22[%dma_wait3A_761] : memref<100352xf32, #tpu.memory_space<vmem_shared>> -> memref<100352xf32, #tpu.memory_space<vmem_shared>>
      tpu.wait_indirect_dma semaphore(%arg31 : memref<!tpu.dma_semaphore, #tpu.memory_space<semaphore_mem>>) src(%dma_wait3A_762 : memref<100352xf32, #tpu.memory_space<vmem_shared>>) dst(%arg14 : memref<10000xf32, #tpu.memory_space<vmem>>)
      %dma_wait3A_763 = tpu.memref_slice %arg3[%add3A_706] : memref<1600000xf32, #tpu.memory_space<hbm>> -> memref<10000xf32, #tpu.memory_space<hbm>>
      %dma_wait3A_764 = tpu.memref_slice %arg3[%add3A_706] : memref<1600000xf32, #tpu.memory_space<hbm>> -> memref<10000xf32, #tpu.memory_space<hbm>>
      tpu.wait_dma2 semaphore(%arg29 : memref<!tpu.dma_semaphore, #tpu.memory_space<semaphore_mem>>) src(%dma_wait3A_764 : memref<10000xf32, #tpu.memory_space<hbm>>) dst(%arg12 : memref<10000xf32, #tpu.memory_space<vmem>>)
      %scan3A_765 = arith.constant 0 : i32
      %scan3A_766 = arith.constant 0 : i32
      %scan3A_767 = arith.constant 625 : i32
      %scan3A_768 = arith.addi %scan3A_766, %scan3A_767 : i32
      %scan3A_769 = arith.constant 1 : i32
      %scan3A_770 = scf.for %scan3A_1005 = %scan3A_766 to %scan3A_768 step %scan3A_769 iter_args(%scan3A_1006 = %scan3A_765) -> (i32)  : i32 {
        %mul3A_1007 = arith.constant 16 : i32
        %mul3A_1008 = arith.muli %scan3A_1005, %mul3A_1007 : i32
        %get3A_1009 = arith.index_cast %mul3A_1008 : i32 to index
        %get3A_1010 = tpu.vector_load %arg14[%get3A_1009] {strides = array<i32>} : memref<10000xf32, #tpu.memory_space<vmem>>, vector<16xf32>,
        %get3A_1011 = arith.index_cast %mul3A_1008 : i32 to index
        %get3A_1012 = tpu.vector_load %arg12[%get3A_1011] {strides = array<i32>} : memref<10000xf32, #tpu.memory_space<vmem>>, vector<16xf32>,
        %mul3A_1013 = arith.mulf %get3A_1010, %get3A_1012 : vector<16xf32>
        %swap3A = arith.index_cast %mul3A_1008 : i32 to index
        %swap3A_1014 = tpu.vector_load %arg14[%swap3A] {strides = array<i32>} : memref<10000xf32, #tpu.memory_space<vmem>>, vector<16xf32>,
        tpu.vector_store %arg14[%swap3A], %mul3A_1013 {strides = array<i32>} : memref<10000xf32, #tpu.memory_space<vmem>>, vector<16xf32>,
        %scan3A_1015 = arith.constant 0 : i32
        scf.yield %scan3A_1015 : i32
      }
      %scan3A_771 = arith.constant 625 : i32
      %dma_wait3A_772 = arith.constant 1 : i32
      %dma_wait3A_773 = tpu.memref_slice %arg2[%dma_wait3A_772, %add3A_710] : memref<2x1600000xi32, #tpu.memory_space<hbm>> -> memref<1x10000xi32, #tpu.memory_space<hbm>>
      %dma_wait3A_774 = tpu.memref_squeeze %dma_wait3A_773 : memref<1x10000xi32, #tpu.memory_space<hbm>> -> memref<10000xi32, #tpu.memory_space<hbm>>
      %dma_wait3A_775 = tpu.memref_slice %arg2[%dma_wait3A_772, %add3A_710] : memref<2x1600000xi32, #tpu.memory_space<hbm>> -> memref<1x10000xi32, #tpu.memory_space<hbm>>
      %dma_wait3A_776 = tpu.memref_squeeze %dma_wait3A_775 : memref<1x10000xi32, #tpu.memory_space<hbm>> -> memref<10000xi32, #tpu.memory_space<hbm>>
      tpu.wait_dma2 semaphore(%arg27 : memref<!tpu.dma_semaphore, #tpu.memory_space<semaphore_mem>>) src(%dma_wait3A_776 : memref<10000xi32, #tpu.memory_space<hbm>>) dst(%arg10 : memref<10000xi32, #tpu.memory_space<vmem>>)
      %dma_start3A_777 = arith.constant 0 : i32
      %dma_start3A_778 = tpu.memref_slice %arg23[%dma_start3A_777] : memref<100352xf32, #tpu.memory_space<vmem_shared>> -> memref<100352xf32, #tpu.memory_space<vmem_shared>>
      tpu.enqueue_indirect_dma source(%arg14 : memref<10000xf32, #tpu.memory_space<vmem>>) target(%dma_start3A_778 : memref<100352xf32, #tpu.memory_space<vmem_shared>>) offsets(%arg10 : memref<10000xi32, #tpu.memory_space<vmem>>) semaphore(%arg33 : memref<!tpu.dma_semaphore, #tpu.memory_space<semaphore_mem>>) {add = true}
      %dma_wait3A_779 = arith.constant 0 : i32
      %dma_wait3A_780 = tpu.memref_slice %arg2[%dma_wait3A_779, %add3A_744] : memref<2x1600000xi32, #tpu.memory_space<hbm>> -> memref<1x10000xi32, #tpu.memory_space<hbm>>
      %dma_wait3A_781 = tpu.memref_squeeze %dma_wait3A_780 : memref<1x10000xi32, #tpu.memory_space<hbm>> -> memref<10000xi32, #tpu.memory_space<hbm>>
      %dma_wait3A_782 = tpu.memref_slice %arg2[%dma_wait3A_779, %add3A_744] : memref<2x1600000xi32, #tpu.memory_space<hbm>> -> memref<1x10000xi32, #tpu.memory_space<hbm>>
      %dma_wait3A_783 = tpu.memref_squeeze %dma_wait3A_782 : memref<1x10000xi32, #tpu.memory_space<hbm>> -> memref<10000xi32, #tpu.memory_space<hbm>>
      tpu.wait_dma2 semaphore(%arg26 : memref<!tpu.dma_semaphore, #tpu.memory_space<semaphore_mem>>) src(%dma_wait3A_783 : memref<10000xi32, #tpu.memory_space<hbm>>) dst(%arg9 : memref<10000xi32, #tpu.memory_space<vmem>>)
      %dma_start3A_784 = arith.constant 0 : i32
      %dma_start3A_785 = tpu.memref_slice %arg22[%dma_start3A_784] : memref<100352xf32, #tpu.memory_space<vmem_shared>> -> memref<100352xf32, #tpu.memory_space<vmem_shared>>
      tpu.enqueue_indirect_dma source(%dma_start3A_785 : memref<100352xf32, #tpu.memory_space<vmem_shared>>) target(%arg15 : memref<10000xf32, #tpu.memory_space<vmem>>) offsets(%arg9 : memref<10000xi32, #tpu.memory_space<vmem>>) semaphore(%arg32 : memref<!tpu.dma_semaphore, #tpu.memory_space<semaphore_mem>>)
      %dma_wait3A_786 = arith.constant 0 : i32
      %dma_wait3A_787 = tpu.memref_slice %arg23[%dma_wait3A_786] : memref<100352xf32, #tpu.memory_space<vmem_shared>> -> memref<100352xf32, #tpu.memory_space<vmem_shared>>
      tpu.wait_indirect_dma semaphore(%arg33 : memref<!tpu.dma_semaphore, #tpu.memory_space<semaphore_mem>>) src(%arg14 : memref<10000xf32, #tpu.memory_space<vmem>>) dst(%dma_wait3A_787 : memref<100352xf32, #tpu.memory_space<vmem_shared>>)
      %add3A_788 = arith.constant 60000 : i32
      %add3A_789 = arith.addi %mul3A_0, %add3A_788 : i32
      %dma_start3A_790 = arith.constant 0 : i32
      %dma_start3A_791 = tpu.memref_slice %arg2[%dma_start3A_790, %add3A_789] : memref<2x1600000xi32, #tpu.memory_space<hbm>> -> memref<1x10000xi32, #tpu.memory_space<hbm>>
      %dma_start3A_792 = tpu.memref_squeeze %dma_start3A_791 : memref<1x10000xi32, #tpu.memory_space<hbm>> -> memref<10000xi32, #tpu.memory_space<hbm>>
      %dma_start3A_793 = tpu.memref_slice %arg2[%dma_start3A_790, %add3A_789] : memref<2x1600000xi32, #tpu.memory_space<hbm>> -> memref<1x10000xi32, #tpu.memory_space<hbm>>
      %dma_start3A_794 = tpu.memref_squeeze %dma_start3A_793 : memref<1x10000xi32, #tpu.memory_space<hbm>> -> memref<10000xi32, #tpu.memory_space<hbm>>
      tpu.enqueue_dma source(%dma_start3A_794 : memref<10000xi32, #tpu.memory_space<hbm>>) target(%arg8 : memref<10000xi32, #tpu.memory_space<vmem>>) target_semaphore(%arg25 : memref<!tpu.dma_semaphore, #tpu.memory_space<semaphore_mem>>)
      %add3A_795 = arith.constant 60000 : i32
      %add3A_796 = arith.addi %mul3A_0, %add3A_795 : i32
      %dma_start3A_797 = tpu.memref_slice %arg3[%add3A_796] : memref<1600000xf32, #tpu.memory_space<hbm>> -> memref<10000xf32, #tpu.memory_space<hbm>>
      %dma_start3A_798 = tpu.memref_slice %arg3[%add3A_796] : memref<1600000xf32, #tpu.memory_space<hbm>> -> memref<10000xf32, #tpu.memory_space<hbm>>
      tpu.enqueue_dma source(%dma_start3A_798 : memref<10000xf32, #tpu.memory_space<hbm>>) target(%arg12 : memref<10000xf32, #tpu.memory_space<vmem>>) target_semaphore(%arg29 : memref<!tpu.dma_semaphore, #tpu.memory_space<semaphore_mem>>)
      %add3A_799 = arith.constant 60000 : i32
      %add3A_800 = arith.addi %mul3A_0, %add3A_799 : i32
      %dma_start3A_801 = arith.constant 1 : i32
      %dma_start3A_802 = tpu.memref_slice %arg2[%dma_start3A_801, %add3A_800] : memref<2x1600000xi32, #tpu.memory_space<hbm>> -> memref<1x10000xi32, #tpu.memory_space<hbm>>
      %dma_start3A_803 = tpu.memref_squeeze %dma_start3A_802 : memref<1x10000xi32, #tpu.memory_space<hbm>> -> memref<10000xi32, #tpu.memory_space<hbm>>
      %dma_start3A_804 = tpu.memref_slice %arg2[%dma_start3A_801, %add3A_800] : memref<2x1600000xi32, #tpu.memory_space<hbm>> -> memref<1x10000xi32, #tpu.memory_space<hbm>>
      %dma_start3A_805 = tpu.memref_squeeze %dma_start3A_804 : memref<1x10000xi32, #tpu.memory_space<hbm>> -> memref<10000xi32, #tpu.memory_space<hbm>>
      tpu.enqueue_dma source(%dma_start3A_805 : memref<10000xi32, #tpu.memory_space<hbm>>) target(%arg10 : memref<10000xi32, #tpu.memory_space<vmem>>) target_semaphore(%arg27 : memref<!tpu.dma_semaphore, #tpu.memory_space<semaphore_mem>>)
      %dma_wait3A_806 = arith.constant 0 : i32
      %dma_wait3A_807 = tpu.memref_slice %arg22[%dma_wait3A_806] : memref<100352xf32, #tpu.memory_space<vmem_shared>> -> memref<100352xf32, #tpu.memory_space<vmem_shared>>
      tpu.wait_indirect_dma semaphore(%arg32 : memref<!tpu.dma_semaphore, #tpu.memory_space<semaphore_mem>>) src(%dma_wait3A_807 : memref<100352xf32, #tpu.memory_space<vmem_shared>>) dst(%arg15 : memref<10000xf32, #tpu.memory_space<vmem>>)
      %dma_wait3A_808 = tpu.memref_slice %arg3[%add3A_751] : memref<1600000xf32, #tpu.memory_space<hbm>> -> memref<10000xf32, #tpu.memory_space<hbm>>
      %dma_wait3A_809 = tpu.memref_slice %arg3[%add3A_751] : memref<1600000xf32, #tpu.memory_space<hbm>> -> memref<10000xf32, #tpu.memory_space<hbm>>
      tpu.wait_dma2 semaphore(%arg30 : memref<!tpu.dma_semaphore, #tpu.memory_space<semaphore_mem>>) src(%dma_wait3A_809 : memref<10000xf32, #tpu.memory_space<hbm>>) dst(%arg13 : memref<10000xf32, #tpu.memory_space<vmem>>)
      %scan3A_810 = arith.constant 0 : i32
      %scan3A_811 = arith.constant 0 : i32
      %scan3A_812 = arith.constant 625 : i32
      %scan3A_813 = arith.addi %scan3A_811, %scan3A_812 : i32
      %scan3A_814 = arith.constant 1 : i32
      %scan3A_815 = scf.for %scan3A_1005 = %scan3A_811 to %scan3A_813 step %scan3A_814 iter_args(%scan3A_1006 = %scan3A_810) -> (i32)  : i32 {
        %mul3A_1007 = arith.constant 16 : i32
        %mul3A_1008 = arith.muli %scan3A_1005, %mul3A_1007 : i32
        %get3A_1009 = arith.index_cast %mul3A_1008 : i32 to index
        %get3A_1010 = tpu.vector_load %arg15[%get3A_1009] {strides = array<i32>} : memref<10000xf32, #tpu.memory_space<vmem>>, vector<16xf32>,
        %get3A_1011 = arith.index_cast %mul3A_1008 : i32 to index
        %get3A_1012 = tpu.vector_load %arg13[%get3A_1011] {strides = array<i32>} : memref<10000xf32, #tpu.memory_space<vmem>>, vector<16xf32>,
        %mul3A_1013 = arith.mulf %get3A_1010, %get3A_1012 : vector<16xf32>
        %swap3A = arith.index_cast %mul3A_1008 : i32 to index
        %swap3A_1014 = tpu.vector_load %arg15[%swap3A] {strides = array<i32>} : memref<10000xf32, #tpu.memory_space<vmem>>, vector<16xf32>,
        tpu.vector_store %arg15[%swap3A], %mul3A_1013 {strides = array<i32>} : memref<10000xf32, #tpu.memory_space<vmem>>, vector<16xf32>,
        %scan3A_1015 = arith.constant 0 : i32
        scf.yield %scan3A_1015 : i32
      }
      %scan3A_816 = arith.constant 625 : i32
      %dma_wait3A_817 = arith.constant 1 : i32
      %dma_wait3A_818 = tpu.memref_slice %arg2[%dma_wait3A_817, %add3A_755] : memref<2x1600000xi32, #tpu.memory_space<hbm>> -> memref<1x10000xi32, #tpu.memory_space<hbm>>
      %dma_wait3A_819 = tpu.memref_squeeze %dma_wait3A_818 : memref<1x10000xi32, #tpu.memory_space<hbm>> -> memref<10000xi32, #tpu.memory_space<hbm>>
      %dma_wait3A_820 = tpu.memref_slice %arg2[%dma_wait3A_817, %add3A_755] : memref<2x1600000xi32, #tpu.memory_space<hbm>> -> memref<1x10000xi32, #tpu.memory_space<hbm>>
      %dma_wait3A_821 = tpu.memref_squeeze %dma_wait3A_820 : memref<1x10000xi32, #tpu.memory_space<hbm>> -> memref<10000xi32, #tpu.memory_space<hbm>>
      tpu.wait_dma2 semaphore(%arg28 : memref<!tpu.dma_semaphore, #tpu.memory_space<semaphore_mem>>) src(%dma_wait3A_821 : memref<10000xi32, #tpu.memory_space<hbm>>) dst(%arg11 : memref<10000xi32, #tpu.memory_space<vmem>>)
      %dma_start3A_822 = arith.constant 0 : i32
      %dma_start3A_823 = tpu.memref_slice %arg23[%dma_start3A_822] : memref<100352xf32, #tpu.memory_space<vmem_shared>> -> memref<100352xf32, #tpu.memory_space<vmem_shared>>
      tpu.enqueue_indirect_dma source(%arg15 : memref<10000xf32, #tpu.memory_space<vmem>>) target(%dma_start3A_823 : memref<100352xf32, #tpu.memory_space<vmem_shared>>) offsets(%arg11 : memref<10000xi32, #tpu.memory_space<vmem>>) semaphore(%arg34 : memref<!tpu.dma_semaphore, #tpu.memory_space<semaphore_mem>>) {add = true}
      %dma_wait3A_824 = arith.constant 0 : i32
      %dma_wait3A_825 = tpu.memref_slice %arg2[%dma_wait3A_824, %add3A_789] : memref<2x1600000xi32, #tpu.memory_space<hbm>> -> memref<1x10000xi32, #tpu.memory_space<hbm>>
      %dma_wait3A_826 = tpu.memref_squeeze %dma_wait3A_825 : memref<1x10000xi32, #tpu.memory_space<hbm>> -> memref<10000xi32, #tpu.memory_space<hbm>>
      %dma_wait3A_827 = tpu.memref_slice %arg2[%dma_wait3A_824, %add3A_789] : memref<2x1600000xi32, #tpu.memory_space<hbm>> -> memref<1x10000xi32, #tpu.memory_space<hbm>>
      %dma_wait3A_828 = tpu.memref_squeeze %dma_wait3A_827 : memref<1x10000xi32, #tpu.memory_space<hbm>> -> memref<10000xi32, #tpu.memory_space<hbm>>
      tpu.wait_dma2 semaphore(%arg25 : memref<!tpu.dma_semaphore, #tpu.memory_space<semaphore_mem>>) src(%dma_wait3A_828 : memref<10000xi32, #tpu.memory_space<hbm>>) dst(%arg8 : memref<10000xi32, #tpu.memory_space<vmem>>)
      %dma_start3A_829 = arith.constant 0 : i32
      %dma_start3A_830 = tpu.memref_slice %arg22[%dma_start3A_829] : memref<100352xf32, #tpu.memory_space<vmem_shared>> -> memref<100352xf32, #tpu.memory_space<vmem_shared>>
      tpu.enqueue_indirect_dma source(%dma_start3A_830 : memref<100352xf32, #tpu.memory_space<vmem_shared>>) target(%arg14 : memref<10000xf32, #tpu.memory_space<vmem>>) offsets(%arg8 : memref<10000xi32, #tpu.memory_space<vmem>>) semaphore(%arg31 : memref<!tpu.dma_semaphore, #tpu.memory_space<semaphore_mem>>)
      %dma_wait3A_831 = arith.constant 0 : i32
      %dma_wait3A_832 = tpu.memref_slice %arg23[%dma_wait3A_831] : memref<100352xf32, #tpu.memory_space<vmem_shared>> -> memref<100352xf32, #tpu.memory_space<vmem_shared>>
      tpu.wait_indirect_dma semaphore(%arg34 : memref<!tpu.dma_semaphore, #tpu.memory_space<semaphore_mem>>) src(%arg15 : memref<10000xf32, #tpu.memory_space<vmem>>) dst(%dma_wait3A_832 : memref<100352xf32, #tpu.memory_space<vmem_shared>>)
      %add3A_833 = arith.constant 70000 : i32
      %add3A_834 = arith.addi %mul3A_0, %add3A_833 : i32
      %dma_start3A_835 = arith.constant 0 : i32
      %dma_start3A_836 = tpu.memref_slice %arg2[%dma_start3A_835, %add3A_834] : memref<2x1600000xi32, #tpu.memory_space<hbm>> -> memref<1x10000xi32, #tpu.memory_space<hbm>>
      %dma_start3A_837 = tpu.memref_squeeze %dma_start3A_836 : memref<1x10000xi32, #tpu.memory_space<hbm>> -> memref<10000xi32, #tpu.memory_space<hbm>>
      %dma_start3A_838 = tpu.memref_slice %arg2[%dma_start3A_835, %add3A_834] : memref<2x1600000xi32, #tpu.memory_space<hbm>> -> memref<1x10000xi32, #tpu.memory_space<hbm>>
      %dma_start3A_839 = tpu.memref_squeeze %dma_start3A_838 : memref<1x10000xi32, #tpu.memory_space<hbm>> -> memref<10000xi32, #tpu.memory_space<hbm>>
      tpu.enqueue_dma source(%dma_start3A_839 : memref<10000xi32, #tpu.memory_space<hbm>>) target(%arg9 : memref<10000xi32, #tpu.memory_space<vmem>>) target_semaphore(%arg26 : memref<!tpu.dma_semaphore, #tpu.memory_space<semaphore_mem>>)
      %add3A_840 = arith.constant 70000 : i32
      %add3A_841 = arith.addi %mul3A_0, %add3A_840 : i32
      %dma_start3A_842 = tpu.memref_slice %arg3[%add3A_841] : memref<1600000xf32, #tpu.memory_space<hbm>> -> memref<10000xf32, #tpu.memory_space<hbm>>
      %dma_start3A_843 = tpu.memref_slice %arg3[%add3A_841] : memref<1600000xf32, #tpu.memory_space<hbm>> -> memref<10000xf32, #tpu.memory_space<hbm>>
      tpu.enqueue_dma source(%dma_start3A_843 : memref<10000xf32, #tpu.memory_space<hbm>>) target(%arg13 : memref<10000xf32, #tpu.memory_space<vmem>>) target_semaphore(%arg30 : memref<!tpu.dma_semaphore, #tpu.memory_space<semaphore_mem>>)
      %add3A_844 = arith.constant 70000 : i32
      %add3A_845 = arith.addi %mul3A_0, %add3A_844 : i32
      %dma_start3A_846 = arith.constant 1 : i32
      %dma_start3A_847 = tpu.memref_slice %arg2[%dma_start3A_846, %add3A_845] : memref<2x1600000xi32, #tpu.memory_space<hbm>> -> memref<1x10000xi32, #tpu.memory_space<hbm>>
      %dma_start3A_848 = tpu.memref_squeeze %dma_start3A_847 : memref<1x10000xi32, #tpu.memory_space<hbm>> -> memref<10000xi32, #tpu.memory_space<hbm>>
      %dma_start3A_849 = tpu.memref_slice %arg2[%dma_start3A_846, %add3A_845] : memref<2x1600000xi32, #tpu.memory_space<hbm>> -> memref<1x10000xi32, #tpu.memory_space<hbm>>
      %dma_start3A_850 = tpu.memref_squeeze %dma_start3A_849 : memref<1x10000xi32, #tpu.memory_space<hbm>> -> memref<10000xi32, #tpu.memory_space<hbm>>
      tpu.enqueue_dma source(%dma_start3A_850 : memref<10000xi32, #tpu.memory_space<hbm>>) target(%arg11 : memref<10000xi32, #tpu.memory_space<vmem>>) target_semaphore(%arg28 : memref<!tpu.dma_semaphore, #tpu.memory_space<semaphore_mem>>)
      %dma_wait3A_851 = arith.constant 0 : i32
      %dma_wait3A_852 = tpu.memref_slice %arg22[%dma_wait3A_851] : memref<100352xf32, #tpu.memory_space<vmem_shared>> -> memref<100352xf32, #tpu.memory_space<vmem_shared>>
      tpu.wait_indirect_dma semaphore(%arg31 : memref<!tpu.dma_semaphore, #tpu.memory_space<semaphore_mem>>) src(%dma_wait3A_852 : memref<100352xf32, #tpu.memory_space<vmem_shared>>) dst(%arg14 : memref<10000xf32, #tpu.memory_space<vmem>>)
      %dma_wait3A_853 = tpu.memref_slice %arg3[%add3A_796] : memref<1600000xf32, #tpu.memory_space<hbm>> -> memref<10000xf32, #tpu.memory_space<hbm>>
      %dma_wait3A_854 = tpu.memref_slice %arg3[%add3A_796] : memref<1600000xf32, #tpu.memory_space<hbm>> -> memref<10000xf32, #tpu.memory_space<hbm>>
      tpu.wait_dma2 semaphore(%arg29 : memref<!tpu.dma_semaphore, #tpu.memory_space<semaphore_mem>>) src(%dma_wait3A_854 : memref<10000xf32, #tpu.memory_space<hbm>>) dst(%arg12 : memref<10000xf32, #tpu.memory_space<vmem>>)
      %scan3A_855 = arith.constant 0 : i32
      %scan3A_856 = arith.constant 0 : i32
      %scan3A_857 = arith.constant 625 : i32
      %scan3A_858 = arith.addi %scan3A_856, %scan3A_857 : i32
      %scan3A_859 = arith.constant 1 : i32
      %scan3A_860 = scf.for %scan3A_1005 = %scan3A_856 to %scan3A_858 step %scan3A_859 iter_args(%scan3A_1006 = %scan3A_855) -> (i32)  : i32 {
        %mul3A_1007 = arith.constant 16 : i32
        %mul3A_1008 = arith.muli %scan3A_1005, %mul3A_1007 : i32
        %get3A_1009 = arith.index_cast %mul3A_1008 : i32 to index
        %get3A_1010 = tpu.vector_load %arg14[%get3A_1009] {strides = array<i32>} : memref<10000xf32, #tpu.memory_space<vmem>>, vector<16xf32>,
        %get3A_1011 = arith.index_cast %mul3A_1008 : i32 to index
        %get3A_1012 = tpu.vector_load %arg12[%get3A_1011] {strides = array<i32>} : memref<10000xf32, #tpu.memory_space<vmem>>, vector<16xf32>,
        %mul3A_1013 = arith.mulf %get3A_1010, %get3A_1012 : vector<16xf32>
        %swap3A = arith.index_cast %mul3A_1008 : i32 to index
        %swap3A_1014 = tpu.vector_load %arg14[%swap3A] {strides = array<i32>} : memref<10000xf32, #tpu.memory_space<vmem>>, vector<16xf32>,
        tpu.vector_store %arg14[%swap3A], %mul3A_1013 {strides = array<i32>} : memref<10000xf32, #tpu.memory_space<vmem>>, vector<16xf32>,
        %scan3A_1015 = arith.constant 0 : i32
        scf.yield %scan3A_1015 : i32
      }
      %scan3A_861 = arith.constant 625 : i32
      %dma_wait3A_862 = arith.constant 1 : i32
      %dma_wait3A_863 = tpu.memref_slice %arg2[%dma_wait3A_862, %add3A_800] : memref<2x1600000xi32, #tpu.memory_space<hbm>> -> memref<1x10000xi32, #tpu.memory_space<hbm>>
      %dma_wait3A_864 = tpu.memref_squeeze %dma_wait3A_863 : memref<1x10000xi32, #tpu.memory_space<hbm>> -> memref<10000xi32, #tpu.memory_space<hbm>>
      %dma_wait3A_865 = tpu.memref_slice %arg2[%dma_wait3A_862, %add3A_800] : memref<2x1600000xi32, #tpu.memory_space<hbm>> -> memref<1x10000xi32, #tpu.memory_space<hbm>>
      %dma_wait3A_866 = tpu.memref_squeeze %dma_wait3A_865 : memref<1x10000xi32, #tpu.memory_space<hbm>> -> memref<10000xi32, #tpu.memory_space<hbm>>
      tpu.wait_dma2 semaphore(%arg27 : memref<!tpu.dma_semaphore, #tpu.memory_space<semaphore_mem>>) src(%dma_wait3A_866 : memref<10000xi32, #tpu.memory_space<hbm>>) dst(%arg10 : memref<10000xi32, #tpu.memory_space<vmem>>)
      %dma_start3A_867 = arith.constant 0 : i32
      %dma_start3A_868 = tpu.memref_slice %arg23[%dma_start3A_867] : memref<100352xf32, #tpu.memory_space<vmem_shared>> -> memref<100352xf32, #tpu.memory_space<vmem_shared>>
      tpu.enqueue_indirect_dma source(%arg14 : memref<10000xf32, #tpu.memory_space<vmem>>) target(%dma_start3A_868 : memref<100352xf32, #tpu.memory_space<vmem_shared>>) offsets(%arg10 : memref<10000xi32, #tpu.memory_space<vmem>>) semaphore(%arg33 : memref<!tpu.dma_semaphore, #tpu.memory_space<semaphore_mem>>) {add = true}
      %dma_wait3A_869 = arith.constant 0 : i32
      %dma_wait3A_870 = tpu.memref_slice %arg2[%dma_wait3A_869, %add3A_834] : memref<2x1600000xi32, #tpu.memory_space<hbm>> -> memref<1x10000xi32, #tpu.memory_space<hbm>>
      %dma_wait3A_871 = tpu.memref_squeeze %dma_wait3A_870 : memref<1x10000xi32, #tpu.memory_space<hbm>> -> memref<10000xi32, #tpu.memory_space<hbm>>
      %dma_wait3A_872 = tpu.memref_slice %arg2[%dma_wait3A_869, %add3A_834] : memref<2x1600000xi32, #tpu.memory_space<hbm>> -> memref<1x10000xi32, #tpu.memory_space<hbm>>
      %dma_wait3A_873 = tpu.memref_squeeze %dma_wait3A_872 : memref<1x10000xi32, #tpu.memory_space<hbm>> -> memref<10000xi32, #tpu.memory_space<hbm>>
      tpu.wait_dma2 semaphore(%arg26 : memref<!tpu.dma_semaphore, #tpu.memory_space<semaphore_mem>>) src(%dma_wait3A_873 : memref<10000xi32, #tpu.memory_space<hbm>>) dst(%arg9 : memref<10000xi32, #tpu.memory_space<vmem>>)
      %dma_start3A_874 = arith.constant 0 : i32
      %dma_start3A_875 = tpu.memref_slice %arg22[%dma_start3A_874] : memref<100352xf32, #tpu.memory_space<vmem_shared>> -> memref<100352xf32, #tpu.memory_space<vmem_shared>>
      tpu.enqueue_indirect_dma source(%dma_start3A_875 : memref<100352xf32, #tpu.memory_space<vmem_shared>>) target(%arg15 : memref<10000xf32, #tpu.memory_space<vmem>>) offsets(%arg9 : memref<10000xi32, #tpu.memory_space<vmem>>) semaphore(%arg32 : memref<!tpu.dma_semaphore, #tpu.memory_space<semaphore_mem>>)
      %dma_wait3A_876 = arith.constant 0 : i32
      %dma_wait3A_877 = tpu.memref_slice %arg23[%dma_wait3A_876] : memref<100352xf32, #tpu.memory_space<vmem_shared>> -> memref<100352xf32, #tpu.memory_space<vmem_shared>>
      tpu.wait_indirect_dma semaphore(%arg33 : memref<!tpu.dma_semaphore, #tpu.memory_space<semaphore_mem>>) src(%arg14 : memref<10000xf32, #tpu.memory_space<vmem>>) dst(%dma_wait3A_877 : memref<100352xf32, #tpu.memory_space<vmem_shared>>)
      %add3A_878 = arith.constant 80000 : i32
      %add3A_879 = arith.addi %mul3A_0, %add3A_878 : i32
      %dma_start3A_880 = arith.constant 0 : i32
      %dma_start3A_881 = tpu.memref_slice %arg2[%dma_start3A_880, %add3A_879] : memref<2x1600000xi32, #tpu.memory_space<hbm>> -> memref<1x10000xi32, #tpu.memory_space<hbm>>
      %dma_start3A_882 = tpu.memref_squeeze %dma_start3A_881 : memref<1x10000xi32, #tpu.memory_space<hbm>> -> memref<10000xi32, #tpu.memory_space<hbm>>
      %dma_start3A_883 = tpu.memref_slice %arg2[%dma_start3A_880, %add3A_879] : memref<2x1600000xi32, #tpu.memory_space<hbm>> -> memref<1x10000xi32, #tpu.memory_space<hbm>>
      %dma_start3A_884 = tpu.memref_squeeze %dma_start3A_883 : memref<1x10000xi32, #tpu.memory_space<hbm>> -> memref<10000xi32, #tpu.memory_space<hbm>>
      tpu.enqueue_dma source(%dma_start3A_884 : memref<10000xi32, #tpu.memory_space<hbm>>) target(%arg8 : memref<10000xi32, #tpu.memory_space<vmem>>) target_semaphore(%arg25 : memref<!tpu.dma_semaphore, #tpu.memory_space<semaphore_mem>>)
      %add3A_885 = arith.constant 80000 : i32
      %add3A_886 = arith.addi %mul3A_0, %add3A_885 : i32
      %dma_start3A_887 = tpu.memref_slice %arg3[%add3A_886] : memref<1600000xf32, #tpu.memory_space<hbm>> -> memref<10000xf32, #tpu.memory_space<hbm>>
      %dma_start3A_888 = tpu.memref_slice %arg3[%add3A_886] : memref<1600000xf32, #tpu.memory_space<hbm>> -> memref<10000xf32, #tpu.memory_space<hbm>>
      tpu.enqueue_dma source(%dma_start3A_888 : memref<10000xf32, #tpu.memory_space<hbm>>) target(%arg12 : memref<10000xf32, #tpu.memory_space<vmem>>) target_semaphore(%arg29 : memref<!tpu.dma_semaphore, #tpu.memory_space<semaphore_mem>>)
      %add3A_889 = arith.constant 80000 : i32
      %add3A_890 = arith.addi %mul3A_0, %add3A_889 : i32
      %dma_start3A_891 = arith.constant 1 : i32
      %dma_start3A_892 = tpu.memref_slice %arg2[%dma_start3A_891, %add3A_890] : memref<2x1600000xi32, #tpu.memory_space<hbm>> -> memref<1x10000xi32, #tpu.memory_space<hbm>>
      %dma_start3A_893 = tpu.memref_squeeze %dma_start3A_892 : memref<1x10000xi32, #tpu.memory_space<hbm>> -> memref<10000xi32, #tpu.memory_space<hbm>>
      %dma_start3A_894 = tpu.memref_slice %arg2[%dma_start3A_891, %add3A_890] : memref<2x1600000xi32, #tpu.memory_space<hbm>> -> memref<1x10000xi32, #tpu.memory_space<hbm>>
      %dma_start3A_895 = tpu.memref_squeeze %dma_start3A_894 : memref<1x10000xi32, #tpu.memory_space<hbm>> -> memref<10000xi32, #tpu.memory_space<hbm>>
      tpu.enqueue_dma source(%dma_start3A_895 : memref<10000xi32, #tpu.memory_space<hbm>>) target(%arg10 : memref<10000xi32, #tpu.memory_space<vmem>>) target_semaphore(%arg27 : memref<!tpu.dma_semaphore, #tpu.memory_space<semaphore_mem>>)
      %dma_wait3A_896 = arith.constant 0 : i32
      %dma_wait3A_897 = tpu.memref_slice %arg22[%dma_wait3A_896] : memref<100352xf32, #tpu.memory_space<vmem_shared>> -> memref<100352xf32, #tpu.memory_space<vmem_shared>>
      tpu.wait_indirect_dma semaphore(%arg32 : memref<!tpu.dma_semaphore, #tpu.memory_space<semaphore_mem>>) src(%dma_wait3A_897 : memref<100352xf32, #tpu.memory_space<vmem_shared>>) dst(%arg15 : memref<10000xf32, #tpu.memory_space<vmem>>)
      %dma_wait3A_898 = tpu.memref_slice %arg3[%add3A_841] : memref<1600000xf32, #tpu.memory_space<hbm>> -> memref<10000xf32, #tpu.memory_space<hbm>>
      %dma_wait3A_899 = tpu.memref_slice %arg3[%add3A_841] : memref<1600000xf32, #tpu.memory_space<hbm>> -> memref<10000xf32, #tpu.memory_space<hbm>>
      tpu.wait_dma2 semaphore(%arg30 : memref<!tpu.dma_semaphore, #tpu.memory_space<semaphore_mem>>) src(%dma_wait3A_899 : memref<10000xf32, #tpu.memory_space<hbm>>) dst(%arg13 : memref<10000xf32, #tpu.memory_space<vmem>>)
      %scan3A_900 = arith.constant 0 : i32
      %scan3A_901 = arith.constant 0 : i32
      %scan3A_902 = arith.constant 625 : i32
      %scan3A_903 = arith.addi %scan3A_901, %scan3A_902 : i32
      %scan3A_904 = arith.constant 1 : i32
      %scan3A_905 = scf.for %scan3A_1005 = %scan3A_901 to %scan3A_903 step %scan3A_904 iter_args(%scan3A_1006 = %scan3A_900) -> (i32)  : i32 {
        %mul3A_1007 = arith.constant 16 : i32
        %mul3A_1008 = arith.muli %scan3A_1005, %mul3A_1007 : i32
        %get3A_1009 = arith.index_cast %mul3A_1008 : i32 to index
        %get3A_1010 = tpu.vector_load %arg15[%get3A_1009] {strides = array<i32>} : memref<10000xf32, #tpu.memory_space<vmem>>, vector<16xf32>,
        %get3A_1011 = arith.index_cast %mul3A_1008 : i32 to index
        %get3A_1012 = tpu.vector_load %arg13[%get3A_1011] {strides = array<i32>} : memref<10000xf32, #tpu.memory_space<vmem>>, vector<16xf32>,
        %mul3A_1013 = arith.mulf %get3A_1010, %get3A_1012 : vector<16xf32>
        %swap3A = arith.index_cast %mul3A_1008 : i32 to index
        %swap3A_1014 = tpu.vector_load %arg15[%swap3A] {strides = array<i32>} : memref<10000xf32, #tpu.memory_space<vmem>>, vector<16xf32>,
        tpu.vector_store %arg15[%swap3A], %mul3A_1013 {strides = array<i32>} : memref<10000xf32, #tpu.memory_space<vmem>>, vector<16xf32>,
        %scan3A_1015 = arith.constant 0 : i32
        scf.yield %scan3A_1015 : i32
      }
      %scan3A_906 = arith.constant 625 : i32
      %dma_wait3A_907 = arith.constant 1 : i32
      %dma_wait3A_908 = tpu.memref_slice %arg2[%dma_wait3A_907, %add3A_845] : memref<2x1600000xi32, #tpu.memory_space<hbm>> -> memref<1x10000xi32, #tpu.memory_space<hbm>>
      %dma_wait3A_909 = tpu.memref_squeeze %dma_wait3A_908 : memref<1x10000xi32, #tpu.memory_space<hbm>> -> memref<10000xi32, #tpu.memory_space<hbm>>
      %dma_wait3A_910 = tpu.memref_slice %arg2[%dma_wait3A_907, %add3A_845] : memref<2x1600000xi32, #tpu.memory_space<hbm>> -> memref<1x10000xi32, #tpu.memory_space<hbm>>
      %dma_wait3A_911 = tpu.memref_squeeze %dma_wait3A_910 : memref<1x10000xi32, #tpu.memory_space<hbm>> -> memref<10000xi32, #tpu.memory_space<hbm>>
      tpu.wait_dma2 semaphore(%arg28 : memref<!tpu.dma_semaphore, #tpu.memory_space<semaphore_mem>>) src(%dma_wait3A_911 : memref<10000xi32, #tpu.memory_space<hbm>>) dst(%arg11 : memref<10000xi32, #tpu.memory_space<vmem>>)
      %dma_start3A_912 = arith.constant 0 : i32
      %dma_start3A_913 = tpu.memref_slice %arg23[%dma_start3A_912] : memref<100352xf32, #tpu.memory_space<vmem_shared>> -> memref<100352xf32, #tpu.memory_space<vmem_shared>>
      tpu.enqueue_indirect_dma source(%arg15 : memref<10000xf32, #tpu.memory_space<vmem>>) target(%dma_start3A_913 : memref<100352xf32, #tpu.memory_space<vmem_shared>>) offsets(%arg11 : memref<10000xi32, #tpu.memory_space<vmem>>) semaphore(%arg34 : memref<!tpu.dma_semaphore, #tpu.memory_space<semaphore_mem>>) {add = true}
      %dma_wait3A_914 = arith.constant 0 : i32
      %dma_wait3A_915 = tpu.memref_slice %arg2[%dma_wait3A_914, %add3A_879] : memref<2x1600000xi32, #tpu.memory_space<hbm>> -> memref<1x10000xi32, #tpu.memory_space<hbm>>
      %dma_wait3A_916 = tpu.memref_squeeze %dma_wait3A_915 : memref<1x10000xi32, #tpu.memory_space<hbm>> -> memref<10000xi32, #tpu.memory_space<hbm>>
      %dma_wait3A_917 = tpu.memref_slice %arg2[%dma_wait3A_914, %add3A_879] : memref<2x1600000xi32, #tpu.memory_space<hbm>> -> memref<1x10000xi32, #tpu.memory_space<hbm>>
      %dma_wait3A_918 = tpu.memref_squeeze %dma_wait3A_917 : memref<1x10000xi32, #tpu.memory_space<hbm>> -> memref<10000xi32, #tpu.memory_space<hbm>>
      tpu.wait_dma2 semaphore(%arg25 : memref<!tpu.dma_semaphore, #tpu.memory_space<semaphore_mem>>) src(%dma_wait3A_918 : memref<10000xi32, #tpu.memory_space<hbm>>) dst(%arg8 : memref<10000xi32, #tpu.memory_space<vmem>>)
      %dma_start3A_919 = arith.constant 0 : i32
      %dma_start3A_920 = tpu.memref_slice %arg22[%dma_start3A_919] : memref<100352xf32, #tpu.memory_space<vmem_shared>> -> memref<100352xf32, #tpu.memory_space<vmem_shared>>
      tpu.enqueue_indirect_dma source(%dma_start3A_920 : memref<100352xf32, #tpu.memory_space<vmem_shared>>) target(%arg14 : memref<10000xf32, #tpu.memory_space<vmem>>) offsets(%arg8 : memref<10000xi32, #tpu.memory_space<vmem>>) semaphore(%arg31 : memref<!tpu.dma_semaphore, #tpu.memory_space<semaphore_mem>>)
      %dma_wait3A_921 = arith.constant 0 : i32
      %dma_wait3A_922 = tpu.memref_slice %arg23[%dma_wait3A_921] : memref<100352xf32, #tpu.memory_space<vmem_shared>> -> memref<100352xf32, #tpu.memory_space<vmem_shared>>
      tpu.wait_indirect_dma semaphore(%arg34 : memref<!tpu.dma_semaphore, #tpu.memory_space<semaphore_mem>>) src(%arg15 : memref<10000xf32, #tpu.memory_space<vmem>>) dst(%dma_wait3A_922 : memref<100352xf32, #tpu.memory_space<vmem_shared>>)
      %add3A_923 = arith.constant 90000 : i32
      %add3A_924 = arith.addi %mul3A_0, %add3A_923 : i32
      %dma_start3A_925 = arith.constant 0 : i32
      %dma_start3A_926 = tpu.memref_slice %arg2[%dma_start3A_925, %add3A_924] : memref<2x1600000xi32, #tpu.memory_space<hbm>> -> memref<1x10000xi32, #tpu.memory_space<hbm>>
      %dma_start3A_927 = tpu.memref_squeeze %dma_start3A_926 : memref<1x10000xi32, #tpu.memory_space<hbm>> -> memref<10000xi32, #tpu.memory_space<hbm>>
      %dma_start3A_928 = tpu.memref_slice %arg2[%dma_start3A_925, %add3A_924] : memref<2x1600000xi32, #tpu.memory_space<hbm>> -> memref<1x10000xi32, #tpu.memory_space<hbm>>
      %dma_start3A_929 = tpu.memref_squeeze %dma_start3A_928 : memref<1x10000xi32, #tpu.memory_space<hbm>> -> memref<10000xi32, #tpu.memory_space<hbm>>
      tpu.enqueue_dma source(%dma_start3A_929 : memref<10000xi32, #tpu.memory_space<hbm>>) target(%arg9 : memref<10000xi32, #tpu.memory_space<vmem>>) target_semaphore(%arg26 : memref<!tpu.dma_semaphore, #tpu.memory_space<semaphore_mem>>)
      %add3A_930 = arith.constant 90000 : i32
      %add3A_931 = arith.addi %mul3A_0, %add3A_930 : i32
      %dma_start3A_932 = tpu.memref_slice %arg3[%add3A_931] : memref<1600000xf32, #tpu.memory_space<hbm>> -> memref<10000xf32, #tpu.memory_space<hbm>>
      %dma_start3A_933 = tpu.memref_slice %arg3[%add3A_931] : memref<1600000xf32, #tpu.memory_space<hbm>> -> memref<10000xf32, #tpu.memory_space<hbm>>
      tpu.enqueue_dma source(%dma_start3A_933 : memref<10000xf32, #tpu.memory_space<hbm>>) target(%arg13 : memref<10000xf32, #tpu.memory_space<vmem>>) target_semaphore(%arg30 : memref<!tpu.dma_semaphore, #tpu.memory_space<semaphore_mem>>)
      %add3A_934 = arith.constant 90000 : i32
      %add3A_935 = arith.addi %mul3A_0, %add3A_934 : i32
      %dma_start3A_936 = arith.constant 1 : i32
      %dma_start3A_937 = tpu.memref_slice %arg2[%dma_start3A_936, %add3A_935] : memref<2x1600000xi32, #tpu.memory_space<hbm>> -> memref<1x10000xi32, #tpu.memory_space<hbm>>
      %dma_start3A_938 = tpu.memref_squeeze %dma_start3A_937 : memref<1x10000xi32, #tpu.memory_space<hbm>> -> memref<10000xi32, #tpu.memory_space<hbm>>
      %dma_start3A_939 = tpu.memref_slice %arg2[%dma_start3A_936, %add3A_935] : memref<2x1600000xi32, #tpu.memory_space<hbm>> -> memref<1x10000xi32, #tpu.memory_space<hbm>>
      %dma_start3A_940 = tpu.memref_squeeze %dma_start3A_939 : memref<1x10000xi32, #tpu.memory_space<hbm>> -> memref<10000xi32, #tpu.memory_space<hbm>>
      tpu.enqueue_dma source(%dma_start3A_940 : memref<10000xi32, #tpu.memory_space<hbm>>) target(%arg11 : memref<10000xi32, #tpu.memory_space<vmem>>) target_semaphore(%arg28 : memref<!tpu.dma_semaphore, #tpu.memory_space<semaphore_mem>>)
      %dma_wait3A_941 = arith.constant 0 : i32
      %dma_wait3A_942 = tpu.memref_slice %arg22[%dma_wait3A_941] : memref<100352xf32, #tpu.memory_space<vmem_shared>> -> memref<100352xf32, #tpu.memory_space<vmem_shared>>
      tpu.wait_indirect_dma semaphore(%arg31 : memref<!tpu.dma_semaphore, #tpu.memory_space<semaphore_mem>>) src(%dma_wait3A_942 : memref<100352xf32, #tpu.memory_space<vmem_shared>>) dst(%arg14 : memref<10000xf32, #tpu.memory_space<vmem>>)
      %dma_wait3A_943 = tpu.memref_slice %arg3[%add3A_886] : memref<1600000xf32, #tpu.memory_space<hbm>> -> memref<10000xf32, #tpu.memory_space<hbm>>
      %dma_wait3A_944 = tpu.memref_slice %arg3[%add3A_886] : memref<1600000xf32, #tpu.memory_space<hbm>> -> memref<10000xf32, #tpu.memory_space<hbm>>
      tpu.wait_dma2 semaphore(%arg29 : memref<!tpu.dma_semaphore, #tpu.memory_space<semaphore_mem>>) src(%dma_wait3A_944 : memref<10000xf32, #tpu.memory_space<hbm>>) dst(%arg12 : memref<10000xf32, #tpu.memory_space<vmem>>)
      %scan3A_945 = arith.constant 0 : i32
      %scan3A_946 = arith.constant 0 : i32
      %scan3A_947 = arith.constant 625 : i32
      %scan3A_948 = arith.addi %scan3A_946, %scan3A_947 : i32
      %scan3A_949 = arith.constant 1 : i32
      %scan3A_950 = scf.for %scan3A_1005 = %scan3A_946 to %scan3A_948 step %scan3A_949 iter_args(%scan3A_1006 = %scan3A_945) -> (i32)  : i32 {
        %mul3A_1007 = arith.constant 16 : i32
        %mul3A_1008 = arith.muli %scan3A_1005, %mul3A_1007 : i32
        %get3A_1009 = arith.index_cast %mul3A_1008 : i32 to index
        %get3A_1010 = tpu.vector_load %arg14[%get3A_1009] {strides = array<i32>} : memref<10000xf32, #tpu.memory_space<vmem>>, vector<16xf32>,
        %get3A_1011 = arith.index_cast %mul3A_1008 : i32 to index
        %get3A_1012 = tpu.vector_load %arg12[%get3A_1011] {strides = array<i32>} : memref<10000xf32, #tpu.memory_space<vmem>>, vector<16xf32>,
        %mul3A_1013 = arith.mulf %get3A_1010, %get3A_1012 : vector<16xf32>
        %swap3A = arith.index_cast %mul3A_1008 : i32 to index
        %swap3A_1014 = tpu.vector_load %arg14[%swap3A] {strides = array<i32>} : memref<10000xf32, #tpu.memory_space<vmem>>, vector<16xf32>,
        tpu.vector_store %arg14[%swap3A], %mul3A_1013 {strides = array<i32>} : memref<10000xf32, #tpu.memory_space<vmem>>, vector<16xf32>,
        %scan3A_1015 = arith.constant 0 : i32
        scf.yield %scan3A_1015 : i32
      }
      %scan3A_951 = arith.constant 625 : i32
      %dma_wait3A_952 = arith.constant 1 : i32
      %dma_wait3A_953 = tpu.memref_slice %arg2[%dma_wait3A_952, %add3A_890] : memref<2x1600000xi32, #tpu.memory_space<hbm>> -> memref<1x10000xi32, #tpu.memory_space<hbm>>
      %dma_wait3A_954 = tpu.memref_squeeze %dma_wait3A_953 : memref<1x10000xi32, #tpu.memory_space<hbm>> -> memref<10000xi32, #tpu.memory_space<hbm>>
      %dma_wait3A_955 = tpu.memref_slice %arg2[%dma_wait3A_952, %add3A_890] : memref<2x1600000xi32, #tpu.memory_space<hbm>> -> memref<1x10000xi32, #tpu.memory_space<hbm>>
      %dma_wait3A_956 = tpu.memref_squeeze %dma_wait3A_955 : memref<1x10000xi32, #tpu.memory_space<hbm>> -> memref<10000xi32, #tpu.memory_space<hbm>>
      tpu.wait_dma2 semaphore(%arg27 : memref<!tpu.dma_semaphore, #tpu.memory_space<semaphore_mem>>) src(%dma_wait3A_956 : memref<10000xi32, #tpu.memory_space<hbm>>) dst(%arg10 : memref<10000xi32, #tpu.memory_space<vmem>>)
      %dma_start3A_957 = arith.constant 0 : i32
      %dma_start3A_958 = tpu.memref_slice %arg23[%dma_start3A_957] : memref<100352xf32, #tpu.memory_space<vmem_shared>> -> memref<100352xf32, #tpu.memory_space<vmem_shared>>
      tpu.enqueue_indirect_dma source(%arg14 : memref<10000xf32, #tpu.memory_space<vmem>>) target(%dma_start3A_958 : memref<100352xf32, #tpu.memory_space<vmem_shared>>) offsets(%arg10 : memref<10000xi32, #tpu.memory_space<vmem>>) semaphore(%arg33 : memref<!tpu.dma_semaphore, #tpu.memory_space<semaphore_mem>>) {add = true}
      %dma_wait3A_959 = arith.constant 0 : i32
      %dma_wait3A_960 = tpu.memref_slice %arg2[%dma_wait3A_959, %add3A_924] : memref<2x1600000xi32, #tpu.memory_space<hbm>> -> memref<1x10000xi32, #tpu.memory_space<hbm>>
      %dma_wait3A_961 = tpu.memref_squeeze %dma_wait3A_960 : memref<1x10000xi32, #tpu.memory_space<hbm>> -> memref<10000xi32, #tpu.memory_space<hbm>>
      %dma_wait3A_962 = tpu.memref_slice %arg2[%dma_wait3A_959, %add3A_924] : memref<2x1600000xi32, #tpu.memory_space<hbm>> -> memref<1x10000xi32, #tpu.memory_space<hbm>>
      %dma_wait3A_963 = tpu.memref_squeeze %dma_wait3A_962 : memref<1x10000xi32, #tpu.memory_space<hbm>> -> memref<10000xi32, #tpu.memory_space<hbm>>
      tpu.wait_dma2 semaphore(%arg26 : memref<!tpu.dma_semaphore, #tpu.memory_space<semaphore_mem>>) src(%dma_wait3A_963 : memref<10000xi32, #tpu.memory_space<hbm>>) dst(%arg9 : memref<10000xi32, #tpu.memory_space<vmem>>)
      %dma_start3A_964 = arith.constant 0 : i32
      %dma_start3A_965 = tpu.memref_slice %arg22[%dma_start3A_964] : memref<100352xf32, #tpu.memory_space<vmem_shared>> -> memref<100352xf32, #tpu.memory_space<vmem_shared>>
      tpu.enqueue_indirect_dma source(%dma_start3A_965 : memref<100352xf32, #tpu.memory_space<vmem_shared>>) target(%arg15 : memref<10000xf32, #tpu.memory_space<vmem>>) offsets(%arg9 : memref<10000xi32, #tpu.memory_space<vmem>>) semaphore(%arg32 : memref<!tpu.dma_semaphore, #tpu.memory_space<semaphore_mem>>)
      %dma_wait3A_966 = arith.constant 0 : i32
      %dma_wait3A_967 = tpu.memref_slice %arg23[%dma_wait3A_966] : memref<100352xf32, #tpu.memory_space<vmem_shared>> -> memref<100352xf32, #tpu.memory_space<vmem_shared>>
      tpu.wait_indirect_dma semaphore(%arg33 : memref<!tpu.dma_semaphore, #tpu.memory_space<semaphore_mem>>) src(%arg14 : memref<10000xf32, #tpu.memory_space<vmem>>) dst(%dma_wait3A_967 : memref<100352xf32, #tpu.memory_space<vmem_shared>>)
      %dma_wait3A_968 = arith.constant 0 : i32
      %dma_wait3A_969 = tpu.memref_slice %arg22[%dma_wait3A_968] : memref<100352xf32, #tpu.memory_space<vmem_shared>> -> memref<100352xf32, #tpu.memory_space<vmem_shared>>
      tpu.wait_indirect_dma semaphore(%arg32 : memref<!tpu.dma_semaphore, #tpu.memory_space<semaphore_mem>>) src(%dma_wait3A_969 : memref<100352xf32, #tpu.memory_space<vmem_shared>>) dst(%arg15 : memref<10000xf32, #tpu.memory_space<vmem>>)
      %dma_wait3A_970 = tpu.memref_slice %arg3[%add3A_931] : memref<1600000xf32, #tpu.memory_space<hbm>> -> memref<10000xf32, #tpu.memory_space<hbm>>
      %dma_wait3A_971 = tpu.memref_slice %arg3[%add3A_931] : memref<1600000xf32, #tpu.memory_space<hbm>> -> memref<10000xf32, #tpu.memory_space<hbm>>
      tpu.wait_dma2 semaphore(%arg30 : memref<!tpu.dma_semaphore, #tpu.memory_space<semaphore_mem>>) src(%dma_wait3A_971 : memref<10000xf32, #tpu.memory_space<hbm>>) dst(%arg13 : memref<10000xf32, #tpu.memory_space<vmem>>)
      %scan3A_972 = arith.constant 0 : i32
      %scan3A_973 = arith.constant 0 : i32
      %scan3A_974 = arith.constant 625 : i32
      %scan3A_975 = arith.addi %scan3A_973, %scan3A_974 : i32
      %scan3A_976 = arith.constant 1 : i32
      %scan3A_977 = scf.for %scan3A_1005 = %scan3A_973 to %scan3A_975 step %scan3A_976 iter_args(%scan3A_1006 = %scan3A_972) -> (i32)  : i32 {
        %mul3A_1007 = arith.constant 16 : i32
        %mul3A_1008 = arith.muli %scan3A_1005, %mul3A_1007 : i32
        %get3A_1009 = arith.index_cast %mul3A_1008 : i32 to index
        %get3A_1010 = tpu.vector_load %arg15[%get3A_1009] {strides = array<i32>} : memref<10000xf32, #tpu.memory_space<vmem>>, vector<16xf32>,
        %get3A_1011 = arith.index_cast %mul3A_1008 : i32 to index
        %get3A_1012 = tpu.vector_load %arg13[%get3A_1011] {strides = array<i32>} : memref<10000xf32, #tpu.memory_space<vmem>>, vector<16xf32>,
        %mul3A_1013 = arith.mulf %get3A_1010, %get3A_1012 : vector<16xf32>
        %swap3A = arith.index_cast %mul3A_1008 : i32 to index
        %swap3A_1014 = tpu.vector_load %arg15[%swap3A] {strides = array<i32>} : memref<10000xf32, #tpu.memory_space<vmem>>, vector<16xf32>,
        tpu.vector_store %arg15[%swap3A], %mul3A_1013 {strides = array<i32>} : memref<10000xf32, #tpu.memory_space<vmem>>, vector<16xf32>,
        %scan3A_1015 = arith.constant 0 : i32
        scf.yield %scan3A_1015 : i32
      }
      %scan3A_978 = arith.constant 625 : i32
      %dma_wait3A_979 = arith.constant 1 : i32
      %dma_wait3A_980 = tpu.memref_slice %arg2[%dma_wait3A_979, %add3A_935] : memref<2x1600000xi32, #tpu.memory_space<hbm>> -> memref<1x10000xi32, #tpu.memory_space<hbm>>
      %dma_wait3A_981 = tpu.memref_squeeze %dma_wait3A_980 : memref<1x10000xi32, #tpu.memory_space<hbm>> -> memref<10000xi32, #tpu.memory_space<hbm>>
      %dma_wait3A_982 = tpu.memref_slice %arg2[%dma_wait3A_979, %add3A_935] : memref<2x1600000xi32, #tpu.memory_space<hbm>> -> memref<1x10000xi32, #tpu.memory_space<hbm>>
      %dma_wait3A_983 = tpu.memref_squeeze %dma_wait3A_982 : memref<1x10000xi32, #tpu.memory_space<hbm>> -> memref<10000xi32, #tpu.memory_space<hbm>>
      tpu.wait_dma2 semaphore(%arg28 : memref<!tpu.dma_semaphore, #tpu.memory_space<semaphore_mem>>) src(%dma_wait3A_983 : memref<10000xi32, #tpu.memory_space<hbm>>) dst(%arg11 : memref<10000xi32, #tpu.memory_space<vmem>>)
      %dma_start3A_984 = arith.constant 0 : i32
      %dma_start3A_985 = tpu.memref_slice %arg23[%dma_start3A_984] : memref<100352xf32, #tpu.memory_space<vmem_shared>> -> memref<100352xf32, #tpu.memory_space<vmem_shared>>
      tpu.enqueue_indirect_dma source(%arg15 : memref<10000xf32, #tpu.memory_space<vmem>>) target(%dma_start3A_985 : memref<100352xf32, #tpu.memory_space<vmem_shared>>) offsets(%arg11 : memref<10000xi32, #tpu.memory_space<vmem>>) semaphore(%arg34 : memref<!tpu.dma_semaphore, #tpu.memory_space<semaphore_mem>>) {add = true}
      %dma_wait3A_986 = arith.constant 0 : i32
      %dma_wait3A_987 = tpu.memref_slice %arg23[%dma_wait3A_986] : memref<100352xf32, #tpu.memory_space<vmem_shared>> -> memref<100352xf32, #tpu.memory_space<vmem_shared>>
      tpu.wait_indirect_dma semaphore(%arg34 : memref<!tpu.dma_semaphore, #tpu.memory_space<semaphore_mem>>) src(%arg15 : memref<10000xf32, #tpu.memory_space<vmem>>) dst(%dma_wait3A_987 : memref<100352xf32, #tpu.memory_space<vmem_shared>>)
      %barrier3A_988 = arith.constant 0 : index
      tpu.barrier barrier_id(%barrier3A_988)
      "tpu.region"() ({
        %run_scoped3A = tpu.sem_alloc : memref<!tpu.dma_semaphore, #tpu.memory_space<semaphore_mem>>
        %dma_start3A_1005 = tpu.memref_slice %arg23[%mul3A_2] : memref<100352xf32, #tpu.memory_space<vmem_shared>> -> memref<6272xf32, #tpu.memory_space<vmem_shared>>
        %dma_start3A_1006 = tpu.memref_slice %arg23[%mul3A_2] : memref<100352xf32, #tpu.memory_space<vmem_shared>> -> memref<6272xf32, #tpu.memory_space<vmem_shared>>
        tpu.enqueue_dma source(%dma_start3A_1006 : memref<6272xf32, #tpu.memory_space<vmem_shared>>) target(%arg17 : memref<6272xf32, #tpu.memory_space<vmem>>) target_semaphore(%run_scoped3A : memref<!tpu.dma_semaphore, #tpu.memory_space<semaphore_mem>>)
        %dma_wait3A_1007 = tpu.memref_slice %arg23[%mul3A_2] : memref<100352xf32, #tpu.memory_space<vmem_shared>> -> memref<6272xf32, #tpu.memory_space<vmem_shared>>
        %dma_wait3A_1008 = tpu.memref_slice %arg23[%mul3A_2] : memref<100352xf32, #tpu.memory_space<vmem_shared>> -> memref<6272xf32, #tpu.memory_space<vmem_shared>>
        tpu.wait_dma2 semaphore(%run_scoped3A : memref<!tpu.dma_semaphore, #tpu.memory_space<semaphore_mem>>) src(%dma_wait3A_1008 : memref<6272xf32, #tpu.memory_space<vmem_shared>>) dst(%arg17 : memref<6272xf32, #tpu.memory_space<vmem>>)
        tpu.yield
      }) : () -> ()
      "tpu.region"() ({
        %run_scoped3A = tpu.sem_alloc : memref<!tpu.dma_semaphore, #tpu.memory_space<semaphore_mem>>
        %dma_start3A_1005 = tpu.memref_slice %arg22[%mul3A_2] : memref<100352xf32, #tpu.memory_space<vmem_shared>> -> memref<6272xf32, #tpu.memory_space<vmem_shared>>
        %dma_start3A_1006 = tpu.memref_slice %arg22[%mul3A_2] : memref<100352xf32, #tpu.memory_space<vmem_shared>> -> memref<6272xf32, #tpu.memory_space<vmem_shared>>
        tpu.enqueue_dma source(%dma_start3A_1006 : memref<6272xf32, #tpu.memory_space<vmem_shared>>) target(%arg19 : memref<6272xf32, #tpu.memory_space<vmem>>) target_semaphore(%run_scoped3A : memref<!tpu.dma_semaphore, #tpu.memory_space<semaphore_mem>>)
        %dma_wait3A_1007 = tpu.memref_slice %arg22[%mul3A_2] : memref<100352xf32, #tpu.memory_space<vmem_shared>> -> memref<6272xf32, #tpu.memory_space<vmem_shared>>
        %dma_wait3A_1008 = tpu.memref_slice %arg22[%mul3A_2] : memref<100352xf32, #tpu.memory_space<vmem_shared>> -> memref<6272xf32, #tpu.memory_space<vmem_shared>>
        tpu.wait_dma2 semaphore(%run_scoped3A : memref<!tpu.dma_semaphore, #tpu.memory_space<semaphore_mem>>) src(%dma_wait3A_1008 : memref<6272xf32, #tpu.memory_space<vmem_shared>>) dst(%arg19 : memref<6272xf32, #tpu.memory_space<vmem>>)
        tpu.yield
      }) : () -> ()
      %scan3A_989 = arith.constant 0 : i32
      %scan3A_990 = arith.constant 0 : i32
      %scan3A_991 = arith.constant 392 : i32
      %scan3A_992 = arith.addi %scan3A_990, %scan3A_991 : i32
      %scan3A_993 = arith.constant 1 : i32
      %scan3A_994 = scf.for %scan3A_1005 = %scan3A_990 to %scan3A_992 step %scan3A_993 iter_args(%scan3A_1006 = %scan3A_989) -> (i32)  : i32 {
        %mul3A_1007 = arith.constant 16 : i32
        %mul3A_1008 = arith.muli %scan3A_1005, %mul3A_1007 : i32
        %get3A_1009 = arith.index_cast %mul3A_1008 : i32 to index
        %get3A_1010 = tpu.vector_load %arg17[%get3A_1009] {strides = array<i32>} : memref<6272xf32, #tpu.memory_space<vmem>>, vector<16xf32>,
        %get3A_1011 = arith.index_cast %mul3A_1008 : i32 to index
        %get3A_1012 = tpu.vector_load %arg18[%get3A_1011] {strides = array<i32>} : memref<6272xf32, #tpu.memory_space<vmem>>, vector<16xf32>,
        %mul3A_1013 = arith.mulf %get3A_1010, %get3A_1012 : vector<16xf32>
        %get3A_1014 = arith.index_cast %mul3A_1008 : i32 to index
        %get3A_1015 = tpu.vector_load %arg19[%get3A_1014] {strides = array<i32>} : memref<6272xf32, #tpu.memory_space<vmem>>, vector<16xf32>,
        %mul3A_1016 = arith.mulf %get3A_1015, %get3A_3 : vector<16xf32>
        %add3A_1017 = arith.addf %mul3A_1013, %mul3A_1016 : vector<16xf32>
        %add3A_1018 = arith.addf %add3A_1017, %get3A_5 : vector<16xf32>
        %max3A = arith.constant 0.000000e+00 : f32
        %max3A_1019 = vector.broadcast %max3A : f32 to vector<16xf32>
        %max3A_1020 = arith.maximumf %add3A_1018, %max3A_1019 : vector<16xf32>
        %swap3A = arith.index_cast %mul3A_1008 : i32 to index
        %swap3A_1021 = tpu.vector_load %arg17[%swap3A] {strides = array<i32>} : memref<6272xf32, #tpu.memory_space<vmem>>, vector<16xf32>,
        tpu.vector_store %arg17[%swap3A], %max3A_1020 {strides = array<i32>} : memref<6272xf32, #tpu.memory_space<vmem>>, vector<16xf32>,
        %scan3A_1022 = arith.constant 0 : i32
        scf.yield %scan3A_1022 : i32
      }
      %scan3A_995 = arith.constant 392 : i32
      %scan3A_996 = arith.constant 0 : i32
      %scan3A_997 = arith.constant 0 : i32
      %scan3A_998 = arith.constant 392 : i32
      %scan3A_999 = arith.addi %scan3A_997, %scan3A_998 : i32
      %scan3A_1000 = arith.constant 1 : i32
      %scan3A_1001 = scf.for %scan3A_1005 = %scan3A_997 to %scan3A_999 step %scan3A_1000 iter_args(%scan3A_1006 = %scan3A_996) -> (i32)  : i32 {
        %broadcast_in_dim3A = arith.constant 0.000000e+00 : f32
        %broadcast_in_dim3A_1007 = vector.broadcast %broadcast_in_dim3A : f32 to vector<16xf32>
        %mul3A_1008 = arith.constant 16 : i32
        %mul3A_1009 = arith.muli %scan3A_1005, %mul3A_1008 : i32
        %swap3A = arith.index_cast %mul3A_1009 : i32 to index
        %swap3A_1010 = tpu.vector_load %arg19[%swap3A] {strides = array<i32>} : memref<6272xf32, #tpu.memory_space<vmem>>, vector<16xf32>,
        tpu.vector_store %arg19[%swap3A], %broadcast_in_dim3A_1007 {strides = array<i32>} : memref<6272xf32, #tpu.memory_space<vmem>>, vector<16xf32>,
        %scan3A_1011 = arith.constant 0 : i32
        scf.yield %scan3A_1011 : i32
      }
      %scan3A_1002 = arith.constant 392 : i32
      "tpu.region"() ({
        %run_scoped3A = tpu.sem_alloc : memref<!tpu.dma_semaphore, #tpu.memory_space<semaphore_mem>>
        %dma_start3A_1005 = tpu.memref_slice %arg23[%mul3A_2] : memref<100352xf32, #tpu.memory_space<vmem_shared>> -> memref<6272xf32, #tpu.memory_space<vmem_shared>>
        %dma_start3A_1006 = tpu.memref_slice %arg23[%mul3A_2] : memref<100352xf32, #tpu.memory_space<vmem_shared>> -> memref<6272xf32, #tpu.memory_space<vmem_shared>>
        tpu.enqueue_dma source(%arg19 : memref<6272xf32, #tpu.memory_space<vmem>>) target(%dma_start3A_1006 : memref<6272xf32, #tpu.memory_space<vmem_shared>>) target_semaphore(%run_scoped3A : memref<!tpu.dma_semaphore, #tpu.memory_space<semaphore_mem>>)
        %dma_wait3A_1007 = tpu.memref_slice %arg23[%mul3A_2] : memref<100352xf32, #tpu.memory_space<vmem_shared>> -> memref<6272xf32, #tpu.memory_space<vmem_shared>>
        %dma_wait3A_1008 = tpu.memref_slice %arg23[%mul3A_2] : memref<100352xf32, #tpu.memory_space<vmem_shared>> -> memref<6272xf32, #tpu.memory_space<vmem_shared>>
        tpu.wait_dma2 semaphore(%run_scoped3A : memref<!tpu.dma_semaphore, #tpu.memory_space<semaphore_mem>>) src(%arg19 : memref<6272xf32, #tpu.memory_space<vmem>>) dst(%dma_wait3A_1008 : memref<6272xf32, #tpu.memory_space<vmem_shared>>)
        tpu.yield
      }) : () -> ()
      "tpu.region"() ({
        %run_scoped3A = tpu.sem_alloc : memref<!tpu.dma_semaphore, #tpu.memory_space<semaphore_mem>>
        %dma_start3A_1005 = tpu.memref_slice %arg22[%mul3A_2] : memref<100352xf32, #tpu.memory_space<vmem_shared>> -> memref<6272xf32, #tpu.memory_space<vmem_shared>>
        %dma_start3A_1006 = tpu.memref_slice %arg22[%mul3A_2] : memref<100352xf32, #tpu.memory_space<vmem_shared>> -> memref<6272xf32, #tpu.memory_space<vmem_shared>>
        tpu.enqueue_dma source(%arg17 : memref<6272xf32, #tpu.memory_space<vmem>>) target(%dma_start3A_1006 : memref<6272xf32, #tpu.memory_space<vmem_shared>>) target_semaphore(%run_scoped3A : memref<!tpu.dma_semaphore, #tpu.memory_space<semaphore_mem>>)
        %dma_wait3A_1007 = tpu.memref_slice %arg22[%mul3A_2] : memref<100352xf32, #tpu.memory_space<vmem_shared>> -> memref<6272xf32, #tpu.memory_space<vmem_shared>>
        %dma_wait3A_1008 = tpu.memref_slice %arg22[%mul3A_2] : memref<100352xf32, #tpu.memory_space<vmem_shared>> -> memref<6272xf32, #tpu.memory_space<vmem_shared>>
        tpu.wait_dma2 semaphore(%run_scoped3A : memref<!tpu.dma_semaphore, #tpu.memory_space<semaphore_mem>>) src(%arg17 : memref<6272xf32, #tpu.memory_space<vmem>>) dst(%dma_wait3A_1008 : memref<6272xf32, #tpu.memory_space<vmem_shared>>)
        tpu.yield
      }) : () -> ()
      "tpu.region"() ({
        %run_scoped3A = tpu.sem_alloc : memref<!tpu.dma_semaphore, #tpu.memory_space<semaphore_mem>>
        %dma_start3A_1005 = tpu.memref_slice %arg7[%mul3A_2] : memref<100352xf32, #tpu.memory_space<hbm>> -> memref<6272xf32, #tpu.memory_space<hbm>>
        %dma_start3A_1006 = tpu.memref_slice %arg7[%mul3A_2] : memref<100352xf32, #tpu.memory_space<hbm>> -> memref<6272xf32, #tpu.memory_space<hbm>>
        tpu.enqueue_dma source(%arg17 : memref<6272xf32, #tpu.memory_space<vmem>>) target(%dma_start3A_1006 : memref<6272xf32, #tpu.memory_space<hbm>>) target_semaphore(%run_scoped3A : memref<!tpu.dma_semaphore, #tpu.memory_space<semaphore_mem>>)
        %dma_wait3A_1007 = tpu.memref_slice %arg7[%mul3A_2] : memref<100352xf32, #tpu.memory_space<hbm>> -> memref<6272xf32, #tpu.memory_space<hbm>>
        %dma_wait3A_1008 = tpu.memref_slice %arg7[%mul3A_2] : memref<100352xf32, #tpu.memory_space<hbm>> -> memref<6272xf32, #tpu.memory_space<hbm>>
        tpu.wait_dma2 semaphore(%run_scoped3A : memref<!tpu.dma_semaphore, #tpu.memory_space<semaphore_mem>>) src(%arg17 : memref<6272xf32, #tpu.memory_space<vmem>>) dst(%dma_wait3A_1008 : memref<6272xf32, #tpu.memory_space<hbm>>)
        tpu.yield
      }) : () -> ()
      %barrier3A_1003 = arith.constant 0 : index
      tpu.barrier barrier_id(%barrier3A_1003)
      %scan3A_1004 = arith.constant 0 : i32
      scf.yield %scan3A_1004 : i32
    }
    %scan3A_535 = arith.constant 3 : i32
    return
  }
}

module attributes {stable_mosaic.version = 14 : i64} {
  func.func @_mlp_body(%arg0: i32, %arg1: memref<3x12800xf32, #tpu.memory_space<vmem>>, %arg2: memref<64x3xf32, #tpu.memory_space<vmem>>, %arg3: memref<64x1xf32, #tpu.memory_space<vmem>>, %arg4: memref<64x1xf32, #tpu.memory_space<vmem>>, %arg5: memref<1x1xf32, #tpu.memory_space<vmem>>, %arg6: memref<1x12800xf32, #tpu.memory_space<vmem>>) attributes {dimension_semantics = [#tpu.dimension_semantics<arbitrary>], iteration_bounds = array<i64: 125>, scalar_prefetch = 0 : i64, scratch_operands = 0 : i64, tpu.core_type = #tpu.core_type<tc>, window_params = [{transform_indices = @transform_0, window_bounds = array<i64: 3, 12800>}, {pipeline_mode = #tpu.pipeline_mode<synchronous>, transform_indices = @transform_1, window_bounds = array<i64: 64, 3>}, {pipeline_mode = #tpu.pipeline_mode<synchronous>, transform_indices = @transform_2, window_bounds = array<i64: 64, 1>}, {pipeline_mode = #tpu.pipeline_mode<synchronous>, transform_indices = @transform_3, window_bounds = array<i64: 64, 1>}, {pipeline_mode = #tpu.pipeline_mode<synchronous>, transform_indices = @transform_4, window_bounds = array<i64: 1, 1>}, {transform_indices = @transform_5, window_bounds = array<i64: 1, 12800>}]} {
    %get3A = arith.constant 0 : index
    %get3A_0 = arith.constant 0 : index
    %get3A_1 = vector.load %arg2[%get3A, %get3A_0] : memref<64x3xf32, #tpu.memory_space<vmem>>, vector<64x3xf32>
    %convert_element_type3A = arith.truncf %get3A_1 : vector<64x3xf32> to vector<64x3xbf16>
    %convert_element_type3A_2 = arith.extf %convert_element_type3A : vector<64x3xbf16> to vector<64x3xf32>
    %get3A_3 = arith.constant 0 : index
    %get3A_4 = arith.constant 0 : index
    %get3A_5 = vector.load %arg4[%get3A_3, %get3A_4] : memref<64x1xf32, #tpu.memory_space<vmem>>, vector<64x1xf32>
    %convert_element_type3A_6 = arith.truncf %get3A_5 : vector<64x1xf32> to vector<64x1xbf16>
    %convert_element_type3A_7 = arith.extf %convert_element_type3A_6 : vector<64x1xbf16> to vector<64x1xf32>
    %get3A_8 = arith.constant 0 : index
    %get3A_9 = arith.constant 0 : index
    %get3A_10 = vector.load %arg1[%get3A_8, %get3A_9] : memref<3x12800xf32, #tpu.memory_space<vmem>>, vector<3x512xf32>
    %convert_element_type3A_11 = arith.truncf %get3A_10 : vector<3x512xf32> to vector<3x512xbf16>
    %convert_element_type3A_12 = arith.extf %convert_element_type3A_11 : vector<3x512xbf16> to vector<3x512xf32>
    %slice3A = vector.extract_strided_slice %convert_element_type3A_2 {offsets = [0, 0], sizes = [64, 1], strides = [1, 1]} : vector<64x3xf32> to vector<64x1xf32>
    %slice3A_13 = vector.extract_strided_slice %convert_element_type3A_12 {offsets = [0, 0], sizes = [1, 512], strides = [1, 1]} : vector<3x512xf32> to vector<1x512xf32>
    %mul3A = vector.broadcast %slice3A : vector<64x1xf32> to vector<64x512xf32>
    %mul3A_14 = vector.broadcast %slice3A_13 : vector<1x512xf32> to vector<64x512xf32>
    %mul3A_15 = arith.mulf %mul3A, %mul3A_14 : vector<64x512xf32>
    %slice3A_16 = vector.extract_strided_slice %convert_element_type3A_2 {offsets = [0, 1], sizes = [64, 1], strides = [1, 1]} : vector<64x3xf32> to vector<64x1xf32>
    %slice3A_17 = vector.extract_strided_slice %convert_element_type3A_12 {offsets = [1, 0], sizes = [1, 512], strides = [1, 1]} : vector<3x512xf32> to vector<1x512xf32>
    %mul3A_18 = vector.broadcast %slice3A_16 : vector<64x1xf32> to vector<64x512xf32>
    %mul3A_19 = vector.broadcast %slice3A_17 : vector<1x512xf32> to vector<64x512xf32>
    %mul3A_20 = arith.mulf %mul3A_18, %mul3A_19 : vector<64x512xf32>
    %add3A = arith.addf %mul3A_15, %mul3A_20 : vector<64x512xf32>
    %slice3A_21 = vector.extract_strided_slice %convert_element_type3A_2 {offsets = [0, 2], sizes = [64, 1], strides = [1, 1]} : vector<64x3xf32> to vector<64x1xf32>
    %slice3A_22 = vector.extract_strided_slice %convert_element_type3A_12 {offsets = [2, 0], sizes = [1, 512], strides = [1, 1]} : vector<3x512xf32> to vector<1x512xf32>
    %mul3A_23 = vector.broadcast %slice3A_21 : vector<64x1xf32> to vector<64x512xf32>
    %mul3A_24 = vector.broadcast %slice3A_22 : vector<1x512xf32> to vector<64x512xf32>
    %mul3A_25 = arith.mulf %mul3A_23, %mul3A_24 : vector<64x512xf32>
    %add3A_26 = arith.addf %add3A, %mul3A_25 : vector<64x512xf32>
    %get3A_27 = arith.constant 0 : index
    %get3A_28 = arith.constant 0 : index
    %get3A_29 = vector.load %arg3[%get3A_27, %get3A_28] : memref<64x1xf32, #tpu.memory_space<vmem>>, vector<64x1xf32>
    %add3A_30 = vector.broadcast %get3A_29 : vector<64x1xf32> to vector<64x512xf32>
    %add3A_31 = arith.addf %add3A_26, %add3A_30 : vector<64x512xf32>
    %max3A = arith.constant 0.000000e+00 : f32
    %max3A_32 = vector.broadcast %max3A : f32 to vector<64x512xf32>
    %max3A_33 = arith.maximumf %add3A_31, %max3A_32 : vector<64x512xf32>
    %convert_element_type3A_34 = arith.truncf %max3A_33 : vector<64x512xf32> to vector<64x512xbf16>
    %convert_element_type3A_35 = arith.extf %convert_element_type3A_34 : vector<64x512xbf16> to vector<64x512xf32>
    %mul3A_36 = vector.broadcast %convert_element_type3A_7 : vector<64x1xf32> to vector<64x512xf32>
    %mul3A_37 = arith.mulf %convert_element_type3A_35, %mul3A_36 : vector<64x512xf32>
    %reduce_sum3A = arith.constant dense<0.000000e+00> : vector<512xf32>
    %reduce_sum3A_38 = vector.multi_reduction <add>, %mul3A_37, %reduce_sum3A [0] : vector<64x512xf32> to vector<512xf32>
    %broadcast_in_dim3A = vector.shape_cast %reduce_sum3A_38 : vector<512xf32> to vector<1x512xf32>
    %get3A_39 = arith.constant 0 : index
    %get3A_40 = arith.constant 0 : index
    %get3A_41 = vector.load %arg5[%get3A_39, %get3A_40] : memref<1x1xf32, #tpu.memory_space<vmem>>, vector<1x1xf32>
    %add3A_42 = vector.broadcast %get3A_41 : vector<1x1xf32> to vector<1x512xf32>
    %add3A_43 = arith.addf %broadcast_in_dim3A, %add3A_42 : vector<1x512xf32>
    %swap3A = arith.constant 0 : index
    %swap3A_44 = arith.constant 0 : index
    %swap3A_45 = vector.load %arg6[%swap3A, %swap3A_44] : memref<1x12800xf32, #tpu.memory_space<vmem>>, vector<1x512xf32>
    tpu.vector_store %arg6[%swap3A, %swap3A_44], %add3A_43 {strides = array<i32>} : memref<1x12800xf32, #tpu.memory_space<vmem>>, vector<1x512xf32>,
    %get3A_46 = arith.constant 0 : index
    %get3A_47 = arith.constant 512 : index
    %get3A_48 = vector.load %arg1[%get3A_46, %get3A_47] : memref<3x12800xf32, #tpu.memory_space<vmem>>, vector<3x512xf32>
    %convert_element_type3A_49 = arith.truncf %get3A_48 : vector<3x512xf32> to vector<3x512xbf16>
    %convert_element_type3A_50 = arith.extf %convert_element_type3A_49 : vector<3x512xbf16> to vector<3x512xf32>
    %slice3A_51 = vector.extract_strided_slice %convert_element_type3A_2 {offsets = [0, 0], sizes = [64, 1], strides = [1, 1]} : vector<64x3xf32> to vector<64x1xf32>
    %slice3A_52 = vector.extract_strided_slice %convert_element_type3A_50 {offsets = [0, 0], sizes = [1, 512], strides = [1, 1]} : vector<3x512xf32> to vector<1x512xf32>
    %mul3A_53 = vector.broadcast %slice3A_51 : vector<64x1xf32> to vector<64x512xf32>
    %mul3A_54 = vector.broadcast %slice3A_52 : vector<1x512xf32> to vector<64x512xf32>
    %mul3A_55 = arith.mulf %mul3A_53, %mul3A_54 : vector<64x512xf32>
    %slice3A_56 = vector.extract_strided_slice %convert_element_type3A_2 {offsets = [0, 1], sizes = [64, 1], strides = [1, 1]} : vector<64x3xf32> to vector<64x1xf32>
    %slice3A_57 = vector.extract_strided_slice %convert_element_type3A_50 {offsets = [1, 0], sizes = [1, 512], strides = [1, 1]} : vector<3x512xf32> to vector<1x512xf32>
    %mul3A_58 = vector.broadcast %slice3A_56 : vector<64x1xf32> to vector<64x512xf32>
    %mul3A_59 = vector.broadcast %slice3A_57 : vector<1x512xf32> to vector<64x512xf32>
    %mul3A_60 = arith.mulf %mul3A_58, %mul3A_59 : vector<64x512xf32>
    %add3A_61 = arith.addf %mul3A_55, %mul3A_60 : vector<64x512xf32>
    %slice3A_62 = vector.extract_strided_slice %convert_element_type3A_2 {offsets = [0, 2], sizes = [64, 1], strides = [1, 1]} : vector<64x3xf32> to vector<64x1xf32>
    %slice3A_63 = vector.extract_strided_slice %convert_element_type3A_50 {offsets = [2, 0], sizes = [1, 512], strides = [1, 1]} : vector<3x512xf32> to vector<1x512xf32>
    %mul3A_64 = vector.broadcast %slice3A_62 : vector<64x1xf32> to vector<64x512xf32>
    %mul3A_65 = vector.broadcast %slice3A_63 : vector<1x512xf32> to vector<64x512xf32>
    %mul3A_66 = arith.mulf %mul3A_64, %mul3A_65 : vector<64x512xf32>
    %add3A_67 = arith.addf %add3A_61, %mul3A_66 : vector<64x512xf32>
    %get3A_68 = arith.constant 0 : index
    %get3A_69 = arith.constant 0 : index
    %get3A_70 = vector.load %arg3[%get3A_68, %get3A_69] : memref<64x1xf32, #tpu.memory_space<vmem>>, vector<64x1xf32>
    %add3A_71 = vector.broadcast %get3A_70 : vector<64x1xf32> to vector<64x512xf32>
    %add3A_72 = arith.addf %add3A_67, %add3A_71 : vector<64x512xf32>
    %max3A_73 = arith.constant 0.000000e+00 : f32
    %max3A_74 = vector.broadcast %max3A_73 : f32 to vector<64x512xf32>
    %max3A_75 = arith.maximumf %add3A_72, %max3A_74 : vector<64x512xf32>
    %convert_element_type3A_76 = arith.truncf %max3A_75 : vector<64x512xf32> to vector<64x512xbf16>
    %convert_element_type3A_77 = arith.extf %convert_element_type3A_76 : vector<64x512xbf16> to vector<64x512xf32>
    %mul3A_78 = vector.broadcast %convert_element_type3A_7 : vector<64x1xf32> to vector<64x512xf32>
    %mul3A_79 = arith.mulf %convert_element_type3A_77, %mul3A_78 : vector<64x512xf32>
    %reduce_sum3A_80 = arith.constant dense<0.000000e+00> : vector<512xf32>
    %reduce_sum3A_81 = vector.multi_reduction <add>, %mul3A_79, %reduce_sum3A_80 [0] : vector<64x512xf32> to vector<512xf32>
    %broadcast_in_dim3A_82 = vector.shape_cast %reduce_sum3A_81 : vector<512xf32> to vector<1x512xf32>
    %get3A_83 = arith.constant 0 : index
    %get3A_84 = arith.constant 0 : index
    %get3A_85 = vector.load %arg5[%get3A_83, %get3A_84] : memref<1x1xf32, #tpu.memory_space<vmem>>, vector<1x1xf32>
    %add3A_86 = vector.broadcast %get3A_85 : vector<1x1xf32> to vector<1x512xf32>
    %add3A_87 = arith.addf %broadcast_in_dim3A_82, %add3A_86 : vector<1x512xf32>
    %swap3A_88 = arith.constant 0 : index
    %swap3A_89 = arith.constant 512 : index
    %swap3A_90 = vector.load %arg6[%swap3A_88, %swap3A_89] : memref<1x12800xf32, #tpu.memory_space<vmem>>, vector<1x512xf32>
    tpu.vector_store %arg6[%swap3A_88, %swap3A_89], %add3A_87 {strides = array<i32>} : memref<1x12800xf32, #tpu.memory_space<vmem>>, vector<1x512xf32>,
    %get3A_91 = arith.constant 0 : index
    %get3A_92 = arith.constant 1024 : index
    %get3A_93 = vector.load %arg1[%get3A_91, %get3A_92] : memref<3x12800xf32, #tpu.memory_space<vmem>>, vector<3x512xf32>
    %convert_element_type3A_94 = arith.truncf %get3A_93 : vector<3x512xf32> to vector<3x512xbf16>
    %convert_element_type3A_95 = arith.extf %convert_element_type3A_94 : vector<3x512xbf16> to vector<3x512xf32>
    %slice3A_96 = vector.extract_strided_slice %convert_element_type3A_2 {offsets = [0, 0], sizes = [64, 1], strides = [1, 1]} : vector<64x3xf32> to vector<64x1xf32>
    %slice3A_97 = vector.extract_strided_slice %convert_element_type3A_95 {offsets = [0, 0], sizes = [1, 512], strides = [1, 1]} : vector<3x512xf32> to vector<1x512xf32>
    %mul3A_98 = vector.broadcast %slice3A_96 : vector<64x1xf32> to vector<64x512xf32>
    %mul3A_99 = vector.broadcast %slice3A_97 : vector<1x512xf32> to vector<64x512xf32>
    %mul3A_100 = arith.mulf %mul3A_98, %mul3A_99 : vector<64x512xf32>
    %slice3A_101 = vector.extract_strided_slice %convert_element_type3A_2 {offsets = [0, 1], sizes = [64, 1], strides = [1, 1]} : vector<64x3xf32> to vector<64x1xf32>
    %slice3A_102 = vector.extract_strided_slice %convert_element_type3A_95 {offsets = [1, 0], sizes = [1, 512], strides = [1, 1]} : vector<3x512xf32> to vector<1x512xf32>
    %mul3A_103 = vector.broadcast %slice3A_101 : vector<64x1xf32> to vector<64x512xf32>
    %mul3A_104 = vector.broadcast %slice3A_102 : vector<1x512xf32> to vector<64x512xf32>
    %mul3A_105 = arith.mulf %mul3A_103, %mul3A_104 : vector<64x512xf32>
    %add3A_106 = arith.addf %mul3A_100, %mul3A_105 : vector<64x512xf32>
    %slice3A_107 = vector.extract_strided_slice %convert_element_type3A_2 {offsets = [0, 2], sizes = [64, 1], strides = [1, 1]} : vector<64x3xf32> to vector<64x1xf32>
    %slice3A_108 = vector.extract_strided_slice %convert_element_type3A_95 {offsets = [2, 0], sizes = [1, 512], strides = [1, 1]} : vector<3x512xf32> to vector<1x512xf32>
    %mul3A_109 = vector.broadcast %slice3A_107 : vector<64x1xf32> to vector<64x512xf32>
    %mul3A_110 = vector.broadcast %slice3A_108 : vector<1x512xf32> to vector<64x512xf32>
    %mul3A_111 = arith.mulf %mul3A_109, %mul3A_110 : vector<64x512xf32>
    %add3A_112 = arith.addf %add3A_106, %mul3A_111 : vector<64x512xf32>
    %get3A_113 = arith.constant 0 : index
    %get3A_114 = arith.constant 0 : index
    %get3A_115 = vector.load %arg3[%get3A_113, %get3A_114] : memref<64x1xf32, #tpu.memory_space<vmem>>, vector<64x1xf32>
    %add3A_116 = vector.broadcast %get3A_115 : vector<64x1xf32> to vector<64x512xf32>
    %add3A_117 = arith.addf %add3A_112, %add3A_116 : vector<64x512xf32>
    %max3A_118 = arith.constant 0.000000e+00 : f32
    %max3A_119 = vector.broadcast %max3A_118 : f32 to vector<64x512xf32>
    %max3A_120 = arith.maximumf %add3A_117, %max3A_119 : vector<64x512xf32>
    %convert_element_type3A_121 = arith.truncf %max3A_120 : vector<64x512xf32> to vector<64x512xbf16>
    %convert_element_type3A_122 = arith.extf %convert_element_type3A_121 : vector<64x512xbf16> to vector<64x512xf32>
    %mul3A_123 = vector.broadcast %convert_element_type3A_7 : vector<64x1xf32> to vector<64x512xf32>
    %mul3A_124 = arith.mulf %convert_element_type3A_122, %mul3A_123 : vector<64x512xf32>
    %reduce_sum3A_125 = arith.constant dense<0.000000e+00> : vector<512xf32>
    %reduce_sum3A_126 = vector.multi_reduction <add>, %mul3A_124, %reduce_sum3A_125 [0] : vector<64x512xf32> to vector<512xf32>
    %broadcast_in_dim3A_127 = vector.shape_cast %reduce_sum3A_126 : vector<512xf32> to vector<1x512xf32>
    %get3A_128 = arith.constant 0 : index
    %get3A_129 = arith.constant 0 : index
    %get3A_130 = vector.load %arg5[%get3A_128, %get3A_129] : memref<1x1xf32, #tpu.memory_space<vmem>>, vector<1x1xf32>
    %add3A_131 = vector.broadcast %get3A_130 : vector<1x1xf32> to vector<1x512xf32>
    %add3A_132 = arith.addf %broadcast_in_dim3A_127, %add3A_131 : vector<1x512xf32>
    %swap3A_133 = arith.constant 0 : index
    %swap3A_134 = arith.constant 1024 : index
    %swap3A_135 = vector.load %arg6[%swap3A_133, %swap3A_134] : memref<1x12800xf32, #tpu.memory_space<vmem>>, vector<1x512xf32>
    tpu.vector_store %arg6[%swap3A_133, %swap3A_134], %add3A_132 {strides = array<i32>} : memref<1x12800xf32, #tpu.memory_space<vmem>>, vector<1x512xf32>,
    %get3A_136 = arith.constant 0 : index
    %get3A_137 = arith.constant 1536 : index
    %get3A_138 = vector.load %arg1[%get3A_136, %get3A_137] : memref<3x12800xf32, #tpu.memory_space<vmem>>, vector<3x512xf32>
    %convert_element_type3A_139 = arith.truncf %get3A_138 : vector<3x512xf32> to vector<3x512xbf16>
    %convert_element_type3A_140 = arith.extf %convert_element_type3A_139 : vector<3x512xbf16> to vector<3x512xf32>
    %slice3A_141 = vector.extract_strided_slice %convert_element_type3A_2 {offsets = [0, 0], sizes = [64, 1], strides = [1, 1]} : vector<64x3xf32> to vector<64x1xf32>
    %slice3A_142 = vector.extract_strided_slice %convert_element_type3A_140 {offsets = [0, 0], sizes = [1, 512], strides = [1, 1]} : vector<3x512xf32> to vector<1x512xf32>
    %mul3A_143 = vector.broadcast %slice3A_141 : vector<64x1xf32> to vector<64x512xf32>
    %mul3A_144 = vector.broadcast %slice3A_142 : vector<1x512xf32> to vector<64x512xf32>
    %mul3A_145 = arith.mulf %mul3A_143, %mul3A_144 : vector<64x512xf32>
    %slice3A_146 = vector.extract_strided_slice %convert_element_type3A_2 {offsets = [0, 1], sizes = [64, 1], strides = [1, 1]} : vector<64x3xf32> to vector<64x1xf32>
    %slice3A_147 = vector.extract_strided_slice %convert_element_type3A_140 {offsets = [1, 0], sizes = [1, 512], strides = [1, 1]} : vector<3x512xf32> to vector<1x512xf32>
    %mul3A_148 = vector.broadcast %slice3A_146 : vector<64x1xf32> to vector<64x512xf32>
    %mul3A_149 = vector.broadcast %slice3A_147 : vector<1x512xf32> to vector<64x512xf32>
    %mul3A_150 = arith.mulf %mul3A_148, %mul3A_149 : vector<64x512xf32>
    %add3A_151 = arith.addf %mul3A_145, %mul3A_150 : vector<64x512xf32>
    %slice3A_152 = vector.extract_strided_slice %convert_element_type3A_2 {offsets = [0, 2], sizes = [64, 1], strides = [1, 1]} : vector<64x3xf32> to vector<64x1xf32>
    %slice3A_153 = vector.extract_strided_slice %convert_element_type3A_140 {offsets = [2, 0], sizes = [1, 512], strides = [1, 1]} : vector<3x512xf32> to vector<1x512xf32>
    %mul3A_154 = vector.broadcast %slice3A_152 : vector<64x1xf32> to vector<64x512xf32>
    %mul3A_155 = vector.broadcast %slice3A_153 : vector<1x512xf32> to vector<64x512xf32>
    %mul3A_156 = arith.mulf %mul3A_154, %mul3A_155 : vector<64x512xf32>
    %add3A_157 = arith.addf %add3A_151, %mul3A_156 : vector<64x512xf32>
    %get3A_158 = arith.constant 0 : index
    %get3A_159 = arith.constant 0 : index
    %get3A_160 = vector.load %arg3[%get3A_158, %get3A_159] : memref<64x1xf32, #tpu.memory_space<vmem>>, vector<64x1xf32>
    %add3A_161 = vector.broadcast %get3A_160 : vector<64x1xf32> to vector<64x512xf32>
    %add3A_162 = arith.addf %add3A_157, %add3A_161 : vector<64x512xf32>
    %max3A_163 = arith.constant 0.000000e+00 : f32
    %max3A_164 = vector.broadcast %max3A_163 : f32 to vector<64x512xf32>
    %max3A_165 = arith.maximumf %add3A_162, %max3A_164 : vector<64x512xf32>
    %convert_element_type3A_166 = arith.truncf %max3A_165 : vector<64x512xf32> to vector<64x512xbf16>
    %convert_element_type3A_167 = arith.extf %convert_element_type3A_166 : vector<64x512xbf16> to vector<64x512xf32>
    %mul3A_168 = vector.broadcast %convert_element_type3A_7 : vector<64x1xf32> to vector<64x512xf32>
    %mul3A_169 = arith.mulf %convert_element_type3A_167, %mul3A_168 : vector<64x512xf32>
    %reduce_sum3A_170 = arith.constant dense<0.000000e+00> : vector<512xf32>
    %reduce_sum3A_171 = vector.multi_reduction <add>, %mul3A_169, %reduce_sum3A_170 [0] : vector<64x512xf32> to vector<512xf32>
    %broadcast_in_dim3A_172 = vector.shape_cast %reduce_sum3A_171 : vector<512xf32> to vector<1x512xf32>
    %get3A_173 = arith.constant 0 : index
    %get3A_174 = arith.constant 0 : index
    %get3A_175 = vector.load %arg5[%get3A_173, %get3A_174] : memref<1x1xf32, #tpu.memory_space<vmem>>, vector<1x1xf32>
    %add3A_176 = vector.broadcast %get3A_175 : vector<1x1xf32> to vector<1x512xf32>
    %add3A_177 = arith.addf %broadcast_in_dim3A_172, %add3A_176 : vector<1x512xf32>
    %swap3A_178 = arith.constant 0 : index
    %swap3A_179 = arith.constant 1536 : index
    %swap3A_180 = vector.load %arg6[%swap3A_178, %swap3A_179] : memref<1x12800xf32, #tpu.memory_space<vmem>>, vector<1x512xf32>
    tpu.vector_store %arg6[%swap3A_178, %swap3A_179], %add3A_177 {strides = array<i32>} : memref<1x12800xf32, #tpu.memory_space<vmem>>, vector<1x512xf32>,
    %get3A_181 = arith.constant 0 : index
    %get3A_182 = arith.constant 2048 : index
    %get3A_183 = vector.load %arg1[%get3A_181, %get3A_182] : memref<3x12800xf32, #tpu.memory_space<vmem>>, vector<3x512xf32>
    %convert_element_type3A_184 = arith.truncf %get3A_183 : vector<3x512xf32> to vector<3x512xbf16>
    %convert_element_type3A_185 = arith.extf %convert_element_type3A_184 : vector<3x512xbf16> to vector<3x512xf32>
    %slice3A_186 = vector.extract_strided_slice %convert_element_type3A_2 {offsets = [0, 0], sizes = [64, 1], strides = [1, 1]} : vector<64x3xf32> to vector<64x1xf32>
    %slice3A_187 = vector.extract_strided_slice %convert_element_type3A_185 {offsets = [0, 0], sizes = [1, 512], strides = [1, 1]} : vector<3x512xf32> to vector<1x512xf32>
    %mul3A_188 = vector.broadcast %slice3A_186 : vector<64x1xf32> to vector<64x512xf32>
    %mul3A_189 = vector.broadcast %slice3A_187 : vector<1x512xf32> to vector<64x512xf32>
    %mul3A_190 = arith.mulf %mul3A_188, %mul3A_189 : vector<64x512xf32>
    %slice3A_191 = vector.extract_strided_slice %convert_element_type3A_2 {offsets = [0, 1], sizes = [64, 1], strides = [1, 1]} : vector<64x3xf32> to vector<64x1xf32>
    %slice3A_192 = vector.extract_strided_slice %convert_element_type3A_185 {offsets = [1, 0], sizes = [1, 512], strides = [1, 1]} : vector<3x512xf32> to vector<1x512xf32>
    %mul3A_193 = vector.broadcast %slice3A_191 : vector<64x1xf32> to vector<64x512xf32>
    %mul3A_194 = vector.broadcast %slice3A_192 : vector<1x512xf32> to vector<64x512xf32>
    %mul3A_195 = arith.mulf %mul3A_193, %mul3A_194 : vector<64x512xf32>
    %add3A_196 = arith.addf %mul3A_190, %mul3A_195 : vector<64x512xf32>
    %slice3A_197 = vector.extract_strided_slice %convert_element_type3A_2 {offsets = [0, 2], sizes = [64, 1], strides = [1, 1]} : vector<64x3xf32> to vector<64x1xf32>
    %slice3A_198 = vector.extract_strided_slice %convert_element_type3A_185 {offsets = [2, 0], sizes = [1, 512], strides = [1, 1]} : vector<3x512xf32> to vector<1x512xf32>
    %mul3A_199 = vector.broadcast %slice3A_197 : vector<64x1xf32> to vector<64x512xf32>
    %mul3A_200 = vector.broadcast %slice3A_198 : vector<1x512xf32> to vector<64x512xf32>
    %mul3A_201 = arith.mulf %mul3A_199, %mul3A_200 : vector<64x512xf32>
    %add3A_202 = arith.addf %add3A_196, %mul3A_201 : vector<64x512xf32>
    %get3A_203 = arith.constant 0 : index
    %get3A_204 = arith.constant 0 : index
    %get3A_205 = vector.load %arg3[%get3A_203, %get3A_204] : memref<64x1xf32, #tpu.memory_space<vmem>>, vector<64x1xf32>
    %add3A_206 = vector.broadcast %get3A_205 : vector<64x1xf32> to vector<64x512xf32>
    %add3A_207 = arith.addf %add3A_202, %add3A_206 : vector<64x512xf32>
    %max3A_208 = arith.constant 0.000000e+00 : f32
    %max3A_209 = vector.broadcast %max3A_208 : f32 to vector<64x512xf32>
    %max3A_210 = arith.maximumf %add3A_207, %max3A_209 : vector<64x512xf32>
    %convert_element_type3A_211 = arith.truncf %max3A_210 : vector<64x512xf32> to vector<64x512xbf16>
    %convert_element_type3A_212 = arith.extf %convert_element_type3A_211 : vector<64x512xbf16> to vector<64x512xf32>
    %mul3A_213 = vector.broadcast %convert_element_type3A_7 : vector<64x1xf32> to vector<64x512xf32>
    %mul3A_214 = arith.mulf %convert_element_type3A_212, %mul3A_213 : vector<64x512xf32>
    %reduce_sum3A_215 = arith.constant dense<0.000000e+00> : vector<512xf32>
    %reduce_sum3A_216 = vector.multi_reduction <add>, %mul3A_214, %reduce_sum3A_215 [0] : vector<64x512xf32> to vector<512xf32>
    %broadcast_in_dim3A_217 = vector.shape_cast %reduce_sum3A_216 : vector<512xf32> to vector<1x512xf32>
    %get3A_218 = arith.constant 0 : index
    %get3A_219 = arith.constant 0 : index
    %get3A_220 = vector.load %arg5[%get3A_218, %get3A_219] : memref<1x1xf32, #tpu.memory_space<vmem>>, vector<1x1xf32>
    %add3A_221 = vector.broadcast %get3A_220 : vector<1x1xf32> to vector<1x512xf32>
    %add3A_222 = arith.addf %broadcast_in_dim3A_217, %add3A_221 : vector<1x512xf32>
    %swap3A_223 = arith.constant 0 : index
    %swap3A_224 = arith.constant 2048 : index
    %swap3A_225 = vector.load %arg6[%swap3A_223, %swap3A_224] : memref<1x12800xf32, #tpu.memory_space<vmem>>, vector<1x512xf32>
    tpu.vector_store %arg6[%swap3A_223, %swap3A_224], %add3A_222 {strides = array<i32>} : memref<1x12800xf32, #tpu.memory_space<vmem>>, vector<1x512xf32>,
    %get3A_226 = arith.constant 0 : index
    %get3A_227 = arith.constant 2560 : index
    %get3A_228 = vector.load %arg1[%get3A_226, %get3A_227] : memref<3x12800xf32, #tpu.memory_space<vmem>>, vector<3x512xf32>
    %convert_element_type3A_229 = arith.truncf %get3A_228 : vector<3x512xf32> to vector<3x512xbf16>
    %convert_element_type3A_230 = arith.extf %convert_element_type3A_229 : vector<3x512xbf16> to vector<3x512xf32>
    %slice3A_231 = vector.extract_strided_slice %convert_element_type3A_2 {offsets = [0, 0], sizes = [64, 1], strides = [1, 1]} : vector<64x3xf32> to vector<64x1xf32>
    %slice3A_232 = vector.extract_strided_slice %convert_element_type3A_230 {offsets = [0, 0], sizes = [1, 512], strides = [1, 1]} : vector<3x512xf32> to vector<1x512xf32>
    %mul3A_233 = vector.broadcast %slice3A_231 : vector<64x1xf32> to vector<64x512xf32>
    %mul3A_234 = vector.broadcast %slice3A_232 : vector<1x512xf32> to vector<64x512xf32>
    %mul3A_235 = arith.mulf %mul3A_233, %mul3A_234 : vector<64x512xf32>
    %slice3A_236 = vector.extract_strided_slice %convert_element_type3A_2 {offsets = [0, 1], sizes = [64, 1], strides = [1, 1]} : vector<64x3xf32> to vector<64x1xf32>
    %slice3A_237 = vector.extract_strided_slice %convert_element_type3A_230 {offsets = [1, 0], sizes = [1, 512], strides = [1, 1]} : vector<3x512xf32> to vector<1x512xf32>
    %mul3A_238 = vector.broadcast %slice3A_236 : vector<64x1xf32> to vector<64x512xf32>
    %mul3A_239 = vector.broadcast %slice3A_237 : vector<1x512xf32> to vector<64x512xf32>
    %mul3A_240 = arith.mulf %mul3A_238, %mul3A_239 : vector<64x512xf32>
    %add3A_241 = arith.addf %mul3A_235, %mul3A_240 : vector<64x512xf32>
    %slice3A_242 = vector.extract_strided_slice %convert_element_type3A_2 {offsets = [0, 2], sizes = [64, 1], strides = [1, 1]} : vector<64x3xf32> to vector<64x1xf32>
    %slice3A_243 = vector.extract_strided_slice %convert_element_type3A_230 {offsets = [2, 0], sizes = [1, 512], strides = [1, 1]} : vector<3x512xf32> to vector<1x512xf32>
    %mul3A_244 = vector.broadcast %slice3A_242 : vector<64x1xf32> to vector<64x512xf32>
    %mul3A_245 = vector.broadcast %slice3A_243 : vector<1x512xf32> to vector<64x512xf32>
    %mul3A_246 = arith.mulf %mul3A_244, %mul3A_245 : vector<64x512xf32>
    %add3A_247 = arith.addf %add3A_241, %mul3A_246 : vector<64x512xf32>
    %get3A_248 = arith.constant 0 : index
    %get3A_249 = arith.constant 0 : index
    %get3A_250 = vector.load %arg3[%get3A_248, %get3A_249] : memref<64x1xf32, #tpu.memory_space<vmem>>, vector<64x1xf32>
    %add3A_251 = vector.broadcast %get3A_250 : vector<64x1xf32> to vector<64x512xf32>
    %add3A_252 = arith.addf %add3A_247, %add3A_251 : vector<64x512xf32>
    %max3A_253 = arith.constant 0.000000e+00 : f32
    %max3A_254 = vector.broadcast %max3A_253 : f32 to vector<64x512xf32>
    %max3A_255 = arith.maximumf %add3A_252, %max3A_254 : vector<64x512xf32>
    %convert_element_type3A_256 = arith.truncf %max3A_255 : vector<64x512xf32> to vector<64x512xbf16>
    %convert_element_type3A_257 = arith.extf %convert_element_type3A_256 : vector<64x512xbf16> to vector<64x512xf32>
    %mul3A_258 = vector.broadcast %convert_element_type3A_7 : vector<64x1xf32> to vector<64x512xf32>
    %mul3A_259 = arith.mulf %convert_element_type3A_257, %mul3A_258 : vector<64x512xf32>
    %reduce_sum3A_260 = arith.constant dense<0.000000e+00> : vector<512xf32>
    %reduce_sum3A_261 = vector.multi_reduction <add>, %mul3A_259, %reduce_sum3A_260 [0] : vector<64x512xf32> to vector<512xf32>
    %broadcast_in_dim3A_262 = vector.shape_cast %reduce_sum3A_261 : vector<512xf32> to vector<1x512xf32>
    %get3A_263 = arith.constant 0 : index
    %get3A_264 = arith.constant 0 : index
    %get3A_265 = vector.load %arg5[%get3A_263, %get3A_264] : memref<1x1xf32, #tpu.memory_space<vmem>>, vector<1x1xf32>
    %add3A_266 = vector.broadcast %get3A_265 : vector<1x1xf32> to vector<1x512xf32>
    %add3A_267 = arith.addf %broadcast_in_dim3A_262, %add3A_266 : vector<1x512xf32>
    %swap3A_268 = arith.constant 0 : index
    %swap3A_269 = arith.constant 2560 : index
    %swap3A_270 = vector.load %arg6[%swap3A_268, %swap3A_269] : memref<1x12800xf32, #tpu.memory_space<vmem>>, vector<1x512xf32>
    tpu.vector_store %arg6[%swap3A_268, %swap3A_269], %add3A_267 {strides = array<i32>} : memref<1x12800xf32, #tpu.memory_space<vmem>>, vector<1x512xf32>,
    %get3A_271 = arith.constant 0 : index
    %get3A_272 = arith.constant 3072 : index
    %get3A_273 = vector.load %arg1[%get3A_271, %get3A_272] : memref<3x12800xf32, #tpu.memory_space<vmem>>, vector<3x512xf32>
    %convert_element_type3A_274 = arith.truncf %get3A_273 : vector<3x512xf32> to vector<3x512xbf16>
    %convert_element_type3A_275 = arith.extf %convert_element_type3A_274 : vector<3x512xbf16> to vector<3x512xf32>
    %slice3A_276 = vector.extract_strided_slice %convert_element_type3A_2 {offsets = [0, 0], sizes = [64, 1], strides = [1, 1]} : vector<64x3xf32> to vector<64x1xf32>
    %slice3A_277 = vector.extract_strided_slice %convert_element_type3A_275 {offsets = [0, 0], sizes = [1, 512], strides = [1, 1]} : vector<3x512xf32> to vector<1x512xf32>
    %mul3A_278 = vector.broadcast %slice3A_276 : vector<64x1xf32> to vector<64x512xf32>
    %mul3A_279 = vector.broadcast %slice3A_277 : vector<1x512xf32> to vector<64x512xf32>
    %mul3A_280 = arith.mulf %mul3A_278, %mul3A_279 : vector<64x512xf32>
    %slice3A_281 = vector.extract_strided_slice %convert_element_type3A_2 {offsets = [0, 1], sizes = [64, 1], strides = [1, 1]} : vector<64x3xf32> to vector<64x1xf32>
    %slice3A_282 = vector.extract_strided_slice %convert_element_type3A_275 {offsets = [1, 0], sizes = [1, 512], strides = [1, 1]} : vector<3x512xf32> to vector<1x512xf32>
    %mul3A_283 = vector.broadcast %slice3A_281 : vector<64x1xf32> to vector<64x512xf32>
    %mul3A_284 = vector.broadcast %slice3A_282 : vector<1x512xf32> to vector<64x512xf32>
    %mul3A_285 = arith.mulf %mul3A_283, %mul3A_284 : vector<64x512xf32>
    %add3A_286 = arith.addf %mul3A_280, %mul3A_285 : vector<64x512xf32>
    %slice3A_287 = vector.extract_strided_slice %convert_element_type3A_2 {offsets = [0, 2], sizes = [64, 1], strides = [1, 1]} : vector<64x3xf32> to vector<64x1xf32>
    %slice3A_288 = vector.extract_strided_slice %convert_element_type3A_275 {offsets = [2, 0], sizes = [1, 512], strides = [1, 1]} : vector<3x512xf32> to vector<1x512xf32>
    %mul3A_289 = vector.broadcast %slice3A_287 : vector<64x1xf32> to vector<64x512xf32>
    %mul3A_290 = vector.broadcast %slice3A_288 : vector<1x512xf32> to vector<64x512xf32>
    %mul3A_291 = arith.mulf %mul3A_289, %mul3A_290 : vector<64x512xf32>
    %add3A_292 = arith.addf %add3A_286, %mul3A_291 : vector<64x512xf32>
    %get3A_293 = arith.constant 0 : index
    %get3A_294 = arith.constant 0 : index
    %get3A_295 = vector.load %arg3[%get3A_293, %get3A_294] : memref<64x1xf32, #tpu.memory_space<vmem>>, vector<64x1xf32>
    %add3A_296 = vector.broadcast %get3A_295 : vector<64x1xf32> to vector<64x512xf32>
    %add3A_297 = arith.addf %add3A_292, %add3A_296 : vector<64x512xf32>
    %max3A_298 = arith.constant 0.000000e+00 : f32
    %max3A_299 = vector.broadcast %max3A_298 : f32 to vector<64x512xf32>
    %max3A_300 = arith.maximumf %add3A_297, %max3A_299 : vector<64x512xf32>
    %convert_element_type3A_301 = arith.truncf %max3A_300 : vector<64x512xf32> to vector<64x512xbf16>
    %convert_element_type3A_302 = arith.extf %convert_element_type3A_301 : vector<64x512xbf16> to vector<64x512xf32>
    %mul3A_303 = vector.broadcast %convert_element_type3A_7 : vector<64x1xf32> to vector<64x512xf32>
    %mul3A_304 = arith.mulf %convert_element_type3A_302, %mul3A_303 : vector<64x512xf32>
    %reduce_sum3A_305 = arith.constant dense<0.000000e+00> : vector<512xf32>
    %reduce_sum3A_306 = vector.multi_reduction <add>, %mul3A_304, %reduce_sum3A_305 [0] : vector<64x512xf32> to vector<512xf32>
    %broadcast_in_dim3A_307 = vector.shape_cast %reduce_sum3A_306 : vector<512xf32> to vector<1x512xf32>
    %get3A_308 = arith.constant 0 : index
    %get3A_309 = arith.constant 0 : index
    %get3A_310 = vector.load %arg5[%get3A_308, %get3A_309] : memref<1x1xf32, #tpu.memory_space<vmem>>, vector<1x1xf32>
    %add3A_311 = vector.broadcast %get3A_310 : vector<1x1xf32> to vector<1x512xf32>
    %add3A_312 = arith.addf %broadcast_in_dim3A_307, %add3A_311 : vector<1x512xf32>
    %swap3A_313 = arith.constant 0 : index
    %swap3A_314 = arith.constant 3072 : index
    %swap3A_315 = vector.load %arg6[%swap3A_313, %swap3A_314] : memref<1x12800xf32, #tpu.memory_space<vmem>>, vector<1x512xf32>
    tpu.vector_store %arg6[%swap3A_313, %swap3A_314], %add3A_312 {strides = array<i32>} : memref<1x12800xf32, #tpu.memory_space<vmem>>, vector<1x512xf32>,
    %get3A_316 = arith.constant 0 : index
    %get3A_317 = arith.constant 3584 : index
    %get3A_318 = vector.load %arg1[%get3A_316, %get3A_317] : memref<3x12800xf32, #tpu.memory_space<vmem>>, vector<3x512xf32>
    %convert_element_type3A_319 = arith.truncf %get3A_318 : vector<3x512xf32> to vector<3x512xbf16>
    %convert_element_type3A_320 = arith.extf %convert_element_type3A_319 : vector<3x512xbf16> to vector<3x512xf32>
    %slice3A_321 = vector.extract_strided_slice %convert_element_type3A_2 {offsets = [0, 0], sizes = [64, 1], strides = [1, 1]} : vector<64x3xf32> to vector<64x1xf32>
    %slice3A_322 = vector.extract_strided_slice %convert_element_type3A_320 {offsets = [0, 0], sizes = [1, 512], strides = [1, 1]} : vector<3x512xf32> to vector<1x512xf32>
    %mul3A_323 = vector.broadcast %slice3A_321 : vector<64x1xf32> to vector<64x512xf32>
    %mul3A_324 = vector.broadcast %slice3A_322 : vector<1x512xf32> to vector<64x512xf32>
    %mul3A_325 = arith.mulf %mul3A_323, %mul3A_324 : vector<64x512xf32>
    %slice3A_326 = vector.extract_strided_slice %convert_element_type3A_2 {offsets = [0, 1], sizes = [64, 1], strides = [1, 1]} : vector<64x3xf32> to vector<64x1xf32>
    %slice3A_327 = vector.extract_strided_slice %convert_element_type3A_320 {offsets = [1, 0], sizes = [1, 512], strides = [1, 1]} : vector<3x512xf32> to vector<1x512xf32>
    %mul3A_328 = vector.broadcast %slice3A_326 : vector<64x1xf32> to vector<64x512xf32>
    %mul3A_329 = vector.broadcast %slice3A_327 : vector<1x512xf32> to vector<64x512xf32>
    %mul3A_330 = arith.mulf %mul3A_328, %mul3A_329 : vector<64x512xf32>
    %add3A_331 = arith.addf %mul3A_325, %mul3A_330 : vector<64x512xf32>
    %slice3A_332 = vector.extract_strided_slice %convert_element_type3A_2 {offsets = [0, 2], sizes = [64, 1], strides = [1, 1]} : vector<64x3xf32> to vector<64x1xf32>
    %slice3A_333 = vector.extract_strided_slice %convert_element_type3A_320 {offsets = [2, 0], sizes = [1, 512], strides = [1, 1]} : vector<3x512xf32> to vector<1x512xf32>
    %mul3A_334 = vector.broadcast %slice3A_332 : vector<64x1xf32> to vector<64x512xf32>
    %mul3A_335 = vector.broadcast %slice3A_333 : vector<1x512xf32> to vector<64x512xf32>
    %mul3A_336 = arith.mulf %mul3A_334, %mul3A_335 : vector<64x512xf32>
    %add3A_337 = arith.addf %add3A_331, %mul3A_336 : vector<64x512xf32>
    %get3A_338 = arith.constant 0 : index
    %get3A_339 = arith.constant 0 : index
    %get3A_340 = vector.load %arg3[%get3A_338, %get3A_339] : memref<64x1xf32, #tpu.memory_space<vmem>>, vector<64x1xf32>
    %add3A_341 = vector.broadcast %get3A_340 : vector<64x1xf32> to vector<64x512xf32>
    %add3A_342 = arith.addf %add3A_337, %add3A_341 : vector<64x512xf32>
    %max3A_343 = arith.constant 0.000000e+00 : f32
    %max3A_344 = vector.broadcast %max3A_343 : f32 to vector<64x512xf32>
    %max3A_345 = arith.maximumf %add3A_342, %max3A_344 : vector<64x512xf32>
    %convert_element_type3A_346 = arith.truncf %max3A_345 : vector<64x512xf32> to vector<64x512xbf16>
    %convert_element_type3A_347 = arith.extf %convert_element_type3A_346 : vector<64x512xbf16> to vector<64x512xf32>
    %mul3A_348 = vector.broadcast %convert_element_type3A_7 : vector<64x1xf32> to vector<64x512xf32>
    %mul3A_349 = arith.mulf %convert_element_type3A_347, %mul3A_348 : vector<64x512xf32>
    %reduce_sum3A_350 = arith.constant dense<0.000000e+00> : vector<512xf32>
    %reduce_sum3A_351 = vector.multi_reduction <add>, %mul3A_349, %reduce_sum3A_350 [0] : vector<64x512xf32> to vector<512xf32>
    %broadcast_in_dim3A_352 = vector.shape_cast %reduce_sum3A_351 : vector<512xf32> to vector<1x512xf32>
    %get3A_353 = arith.constant 0 : index
    %get3A_354 = arith.constant 0 : index
    %get3A_355 = vector.load %arg5[%get3A_353, %get3A_354] : memref<1x1xf32, #tpu.memory_space<vmem>>, vector<1x1xf32>
    %add3A_356 = vector.broadcast %get3A_355 : vector<1x1xf32> to vector<1x512xf32>
    %add3A_357 = arith.addf %broadcast_in_dim3A_352, %add3A_356 : vector<1x512xf32>
    %swap3A_358 = arith.constant 0 : index
    %swap3A_359 = arith.constant 3584 : index
    %swap3A_360 = vector.load %arg6[%swap3A_358, %swap3A_359] : memref<1x12800xf32, #tpu.memory_space<vmem>>, vector<1x512xf32>
    tpu.vector_store %arg6[%swap3A_358, %swap3A_359], %add3A_357 {strides = array<i32>} : memref<1x12800xf32, #tpu.memory_space<vmem>>, vector<1x512xf32>,
    %get3A_361 = arith.constant 0 : index
    %get3A_362 = arith.constant 4096 : index
    %get3A_363 = vector.load %arg1[%get3A_361, %get3A_362] : memref<3x12800xf32, #tpu.memory_space<vmem>>, vector<3x512xf32>
    %convert_element_type3A_364 = arith.truncf %get3A_363 : vector<3x512xf32> to vector<3x512xbf16>
    %convert_element_type3A_365 = arith.extf %convert_element_type3A_364 : vector<3x512xbf16> to vector<3x512xf32>
    %slice3A_366 = vector.extract_strided_slice %convert_element_type3A_2 {offsets = [0, 0], sizes = [64, 1], strides = [1, 1]} : vector<64x3xf32> to vector<64x1xf32>
    %slice3A_367 = vector.extract_strided_slice %convert_element_type3A_365 {offsets = [0, 0], sizes = [1, 512], strides = [1, 1]} : vector<3x512xf32> to vector<1x512xf32>
    %mul3A_368 = vector.broadcast %slice3A_366 : vector<64x1xf32> to vector<64x512xf32>
    %mul3A_369 = vector.broadcast %slice3A_367 : vector<1x512xf32> to vector<64x512xf32>
    %mul3A_370 = arith.mulf %mul3A_368, %mul3A_369 : vector<64x512xf32>
    %slice3A_371 = vector.extract_strided_slice %convert_element_type3A_2 {offsets = [0, 1], sizes = [64, 1], strides = [1, 1]} : vector<64x3xf32> to vector<64x1xf32>
    %slice3A_372 = vector.extract_strided_slice %convert_element_type3A_365 {offsets = [1, 0], sizes = [1, 512], strides = [1, 1]} : vector<3x512xf32> to vector<1x512xf32>
    %mul3A_373 = vector.broadcast %slice3A_371 : vector<64x1xf32> to vector<64x512xf32>
    %mul3A_374 = vector.broadcast %slice3A_372 : vector<1x512xf32> to vector<64x512xf32>
    %mul3A_375 = arith.mulf %mul3A_373, %mul3A_374 : vector<64x512xf32>
    %add3A_376 = arith.addf %mul3A_370, %mul3A_375 : vector<64x512xf32>
    %slice3A_377 = vector.extract_strided_slice %convert_element_type3A_2 {offsets = [0, 2], sizes = [64, 1], strides = [1, 1]} : vector<64x3xf32> to vector<64x1xf32>
    %slice3A_378 = vector.extract_strided_slice %convert_element_type3A_365 {offsets = [2, 0], sizes = [1, 512], strides = [1, 1]} : vector<3x512xf32> to vector<1x512xf32>
    %mul3A_379 = vector.broadcast %slice3A_377 : vector<64x1xf32> to vector<64x512xf32>
    %mul3A_380 = vector.broadcast %slice3A_378 : vector<1x512xf32> to vector<64x512xf32>
    %mul3A_381 = arith.mulf %mul3A_379, %mul3A_380 : vector<64x512xf32>
    %add3A_382 = arith.addf %add3A_376, %mul3A_381 : vector<64x512xf32>
    %get3A_383 = arith.constant 0 : index
    %get3A_384 = arith.constant 0 : index
    %get3A_385 = vector.load %arg3[%get3A_383, %get3A_384] : memref<64x1xf32, #tpu.memory_space<vmem>>, vector<64x1xf32>
    %add3A_386 = vector.broadcast %get3A_385 : vector<64x1xf32> to vector<64x512xf32>
    %add3A_387 = arith.addf %add3A_382, %add3A_386 : vector<64x512xf32>
    %max3A_388 = arith.constant 0.000000e+00 : f32
    %max3A_389 = vector.broadcast %max3A_388 : f32 to vector<64x512xf32>
    %max3A_390 = arith.maximumf %add3A_387, %max3A_389 : vector<64x512xf32>
    %convert_element_type3A_391 = arith.truncf %max3A_390 : vector<64x512xf32> to vector<64x512xbf16>
    %convert_element_type3A_392 = arith.extf %convert_element_type3A_391 : vector<64x512xbf16> to vector<64x512xf32>
    %mul3A_393 = vector.broadcast %convert_element_type3A_7 : vector<64x1xf32> to vector<64x512xf32>
    %mul3A_394 = arith.mulf %convert_element_type3A_392, %mul3A_393 : vector<64x512xf32>
    %reduce_sum3A_395 = arith.constant dense<0.000000e+00> : vector<512xf32>
    %reduce_sum3A_396 = vector.multi_reduction <add>, %mul3A_394, %reduce_sum3A_395 [0] : vector<64x512xf32> to vector<512xf32>
    %broadcast_in_dim3A_397 = vector.shape_cast %reduce_sum3A_396 : vector<512xf32> to vector<1x512xf32>
    %get3A_398 = arith.constant 0 : index
    %get3A_399 = arith.constant 0 : index
    %get3A_400 = vector.load %arg5[%get3A_398, %get3A_399] : memref<1x1xf32, #tpu.memory_space<vmem>>, vector<1x1xf32>
    %add3A_401 = vector.broadcast %get3A_400 : vector<1x1xf32> to vector<1x512xf32>
    %add3A_402 = arith.addf %broadcast_in_dim3A_397, %add3A_401 : vector<1x512xf32>
    %swap3A_403 = arith.constant 0 : index
    %swap3A_404 = arith.constant 4096 : index
    %swap3A_405 = vector.load %arg6[%swap3A_403, %swap3A_404] : memref<1x12800xf32, #tpu.memory_space<vmem>>, vector<1x512xf32>
    tpu.vector_store %arg6[%swap3A_403, %swap3A_404], %add3A_402 {strides = array<i32>} : memref<1x12800xf32, #tpu.memory_space<vmem>>, vector<1x512xf32>,
    %get3A_406 = arith.constant 0 : index
    %get3A_407 = arith.constant 4608 : index
    %get3A_408 = vector.load %arg1[%get3A_406, %get3A_407] : memref<3x12800xf32, #tpu.memory_space<vmem>>, vector<3x512xf32>
    %convert_element_type3A_409 = arith.truncf %get3A_408 : vector<3x512xf32> to vector<3x512xbf16>
    %convert_element_type3A_410 = arith.extf %convert_element_type3A_409 : vector<3x512xbf16> to vector<3x512xf32>
    %slice3A_411 = vector.extract_strided_slice %convert_element_type3A_2 {offsets = [0, 0], sizes = [64, 1], strides = [1, 1]} : vector<64x3xf32> to vector<64x1xf32>
    %slice3A_412 = vector.extract_strided_slice %convert_element_type3A_410 {offsets = [0, 0], sizes = [1, 512], strides = [1, 1]} : vector<3x512xf32> to vector<1x512xf32>
    %mul3A_413 = vector.broadcast %slice3A_411 : vector<64x1xf32> to vector<64x512xf32>
    %mul3A_414 = vector.broadcast %slice3A_412 : vector<1x512xf32> to vector<64x512xf32>
    %mul3A_415 = arith.mulf %mul3A_413, %mul3A_414 : vector<64x512xf32>
    %slice3A_416 = vector.extract_strided_slice %convert_element_type3A_2 {offsets = [0, 1], sizes = [64, 1], strides = [1, 1]} : vector<64x3xf32> to vector<64x1xf32>
    %slice3A_417 = vector.extract_strided_slice %convert_element_type3A_410 {offsets = [1, 0], sizes = [1, 512], strides = [1, 1]} : vector<3x512xf32> to vector<1x512xf32>
    %mul3A_418 = vector.broadcast %slice3A_416 : vector<64x1xf32> to vector<64x512xf32>
    %mul3A_419 = vector.broadcast %slice3A_417 : vector<1x512xf32> to vector<64x512xf32>
    %mul3A_420 = arith.mulf %mul3A_418, %mul3A_419 : vector<64x512xf32>
    %add3A_421 = arith.addf %mul3A_415, %mul3A_420 : vector<64x512xf32>
    %slice3A_422 = vector.extract_strided_slice %convert_element_type3A_2 {offsets = [0, 2], sizes = [64, 1], strides = [1, 1]} : vector<64x3xf32> to vector<64x1xf32>
    %slice3A_423 = vector.extract_strided_slice %convert_element_type3A_410 {offsets = [2, 0], sizes = [1, 512], strides = [1, 1]} : vector<3x512xf32> to vector<1x512xf32>
    %mul3A_424 = vector.broadcast %slice3A_422 : vector<64x1xf32> to vector<64x512xf32>
    %mul3A_425 = vector.broadcast %slice3A_423 : vector<1x512xf32> to vector<64x512xf32>
    %mul3A_426 = arith.mulf %mul3A_424, %mul3A_425 : vector<64x512xf32>
    %add3A_427 = arith.addf %add3A_421, %mul3A_426 : vector<64x512xf32>
    %get3A_428 = arith.constant 0 : index
    %get3A_429 = arith.constant 0 : index
    %get3A_430 = vector.load %arg3[%get3A_428, %get3A_429] : memref<64x1xf32, #tpu.memory_space<vmem>>, vector<64x1xf32>
    %add3A_431 = vector.broadcast %get3A_430 : vector<64x1xf32> to vector<64x512xf32>
    %add3A_432 = arith.addf %add3A_427, %add3A_431 : vector<64x512xf32>
    %max3A_433 = arith.constant 0.000000e+00 : f32
    %max3A_434 = vector.broadcast %max3A_433 : f32 to vector<64x512xf32>
    %max3A_435 = arith.maximumf %add3A_432, %max3A_434 : vector<64x512xf32>
    %convert_element_type3A_436 = arith.truncf %max3A_435 : vector<64x512xf32> to vector<64x512xbf16>
    %convert_element_type3A_437 = arith.extf %convert_element_type3A_436 : vector<64x512xbf16> to vector<64x512xf32>
    %mul3A_438 = vector.broadcast %convert_element_type3A_7 : vector<64x1xf32> to vector<64x512xf32>
    %mul3A_439 = arith.mulf %convert_element_type3A_437, %mul3A_438 : vector<64x512xf32>
    %reduce_sum3A_440 = arith.constant dense<0.000000e+00> : vector<512xf32>
    %reduce_sum3A_441 = vector.multi_reduction <add>, %mul3A_439, %reduce_sum3A_440 [0] : vector<64x512xf32> to vector<512xf32>
    %broadcast_in_dim3A_442 = vector.shape_cast %reduce_sum3A_441 : vector<512xf32> to vector<1x512xf32>
    %get3A_443 = arith.constant 0 : index
    %get3A_444 = arith.constant 0 : index
    %get3A_445 = vector.load %arg5[%get3A_443, %get3A_444] : memref<1x1xf32, #tpu.memory_space<vmem>>, vector<1x1xf32>
    %add3A_446 = vector.broadcast %get3A_445 : vector<1x1xf32> to vector<1x512xf32>
    %add3A_447 = arith.addf %broadcast_in_dim3A_442, %add3A_446 : vector<1x512xf32>
    %swap3A_448 = arith.constant 0 : index
    %swap3A_449 = arith.constant 4608 : index
    %swap3A_450 = vector.load %arg6[%swap3A_448, %swap3A_449] : memref<1x12800xf32, #tpu.memory_space<vmem>>, vector<1x512xf32>
    tpu.vector_store %arg6[%swap3A_448, %swap3A_449], %add3A_447 {strides = array<i32>} : memref<1x12800xf32, #tpu.memory_space<vmem>>, vector<1x512xf32>,
    %get3A_451 = arith.constant 0 : index
    %get3A_452 = arith.constant 5120 : index
    %get3A_453 = vector.load %arg1[%get3A_451, %get3A_452] : memref<3x12800xf32, #tpu.memory_space<vmem>>, vector<3x512xf32>
    %convert_element_type3A_454 = arith.truncf %get3A_453 : vector<3x512xf32> to vector<3x512xbf16>
    %convert_element_type3A_455 = arith.extf %convert_element_type3A_454 : vector<3x512xbf16> to vector<3x512xf32>
    %slice3A_456 = vector.extract_strided_slice %convert_element_type3A_2 {offsets = [0, 0], sizes = [64, 1], strides = [1, 1]} : vector<64x3xf32> to vector<64x1xf32>
    %slice3A_457 = vector.extract_strided_slice %convert_element_type3A_455 {offsets = [0, 0], sizes = [1, 512], strides = [1, 1]} : vector<3x512xf32> to vector<1x512xf32>
    %mul3A_458 = vector.broadcast %slice3A_456 : vector<64x1xf32> to vector<64x512xf32>
    %mul3A_459 = vector.broadcast %slice3A_457 : vector<1x512xf32> to vector<64x512xf32>
    %mul3A_460 = arith.mulf %mul3A_458, %mul3A_459 : vector<64x512xf32>
    %slice3A_461 = vector.extract_strided_slice %convert_element_type3A_2 {offsets = [0, 1], sizes = [64, 1], strides = [1, 1]} : vector<64x3xf32> to vector<64x1xf32>
    %slice3A_462 = vector.extract_strided_slice %convert_element_type3A_455 {offsets = [1, 0], sizes = [1, 512], strides = [1, 1]} : vector<3x512xf32> to vector<1x512xf32>
    %mul3A_463 = vector.broadcast %slice3A_461 : vector<64x1xf32> to vector<64x512xf32>
    %mul3A_464 = vector.broadcast %slice3A_462 : vector<1x512xf32> to vector<64x512xf32>
    %mul3A_465 = arith.mulf %mul3A_463, %mul3A_464 : vector<64x512xf32>
    %add3A_466 = arith.addf %mul3A_460, %mul3A_465 : vector<64x512xf32>
    %slice3A_467 = vector.extract_strided_slice %convert_element_type3A_2 {offsets = [0, 2], sizes = [64, 1], strides = [1, 1]} : vector<64x3xf32> to vector<64x1xf32>
    %slice3A_468 = vector.extract_strided_slice %convert_element_type3A_455 {offsets = [2, 0], sizes = [1, 512], strides = [1, 1]} : vector<3x512xf32> to vector<1x512xf32>
    %mul3A_469 = vector.broadcast %slice3A_467 : vector<64x1xf32> to vector<64x512xf32>
    %mul3A_470 = vector.broadcast %slice3A_468 : vector<1x512xf32> to vector<64x512xf32>
    %mul3A_471 = arith.mulf %mul3A_469, %mul3A_470 : vector<64x512xf32>
    %add3A_472 = arith.addf %add3A_466, %mul3A_471 : vector<64x512xf32>
    %get3A_473 = arith.constant 0 : index
    %get3A_474 = arith.constant 0 : index
    %get3A_475 = vector.load %arg3[%get3A_473, %get3A_474] : memref<64x1xf32, #tpu.memory_space<vmem>>, vector<64x1xf32>
    %add3A_476 = vector.broadcast %get3A_475 : vector<64x1xf32> to vector<64x512xf32>
    %add3A_477 = arith.addf %add3A_472, %add3A_476 : vector<64x512xf32>
    %max3A_478 = arith.constant 0.000000e+00 : f32
    %max3A_479 = vector.broadcast %max3A_478 : f32 to vector<64x512xf32>
    %max3A_480 = arith.maximumf %add3A_477, %max3A_479 : vector<64x512xf32>
    %convert_element_type3A_481 = arith.truncf %max3A_480 : vector<64x512xf32> to vector<64x512xbf16>
    %convert_element_type3A_482 = arith.extf %convert_element_type3A_481 : vector<64x512xbf16> to vector<64x512xf32>
    %mul3A_483 = vector.broadcast %convert_element_type3A_7 : vector<64x1xf32> to vector<64x512xf32>
    %mul3A_484 = arith.mulf %convert_element_type3A_482, %mul3A_483 : vector<64x512xf32>
    %reduce_sum3A_485 = arith.constant dense<0.000000e+00> : vector<512xf32>
    %reduce_sum3A_486 = vector.multi_reduction <add>, %mul3A_484, %reduce_sum3A_485 [0] : vector<64x512xf32> to vector<512xf32>
    %broadcast_in_dim3A_487 = vector.shape_cast %reduce_sum3A_486 : vector<512xf32> to vector<1x512xf32>
    %get3A_488 = arith.constant 0 : index
    %get3A_489 = arith.constant 0 : index
    %get3A_490 = vector.load %arg5[%get3A_488, %get3A_489] : memref<1x1xf32, #tpu.memory_space<vmem>>, vector<1x1xf32>
    %add3A_491 = vector.broadcast %get3A_490 : vector<1x1xf32> to vector<1x512xf32>
    %add3A_492 = arith.addf %broadcast_in_dim3A_487, %add3A_491 : vector<1x512xf32>
    %swap3A_493 = arith.constant 0 : index
    %swap3A_494 = arith.constant 5120 : index
    %swap3A_495 = vector.load %arg6[%swap3A_493, %swap3A_494] : memref<1x12800xf32, #tpu.memory_space<vmem>>, vector<1x512xf32>
    tpu.vector_store %arg6[%swap3A_493, %swap3A_494], %add3A_492 {strides = array<i32>} : memref<1x12800xf32, #tpu.memory_space<vmem>>, vector<1x512xf32>,
    %get3A_496 = arith.constant 0 : index
    %get3A_497 = arith.constant 5632 : index
    %get3A_498 = vector.load %arg1[%get3A_496, %get3A_497] : memref<3x12800xf32, #tpu.memory_space<vmem>>, vector<3x512xf32>
    %convert_element_type3A_499 = arith.truncf %get3A_498 : vector<3x512xf32> to vector<3x512xbf16>
    %convert_element_type3A_500 = arith.extf %convert_element_type3A_499 : vector<3x512xbf16> to vector<3x512xf32>
    %slice3A_501 = vector.extract_strided_slice %convert_element_type3A_2 {offsets = [0, 0], sizes = [64, 1], strides = [1, 1]} : vector<64x3xf32> to vector<64x1xf32>
    %slice3A_502 = vector.extract_strided_slice %convert_element_type3A_500 {offsets = [0, 0], sizes = [1, 512], strides = [1, 1]} : vector<3x512xf32> to vector<1x512xf32>
    %mul3A_503 = vector.broadcast %slice3A_501 : vector<64x1xf32> to vector<64x512xf32>
    %mul3A_504 = vector.broadcast %slice3A_502 : vector<1x512xf32> to vector<64x512xf32>
    %mul3A_505 = arith.mulf %mul3A_503, %mul3A_504 : vector<64x512xf32>
    %slice3A_506 = vector.extract_strided_slice %convert_element_type3A_2 {offsets = [0, 1], sizes = [64, 1], strides = [1, 1]} : vector<64x3xf32> to vector<64x1xf32>
    %slice3A_507 = vector.extract_strided_slice %convert_element_type3A_500 {offsets = [1, 0], sizes = [1, 512], strides = [1, 1]} : vector<3x512xf32> to vector<1x512xf32>
    %mul3A_508 = vector.broadcast %slice3A_506 : vector<64x1xf32> to vector<64x512xf32>
    %mul3A_509 = vector.broadcast %slice3A_507 : vector<1x512xf32> to vector<64x512xf32>
    %mul3A_510 = arith.mulf %mul3A_508, %mul3A_509 : vector<64x512xf32>
    %add3A_511 = arith.addf %mul3A_505, %mul3A_510 : vector<64x512xf32>
    %slice3A_512 = vector.extract_strided_slice %convert_element_type3A_2 {offsets = [0, 2], sizes = [64, 1], strides = [1, 1]} : vector<64x3xf32> to vector<64x1xf32>
    %slice3A_513 = vector.extract_strided_slice %convert_element_type3A_500 {offsets = [2, 0], sizes = [1, 512], strides = [1, 1]} : vector<3x512xf32> to vector<1x512xf32>
    %mul3A_514 = vector.broadcast %slice3A_512 : vector<64x1xf32> to vector<64x512xf32>
    %mul3A_515 = vector.broadcast %slice3A_513 : vector<1x512xf32> to vector<64x512xf32>
    %mul3A_516 = arith.mulf %mul3A_514, %mul3A_515 : vector<64x512xf32>
    %add3A_517 = arith.addf %add3A_511, %mul3A_516 : vector<64x512xf32>
    %get3A_518 = arith.constant 0 : index
    %get3A_519 = arith.constant 0 : index
    %get3A_520 = vector.load %arg3[%get3A_518, %get3A_519] : memref<64x1xf32, #tpu.memory_space<vmem>>, vector<64x1xf32>
    %add3A_521 = vector.broadcast %get3A_520 : vector<64x1xf32> to vector<64x512xf32>
    %add3A_522 = arith.addf %add3A_517, %add3A_521 : vector<64x512xf32>
    %max3A_523 = arith.constant 0.000000e+00 : f32
    %max3A_524 = vector.broadcast %max3A_523 : f32 to vector<64x512xf32>
    %max3A_525 = arith.maximumf %add3A_522, %max3A_524 : vector<64x512xf32>
    %convert_element_type3A_526 = arith.truncf %max3A_525 : vector<64x512xf32> to vector<64x512xbf16>
    %convert_element_type3A_527 = arith.extf %convert_element_type3A_526 : vector<64x512xbf16> to vector<64x512xf32>
    %mul3A_528 = vector.broadcast %convert_element_type3A_7 : vector<64x1xf32> to vector<64x512xf32>
    %mul3A_529 = arith.mulf %convert_element_type3A_527, %mul3A_528 : vector<64x512xf32>
    %reduce_sum3A_530 = arith.constant dense<0.000000e+00> : vector<512xf32>
    %reduce_sum3A_531 = vector.multi_reduction <add>, %mul3A_529, %reduce_sum3A_530 [0] : vector<64x512xf32> to vector<512xf32>
    %broadcast_in_dim3A_532 = vector.shape_cast %reduce_sum3A_531 : vector<512xf32> to vector<1x512xf32>
    %get3A_533 = arith.constant 0 : index
    %get3A_534 = arith.constant 0 : index
    %get3A_535 = vector.load %arg5[%get3A_533, %get3A_534] : memref<1x1xf32, #tpu.memory_space<vmem>>, vector<1x1xf32>
    %add3A_536 = vector.broadcast %get3A_535 : vector<1x1xf32> to vector<1x512xf32>
    %add3A_537 = arith.addf %broadcast_in_dim3A_532, %add3A_536 : vector<1x512xf32>
    %swap3A_538 = arith.constant 0 : index
    %swap3A_539 = arith.constant 5632 : index
    %swap3A_540 = vector.load %arg6[%swap3A_538, %swap3A_539] : memref<1x12800xf32, #tpu.memory_space<vmem>>, vector<1x512xf32>
    tpu.vector_store %arg6[%swap3A_538, %swap3A_539], %add3A_537 {strides = array<i32>} : memref<1x12800xf32, #tpu.memory_space<vmem>>, vector<1x512xf32>,
    %get3A_541 = arith.constant 0 : index
    %get3A_542 = arith.constant 6144 : index
    %get3A_543 = vector.load %arg1[%get3A_541, %get3A_542] : memref<3x12800xf32, #tpu.memory_space<vmem>>, vector<3x512xf32>
    %convert_element_type3A_544 = arith.truncf %get3A_543 : vector<3x512xf32> to vector<3x512xbf16>
    %convert_element_type3A_545 = arith.extf %convert_element_type3A_544 : vector<3x512xbf16> to vector<3x512xf32>
    %slice3A_546 = vector.extract_strided_slice %convert_element_type3A_2 {offsets = [0, 0], sizes = [64, 1], strides = [1, 1]} : vector<64x3xf32> to vector<64x1xf32>
    %slice3A_547 = vector.extract_strided_slice %convert_element_type3A_545 {offsets = [0, 0], sizes = [1, 512], strides = [1, 1]} : vector<3x512xf32> to vector<1x512xf32>
    %mul3A_548 = vector.broadcast %slice3A_546 : vector<64x1xf32> to vector<64x512xf32>
    %mul3A_549 = vector.broadcast %slice3A_547 : vector<1x512xf32> to vector<64x512xf32>
    %mul3A_550 = arith.mulf %mul3A_548, %mul3A_549 : vector<64x512xf32>
    %slice3A_551 = vector.extract_strided_slice %convert_element_type3A_2 {offsets = [0, 1], sizes = [64, 1], strides = [1, 1]} : vector<64x3xf32> to vector<64x1xf32>
    %slice3A_552 = vector.extract_strided_slice %convert_element_type3A_545 {offsets = [1, 0], sizes = [1, 512], strides = [1, 1]} : vector<3x512xf32> to vector<1x512xf32>
    %mul3A_553 = vector.broadcast %slice3A_551 : vector<64x1xf32> to vector<64x512xf32>
    %mul3A_554 = vector.broadcast %slice3A_552 : vector<1x512xf32> to vector<64x512xf32>
    %mul3A_555 = arith.mulf %mul3A_553, %mul3A_554 : vector<64x512xf32>
    %add3A_556 = arith.addf %mul3A_550, %mul3A_555 : vector<64x512xf32>
    %slice3A_557 = vector.extract_strided_slice %convert_element_type3A_2 {offsets = [0, 2], sizes = [64, 1], strides = [1, 1]} : vector<64x3xf32> to vector<64x1xf32>
    %slice3A_558 = vector.extract_strided_slice %convert_element_type3A_545 {offsets = [2, 0], sizes = [1, 512], strides = [1, 1]} : vector<3x512xf32> to vector<1x512xf32>
    %mul3A_559 = vector.broadcast %slice3A_557 : vector<64x1xf32> to vector<64x512xf32>
    %mul3A_560 = vector.broadcast %slice3A_558 : vector<1x512xf32> to vector<64x512xf32>
    %mul3A_561 = arith.mulf %mul3A_559, %mul3A_560 : vector<64x512xf32>
    %add3A_562 = arith.addf %add3A_556, %mul3A_561 : vector<64x512xf32>
    %get3A_563 = arith.constant 0 : index
    %get3A_564 = arith.constant 0 : index
    %get3A_565 = vector.load %arg3[%get3A_563, %get3A_564] : memref<64x1xf32, #tpu.memory_space<vmem>>, vector<64x1xf32>
    %add3A_566 = vector.broadcast %get3A_565 : vector<64x1xf32> to vector<64x512xf32>
    %add3A_567 = arith.addf %add3A_562, %add3A_566 : vector<64x512xf32>
    %max3A_568 = arith.constant 0.000000e+00 : f32
    %max3A_569 = vector.broadcast %max3A_568 : f32 to vector<64x512xf32>
    %max3A_570 = arith.maximumf %add3A_567, %max3A_569 : vector<64x512xf32>
    %convert_element_type3A_571 = arith.truncf %max3A_570 : vector<64x512xf32> to vector<64x512xbf16>
    %convert_element_type3A_572 = arith.extf %convert_element_type3A_571 : vector<64x512xbf16> to vector<64x512xf32>
    %mul3A_573 = vector.broadcast %convert_element_type3A_7 : vector<64x1xf32> to vector<64x512xf32>
    %mul3A_574 = arith.mulf %convert_element_type3A_572, %mul3A_573 : vector<64x512xf32>
    %reduce_sum3A_575 = arith.constant dense<0.000000e+00> : vector<512xf32>
    %reduce_sum3A_576 = vector.multi_reduction <add>, %mul3A_574, %reduce_sum3A_575 [0] : vector<64x512xf32> to vector<512xf32>
    %broadcast_in_dim3A_577 = vector.shape_cast %reduce_sum3A_576 : vector<512xf32> to vector<1x512xf32>
    %get3A_578 = arith.constant 0 : index
    %get3A_579 = arith.constant 0 : index
    %get3A_580 = vector.load %arg5[%get3A_578, %get3A_579] : memref<1x1xf32, #tpu.memory_space<vmem>>, vector<1x1xf32>
    %add3A_581 = vector.broadcast %get3A_580 : vector<1x1xf32> to vector<1x512xf32>
    %add3A_582 = arith.addf %broadcast_in_dim3A_577, %add3A_581 : vector<1x512xf32>
    %swap3A_583 = arith.constant 0 : index
    %swap3A_584 = arith.constant 6144 : index
    %swap3A_585 = vector.load %arg6[%swap3A_583, %swap3A_584] : memref<1x12800xf32, #tpu.memory_space<vmem>>, vector<1x512xf32>
    tpu.vector_store %arg6[%swap3A_583, %swap3A_584], %add3A_582 {strides = array<i32>} : memref<1x12800xf32, #tpu.memory_space<vmem>>, vector<1x512xf32>,
    %get3A_586 = arith.constant 0 : index
    %get3A_587 = arith.constant 6656 : index
    %get3A_588 = vector.load %arg1[%get3A_586, %get3A_587] : memref<3x12800xf32, #tpu.memory_space<vmem>>, vector<3x512xf32>
    %convert_element_type3A_589 = arith.truncf %get3A_588 : vector<3x512xf32> to vector<3x512xbf16>
    %convert_element_type3A_590 = arith.extf %convert_element_type3A_589 : vector<3x512xbf16> to vector<3x512xf32>
    %slice3A_591 = vector.extract_strided_slice %convert_element_type3A_2 {offsets = [0, 0], sizes = [64, 1], strides = [1, 1]} : vector<64x3xf32> to vector<64x1xf32>
    %slice3A_592 = vector.extract_strided_slice %convert_element_type3A_590 {offsets = [0, 0], sizes = [1, 512], strides = [1, 1]} : vector<3x512xf32> to vector<1x512xf32>
    %mul3A_593 = vector.broadcast %slice3A_591 : vector<64x1xf32> to vector<64x512xf32>
    %mul3A_594 = vector.broadcast %slice3A_592 : vector<1x512xf32> to vector<64x512xf32>
    %mul3A_595 = arith.mulf %mul3A_593, %mul3A_594 : vector<64x512xf32>
    %slice3A_596 = vector.extract_strided_slice %convert_element_type3A_2 {offsets = [0, 1], sizes = [64, 1], strides = [1, 1]} : vector<64x3xf32> to vector<64x1xf32>
    %slice3A_597 = vector.extract_strided_slice %convert_element_type3A_590 {offsets = [1, 0], sizes = [1, 512], strides = [1, 1]} : vector<3x512xf32> to vector<1x512xf32>
    %mul3A_598 = vector.broadcast %slice3A_596 : vector<64x1xf32> to vector<64x512xf32>
    %mul3A_599 = vector.broadcast %slice3A_597 : vector<1x512xf32> to vector<64x512xf32>
    %mul3A_600 = arith.mulf %mul3A_598, %mul3A_599 : vector<64x512xf32>
    %add3A_601 = arith.addf %mul3A_595, %mul3A_600 : vector<64x512xf32>
    %slice3A_602 = vector.extract_strided_slice %convert_element_type3A_2 {offsets = [0, 2], sizes = [64, 1], strides = [1, 1]} : vector<64x3xf32> to vector<64x1xf32>
    %slice3A_603 = vector.extract_strided_slice %convert_element_type3A_590 {offsets = [2, 0], sizes = [1, 512], strides = [1, 1]} : vector<3x512xf32> to vector<1x512xf32>
    %mul3A_604 = vector.broadcast %slice3A_602 : vector<64x1xf32> to vector<64x512xf32>
    %mul3A_605 = vector.broadcast %slice3A_603 : vector<1x512xf32> to vector<64x512xf32>
    %mul3A_606 = arith.mulf %mul3A_604, %mul3A_605 : vector<64x512xf32>
    %add3A_607 = arith.addf %add3A_601, %mul3A_606 : vector<64x512xf32>
    %get3A_608 = arith.constant 0 : index
    %get3A_609 = arith.constant 0 : index
    %get3A_610 = vector.load %arg3[%get3A_608, %get3A_609] : memref<64x1xf32, #tpu.memory_space<vmem>>, vector<64x1xf32>
    %add3A_611 = vector.broadcast %get3A_610 : vector<64x1xf32> to vector<64x512xf32>
    %add3A_612 = arith.addf %add3A_607, %add3A_611 : vector<64x512xf32>
    %max3A_613 = arith.constant 0.000000e+00 : f32
    %max3A_614 = vector.broadcast %max3A_613 : f32 to vector<64x512xf32>
    %max3A_615 = arith.maximumf %add3A_612, %max3A_614 : vector<64x512xf32>
    %convert_element_type3A_616 = arith.truncf %max3A_615 : vector<64x512xf32> to vector<64x512xbf16>
    %convert_element_type3A_617 = arith.extf %convert_element_type3A_616 : vector<64x512xbf16> to vector<64x512xf32>
    %mul3A_618 = vector.broadcast %convert_element_type3A_7 : vector<64x1xf32> to vector<64x512xf32>
    %mul3A_619 = arith.mulf %convert_element_type3A_617, %mul3A_618 : vector<64x512xf32>
    %reduce_sum3A_620 = arith.constant dense<0.000000e+00> : vector<512xf32>
    %reduce_sum3A_621 = vector.multi_reduction <add>, %mul3A_619, %reduce_sum3A_620 [0] : vector<64x512xf32> to vector<512xf32>
    %broadcast_in_dim3A_622 = vector.shape_cast %reduce_sum3A_621 : vector<512xf32> to vector<1x512xf32>
    %get3A_623 = arith.constant 0 : index
    %get3A_624 = arith.constant 0 : index
    %get3A_625 = vector.load %arg5[%get3A_623, %get3A_624] : memref<1x1xf32, #tpu.memory_space<vmem>>, vector<1x1xf32>
    %add3A_626 = vector.broadcast %get3A_625 : vector<1x1xf32> to vector<1x512xf32>
    %add3A_627 = arith.addf %broadcast_in_dim3A_622, %add3A_626 : vector<1x512xf32>
    %swap3A_628 = arith.constant 0 : index
    %swap3A_629 = arith.constant 6656 : index
    %swap3A_630 = vector.load %arg6[%swap3A_628, %swap3A_629] : memref<1x12800xf32, #tpu.memory_space<vmem>>, vector<1x512xf32>
    tpu.vector_store %arg6[%swap3A_628, %swap3A_629], %add3A_627 {strides = array<i32>} : memref<1x12800xf32, #tpu.memory_space<vmem>>, vector<1x512xf32>,
    %get3A_631 = arith.constant 0 : index
    %get3A_632 = arith.constant 7168 : index
    %get3A_633 = vector.load %arg1[%get3A_631, %get3A_632] : memref<3x12800xf32, #tpu.memory_space<vmem>>, vector<3x512xf32>
    %convert_element_type3A_634 = arith.truncf %get3A_633 : vector<3x512xf32> to vector<3x512xbf16>
    %convert_element_type3A_635 = arith.extf %convert_element_type3A_634 : vector<3x512xbf16> to vector<3x512xf32>
    %slice3A_636 = vector.extract_strided_slice %convert_element_type3A_2 {offsets = [0, 0], sizes = [64, 1], strides = [1, 1]} : vector<64x3xf32> to vector<64x1xf32>
    %slice3A_637 = vector.extract_strided_slice %convert_element_type3A_635 {offsets = [0, 0], sizes = [1, 512], strides = [1, 1]} : vector<3x512xf32> to vector<1x512xf32>
    %mul3A_638 = vector.broadcast %slice3A_636 : vector<64x1xf32> to vector<64x512xf32>
    %mul3A_639 = vector.broadcast %slice3A_637 : vector<1x512xf32> to vector<64x512xf32>
    %mul3A_640 = arith.mulf %mul3A_638, %mul3A_639 : vector<64x512xf32>
    %slice3A_641 = vector.extract_strided_slice %convert_element_type3A_2 {offsets = [0, 1], sizes = [64, 1], strides = [1, 1]} : vector<64x3xf32> to vector<64x1xf32>
    %slice3A_642 = vector.extract_strided_slice %convert_element_type3A_635 {offsets = [1, 0], sizes = [1, 512], strides = [1, 1]} : vector<3x512xf32> to vector<1x512xf32>
    %mul3A_643 = vector.broadcast %slice3A_641 : vector<64x1xf32> to vector<64x512xf32>
    %mul3A_644 = vector.broadcast %slice3A_642 : vector<1x512xf32> to vector<64x512xf32>
    %mul3A_645 = arith.mulf %mul3A_643, %mul3A_644 : vector<64x512xf32>
    %add3A_646 = arith.addf %mul3A_640, %mul3A_645 : vector<64x512xf32>
    %slice3A_647 = vector.extract_strided_slice %convert_element_type3A_2 {offsets = [0, 2], sizes = [64, 1], strides = [1, 1]} : vector<64x3xf32> to vector<64x1xf32>
    %slice3A_648 = vector.extract_strided_slice %convert_element_type3A_635 {offsets = [2, 0], sizes = [1, 512], strides = [1, 1]} : vector<3x512xf32> to vector<1x512xf32>
    %mul3A_649 = vector.broadcast %slice3A_647 : vector<64x1xf32> to vector<64x512xf32>
    %mul3A_650 = vector.broadcast %slice3A_648 : vector<1x512xf32> to vector<64x512xf32>
    %mul3A_651 = arith.mulf %mul3A_649, %mul3A_650 : vector<64x512xf32>
    %add3A_652 = arith.addf %add3A_646, %mul3A_651 : vector<64x512xf32>
    %get3A_653 = arith.constant 0 : index
    %get3A_654 = arith.constant 0 : index
    %get3A_655 = vector.load %arg3[%get3A_653, %get3A_654] : memref<64x1xf32, #tpu.memory_space<vmem>>, vector<64x1xf32>
    %add3A_656 = vector.broadcast %get3A_655 : vector<64x1xf32> to vector<64x512xf32>
    %add3A_657 = arith.addf %add3A_652, %add3A_656 : vector<64x512xf32>
    %max3A_658 = arith.constant 0.000000e+00 : f32
    %max3A_659 = vector.broadcast %max3A_658 : f32 to vector<64x512xf32>
    %max3A_660 = arith.maximumf %add3A_657, %max3A_659 : vector<64x512xf32>
    %convert_element_type3A_661 = arith.truncf %max3A_660 : vector<64x512xf32> to vector<64x512xbf16>
    %convert_element_type3A_662 = arith.extf %convert_element_type3A_661 : vector<64x512xbf16> to vector<64x512xf32>
    %mul3A_663 = vector.broadcast %convert_element_type3A_7 : vector<64x1xf32> to vector<64x512xf32>
    %mul3A_664 = arith.mulf %convert_element_type3A_662, %mul3A_663 : vector<64x512xf32>
    %reduce_sum3A_665 = arith.constant dense<0.000000e+00> : vector<512xf32>
    %reduce_sum3A_666 = vector.multi_reduction <add>, %mul3A_664, %reduce_sum3A_665 [0] : vector<64x512xf32> to vector<512xf32>
    %broadcast_in_dim3A_667 = vector.shape_cast %reduce_sum3A_666 : vector<512xf32> to vector<1x512xf32>
    %get3A_668 = arith.constant 0 : index
    %get3A_669 = arith.constant 0 : index
    %get3A_670 = vector.load %arg5[%get3A_668, %get3A_669] : memref<1x1xf32, #tpu.memory_space<vmem>>, vector<1x1xf32>
    %add3A_671 = vector.broadcast %get3A_670 : vector<1x1xf32> to vector<1x512xf32>
    %add3A_672 = arith.addf %broadcast_in_dim3A_667, %add3A_671 : vector<1x512xf32>
    %swap3A_673 = arith.constant 0 : index
    %swap3A_674 = arith.constant 7168 : index
    %swap3A_675 = vector.load %arg6[%swap3A_673, %swap3A_674] : memref<1x12800xf32, #tpu.memory_space<vmem>>, vector<1x512xf32>
    tpu.vector_store %arg6[%swap3A_673, %swap3A_674], %add3A_672 {strides = array<i32>} : memref<1x12800xf32, #tpu.memory_space<vmem>>, vector<1x512xf32>,
    %get3A_676 = arith.constant 0 : index
    %get3A_677 = arith.constant 7680 : index
    %get3A_678 = vector.load %arg1[%get3A_676, %get3A_677] : memref<3x12800xf32, #tpu.memory_space<vmem>>, vector<3x512xf32>
    %convert_element_type3A_679 = arith.truncf %get3A_678 : vector<3x512xf32> to vector<3x512xbf16>
    %convert_element_type3A_680 = arith.extf %convert_element_type3A_679 : vector<3x512xbf16> to vector<3x512xf32>
    %slice3A_681 = vector.extract_strided_slice %convert_element_type3A_2 {offsets = [0, 0], sizes = [64, 1], strides = [1, 1]} : vector<64x3xf32> to vector<64x1xf32>
    %slice3A_682 = vector.extract_strided_slice %convert_element_type3A_680 {offsets = [0, 0], sizes = [1, 512], strides = [1, 1]} : vector<3x512xf32> to vector<1x512xf32>
    %mul3A_683 = vector.broadcast %slice3A_681 : vector<64x1xf32> to vector<64x512xf32>
    %mul3A_684 = vector.broadcast %slice3A_682 : vector<1x512xf32> to vector<64x512xf32>
    %mul3A_685 = arith.mulf %mul3A_683, %mul3A_684 : vector<64x512xf32>
    %slice3A_686 = vector.extract_strided_slice %convert_element_type3A_2 {offsets = [0, 1], sizes = [64, 1], strides = [1, 1]} : vector<64x3xf32> to vector<64x1xf32>
    %slice3A_687 = vector.extract_strided_slice %convert_element_type3A_680 {offsets = [1, 0], sizes = [1, 512], strides = [1, 1]} : vector<3x512xf32> to vector<1x512xf32>
    %mul3A_688 = vector.broadcast %slice3A_686 : vector<64x1xf32> to vector<64x512xf32>
    %mul3A_689 = vector.broadcast %slice3A_687 : vector<1x512xf32> to vector<64x512xf32>
    %mul3A_690 = arith.mulf %mul3A_688, %mul3A_689 : vector<64x512xf32>
    %add3A_691 = arith.addf %mul3A_685, %mul3A_690 : vector<64x512xf32>
    %slice3A_692 = vector.extract_strided_slice %convert_element_type3A_2 {offsets = [0, 2], sizes = [64, 1], strides = [1, 1]} : vector<64x3xf32> to vector<64x1xf32>
    %slice3A_693 = vector.extract_strided_slice %convert_element_type3A_680 {offsets = [2, 0], sizes = [1, 512], strides = [1, 1]} : vector<3x512xf32> to vector<1x512xf32>
    %mul3A_694 = vector.broadcast %slice3A_692 : vector<64x1xf32> to vector<64x512xf32>
    %mul3A_695 = vector.broadcast %slice3A_693 : vector<1x512xf32> to vector<64x512xf32>
    %mul3A_696 = arith.mulf %mul3A_694, %mul3A_695 : vector<64x512xf32>
    %add3A_697 = arith.addf %add3A_691, %mul3A_696 : vector<64x512xf32>
    %get3A_698 = arith.constant 0 : index
    %get3A_699 = arith.constant 0 : index
    %get3A_700 = vector.load %arg3[%get3A_698, %get3A_699] : memref<64x1xf32, #tpu.memory_space<vmem>>, vector<64x1xf32>
    %add3A_701 = vector.broadcast %get3A_700 : vector<64x1xf32> to vector<64x512xf32>
    %add3A_702 = arith.addf %add3A_697, %add3A_701 : vector<64x512xf32>
    %max3A_703 = arith.constant 0.000000e+00 : f32
    %max3A_704 = vector.broadcast %max3A_703 : f32 to vector<64x512xf32>
    %max3A_705 = arith.maximumf %add3A_702, %max3A_704 : vector<64x512xf32>
    %convert_element_type3A_706 = arith.truncf %max3A_705 : vector<64x512xf32> to vector<64x512xbf16>
    %convert_element_type3A_707 = arith.extf %convert_element_type3A_706 : vector<64x512xbf16> to vector<64x512xf32>
    %mul3A_708 = vector.broadcast %convert_element_type3A_7 : vector<64x1xf32> to vector<64x512xf32>
    %mul3A_709 = arith.mulf %convert_element_type3A_707, %mul3A_708 : vector<64x512xf32>
    %reduce_sum3A_710 = arith.constant dense<0.000000e+00> : vector<512xf32>
    %reduce_sum3A_711 = vector.multi_reduction <add>, %mul3A_709, %reduce_sum3A_710 [0] : vector<64x512xf32> to vector<512xf32>
    %broadcast_in_dim3A_712 = vector.shape_cast %reduce_sum3A_711 : vector<512xf32> to vector<1x512xf32>
    %get3A_713 = arith.constant 0 : index
    %get3A_714 = arith.constant 0 : index
    %get3A_715 = vector.load %arg5[%get3A_713, %get3A_714] : memref<1x1xf32, #tpu.memory_space<vmem>>, vector<1x1xf32>
    %add3A_716 = vector.broadcast %get3A_715 : vector<1x1xf32> to vector<1x512xf32>
    %add3A_717 = arith.addf %broadcast_in_dim3A_712, %add3A_716 : vector<1x512xf32>
    %swap3A_718 = arith.constant 0 : index
    %swap3A_719 = arith.constant 7680 : index
    %swap3A_720 = vector.load %arg6[%swap3A_718, %swap3A_719] : memref<1x12800xf32, #tpu.memory_space<vmem>>, vector<1x512xf32>
    tpu.vector_store %arg6[%swap3A_718, %swap3A_719], %add3A_717 {strides = array<i32>} : memref<1x12800xf32, #tpu.memory_space<vmem>>, vector<1x512xf32>,
    %get3A_721 = arith.constant 0 : index
    %get3A_722 = arith.constant 8192 : index
    %get3A_723 = vector.load %arg1[%get3A_721, %get3A_722] : memref<3x12800xf32, #tpu.memory_space<vmem>>, vector<3x512xf32>
    %convert_element_type3A_724 = arith.truncf %get3A_723 : vector<3x512xf32> to vector<3x512xbf16>
    %convert_element_type3A_725 = arith.extf %convert_element_type3A_724 : vector<3x512xbf16> to vector<3x512xf32>
    %slice3A_726 = vector.extract_strided_slice %convert_element_type3A_2 {offsets = [0, 0], sizes = [64, 1], strides = [1, 1]} : vector<64x3xf32> to vector<64x1xf32>
    %slice3A_727 = vector.extract_strided_slice %convert_element_type3A_725 {offsets = [0, 0], sizes = [1, 512], strides = [1, 1]} : vector<3x512xf32> to vector<1x512xf32>
    %mul3A_728 = vector.broadcast %slice3A_726 : vector<64x1xf32> to vector<64x512xf32>
    %mul3A_729 = vector.broadcast %slice3A_727 : vector<1x512xf32> to vector<64x512xf32>
    %mul3A_730 = arith.mulf %mul3A_728, %mul3A_729 : vector<64x512xf32>
    %slice3A_731 = vector.extract_strided_slice %convert_element_type3A_2 {offsets = [0, 1], sizes = [64, 1], strides = [1, 1]} : vector<64x3xf32> to vector<64x1xf32>
    %slice3A_732 = vector.extract_strided_slice %convert_element_type3A_725 {offsets = [1, 0], sizes = [1, 512], strides = [1, 1]} : vector<3x512xf32> to vector<1x512xf32>
    %mul3A_733 = vector.broadcast %slice3A_731 : vector<64x1xf32> to vector<64x512xf32>
    %mul3A_734 = vector.broadcast %slice3A_732 : vector<1x512xf32> to vector<64x512xf32>
    %mul3A_735 = arith.mulf %mul3A_733, %mul3A_734 : vector<64x512xf32>
    %add3A_736 = arith.addf %mul3A_730, %mul3A_735 : vector<64x512xf32>
    %slice3A_737 = vector.extract_strided_slice %convert_element_type3A_2 {offsets = [0, 2], sizes = [64, 1], strides = [1, 1]} : vector<64x3xf32> to vector<64x1xf32>
    %slice3A_738 = vector.extract_strided_slice %convert_element_type3A_725 {offsets = [2, 0], sizes = [1, 512], strides = [1, 1]} : vector<3x512xf32> to vector<1x512xf32>
    %mul3A_739 = vector.broadcast %slice3A_737 : vector<64x1xf32> to vector<64x512xf32>
    %mul3A_740 = vector.broadcast %slice3A_738 : vector<1x512xf32> to vector<64x512xf32>
    %mul3A_741 = arith.mulf %mul3A_739, %mul3A_740 : vector<64x512xf32>
    %add3A_742 = arith.addf %add3A_736, %mul3A_741 : vector<64x512xf32>
    %get3A_743 = arith.constant 0 : index
    %get3A_744 = arith.constant 0 : index
    %get3A_745 = vector.load %arg3[%get3A_743, %get3A_744] : memref<64x1xf32, #tpu.memory_space<vmem>>, vector<64x1xf32>
    %add3A_746 = vector.broadcast %get3A_745 : vector<64x1xf32> to vector<64x512xf32>
    %add3A_747 = arith.addf %add3A_742, %add3A_746 : vector<64x512xf32>
    %max3A_748 = arith.constant 0.000000e+00 : f32
    %max3A_749 = vector.broadcast %max3A_748 : f32 to vector<64x512xf32>
    %max3A_750 = arith.maximumf %add3A_747, %max3A_749 : vector<64x512xf32>
    %convert_element_type3A_751 = arith.truncf %max3A_750 : vector<64x512xf32> to vector<64x512xbf16>
    %convert_element_type3A_752 = arith.extf %convert_element_type3A_751 : vector<64x512xbf16> to vector<64x512xf32>
    %mul3A_753 = vector.broadcast %convert_element_type3A_7 : vector<64x1xf32> to vector<64x512xf32>
    %mul3A_754 = arith.mulf %convert_element_type3A_752, %mul3A_753 : vector<64x512xf32>
    %reduce_sum3A_755 = arith.constant dense<0.000000e+00> : vector<512xf32>
    %reduce_sum3A_756 = vector.multi_reduction <add>, %mul3A_754, %reduce_sum3A_755 [0] : vector<64x512xf32> to vector<512xf32>
    %broadcast_in_dim3A_757 = vector.shape_cast %reduce_sum3A_756 : vector<512xf32> to vector<1x512xf32>
    %get3A_758 = arith.constant 0 : index
    %get3A_759 = arith.constant 0 : index
    %get3A_760 = vector.load %arg5[%get3A_758, %get3A_759] : memref<1x1xf32, #tpu.memory_space<vmem>>, vector<1x1xf32>
    %add3A_761 = vector.broadcast %get3A_760 : vector<1x1xf32> to vector<1x512xf32>
    %add3A_762 = arith.addf %broadcast_in_dim3A_757, %add3A_761 : vector<1x512xf32>
    %swap3A_763 = arith.constant 0 : index
    %swap3A_764 = arith.constant 8192 : index
    %swap3A_765 = vector.load %arg6[%swap3A_763, %swap3A_764] : memref<1x12800xf32, #tpu.memory_space<vmem>>, vector<1x512xf32>
    tpu.vector_store %arg6[%swap3A_763, %swap3A_764], %add3A_762 {strides = array<i32>} : memref<1x12800xf32, #tpu.memory_space<vmem>>, vector<1x512xf32>,
    %get3A_766 = arith.constant 0 : index
    %get3A_767 = arith.constant 8704 : index
    %get3A_768 = vector.load %arg1[%get3A_766, %get3A_767] : memref<3x12800xf32, #tpu.memory_space<vmem>>, vector<3x512xf32>
    %convert_element_type3A_769 = arith.truncf %get3A_768 : vector<3x512xf32> to vector<3x512xbf16>
    %convert_element_type3A_770 = arith.extf %convert_element_type3A_769 : vector<3x512xbf16> to vector<3x512xf32>
    %slice3A_771 = vector.extract_strided_slice %convert_element_type3A_2 {offsets = [0, 0], sizes = [64, 1], strides = [1, 1]} : vector<64x3xf32> to vector<64x1xf32>
    %slice3A_772 = vector.extract_strided_slice %convert_element_type3A_770 {offsets = [0, 0], sizes = [1, 512], strides = [1, 1]} : vector<3x512xf32> to vector<1x512xf32>
    %mul3A_773 = vector.broadcast %slice3A_771 : vector<64x1xf32> to vector<64x512xf32>
    %mul3A_774 = vector.broadcast %slice3A_772 : vector<1x512xf32> to vector<64x512xf32>
    %mul3A_775 = arith.mulf %mul3A_773, %mul3A_774 : vector<64x512xf32>
    %slice3A_776 = vector.extract_strided_slice %convert_element_type3A_2 {offsets = [0, 1], sizes = [64, 1], strides = [1, 1]} : vector<64x3xf32> to vector<64x1xf32>
    %slice3A_777 = vector.extract_strided_slice %convert_element_type3A_770 {offsets = [1, 0], sizes = [1, 512], strides = [1, 1]} : vector<3x512xf32> to vector<1x512xf32>
    %mul3A_778 = vector.broadcast %slice3A_776 : vector<64x1xf32> to vector<64x512xf32>
    %mul3A_779 = vector.broadcast %slice3A_777 : vector<1x512xf32> to vector<64x512xf32>
    %mul3A_780 = arith.mulf %mul3A_778, %mul3A_779 : vector<64x512xf32>
    %add3A_781 = arith.addf %mul3A_775, %mul3A_780 : vector<64x512xf32>
    %slice3A_782 = vector.extract_strided_slice %convert_element_type3A_2 {offsets = [0, 2], sizes = [64, 1], strides = [1, 1]} : vector<64x3xf32> to vector<64x1xf32>
    %slice3A_783 = vector.extract_strided_slice %convert_element_type3A_770 {offsets = [2, 0], sizes = [1, 512], strides = [1, 1]} : vector<3x512xf32> to vector<1x512xf32>
    %mul3A_784 = vector.broadcast %slice3A_782 : vector<64x1xf32> to vector<64x512xf32>
    %mul3A_785 = vector.broadcast %slice3A_783 : vector<1x512xf32> to vector<64x512xf32>
    %mul3A_786 = arith.mulf %mul3A_784, %mul3A_785 : vector<64x512xf32>
    %add3A_787 = arith.addf %add3A_781, %mul3A_786 : vector<64x512xf32>
    %get3A_788 = arith.constant 0 : index
    %get3A_789 = arith.constant 0 : index
    %get3A_790 = vector.load %arg3[%get3A_788, %get3A_789] : memref<64x1xf32, #tpu.memory_space<vmem>>, vector<64x1xf32>
    %add3A_791 = vector.broadcast %get3A_790 : vector<64x1xf32> to vector<64x512xf32>
    %add3A_792 = arith.addf %add3A_787, %add3A_791 : vector<64x512xf32>
    %max3A_793 = arith.constant 0.000000e+00 : f32
    %max3A_794 = vector.broadcast %max3A_793 : f32 to vector<64x512xf32>
    %max3A_795 = arith.maximumf %add3A_792, %max3A_794 : vector<64x512xf32>
    %convert_element_type3A_796 = arith.truncf %max3A_795 : vector<64x512xf32> to vector<64x512xbf16>
    %convert_element_type3A_797 = arith.extf %convert_element_type3A_796 : vector<64x512xbf16> to vector<64x512xf32>
    %mul3A_798 = vector.broadcast %convert_element_type3A_7 : vector<64x1xf32> to vector<64x512xf32>
    %mul3A_799 = arith.mulf %convert_element_type3A_797, %mul3A_798 : vector<64x512xf32>
    %reduce_sum3A_800 = arith.constant dense<0.000000e+00> : vector<512xf32>
    %reduce_sum3A_801 = vector.multi_reduction <add>, %mul3A_799, %reduce_sum3A_800 [0] : vector<64x512xf32> to vector<512xf32>
    %broadcast_in_dim3A_802 = vector.shape_cast %reduce_sum3A_801 : vector<512xf32> to vector<1x512xf32>
    %get3A_803 = arith.constant 0 : index
    %get3A_804 = arith.constant 0 : index
    %get3A_805 = vector.load %arg5[%get3A_803, %get3A_804] : memref<1x1xf32, #tpu.memory_space<vmem>>, vector<1x1xf32>
    %add3A_806 = vector.broadcast %get3A_805 : vector<1x1xf32> to vector<1x512xf32>
    %add3A_807 = arith.addf %broadcast_in_dim3A_802, %add3A_806 : vector<1x512xf32>
    %swap3A_808 = arith.constant 0 : index
    %swap3A_809 = arith.constant 8704 : index
    %swap3A_810 = vector.load %arg6[%swap3A_808, %swap3A_809] : memref<1x12800xf32, #tpu.memory_space<vmem>>, vector<1x512xf32>
    tpu.vector_store %arg6[%swap3A_808, %swap3A_809], %add3A_807 {strides = array<i32>} : memref<1x12800xf32, #tpu.memory_space<vmem>>, vector<1x512xf32>,
    %get3A_811 = arith.constant 0 : index
    %get3A_812 = arith.constant 9216 : index
    %get3A_813 = vector.load %arg1[%get3A_811, %get3A_812] : memref<3x12800xf32, #tpu.memory_space<vmem>>, vector<3x512xf32>
    %convert_element_type3A_814 = arith.truncf %get3A_813 : vector<3x512xf32> to vector<3x512xbf16>
    %convert_element_type3A_815 = arith.extf %convert_element_type3A_814 : vector<3x512xbf16> to vector<3x512xf32>
    %slice3A_816 = vector.extract_strided_slice %convert_element_type3A_2 {offsets = [0, 0], sizes = [64, 1], strides = [1, 1]} : vector<64x3xf32> to vector<64x1xf32>
    %slice3A_817 = vector.extract_strided_slice %convert_element_type3A_815 {offsets = [0, 0], sizes = [1, 512], strides = [1, 1]} : vector<3x512xf32> to vector<1x512xf32>
    %mul3A_818 = vector.broadcast %slice3A_816 : vector<64x1xf32> to vector<64x512xf32>
    %mul3A_819 = vector.broadcast %slice3A_817 : vector<1x512xf32> to vector<64x512xf32>
    %mul3A_820 = arith.mulf %mul3A_818, %mul3A_819 : vector<64x512xf32>
    %slice3A_821 = vector.extract_strided_slice %convert_element_type3A_2 {offsets = [0, 1], sizes = [64, 1], strides = [1, 1]} : vector<64x3xf32> to vector<64x1xf32>
    %slice3A_822 = vector.extract_strided_slice %convert_element_type3A_815 {offsets = [1, 0], sizes = [1, 512], strides = [1, 1]} : vector<3x512xf32> to vector<1x512xf32>
    %mul3A_823 = vector.broadcast %slice3A_821 : vector<64x1xf32> to vector<64x512xf32>
    %mul3A_824 = vector.broadcast %slice3A_822 : vector<1x512xf32> to vector<64x512xf32>
    %mul3A_825 = arith.mulf %mul3A_823, %mul3A_824 : vector<64x512xf32>
    %add3A_826 = arith.addf %mul3A_820, %mul3A_825 : vector<64x512xf32>
    %slice3A_827 = vector.extract_strided_slice %convert_element_type3A_2 {offsets = [0, 2], sizes = [64, 1], strides = [1, 1]} : vector<64x3xf32> to vector<64x1xf32>
    %slice3A_828 = vector.extract_strided_slice %convert_element_type3A_815 {offsets = [2, 0], sizes = [1, 512], strides = [1, 1]} : vector<3x512xf32> to vector<1x512xf32>
    %mul3A_829 = vector.broadcast %slice3A_827 : vector<64x1xf32> to vector<64x512xf32>
    %mul3A_830 = vector.broadcast %slice3A_828 : vector<1x512xf32> to vector<64x512xf32>
    %mul3A_831 = arith.mulf %mul3A_829, %mul3A_830 : vector<64x512xf32>
    %add3A_832 = arith.addf %add3A_826, %mul3A_831 : vector<64x512xf32>
    %get3A_833 = arith.constant 0 : index
    %get3A_834 = arith.constant 0 : index
    %get3A_835 = vector.load %arg3[%get3A_833, %get3A_834] : memref<64x1xf32, #tpu.memory_space<vmem>>, vector<64x1xf32>
    %add3A_836 = vector.broadcast %get3A_835 : vector<64x1xf32> to vector<64x512xf32>
    %add3A_837 = arith.addf %add3A_832, %add3A_836 : vector<64x512xf32>
    %max3A_838 = arith.constant 0.000000e+00 : f32
    %max3A_839 = vector.broadcast %max3A_838 : f32 to vector<64x512xf32>
    %max3A_840 = arith.maximumf %add3A_837, %max3A_839 : vector<64x512xf32>
    %convert_element_type3A_841 = arith.truncf %max3A_840 : vector<64x512xf32> to vector<64x512xbf16>
    %convert_element_type3A_842 = arith.extf %convert_element_type3A_841 : vector<64x512xbf16> to vector<64x512xf32>
    %mul3A_843 = vector.broadcast %convert_element_type3A_7 : vector<64x1xf32> to vector<64x512xf32>
    %mul3A_844 = arith.mulf %convert_element_type3A_842, %mul3A_843 : vector<64x512xf32>
    %reduce_sum3A_845 = arith.constant dense<0.000000e+00> : vector<512xf32>
    %reduce_sum3A_846 = vector.multi_reduction <add>, %mul3A_844, %reduce_sum3A_845 [0] : vector<64x512xf32> to vector<512xf32>
    %broadcast_in_dim3A_847 = vector.shape_cast %reduce_sum3A_846 : vector<512xf32> to vector<1x512xf32>
    %get3A_848 = arith.constant 0 : index
    %get3A_849 = arith.constant 0 : index
    %get3A_850 = vector.load %arg5[%get3A_848, %get3A_849] : memref<1x1xf32, #tpu.memory_space<vmem>>, vector<1x1xf32>
    %add3A_851 = vector.broadcast %get3A_850 : vector<1x1xf32> to vector<1x512xf32>
    %add3A_852 = arith.addf %broadcast_in_dim3A_847, %add3A_851 : vector<1x512xf32>
    %swap3A_853 = arith.constant 0 : index
    %swap3A_854 = arith.constant 9216 : index
    %swap3A_855 = vector.load %arg6[%swap3A_853, %swap3A_854] : memref<1x12800xf32, #tpu.memory_space<vmem>>, vector<1x512xf32>
    tpu.vector_store %arg6[%swap3A_853, %swap3A_854], %add3A_852 {strides = array<i32>} : memref<1x12800xf32, #tpu.memory_space<vmem>>, vector<1x512xf32>,
    %get3A_856 = arith.constant 0 : index
    %get3A_857 = arith.constant 9728 : index
    %get3A_858 = vector.load %arg1[%get3A_856, %get3A_857] : memref<3x12800xf32, #tpu.memory_space<vmem>>, vector<3x512xf32>
    %convert_element_type3A_859 = arith.truncf %get3A_858 : vector<3x512xf32> to vector<3x512xbf16>
    %convert_element_type3A_860 = arith.extf %convert_element_type3A_859 : vector<3x512xbf16> to vector<3x512xf32>
    %slice3A_861 = vector.extract_strided_slice %convert_element_type3A_2 {offsets = [0, 0], sizes = [64, 1], strides = [1, 1]} : vector<64x3xf32> to vector<64x1xf32>
    %slice3A_862 = vector.extract_strided_slice %convert_element_type3A_860 {offsets = [0, 0], sizes = [1, 512], strides = [1, 1]} : vector<3x512xf32> to vector<1x512xf32>
    %mul3A_863 = vector.broadcast %slice3A_861 : vector<64x1xf32> to vector<64x512xf32>
    %mul3A_864 = vector.broadcast %slice3A_862 : vector<1x512xf32> to vector<64x512xf32>
    %mul3A_865 = arith.mulf %mul3A_863, %mul3A_864 : vector<64x512xf32>
    %slice3A_866 = vector.extract_strided_slice %convert_element_type3A_2 {offsets = [0, 1], sizes = [64, 1], strides = [1, 1]} : vector<64x3xf32> to vector<64x1xf32>
    %slice3A_867 = vector.extract_strided_slice %convert_element_type3A_860 {offsets = [1, 0], sizes = [1, 512], strides = [1, 1]} : vector<3x512xf32> to vector<1x512xf32>
    %mul3A_868 = vector.broadcast %slice3A_866 : vector<64x1xf32> to vector<64x512xf32>
    %mul3A_869 = vector.broadcast %slice3A_867 : vector<1x512xf32> to vector<64x512xf32>
    %mul3A_870 = arith.mulf %mul3A_868, %mul3A_869 : vector<64x512xf32>
    %add3A_871 = arith.addf %mul3A_865, %mul3A_870 : vector<64x512xf32>
    %slice3A_872 = vector.extract_strided_slice %convert_element_type3A_2 {offsets = [0, 2], sizes = [64, 1], strides = [1, 1]} : vector<64x3xf32> to vector<64x1xf32>
    %slice3A_873 = vector.extract_strided_slice %convert_element_type3A_860 {offsets = [2, 0], sizes = [1, 512], strides = [1, 1]} : vector<3x512xf32> to vector<1x512xf32>
    %mul3A_874 = vector.broadcast %slice3A_872 : vector<64x1xf32> to vector<64x512xf32>
    %mul3A_875 = vector.broadcast %slice3A_873 : vector<1x512xf32> to vector<64x512xf32>
    %mul3A_876 = arith.mulf %mul3A_874, %mul3A_875 : vector<64x512xf32>
    %add3A_877 = arith.addf %add3A_871, %mul3A_876 : vector<64x512xf32>
    %get3A_878 = arith.constant 0 : index
    %get3A_879 = arith.constant 0 : index
    %get3A_880 = vector.load %arg3[%get3A_878, %get3A_879] : memref<64x1xf32, #tpu.memory_space<vmem>>, vector<64x1xf32>
    %add3A_881 = vector.broadcast %get3A_880 : vector<64x1xf32> to vector<64x512xf32>
    %add3A_882 = arith.addf %add3A_877, %add3A_881 : vector<64x512xf32>
    %max3A_883 = arith.constant 0.000000e+00 : f32
    %max3A_884 = vector.broadcast %max3A_883 : f32 to vector<64x512xf32>
    %max3A_885 = arith.maximumf %add3A_882, %max3A_884 : vector<64x512xf32>
    %convert_element_type3A_886 = arith.truncf %max3A_885 : vector<64x512xf32> to vector<64x512xbf16>
    %convert_element_type3A_887 = arith.extf %convert_element_type3A_886 : vector<64x512xbf16> to vector<64x512xf32>
    %mul3A_888 = vector.broadcast %convert_element_type3A_7 : vector<64x1xf32> to vector<64x512xf32>
    %mul3A_889 = arith.mulf %convert_element_type3A_887, %mul3A_888 : vector<64x512xf32>
    %reduce_sum3A_890 = arith.constant dense<0.000000e+00> : vector<512xf32>
    %reduce_sum3A_891 = vector.multi_reduction <add>, %mul3A_889, %reduce_sum3A_890 [0] : vector<64x512xf32> to vector<512xf32>
    %broadcast_in_dim3A_892 = vector.shape_cast %reduce_sum3A_891 : vector<512xf32> to vector<1x512xf32>
    %get3A_893 = arith.constant 0 : index
    %get3A_894 = arith.constant 0 : index
    %get3A_895 = vector.load %arg5[%get3A_893, %get3A_894] : memref<1x1xf32, #tpu.memory_space<vmem>>, vector<1x1xf32>
    %add3A_896 = vector.broadcast %get3A_895 : vector<1x1xf32> to vector<1x512xf32>
    %add3A_897 = arith.addf %broadcast_in_dim3A_892, %add3A_896 : vector<1x512xf32>
    %swap3A_898 = arith.constant 0 : index
    %swap3A_899 = arith.constant 9728 : index
    %swap3A_900 = vector.load %arg6[%swap3A_898, %swap3A_899] : memref<1x12800xf32, #tpu.memory_space<vmem>>, vector<1x512xf32>
    tpu.vector_store %arg6[%swap3A_898, %swap3A_899], %add3A_897 {strides = array<i32>} : memref<1x12800xf32, #tpu.memory_space<vmem>>, vector<1x512xf32>,
    %get3A_901 = arith.constant 0 : index
    %get3A_902 = arith.constant 10240 : index
    %get3A_903 = vector.load %arg1[%get3A_901, %get3A_902] : memref<3x12800xf32, #tpu.memory_space<vmem>>, vector<3x512xf32>
    %convert_element_type3A_904 = arith.truncf %get3A_903 : vector<3x512xf32> to vector<3x512xbf16>
    %convert_element_type3A_905 = arith.extf %convert_element_type3A_904 : vector<3x512xbf16> to vector<3x512xf32>
    %slice3A_906 = vector.extract_strided_slice %convert_element_type3A_2 {offsets = [0, 0], sizes = [64, 1], strides = [1, 1]} : vector<64x3xf32> to vector<64x1xf32>
    %slice3A_907 = vector.extract_strided_slice %convert_element_type3A_905 {offsets = [0, 0], sizes = [1, 512], strides = [1, 1]} : vector<3x512xf32> to vector<1x512xf32>
    %mul3A_908 = vector.broadcast %slice3A_906 : vector<64x1xf32> to vector<64x512xf32>
    %mul3A_909 = vector.broadcast %slice3A_907 : vector<1x512xf32> to vector<64x512xf32>
    %mul3A_910 = arith.mulf %mul3A_908, %mul3A_909 : vector<64x512xf32>
    %slice3A_911 = vector.extract_strided_slice %convert_element_type3A_2 {offsets = [0, 1], sizes = [64, 1], strides = [1, 1]} : vector<64x3xf32> to vector<64x1xf32>
    %slice3A_912 = vector.extract_strided_slice %convert_element_type3A_905 {offsets = [1, 0], sizes = [1, 512], strides = [1, 1]} : vector<3x512xf32> to vector<1x512xf32>
    %mul3A_913 = vector.broadcast %slice3A_911 : vector<64x1xf32> to vector<64x512xf32>
    %mul3A_914 = vector.broadcast %slice3A_912 : vector<1x512xf32> to vector<64x512xf32>
    %mul3A_915 = arith.mulf %mul3A_913, %mul3A_914 : vector<64x512xf32>
    %add3A_916 = arith.addf %mul3A_910, %mul3A_915 : vector<64x512xf32>
    %slice3A_917 = vector.extract_strided_slice %convert_element_type3A_2 {offsets = [0, 2], sizes = [64, 1], strides = [1, 1]} : vector<64x3xf32> to vector<64x1xf32>
    %slice3A_918 = vector.extract_strided_slice %convert_element_type3A_905 {offsets = [2, 0], sizes = [1, 512], strides = [1, 1]} : vector<3x512xf32> to vector<1x512xf32>
    %mul3A_919 = vector.broadcast %slice3A_917 : vector<64x1xf32> to vector<64x512xf32>
    %mul3A_920 = vector.broadcast %slice3A_918 : vector<1x512xf32> to vector<64x512xf32>
    %mul3A_921 = arith.mulf %mul3A_919, %mul3A_920 : vector<64x512xf32>
    %add3A_922 = arith.addf %add3A_916, %mul3A_921 : vector<64x512xf32>
    %get3A_923 = arith.constant 0 : index
    %get3A_924 = arith.constant 0 : index
    %get3A_925 = vector.load %arg3[%get3A_923, %get3A_924] : memref<64x1xf32, #tpu.memory_space<vmem>>, vector<64x1xf32>
    %add3A_926 = vector.broadcast %get3A_925 : vector<64x1xf32> to vector<64x512xf32>
    %add3A_927 = arith.addf %add3A_922, %add3A_926 : vector<64x512xf32>
    %max3A_928 = arith.constant 0.000000e+00 : f32
    %max3A_929 = vector.broadcast %max3A_928 : f32 to vector<64x512xf32>
    %max3A_930 = arith.maximumf %add3A_927, %max3A_929 : vector<64x512xf32>
    %convert_element_type3A_931 = arith.truncf %max3A_930 : vector<64x512xf32> to vector<64x512xbf16>
    %convert_element_type3A_932 = arith.extf %convert_element_type3A_931 : vector<64x512xbf16> to vector<64x512xf32>
    %mul3A_933 = vector.broadcast %convert_element_type3A_7 : vector<64x1xf32> to vector<64x512xf32>
    %mul3A_934 = arith.mulf %convert_element_type3A_932, %mul3A_933 : vector<64x512xf32>
    %reduce_sum3A_935 = arith.constant dense<0.000000e+00> : vector<512xf32>
    %reduce_sum3A_936 = vector.multi_reduction <add>, %mul3A_934, %reduce_sum3A_935 [0] : vector<64x512xf32> to vector<512xf32>
    %broadcast_in_dim3A_937 = vector.shape_cast %reduce_sum3A_936 : vector<512xf32> to vector<1x512xf32>
    %get3A_938 = arith.constant 0 : index
    %get3A_939 = arith.constant 0 : index
    %get3A_940 = vector.load %arg5[%get3A_938, %get3A_939] : memref<1x1xf32, #tpu.memory_space<vmem>>, vector<1x1xf32>
    %add3A_941 = vector.broadcast %get3A_940 : vector<1x1xf32> to vector<1x512xf32>
    %add3A_942 = arith.addf %broadcast_in_dim3A_937, %add3A_941 : vector<1x512xf32>
    %swap3A_943 = arith.constant 0 : index
    %swap3A_944 = arith.constant 10240 : index
    %swap3A_945 = vector.load %arg6[%swap3A_943, %swap3A_944] : memref<1x12800xf32, #tpu.memory_space<vmem>>, vector<1x512xf32>
    tpu.vector_store %arg6[%swap3A_943, %swap3A_944], %add3A_942 {strides = array<i32>} : memref<1x12800xf32, #tpu.memory_space<vmem>>, vector<1x512xf32>,
    %get3A_946 = arith.constant 0 : index
    %get3A_947 = arith.constant 10752 : index
    %get3A_948 = vector.load %arg1[%get3A_946, %get3A_947] : memref<3x12800xf32, #tpu.memory_space<vmem>>, vector<3x512xf32>
    %convert_element_type3A_949 = arith.truncf %get3A_948 : vector<3x512xf32> to vector<3x512xbf16>
    %convert_element_type3A_950 = arith.extf %convert_element_type3A_949 : vector<3x512xbf16> to vector<3x512xf32>
    %slice3A_951 = vector.extract_strided_slice %convert_element_type3A_2 {offsets = [0, 0], sizes = [64, 1], strides = [1, 1]} : vector<64x3xf32> to vector<64x1xf32>
    %slice3A_952 = vector.extract_strided_slice %convert_element_type3A_950 {offsets = [0, 0], sizes = [1, 512], strides = [1, 1]} : vector<3x512xf32> to vector<1x512xf32>
    %mul3A_953 = vector.broadcast %slice3A_951 : vector<64x1xf32> to vector<64x512xf32>
    %mul3A_954 = vector.broadcast %slice3A_952 : vector<1x512xf32> to vector<64x512xf32>
    %mul3A_955 = arith.mulf %mul3A_953, %mul3A_954 : vector<64x512xf32>
    %slice3A_956 = vector.extract_strided_slice %convert_element_type3A_2 {offsets = [0, 1], sizes = [64, 1], strides = [1, 1]} : vector<64x3xf32> to vector<64x1xf32>
    %slice3A_957 = vector.extract_strided_slice %convert_element_type3A_950 {offsets = [1, 0], sizes = [1, 512], strides = [1, 1]} : vector<3x512xf32> to vector<1x512xf32>
    %mul3A_958 = vector.broadcast %slice3A_956 : vector<64x1xf32> to vector<64x512xf32>
    %mul3A_959 = vector.broadcast %slice3A_957 : vector<1x512xf32> to vector<64x512xf32>
    %mul3A_960 = arith.mulf %mul3A_958, %mul3A_959 : vector<64x512xf32>
    %add3A_961 = arith.addf %mul3A_955, %mul3A_960 : vector<64x512xf32>
    %slice3A_962 = vector.extract_strided_slice %convert_element_type3A_2 {offsets = [0, 2], sizes = [64, 1], strides = [1, 1]} : vector<64x3xf32> to vector<64x1xf32>
    %slice3A_963 = vector.extract_strided_slice %convert_element_type3A_950 {offsets = [2, 0], sizes = [1, 512], strides = [1, 1]} : vector<3x512xf32> to vector<1x512xf32>
    %mul3A_964 = vector.broadcast %slice3A_962 : vector<64x1xf32> to vector<64x512xf32>
    %mul3A_965 = vector.broadcast %slice3A_963 : vector<1x512xf32> to vector<64x512xf32>
    %mul3A_966 = arith.mulf %mul3A_964, %mul3A_965 : vector<64x512xf32>
    %add3A_967 = arith.addf %add3A_961, %mul3A_966 : vector<64x512xf32>
    %get3A_968 = arith.constant 0 : index
    %get3A_969 = arith.constant 0 : index
    %get3A_970 = vector.load %arg3[%get3A_968, %get3A_969] : memref<64x1xf32, #tpu.memory_space<vmem>>, vector<64x1xf32>
    %add3A_971 = vector.broadcast %get3A_970 : vector<64x1xf32> to vector<64x512xf32>
    %add3A_972 = arith.addf %add3A_967, %add3A_971 : vector<64x512xf32>
    %max3A_973 = arith.constant 0.000000e+00 : f32
    %max3A_974 = vector.broadcast %max3A_973 : f32 to vector<64x512xf32>
    %max3A_975 = arith.maximumf %add3A_972, %max3A_974 : vector<64x512xf32>
    %convert_element_type3A_976 = arith.truncf %max3A_975 : vector<64x512xf32> to vector<64x512xbf16>
    %convert_element_type3A_977 = arith.extf %convert_element_type3A_976 : vector<64x512xbf16> to vector<64x512xf32>
    %mul3A_978 = vector.broadcast %convert_element_type3A_7 : vector<64x1xf32> to vector<64x512xf32>
    %mul3A_979 = arith.mulf %convert_element_type3A_977, %mul3A_978 : vector<64x512xf32>
    %reduce_sum3A_980 = arith.constant dense<0.000000e+00> : vector<512xf32>
    %reduce_sum3A_981 = vector.multi_reduction <add>, %mul3A_979, %reduce_sum3A_980 [0] : vector<64x512xf32> to vector<512xf32>
    %broadcast_in_dim3A_982 = vector.shape_cast %reduce_sum3A_981 : vector<512xf32> to vector<1x512xf32>
    %get3A_983 = arith.constant 0 : index
    %get3A_984 = arith.constant 0 : index
    %get3A_985 = vector.load %arg5[%get3A_983, %get3A_984] : memref<1x1xf32, #tpu.memory_space<vmem>>, vector<1x1xf32>
    %add3A_986 = vector.broadcast %get3A_985 : vector<1x1xf32> to vector<1x512xf32>
    %add3A_987 = arith.addf %broadcast_in_dim3A_982, %add3A_986 : vector<1x512xf32>
    %swap3A_988 = arith.constant 0 : index
    %swap3A_989 = arith.constant 10752 : index
    %swap3A_990 = vector.load %arg6[%swap3A_988, %swap3A_989] : memref<1x12800xf32, #tpu.memory_space<vmem>>, vector<1x512xf32>
    tpu.vector_store %arg6[%swap3A_988, %swap3A_989], %add3A_987 {strides = array<i32>} : memref<1x12800xf32, #tpu.memory_space<vmem>>, vector<1x512xf32>,
    %get3A_991 = arith.constant 0 : index
    %get3A_992 = arith.constant 11264 : index
    %get3A_993 = vector.load %arg1[%get3A_991, %get3A_992] : memref<3x12800xf32, #tpu.memory_space<vmem>>, vector<3x512xf32>
    %convert_element_type3A_994 = arith.truncf %get3A_993 : vector<3x512xf32> to vector<3x512xbf16>
    %convert_element_type3A_995 = arith.extf %convert_element_type3A_994 : vector<3x512xbf16> to vector<3x512xf32>
    %slice3A_996 = vector.extract_strided_slice %convert_element_type3A_2 {offsets = [0, 0], sizes = [64, 1], strides = [1, 1]} : vector<64x3xf32> to vector<64x1xf32>
    %slice3A_997 = vector.extract_strided_slice %convert_element_type3A_995 {offsets = [0, 0], sizes = [1, 512], strides = [1, 1]} : vector<3x512xf32> to vector<1x512xf32>
    %mul3A_998 = vector.broadcast %slice3A_996 : vector<64x1xf32> to vector<64x512xf32>
    %mul3A_999 = vector.broadcast %slice3A_997 : vector<1x512xf32> to vector<64x512xf32>
    %mul3A_1000 = arith.mulf %mul3A_998, %mul3A_999 : vector<64x512xf32>
    %slice3A_1001 = vector.extract_strided_slice %convert_element_type3A_2 {offsets = [0, 1], sizes = [64, 1], strides = [1, 1]} : vector<64x3xf32> to vector<64x1xf32>
    %slice3A_1002 = vector.extract_strided_slice %convert_element_type3A_995 {offsets = [1, 0], sizes = [1, 512], strides = [1, 1]} : vector<3x512xf32> to vector<1x512xf32>
    %mul3A_1003 = vector.broadcast %slice3A_1001 : vector<64x1xf32> to vector<64x512xf32>
    %mul3A_1004 = vector.broadcast %slice3A_1002 : vector<1x512xf32> to vector<64x512xf32>
    %mul3A_1005 = arith.mulf %mul3A_1003, %mul3A_1004 : vector<64x512xf32>
    %add3A_1006 = arith.addf %mul3A_1000, %mul3A_1005 : vector<64x512xf32>
    %slice3A_1007 = vector.extract_strided_slice %convert_element_type3A_2 {offsets = [0, 2], sizes = [64, 1], strides = [1, 1]} : vector<64x3xf32> to vector<64x1xf32>
    %slice3A_1008 = vector.extract_strided_slice %convert_element_type3A_995 {offsets = [2, 0], sizes = [1, 512], strides = [1, 1]} : vector<3x512xf32> to vector<1x512xf32>
    %mul3A_1009 = vector.broadcast %slice3A_1007 : vector<64x1xf32> to vector<64x512xf32>
    %mul3A_1010 = vector.broadcast %slice3A_1008 : vector<1x512xf32> to vector<64x512xf32>
    %mul3A_1011 = arith.mulf %mul3A_1009, %mul3A_1010 : vector<64x512xf32>
    %add3A_1012 = arith.addf %add3A_1006, %mul3A_1011 : vector<64x512xf32>
    %get3A_1013 = arith.constant 0 : index
    %get3A_1014 = arith.constant 0 : index
    %get3A_1015 = vector.load %arg3[%get3A_1013, %get3A_1014] : memref<64x1xf32, #tpu.memory_space<vmem>>, vector<64x1xf32>
    %add3A_1016 = vector.broadcast %get3A_1015 : vector<64x1xf32> to vector<64x512xf32>
    %add3A_1017 = arith.addf %add3A_1012, %add3A_1016 : vector<64x512xf32>
    %max3A_1018 = arith.constant 0.000000e+00 : f32
    %max3A_1019 = vector.broadcast %max3A_1018 : f32 to vector<64x512xf32>
    %max3A_1020 = arith.maximumf %add3A_1017, %max3A_1019 : vector<64x512xf32>
    %convert_element_type3A_1021 = arith.truncf %max3A_1020 : vector<64x512xf32> to vector<64x512xbf16>
    %convert_element_type3A_1022 = arith.extf %convert_element_type3A_1021 : vector<64x512xbf16> to vector<64x512xf32>
    %mul3A_1023 = vector.broadcast %convert_element_type3A_7 : vector<64x1xf32> to vector<64x512xf32>
    %mul3A_1024 = arith.mulf %convert_element_type3A_1022, %mul3A_1023 : vector<64x512xf32>
    %reduce_sum3A_1025 = arith.constant dense<0.000000e+00> : vector<512xf32>
    %reduce_sum3A_1026 = vector.multi_reduction <add>, %mul3A_1024, %reduce_sum3A_1025 [0] : vector<64x512xf32> to vector<512xf32>
    %broadcast_in_dim3A_1027 = vector.shape_cast %reduce_sum3A_1026 : vector<512xf32> to vector<1x512xf32>
    %get3A_1028 = arith.constant 0 : index
    %get3A_1029 = arith.constant 0 : index
    %get3A_1030 = vector.load %arg5[%get3A_1028, %get3A_1029] : memref<1x1xf32, #tpu.memory_space<vmem>>, vector<1x1xf32>
    %add3A_1031 = vector.broadcast %get3A_1030 : vector<1x1xf32> to vector<1x512xf32>
    %add3A_1032 = arith.addf %broadcast_in_dim3A_1027, %add3A_1031 : vector<1x512xf32>
    %swap3A_1033 = arith.constant 0 : index
    %swap3A_1034 = arith.constant 11264 : index
    %swap3A_1035 = vector.load %arg6[%swap3A_1033, %swap3A_1034] : memref<1x12800xf32, #tpu.memory_space<vmem>>, vector<1x512xf32>
    tpu.vector_store %arg6[%swap3A_1033, %swap3A_1034], %add3A_1032 {strides = array<i32>} : memref<1x12800xf32, #tpu.memory_space<vmem>>, vector<1x512xf32>,
    %get3A_1036 = arith.constant 0 : index
    %get3A_1037 = arith.constant 11776 : index
    %get3A_1038 = vector.load %arg1[%get3A_1036, %get3A_1037] : memref<3x12800xf32, #tpu.memory_space<vmem>>, vector<3x512xf32>
    %convert_element_type3A_1039 = arith.truncf %get3A_1038 : vector<3x512xf32> to vector<3x512xbf16>
    %convert_element_type3A_1040 = arith.extf %convert_element_type3A_1039 : vector<3x512xbf16> to vector<3x512xf32>
    %slice3A_1041 = vector.extract_strided_slice %convert_element_type3A_2 {offsets = [0, 0], sizes = [64, 1], strides = [1, 1]} : vector<64x3xf32> to vector<64x1xf32>
    %slice3A_1042 = vector.extract_strided_slice %convert_element_type3A_1040 {offsets = [0, 0], sizes = [1, 512], strides = [1, 1]} : vector<3x512xf32> to vector<1x512xf32>
    %mul3A_1043 = vector.broadcast %slice3A_1041 : vector<64x1xf32> to vector<64x512xf32>
    %mul3A_1044 = vector.broadcast %slice3A_1042 : vector<1x512xf32> to vector<64x512xf32>
    %mul3A_1045 = arith.mulf %mul3A_1043, %mul3A_1044 : vector<64x512xf32>
    %slice3A_1046 = vector.extract_strided_slice %convert_element_type3A_2 {offsets = [0, 1], sizes = [64, 1], strides = [1, 1]} : vector<64x3xf32> to vector<64x1xf32>
    %slice3A_1047 = vector.extract_strided_slice %convert_element_type3A_1040 {offsets = [1, 0], sizes = [1, 512], strides = [1, 1]} : vector<3x512xf32> to vector<1x512xf32>
    %mul3A_1048 = vector.broadcast %slice3A_1046 : vector<64x1xf32> to vector<64x512xf32>
    %mul3A_1049 = vector.broadcast %slice3A_1047 : vector<1x512xf32> to vector<64x512xf32>
    %mul3A_1050 = arith.mulf %mul3A_1048, %mul3A_1049 : vector<64x512xf32>
    %add3A_1051 = arith.addf %mul3A_1045, %mul3A_1050 : vector<64x512xf32>
    %slice3A_1052 = vector.extract_strided_slice %convert_element_type3A_2 {offsets = [0, 2], sizes = [64, 1], strides = [1, 1]} : vector<64x3xf32> to vector<64x1xf32>
    %slice3A_1053 = vector.extract_strided_slice %convert_element_type3A_1040 {offsets = [2, 0], sizes = [1, 512], strides = [1, 1]} : vector<3x512xf32> to vector<1x512xf32>
    %mul3A_1054 = vector.broadcast %slice3A_1052 : vector<64x1xf32> to vector<64x512xf32>
    %mul3A_1055 = vector.broadcast %slice3A_1053 : vector<1x512xf32> to vector<64x512xf32>
    %mul3A_1056 = arith.mulf %mul3A_1054, %mul3A_1055 : vector<64x512xf32>
    %add3A_1057 = arith.addf %add3A_1051, %mul3A_1056 : vector<64x512xf32>
    %get3A_1058 = arith.constant 0 : index
    %get3A_1059 = arith.constant 0 : index
    %get3A_1060 = vector.load %arg3[%get3A_1058, %get3A_1059] : memref<64x1xf32, #tpu.memory_space<vmem>>, vector<64x1xf32>
    %add3A_1061 = vector.broadcast %get3A_1060 : vector<64x1xf32> to vector<64x512xf32>
    %add3A_1062 = arith.addf %add3A_1057, %add3A_1061 : vector<64x512xf32>
    %max3A_1063 = arith.constant 0.000000e+00 : f32
    %max3A_1064 = vector.broadcast %max3A_1063 : f32 to vector<64x512xf32>
    %max3A_1065 = arith.maximumf %add3A_1062, %max3A_1064 : vector<64x512xf32>
    %convert_element_type3A_1066 = arith.truncf %max3A_1065 : vector<64x512xf32> to vector<64x512xbf16>
    %convert_element_type3A_1067 = arith.extf %convert_element_type3A_1066 : vector<64x512xbf16> to vector<64x512xf32>
    %mul3A_1068 = vector.broadcast %convert_element_type3A_7 : vector<64x1xf32> to vector<64x512xf32>
    %mul3A_1069 = arith.mulf %convert_element_type3A_1067, %mul3A_1068 : vector<64x512xf32>
    %reduce_sum3A_1070 = arith.constant dense<0.000000e+00> : vector<512xf32>
    %reduce_sum3A_1071 = vector.multi_reduction <add>, %mul3A_1069, %reduce_sum3A_1070 [0] : vector<64x512xf32> to vector<512xf32>
    %broadcast_in_dim3A_1072 = vector.shape_cast %reduce_sum3A_1071 : vector<512xf32> to vector<1x512xf32>
    %get3A_1073 = arith.constant 0 : index
    %get3A_1074 = arith.constant 0 : index
    %get3A_1075 = vector.load %arg5[%get3A_1073, %get3A_1074] : memref<1x1xf32, #tpu.memory_space<vmem>>, vector<1x1xf32>
    %add3A_1076 = vector.broadcast %get3A_1075 : vector<1x1xf32> to vector<1x512xf32>
    %add3A_1077 = arith.addf %broadcast_in_dim3A_1072, %add3A_1076 : vector<1x512xf32>
    %swap3A_1078 = arith.constant 0 : index
    %swap3A_1079 = arith.constant 11776 : index
    %swap3A_1080 = vector.load %arg6[%swap3A_1078, %swap3A_1079] : memref<1x12800xf32, #tpu.memory_space<vmem>>, vector<1x512xf32>
    tpu.vector_store %arg6[%swap3A_1078, %swap3A_1079], %add3A_1077 {strides = array<i32>} : memref<1x12800xf32, #tpu.memory_space<vmem>>, vector<1x512xf32>,
    %get3A_1081 = arith.constant 0 : index
    %get3A_1082 = arith.constant 12288 : index
    %get3A_1083 = vector.load %arg1[%get3A_1081, %get3A_1082] : memref<3x12800xf32, #tpu.memory_space<vmem>>, vector<3x512xf32>
    %convert_element_type3A_1084 = arith.truncf %get3A_1083 : vector<3x512xf32> to vector<3x512xbf16>
    %convert_element_type3A_1085 = arith.extf %convert_element_type3A_1084 : vector<3x512xbf16> to vector<3x512xf32>
    %slice3A_1086 = vector.extract_strided_slice %convert_element_type3A_2 {offsets = [0, 0], sizes = [64, 1], strides = [1, 1]} : vector<64x3xf32> to vector<64x1xf32>
    %slice3A_1087 = vector.extract_strided_slice %convert_element_type3A_1085 {offsets = [0, 0], sizes = [1, 512], strides = [1, 1]} : vector<3x512xf32> to vector<1x512xf32>
    %mul3A_1088 = vector.broadcast %slice3A_1086 : vector<64x1xf32> to vector<64x512xf32>
    %mul3A_1089 = vector.broadcast %slice3A_1087 : vector<1x512xf32> to vector<64x512xf32>
    %mul3A_1090 = arith.mulf %mul3A_1088, %mul3A_1089 : vector<64x512xf32>
    %slice3A_1091 = vector.extract_strided_slice %convert_element_type3A_2 {offsets = [0, 1], sizes = [64, 1], strides = [1, 1]} : vector<64x3xf32> to vector<64x1xf32>
    %slice3A_1092 = vector.extract_strided_slice %convert_element_type3A_1085 {offsets = [1, 0], sizes = [1, 512], strides = [1, 1]} : vector<3x512xf32> to vector<1x512xf32>
    %mul3A_1093 = vector.broadcast %slice3A_1091 : vector<64x1xf32> to vector<64x512xf32>
    %mul3A_1094 = vector.broadcast %slice3A_1092 : vector<1x512xf32> to vector<64x512xf32>
    %mul3A_1095 = arith.mulf %mul3A_1093, %mul3A_1094 : vector<64x512xf32>
    %add3A_1096 = arith.addf %mul3A_1090, %mul3A_1095 : vector<64x512xf32>
    %slice3A_1097 = vector.extract_strided_slice %convert_element_type3A_2 {offsets = [0, 2], sizes = [64, 1], strides = [1, 1]} : vector<64x3xf32> to vector<64x1xf32>
    %slice3A_1098 = vector.extract_strided_slice %convert_element_type3A_1085 {offsets = [2, 0], sizes = [1, 512], strides = [1, 1]} : vector<3x512xf32> to vector<1x512xf32>
    %mul3A_1099 = vector.broadcast %slice3A_1097 : vector<64x1xf32> to vector<64x512xf32>
    %mul3A_1100 = vector.broadcast %slice3A_1098 : vector<1x512xf32> to vector<64x512xf32>
    %mul3A_1101 = arith.mulf %mul3A_1099, %mul3A_1100 : vector<64x512xf32>
    %add3A_1102 = arith.addf %add3A_1096, %mul3A_1101 : vector<64x512xf32>
    %get3A_1103 = arith.constant 0 : index
    %get3A_1104 = arith.constant 0 : index
    %get3A_1105 = vector.load %arg3[%get3A_1103, %get3A_1104] : memref<64x1xf32, #tpu.memory_space<vmem>>, vector<64x1xf32>
    %add3A_1106 = vector.broadcast %get3A_1105 : vector<64x1xf32> to vector<64x512xf32>
    %add3A_1107 = arith.addf %add3A_1102, %add3A_1106 : vector<64x512xf32>
    %max3A_1108 = arith.constant 0.000000e+00 : f32
    %max3A_1109 = vector.broadcast %max3A_1108 : f32 to vector<64x512xf32>
    %max3A_1110 = arith.maximumf %add3A_1107, %max3A_1109 : vector<64x512xf32>
    %convert_element_type3A_1111 = arith.truncf %max3A_1110 : vector<64x512xf32> to vector<64x512xbf16>
    %convert_element_type3A_1112 = arith.extf %convert_element_type3A_1111 : vector<64x512xbf16> to vector<64x512xf32>
    %mul3A_1113 = vector.broadcast %convert_element_type3A_7 : vector<64x1xf32> to vector<64x512xf32>
    %mul3A_1114 = arith.mulf %convert_element_type3A_1112, %mul3A_1113 : vector<64x512xf32>
    %reduce_sum3A_1115 = arith.constant dense<0.000000e+00> : vector<512xf32>
    %reduce_sum3A_1116 = vector.multi_reduction <add>, %mul3A_1114, %reduce_sum3A_1115 [0] : vector<64x512xf32> to vector<512xf32>
    %broadcast_in_dim3A_1117 = vector.shape_cast %reduce_sum3A_1116 : vector<512xf32> to vector<1x512xf32>
    %get3A_1118 = arith.constant 0 : index
    %get3A_1119 = arith.constant 0 : index
    %get3A_1120 = vector.load %arg5[%get3A_1118, %get3A_1119] : memref<1x1xf32, #tpu.memory_space<vmem>>, vector<1x1xf32>
    %add3A_1121 = vector.broadcast %get3A_1120 : vector<1x1xf32> to vector<1x512xf32>
    %add3A_1122 = arith.addf %broadcast_in_dim3A_1117, %add3A_1121 : vector<1x512xf32>
    %swap3A_1123 = arith.constant 0 : index
    %swap3A_1124 = arith.constant 12288 : index
    %swap3A_1125 = vector.load %arg6[%swap3A_1123, %swap3A_1124] : memref<1x12800xf32, #tpu.memory_space<vmem>>, vector<1x512xf32>
    tpu.vector_store %arg6[%swap3A_1123, %swap3A_1124], %add3A_1122 {strides = array<i32>} : memref<1x12800xf32, #tpu.memory_space<vmem>>, vector<1x512xf32>,
    return
  }
  func.func @transform_0(%arg0: i32) -> (i32, i32) {
    %c0_i32 = arith.constant 0 : i32
    %c0_i32_0 = arith.constant 0 : i32
    return %c0_i32, %arg0 : i32, i32
  }
  func.func @transform_1(%arg0: i32) -> (i32, i32) {
    %c0_i32 = arith.constant 0 : i32
    %c0_i32_0 = arith.constant 0 : i32
    %c0_i32_1 = arith.constant 0 : i32
    return %c0_i32, %c0_i32_0 : i32, i32
  }
  func.func @transform_2(%arg0: i32) -> (i32, i32) {
    %c0_i32 = arith.constant 0 : i32
    %c0_i32_0 = arith.constant 0 : i32
    %c0_i32_1 = arith.constant 0 : i32
    return %c0_i32, %c0_i32_0 : i32, i32
  }
  func.func @transform_3(%arg0: i32) -> (i32, i32) {
    %c0_i32 = arith.constant 0 : i32
    %c0_i32_0 = arith.constant 0 : i32
    %c0_i32_1 = arith.constant 0 : i32
    return %c0_i32, %c0_i32_0 : i32, i32
  }
  func.func @transform_4(%arg0: i32) -> (i32, i32) {
    %c0_i32 = arith.constant 0 : i32
    %c0_i32_0 = arith.constant 0 : i32
    %c0_i32_1 = arith.constant 0 : i32
    return %c0_i32, %c0_i32_0 : i32, i32
  }
  func.func @transform_5(%arg0: i32) -> (i32, i32) {
    %c0_i32 = arith.constant 0 : i32
    %c0_i32_0 = arith.constant 0 : i32
    return %c0_i32, %arg0 : i32, i32
  }
}

</mosaic_0001>

<sc_bundles>
// kernel: kernel.4.cloned.1.call-start
scs
__scs_entry_jumppad:
0x0: {  	(pc) =	sbr.rel $0x88, $3  }
0x1: {  	(tag) =	ssettag $0x0;
	lr =	simm.s32 $0x1  }
0x2: {  	[smem:$0x3F98] =	sst lr;
	_ =	strace $0xD0000000  }
0x3: {  	_ = 	snop  }
0x4: {  	_ = 	snop  }
0x5: {  	_ = 	snop  }
0x6: {  	_ = 	snop  }
0x7: {  	_ = 	snop  }
__scs_overlays_trampoline_lowered:
0x8: {  	[smem:$0x3FA7] =	sst s0  }
0x9: {  	[smem:$0x3FA8] =	sst s1  }
0xa: {  	[smem:$0x3FA9] =	sst s2  }
0xb: {  	[smem:$0x3FAA] =	sst s3  }
0xc: {  	[smem:$0x3FAB] =	sst s4  }
0xd: {  	[smem:$0x3FAC] =	sst s5  }
0xe: {  	[smem:$0x3FAD] =	sst s6  }
0xf: {  	[smem:$0x3FAE] =	sst s7  }
0x10: {  	[smem:$0x3FAF] =	sst s8  }
0x11: {  	[smem:$0x3FB0] =	sst s9;
	s0 =	simm.s32 @!p0 $0x0  }
0x12: {  	s1 =	sld [smem:$0x3F96];
	s0 =	simm.s32 @p0 $0x1  }
0x13: {  	[smem:$0x3FB1] =	sst s0;
	s0 =	simm.s32 @!p1 $0x0  }
0x14: {  	s2 =	sld [smem:$0x3F95];
	s0 =	simm.s32 @p1 $0x1  }
0x15: {  	[smem:$0x3FB2] =	sst s0;
	s0 =	simm.s32 @!p2 $0x0  }
0x16: {  	s3 =	sld [smem:$0x3FDB];
	s0 =	simm.s32 @p2 $0x1  }
0x17: {  	s4 =	simm.s32 $0x1BF5;
	[smem:$0x3FB4] =	sst s0  }
0x18: {  	s0 =	sld [smem:$0x3F97];
	_ =	swait.ge [sflag:s4], $0x0  }
0x19: {  	s7 =	sld [smem:$0x3F98]  }
0x1a: {  	s8 =	sadd.s32 $0xFFFFE003, lr  }
0x1b: {  	s9 =	sadd.s32 $0xFFFFFEF7, lr;
	s5 =	simm.s32 $0xFFFFFFFF;
	p2 =	slt.u32 s8, $0xFFFFF086  }
0x1c: {  	p1 =	slt.u32 s9, $0xF7A;
	s5 =	simm.s32 @!p2 $0x0  }
0x1d: {  	s5 =	simm.s32 @p1 $0x1;
	p0 =	seq.s32 s7, s2  }
0x1e: {  	s7 =	smul.u32 @!p0 $0xF7A, s2;
	p2 =	seq.s32 @!p0 s5, $0x0  }
0x1f: {  	s9 =	smul.u32 $0xF7A, s1;
	s8 =	simm.s32 @!p0 $0x1BF5;
	p2 =	por !p2, p0  }
0x20: {  	[sflag:s8] =	ssyncset.s32 @!p0 $0xFFFFF086;
	s6 =	sadd.s32 @!p0 s3, s7;
	s7 =	simm.s32 @!p0 $0x108  }
0x21: {  	s3 =	sadd.s32 s3, s9;
	s6 =	sadd.s32 @!p0 $0x88, s6;
	s7 =	simm.s32 @p2 $0x1082  }
0x22: {  	[simem:s7], [sflag:s8] =	dma.local @!p0 [hbm:s6], $0xF7A  }
0x23: {  	s9 =	sor.u32 $0xD0000000, s2;
	s6 =	simm.s32 $0x108;
	_ =	swait.ge @!p0 [sflag:s8], $0x0  }
0x24: {  	s3 =	sadd.s32 $0x88, s3;
	s6 =	simm.s32 @!p1 $0x1082;
	[sflag:s4] =	ssyncset.s32 $0xFFFFF086  }
0x25: {  	[simem:s6], [sflag:s4] =	dma.local [hbm:s3], $0xF7A  }
0x26: {  	[smem:$0x3F98] =	sst s1;
	(tag) =	ssettag s2;
	_ =	strace s9  }
0x27: {  	s1 =	sld [smem:$0x3FA8]  }
0x28: {  	s2 =	sld [smem:$0x3FA9]  }
0x29: {  	s4 =	sld [smem:$0x3FAB]  }
0x2a: {  	p0 =	seq.s32 s5, $0x0;
	s5 =	sld [smem:$0x3FAC]  }
0x2b: {  	s6 =	sld [smem:$0x3FAD]  }
0x2c: {  	s7 =	sld [smem:$0x3FAE]  }
0x2d: {  	s3 =	simm.s32 $0x108;
	s8 =	sld [smem:$0x3FAF]  }
0x2e: {  	s3 =	simm.s32 @!p0 $0x1082;
	s9 =	sld [smem:$0x3FB0]  }
0x2f: {  	lr =	sadd.s32 s0, s3;
	s0 =	sld [smem:$0x3FA7]  }
0x30: {  	s3 =	sld [smem:$0x3FAA]  }
0x31: {  	[smem:$0x3FB3] =	sst s10  }
0x32: {  	s10 =	sld [smem:$0x3FB1];
	_ =	sdelay $0x3  }
0x33: {  	p0 =	seq.s32 s10, $0x1;
	s10 =	sld [smem:$0x3FB3];
	_ =	sdelay $0x3  }
0x34: {  	[smem:$0x3FB3] =	sst s10  }
0x35: {  	s10 =	sld [smem:$0x3FB2];
	_ =	sdelay $0x3  }
0x36: {  	p1 =	seq.s32 s10, $0x1;
	s10 =	sld [smem:$0x3FB3];
	_ =	sdelay $0x3  }
0x37: {  	[smem:$0x3FB3] =	sst s10  }
0x38: {  	s10 =	sld [smem:$0x3FB4]  }
0x39: {  	_ = 	snop;
	(pc) =	sbr.ind lr, $3  }
0x3a: {  	_ = 	snop  }
0x3b: {  	_ = 	snop  }
0x3c: {  	p2 =	seq.s32 s10, $0x1;
	s10 =	sld [smem:$0x3FB3]  }
0x3d: {  	_ =	shalt  }
0x3e: {  	_ =	shalt  }
0x3f: {  	_ =	shalt  }
0x40: {  	_ =	shalt  }
0x41: {  	_ =	shalt  }
0x42: {  	_ =	shalt  }
0x43: {  	_ =	shalt  }
0x44: {  	_ =	shalt  }
0x45: {  	_ =	shalt  }
0x46: {  	_ =	shalt  }
0x47: {  	_ =	shalt  }
0x48: {  	_ =	shalt  }
0x49: {  	_ =	shalt  }
0x4a: {  	_ =	shalt  }
0x4b: {  	_ =	shalt  }
0x4c: {  	_ =	shalt  }
0x4d: {  	_ =	shalt  }
0x4e: {  	_ =	shalt  }
0x4f: {  	_ =	shalt  }
0x50: {  	_ =	shalt  }
0x51: {  	_ =	shalt  }
0x52: {  	_ =	shalt  }
0x53: {  	_ =	shalt  }
0x54: {  	_ =	shalt  }
0x55: {  	_ =	shalt  }
0x56: {  	_ =	shalt  }
0x57: {  	_ =	shalt  }
0x58: {  	_ =	shalt  }
0x59: {  	_ =	shalt  }
0x5a: {  	_ =	shalt  }
0x5b: {  	_ =	shalt  }
0x5c: {  	_ =	shalt  }
0x5d: {  	_ =	shalt  }
0x5e: {  	_ =	shalt  }
0x5f: {  	_ =	shalt  }
0x60: {  	_ =	shalt  }
0x61: {  	_ =	shalt  }
0x62: {  	_ =	shalt  }
0x63: {  	_ =	shalt  }
0x64: {  	_ =	shalt  }
0x65: {  	_ =	shalt  }
0x66: {  	_ =	shalt  }
0x67: {  	_ =	shalt  }
0x68: {  	_ =	shalt  }
0x69: {  	_ =	shalt  }
0x6a: {  	_ =	shalt  }
0x6b: {  	_ =	shalt  }
0x6c: {  	_ =	shalt  }
0x6d: {  	_ =	shalt  }
0x6e: {  	_ =	shalt  }
0x6f: {  	_ =	shalt  }
0x70: {  	_ =	shalt  }
0x71: {  	_ =	shalt  }
0x72: {  	_ =	shalt  }
0x73: {  	_ =	shalt  }
0x74: {  	_ =	shalt  }
0x75: {  	_ =	shalt  }
0x76: {  	_ =	shalt  }
0x77: {  	_ =	shalt  }
0x78: {  	_ =	shalt  }
0x79: {  	_ =	shalt  }
0x7a: {  	_ =	shalt  }
0x7b: {  	_ =	shalt  }
0x7c: {  	_ =	shalt  }
0x7d: {  	_ =	shalt  }
0x7e: {  	_ =	shalt  }
0x7f: {  	_ =	shalt  }
0x80: {  	_ =	shalt  }
0x81: {  	_ =	shalt  }
0x82: {  	_ =	shalt  }
0x83: {  	_ =	shalt  }
0x84: {  	_ =	shalt  }
0x85: {  	_ =	shalt  }
0x86: {  	_ =	shalt  }
0x87: {  	_ =	shalt  }
.Lfunc_end0:
.L_simem_size_0:
called_computation_lowered:
.L_overlay_start_0:
0x88: {  	s0 =	sld [smem:$0x3FD9]  }
0x89: {  	s1 =	sld [smem:$0x3FFE];
	_ =	sdelay $0x3  }
0x8a: {  	s0 =	sadd.s32 s1, s0  }
0x8b: {  	[smem:$0x3FBF] =	sst s0  }
0x8c: {  	_ = 	snop  }
0x8d: {  	s0 =	sld [smem:$0x3FD0];
	(tm) =	ssettm $0x1  }
0x8e: {  	s16 =	sld [smem:$0x3FFB];
	_ =	sdelay $0x3  }
0x8f: {  	_ =	strace s16  }
0x90: {  	s1 =	sld [smem:$0x3FFC];
	_ =	sdelay $0x3  }
0x91: {  	_ =	strace s1  }
0x92: {  	s1 =	sld [smem:$0x3FFD];
	_ =	sdelay $0x3  }
0x93: {  	_ =	strace s1  }
0x94: {  	_ =	strace $0x8FFFFFFF  }
0x95: {  	s17 =	sld [smem:$0x3FDB];
	_ =	sdelay $0x1  }
0x96: {  	s2 =	simm.s32 $_scs_section_size  }
0x97: {  	s3 =	simm.s32 $_size__tile_overlayer_lowered;
	s4 =	simm.s32 $_tile_overlayer_lowered  }
0x98: {  	s20 =	simm.s32 $0x1BFF;
	s19 =	sshll.u32 s4, $0x1;
	s1 =	sadd.s32 s2, s17  }
0x99: {  	s5 =	simm.s32 $0x0;
	s18 =	sshll.u32 s3, $0x1;
	s3 =	sadd.s32 s19, s1  }
0x9a: {  	[timem:s5], [sflag:s20] =	dma.local [hbm:s3], s18  }
0x9b: {  	_ =	swait.ge [sflag:s20], s18  }
0x9c: {  	s2 =	ssub.s32 $0x0, s18;
	[sflag:s20] =	ssyncset.done $0x0  }
0x9d: {  	[sflag:s20] =	ssyncadd.s32 s2;
	_ =	sdelay $0x1  }
0x9e: {  	s21 =	simm.s32 $0x1B8B  }
0x9f: {  	_ =	swait.ge [sflag:s21], $0x1  }
0xa0: {  	[sflag:s21] =	ssyncset.done $0x0  }
0xa1: {  	s23 =	simm.s32 $0x1B8E;
	s22 =	sld [smem:$0x3FFE];
	[sflag:s21] =	ssyncadd.s32 $0xFFFFFFFF  }
0xa2: {  	s24 =	simm.s32 $execute0_lowered;
	[smem:$0x3FD2] =	sst s23  }
0xa3: {  	s3 =	sshll.u32 s24, $0x1;
	_ =	strace $0x80000046;
	[dreg:$0x1] =	wrdreg $0xFFFFFFFF  }
0xa4: {  	s25 =	simm.s32 $_size_execute0_lowered;
	s1 =	sadd.s32 s1, s3;
	[dreg:$0x0] =	wrdreg $0x0  }
0xa5: {  	s3 =	sshll.u32 s25, $0x1;
	[dreg:$0x2] =	wrdreg s1  }
0xa6: {  	[dreg:$0x3] =	wrdreg s3  }
0xa7: {  	[dreg:$0x4] =	wrdreg $0xC0  }
0xa8: {  	_ =	task [dreg:s5], $0x5FFFF  }
0xa9: {  	[dreg:$0x1] =	wrdreg $0xFFFFFFFF  }
0xaa: {  	[dreg:$0x0] =	wrdreg $0x60  }
0xab: {  	[dreg:$0x2] =	wrdreg s22  }
0xac: {  	[dreg:$0x3] =	wrdreg s0  }
0xad: {  	[dreg:$0x4] =	wrdreg $0x1A9300  }
0xae: {  	[dreg:$0x5] =	wrdreg $0x1C1B00  }
0xaf: {  	[dreg:$0x6] =	wrdreg $0x1DA300  }
0xb0: {  	[dreg:$0x7] =	wrdreg $0x9  }
0xb1: {  	_ =	task.clear_ibuf [dreg:s5], $0x8FFFF;
	_ =	strace $0x90000046  }
0xb2: {  	s26 =	simm.s32 $0x9;
	_ =	strace $0x80000048  }
0xb3: {  	_ =	swait.ge [sflag:s26], $0x1  }
0xb4: {  	[sflag:s26] =	ssyncadd.s32 $0xFFFFFFFF  }
0xb5: {  	_ =	strace $0x90000048  }
0xb6: {  	_ =	sfence  }
0xb7: {  	s28 =	sld [smem:$0x0];
	_ =	sdelay $0x1  }
0xb8: {  	s29 =	srdreg.scid  }
0xb9: {  	s30 =	sshll.u32 s29, $0xD;
	s31 =	sshrl.u32 s29, $0x2  }
0xba: {  	s2 =	sand.u32 $0x4000, s30;
	s1 =	sand.u32 $0x1, s29;
	s0 =	sadd.s32 s31, s28  }
0xbb: {  	s1 =	sor.u32 s2, s1;
	s0 =	sshll.u32 s0, $0x11  }
0xbc: {  	s0 =	sor.u32 s0, s1  }
0xbd: {  	s0 =	sadd.s32 $0x8F2B, s0  }
0xbe: {  	[sflag:s0] =	ssyncadd.remote.s32 $0x1  }
0xbf: {  	_ =	sfence.sel $0xFFFF  }
0xc0: {  	[dreg:$0x0] =	wrdreg $0xFFFFFFFF;
	(pc) =	sbr.abs _section_cstart, $3  }
0xc1: {  	[dreg:$0x1] =	wrdreg $0xFFFFFFFF  }
0xc2: {  	_ =	task.clear_ibuf [dreg:s5], $0x2FFFF;
	_ =	strace $0x9FFFFFFF  }
0xc3: {  	(tm) =	ssettm $0x7FFFFFFF  }
tec
execute0_lowered:
.L_overlay_start_1:
0x0: {  	(tag) =	ssettag $0x1  }
0x1: {  	s5 =	rddreg [dreg:$0x0]  }
0x2: {  	s0 =	rddreg [dreg:$0x1]  }
0x3: {  	s1 =	rddreg [dreg:$0x2]  }
0x4: {  	s2 =	rddreg [dreg:$0x3]  }
0x5: {  	s15 =	rddreg [dreg:$0x4];
	s3 =	simm.s32 $0x0  }
0x6: {  	[smem:$0x7FF] =	sst s3  }
0x7: {  	s4 =	simm.s32 $0x1A910;
	s6 =	simm.s32 $0xD;
	_ =	strace $0x80000047  }
0x8: {  	[tilespmem:s4], [sflag:$0xD] =	stream.linear.gather [hbm4b:s0+s3], $0x10, $0x38;
	[tilespmem:$0x1F2B0] =	vst v63  }
0x9: {  	_ =	swait.ge [sflag:s6], $0x10  }
0xa: {  	s10 =	stileid.u32;
	s31 =	simm.s32 $0x1A920;
	[sflag:s6] =	ssyncset.done $0x0  }
0xb: {  	s30 =	sadd.s32 $0x200, s5;
	s0 =	smul.u32 $0x1880, s10;
	[sflag:s6] =	ssyncadd.s32 $0xFFFFFFF0  }
0xc: {  	[tilespmem:s31], [sflag:$0xD] =	stream.linear.gather [hbm4b:s30+s3], $0x10, $0x38;
	[tilespmem:$0x1F2B0] =	vst v63  }
0xd: {  	_ =	swait.ge [sflag:s6], $0x10  }
0xe: {  	s8 =	sshll.u32 s10, $0x6;
	s13 =	sshrl.u32 s0, $0x3;
	[sflag:s6] =	ssyncset.done $0x0  }
0xf: {  	s4 =	sadd.s32 s0, s1;
	s7 =	sadd.s32 s13, s5;
	[sflag:s6] =	ssyncadd.s32 $0xFFFFFFF0  }
0x10: {  	s8 =	sor.u32 $0x1C0D, s8;
	s9 =	sshrl.u32 s4, $0x3;
	s7 =	sadd.s32 $0x62000, s7;
	v0 =	vld [tilespmem:$0x1A910]  }
0x11: {  	v1 =	vld [tilespmem:$0x1A920];
	[spmem:s9], [sflag:s8] =	dma.local [hbm:s7], $0x310  }
0x12: {  	_ =	swait.ge [sflag:s6], $0x310  }
0x13: {  	s14 =	sadd.s32 $0x96000, s5;
	[sflag:s6] =	ssyncset.done $0x0  }
0x14: {  	v2 =	vimm.f32 $0.0e+00;
	s7 =	sadd.s32 $0x400, s5;
	s8 =	sadd.s32 $0x65200, s5;
	[sflag:s6] =	ssyncadd.s32 $0xFFFFFCF0  }
.LBB2_1:
0x15: {  	p0 =	sne.s32 s3, $0x61C0  }
.Ltmp0:
0x16: {  	_ = 	snop;
	(pc) =	sbr.rel @p0 .LBB2_1-.Ltmp0, $3  }
0x17: {  	_ =	sdelay $0x1  }
0x18: {  	s5 =	sshra.s32 s3, $0x2  }
0x19: {  	s3 =	sadd.s32 $0x40, s3;
	[tilespmem:s5+$0x19090] =	vst v2  }
0x1a: {  	v2 =	vimm.f32 $1.000000000e+00;
	s3 =	simm.s32 $0x40;
	s5 =	simm.s32 $0x0  }
.LBB2_3:
0x1b: {  	p0 =	sne.s32 s3, $0x9C00;
	[tilespmem:s5+$0x13880] =	vst v2;
	s5 =	smov.u32 s3;
	s3 =	sadd.s32 $0x40, s3  }
.Ltmp1:
0x1c: {  	(pc) =	sbr.rel @p0 .LBB2_3-.Ltmp1, $2  }
0x1d: {  	_ =	sdelay $0x2  }
0x1e: {  	s5 =	sshra.s32 s5, $0x2  }
0x1f: {  	[tilespmem:s5+$0x13880] =	vst v2;
	s5 =	sadd.s32 s0, s2;
	s3 =	simm.s32 $0x19090;
	s6 =	simm.s32 $0xD  }
0x20: {  	[spmem:s5] =	stream.linear.scatter [tilespmem:s3], [sflag:$0xD], $0x1880, $0x38;
	[tilespmem:$0x1F2B0] =	vst v63  }
0x21: {  	_ =	swait.ge [sflag:s6], $0x1880  }
0x22: {  	[sflag:s6] =	ssyncset.done $0x0  }
0x23: {  	s16 =	sadd.s32 s0, s15;
	[sflag:s6] =	ssyncadd.s32 $0xFFFFE780  }
0x24: {  	[spmem:s16] =	stream.linear.scatter [tilespmem:s3], [sflag:$0xD], $0x1880, $0x38;
	[tilespmem:$0x1F2B0] =	vst v63  }
0x25: {  	s12 =	smul.u32 $0x186A0, s10;
	_ =	swait.ge [sflag:s6], $0x1880  }
0x26: {  	[sflag:s6] =	ssyncset.done $0x0  }
0x27: {  	s17 =	simm.s32 $0x0;
	s0 =	sshrl.u32 s12, $0x3;
	[sflag:s6] =	ssyncadd.s32 $0xFFFFE780  }
0x28: {  	s11 =	sadd.s32 s7, s0;
	s9 =	sadd.s32 s8, s0;
	[bflag:$0x0] =	sbarrier.arrive $0xFFFF  }
0x29: {  	[tilespmem:s17], [sflag:$0x1] =	stream.linear.gather [hbm4b:s11+s17], $0x2710, $0x38;
	[tilespmem:$0x1F2B0] =	vst v63  }
0x2a: {  	s18 =	simm.s32 $0x9C40;
	s19 =	sadd.s32 $0x30D40, s11;
	[dreg:$0x7] =	wrdreg s9  }
0x2b: {  	[tilespmem:s18], [sflag:$0x5] =	stream.linear.gather [hbm4b:s9+s17], $0x2710, $0x38;
	[tilespmem:$0x1F2B0] =	vst v63  }
0x2c: {  	s20 =	simm.s32 $0x4E20;
	s21 =	simm.s32 $0x1;
	[dreg:$0x8] =	wrdreg s19  }
0x2d: {  	[tilespmem:s20], [sflag:$0x3] =	stream.linear.gather [hbm4b:s19+s17], $0x2710, $0x38;
	[tilespmem:$0x1F2B0] =	vst v63  }
0x2e: {  	s23 =	simm.s32 $0x2710;
	s22 =	sadd.s32 $0x4E2, s0;
	_ =	swait.ge [sflag:s21], $0x2710  }
0x2f: {  	s24 =	simm.s32 $0xEA60;
	s25 =	sadd.s32 s7, s22;
	[sflag:s21] =	ssyncset.done $0x0  }
0x30: {  	s9 =	sadd.s32 s8, s22;
	[dreg:$0x9] =	wrdreg s25;
	[sflag:s21] =	ssyncadd.s32 $0xFFFFD8F0  }
0x31: {  	[tilespmem:s24], [sflag:$0x7] =	stream.indirect.gather [spmem:s1], $0x1, s17, s23, $0xb8;
	[tilespmem:$0x1F2B0] =	vst v63  }
0x32: {  	[dreg:$0xa] =	wrdreg s9  }
0x33: {  	[tilespmem:s23], [sflag:$0x2] =	stream.linear.gather [hbm4b:s25+s17], $0x2710, $0x38;
	[tilespmem:$0x1F2B0] =	vst v63  }
0x34: {  	s26 =	simm.s32 $0xC350;
	s28 =	sadd.s32 $0x31222, s11;
	[dreg:$0x6] =	wrdreg s11  }
0x35: {  	[tilespmem:s26], [sflag:$0x6] =	stream.linear.gather [hbm4b:s9+s17], $0x2710, $0x38;
	[tilespmem:$0x1F2B0] =	vst v63  }
0x36: {  	s29 =	simm.s32 $0x7530;
	s30 =	simm.s32 $0x7;
	[dreg:$0xb] =	wrdreg s28  }
0x37: {  	[tilespmem:s29], [sflag:$0x4] =	stream.linear.gather [hbm4b:s28+s17], $0x2710, $0x38;
	[tilespmem:$0x1F2B0] =	vst v63  }
0x38: {  	_ =	swait.ge [sflag:s30], $0x2710  }
0x39: {  	[sflag:s30] =	ssyncset.done $0x0  }
0x3a: {  	s31 =	simm.s32 $0x5;
	[sflag:s30] =	ssyncadd.s32 $0xFFFFD8F0  }
0x3b: {  	_ =	swait.ge [sflag:s31], $0x2710  }
0x3c: {  	[sflag:s31] =	ssyncset.done $0x0  }
0x3d: {  	s3 =	simm.s32 $0x0;
	[sflag:s31] =	ssyncadd.s32 $0xFFFFD8F0  }
0x3e: {  	s6 =	simm.s32 $0x40;
	v2 =	vld [tilespmem:s3+$0x9C40]  }
.LBB2_5:
0x3f: {  	p0 =	sne.s32 s6, $0x9C00;
	v3 =	vld [tilespmem:s3+$0xEA60];
	_ =	sdelay $0x2  }
.Ltmp2:
0x40: {  	(pc) =	sbr.rel @p0 .LBB2_5-.Ltmp2, $4  }
0x41: {  	_ = 	snop  }
0x42: {  	v3 =	vmul.f32 v2, v3  }
0x43: {  	s9 =	sshra.s32 s6, $0x2  }
0x44: {  	s6 =	sadd.s32 $0x40, s6;
	v2 =	vld [tilespmem:s9+$0x9C40];
	[tilespmem:s3+$0xEA60] =	vst v3;
	s3 =	smov.u32 s9  }
0x45: {  	v3 =	vld [tilespmem:s3+$0xEA60];
	_ =	sdelay $0x4  }
0x46: {  	v2 =	vmul.f32 v2, v3;
	_ =	sdelay $0x1  }
0x47: {  	s17 =	simm.s32 $0x3;
	[tilespmem:s3+$0xEA60] =	vst v2  }
0x48: {  	_ =	swait.ge [sflag:s17], $0x2710  }
0x49: {  	s18 =	simm.s32 $0x2710;
	[sflag:s17] =	ssyncset.done $0x0  }
0x4a: {  	s6 =	simm.s32 $0x4E20;
	s9 =	simm.s32 $0xEA60;
	[sflag:s17] =	ssyncadd.s32 $0xFFFFD8F0  }
0x4b: {  	[spmem:s2] =	stream.indirect.scatter.add.f32 [tilespmem:s9], [sflag:$0x9], $0x1, s6, s18, $0xb8;
	[tilespmem:$0x1F2B0] =	vst v63  }
0x4c: {  	s19 =	simm.s32 $0x13880;
	s20 =	simm.s32 $0x2  }
0x4d: {  	[spmem:s15] =	stream.indirect.scatter.add.f32 [tilespmem:s19], [sflag:$0xB], $0x1, s6, s18, $0xb8;
	[tilespmem:$0x1F2B0] =	vst v63  }
0x4e: {  	_ =	swait.ge [sflag:s20], $0x2710  }
0x4f: {  	[sflag:s20] =	ssyncset.done $0x0  }
0x50: {  	s21 =	simm.s32 $0x11170;
	s22 =	simm.s32 $0x9;
	[sflag:s20] =	ssyncadd.s32 $0xFFFFD8F0  }
0x51: {  	[tilespmem:s21], [sflag:$0x8] =	stream.indirect.gather [spmem:s1], $0x1, s18, s18, $0xb8;
	[tilespmem:$0x1F2B0] =	vst v63  }
0x52: {  	_ =	swait.ge [sflag:s22], $0x2710  }
0x53: {  	[sflag:s22] =	ssyncset.done $0x0  }
0x54: {  	s23 =	simm.s32 $0xB;
	s24 =	sadd.s32 $0x9C4, s0;
	[sflag:s22] =	ssyncadd.s32 $0xFFFFD8F0  }
0x55: {  	s10 =	sadd.s32 s7, s24;
	_ =	swait.ge [sflag:s23], $0x2710  }
0x56: {  	s25 =	simm.s32 $0x0;
	[dreg:$0xc] =	wrdreg s10;
	[sflag:s23] =	ssyncset.done $0x0  }
0x57: {  	s26 =	sadd.s32 s8, s24;
	s29 =	rddreg [dreg:$0x6];
	[sflag:s23] =	ssyncadd.s32 $0xFFFFD8F0  }
0x58: {  	[tilespmem:s25], [sflag:$0x1] =	stream.linear.gather [hbm4b:s10+s25], $0x2710, $0x38;
	[tilespmem:$0x1F2B0] =	vst v63  }
0x59: {  	s28 =	simm.s32 $0x9C40;
	[dreg:$0xd] =	wrdreg s26;
	s9 =	sadd.s32 $0x31704, s29  }
0x5a: {  	[tilespmem:s28], [sflag:$0x5] =	stream.linear.gather [hbm4b:s26+s25], $0x2710, $0x38;
	[tilespmem:$0x1F2B0] =	vst v63  }
0x5b: {  	s30 =	simm.s32 $0x8;
	[dreg:$0xe] =	wrdreg s9  }
0x5c: {  	[tilespmem:s6], [sflag:$0x3] =	stream.linear.gather [hbm4b:s9+s25], $0x2710, $0x38;
	[tilespmem:$0x1F2B0] =	vst v63  }
0x5d: {  	_ =	swait.ge [sflag:s30], $0x2710  }
0x5e: {  	[sflag:s30] =	ssyncset.done $0x0  }
0x5f: {  	s31 =	simm.s32 $0x6;
	[sflag:s30] =	ssyncadd.s32 $0xFFFFD8F0  }
0x60: {  	_ =	swait.ge [sflag:s31], $0x2710  }
0x61: {  	[sflag:s31] =	ssyncset.done $0x0  }
0x62: {  	s3 =	simm.s32 $0x0;
	[sflag:s31] =	ssyncadd.s32 $0xFFFFD8F0  }
0x63: {  	s6 =	simm.s32 $0x40;
	v2 =	vld [tilespmem:s3+$0xC350]  }
.LBB2_7:
0x64: {  	p0 =	sne.s32 s6, $0x9C00;
	v3 =	vld [tilespmem:s3+$0x11170];
	_ =	sdelay $0x2  }
.Ltmp3:
0x65: {  	(pc) =	sbr.rel @p0 .LBB2_7-.Ltmp3, $4  }
0x66: {  	_ = 	snop  }
0x67: {  	v3 =	vmul.f32 v2, v3  }
0x68: {  	s9 =	sshra.s32 s6, $0x2  }
0x69: {  	s6 =	sadd.s32 $0x40, s6;
	v2 =	vld [tilespmem:s9+$0xC350];
	[tilespmem:s3+$0x11170] =	vst v3;
	s3 =	smov.u32 s9  }
0x6a: {  	v3 =	vld [tilespmem:s3+$0x11170];
	_ =	sdelay $0x4  }
0x6b: {  	v2 =	vmul.f32 v2, v3;
	_ =	sdelay $0x1  }
0x6c: {  	s19 =	simm.s32 $0x4;
	[tilespmem:s3+$0x11170] =	vst v2  }
0x6d: {  	_ =	swait.ge [sflag:s19], $0x2710  }
0x6e: {  	s20 =	simm.s32 $0x2710;
	[sflag:s19] =	ssyncset.done $0x0  }
0x6f: {  	s6 =	simm.s32 $0x7530;
	s9 =	simm.s32 $0x11170;
	[sflag:s19] =	ssyncadd.s32 $0xFFFFD8F0  }
0x70: {  	[spmem:s2] =	stream.indirect.scatter.add.f32 [tilespmem:s9], [sflag:$0xA], $0x1, s6, s20, $0xb8;
	[tilespmem:$0x1F2B0] =	vst v63  }
0x71: {  	s21 =	simm.s32 $0x13880;
	s22 =	simm.s32 $0x1  }
0x72: {  	[spmem:s15] =	stream.indirect.scatter.add.f32 [tilespmem:s21], [sflag:$0xC], $0x1, s6, s20, $0xb8;
	[tilespmem:$0x1F2B0] =	vst v63  }
0x73: {  	_ =	swait.ge [sflag:s22], $0x2710  }
0x74: {  	s23 =	simm.s32 $0x0;
	[sflag:s22] =	ssyncset.done $0x0  }
0x75: {  	s10 =	simm.s32 $0xEA60;
	s24 =	simm.s32 $0xA;
	[sflag:s22] =	ssyncadd.s32 $0xFFFFD8F0  }
0x76: {  	[tilespmem:s10], [sflag:$0x7] =	stream.indirect.gather [spmem:s1], $0x1, s23, s20, $0xb8;
	[tilespmem:$0x1F2B0] =	vst v63  }
0x77: {  	_ =	swait.ge [sflag:s24], $0x2710  }
0x78: {  	[sflag:s24] =	ssyncset.done $0x0  }
0x79: {  	s25 =	simm.s32 $0xC;
	s11 =	sadd.s32 $0xEA6, s0;
	[sflag:s24] =	ssyncadd.s32 $0xFFFFD8F0  }
0x7a: {  	s12 =	sadd.s32 s7, s11;
	_ =	swait.ge [sflag:s25], $0x2710  }
0x7b: {  	[dreg:$0xf] =	wrdreg s12;
	[sflag:s25] =	ssyncset.done $0x0  }
0x7c: {  	s26 =	sadd.s32 s8, s11;
	s29 =	rddreg [dreg:$0x6];
	[sflag:s25] =	ssyncadd.s32 $0xFFFFD8F0  }
0x7d: {  	[tilespmem:s20], [sflag:$0x2] =	stream.linear.gather [hbm4b:s12+s23], $0x2710, $0x38;
	[tilespmem:$0x1F2B0] =	vst v63  }
0x7e: {  	s28 =	simm.s32 $0xC350;
	[dreg:$0x10] =	wrdreg s26;
	s3 =	sadd.s32 $0x31BE6, s29  }
0x7f: {  	[tilespmem:s28], [sflag:$0x6] =	stream.linear.gather [hbm4b:s26+s23], $0x2710, $0x38;
	[tilespmem:$0x1F2B0] =	vst v63  }
0x80: {  	s30 =	simm.s32 $0x7;
	[dreg:$0x11] =	wrdreg s3  }
0x81: {  	[tilespmem:s6], [sflag:$0x4] =	stream.linear.gather [hbm4b:s3+s23], $0x2710, $0x38;
	[tilespmem:$0x1F2B0] =	vst v63  }
0x82: {  	_ =	swait.ge [sflag:s30], $0x2710  }
0x83: {  	[sflag:s30] =	ssyncset.done $0x0  }
0x84: {  	s31 =	simm.s32 $0x5;
	[sflag:s30] =	ssyncadd.s32 $0xFFFFD8F0  }
0x85: {  	_ =	swait.ge [sflag:s31], $0x2710  }
0x86: {  	[sflag:s31] =	ssyncset.done $0x0  }
0x87: {  	s3 =	simm.s32 $0x0;
	[sflag:s31] =	ssyncadd.s32 $0xFFFFD8F0  }
0x88: {  	s6 =	simm.s32 $0x40;
	v2 =	vld [tilespmem:s3+$0x9C40]  }
.LBB2_9:
0x89: {  	p0 =	sne.s32 s6, $0x9C00;
	v3 =	vld [tilespmem:s3+$0xEA60];
	_ =	sdelay $0x2  }
.Ltmp4:
0x8a: {  	(pc) =	sbr.rel @p0 .LBB2_9-.Ltmp4, $4  }
0x8b: {  	_ = 	snop  }
0x8c: {  	v3 =	vmul.f32 v2, v3  }
0x8d: {  	s9 =	sshra.s32 s6, $0x2  }
0x8e: {  	s6 =	sadd.s32 $0x40, s6;
	v2 =	vld [tilespmem:s9+$0x9C40];
	[tilespmem:s3+$0xEA60] =	vst v3;
	s3 =	smov.u32 s9  }
0x8f: {  	v3 =	vld [tilespmem:s3+$0xEA60];
	_ =	sdelay $0x4  }
0x90: {  	v2 =	vmul.f32 v2, v3;
	_ =	sdelay $0x1  }
0x91: {  	s17 =	simm.s32 $0x3;
	[tilespmem:s3+$0xEA60] =	vst v2  }
0x92: {  	_ =	swait.ge [sflag:s17], $0x2710  }
0x93: {  	s18 =	simm.s32 $0x2710;
	[sflag:s17] =	ssyncset.done $0x0  }
0x94: {  	s6 =	simm.s32 $0x4E20;
	s9 =	simm.s32 $0xEA60;
	[sflag:s17] =	ssyncadd.s32 $0xFFFFD8F0  }
0x95: {  	[spmem:s2] =	stream.indirect.scatter.add.f32 [tilespmem:s9], [sflag:$0x9], $0x1, s6, s18, $0xb8;
	[tilespmem:$0x1F2B0] =	vst v63  }
0x96: {  	s19 =	simm.s32 $0x13880;
	s20 =	simm.s32 $0x2  }
0x97: {  	[spmem:s15] =	stream.indirect.scatter.add.f32 [tilespmem:s19], [sflag:$0xB], $0x1, s6, s18, $0xb8;
	[tilespmem:$0x1F2B0] =	vst v63  }
0x98: {  	_ =	swait.ge [sflag:s20], $0x2710  }
0x99: {  	[sflag:s20] =	ssyncset.done $0x0  }
0x9a: {  	s21 =	simm.s32 $0x11170;
	s22 =	simm.s32 $0x9;
	[sflag:s20] =	ssyncadd.s32 $0xFFFFD8F0  }
0x9b: {  	[tilespmem:s21], [sflag:$0x8] =	stream.indirect.gather [spmem:s1], $0x1, s18, s18, $0xb8;
	[tilespmem:$0x1F2B0] =	vst v63  }
0x9c: {  	_ =	swait.ge [sflag:s22], $0x2710  }
0x9d: {  	[sflag:s22] =	ssyncset.done $0x0  }
0x9e: {  	s23 =	simm.s32 $0xB;
	s24 =	sadd.s32 $0x1388, s0;
	[sflag:s22] =	ssyncadd.s32 $0xFFFFD8F0  }
0x9f: {  	s10 =	sadd.s32 s7, s24;
	_ =	swait.ge [sflag:s23], $0x2710  }
0xa0: {  	s25 =	simm.s32 $0x0;
	[dreg:$0x12] =	wrdreg s10;
	[sflag:s23] =	ssyncset.done $0x0  }
0xa1: {  	s26 =	sadd.s32 s8, s24;
	s29 =	rddreg [dreg:$0x6];
	[sflag:s23] =	ssyncadd.s32 $0xFFFFD8F0  }
0xa2: {  	[tilespmem:s25], [sflag:$0x1] =	stream.linear.gather [hbm4b:s10+s25], $0x2710, $0x38;
	[tilespmem:$0x1F2B0] =	vst v63  }
0xa3: {  	s28 =	simm.s32 $0x9C40;
	[dreg:$0x13] =	wrdreg s26;
	s9 =	sadd.s32 $0x320C8, s29  }
0xa4: {  	[tilespmem:s28], [sflag:$0x5] =	stream.linear.gather [hbm4b:s26+s25], $0x2710, $0x38;
	[tilespmem:$0x1F2B0] =	vst v63  }
0xa5: {  	s30 =	simm.s32 $0x8;
	[dreg:$0x14] =	wrdreg s9  }
0xa6: {  	[tilespmem:s6], [sflag:$0x3] =	stream.linear.gather [hbm4b:s9+s25], $0x2710, $0x38;
	[tilespmem:$0x1F2B0] =	vst v63  }
0xa7: {  	_ =	swait.ge [sflag:s30], $0x2710  }
0xa8: {  	[sflag:s30] =	ssyncset.done $0x0  }
0xa9: {  	s31 =	simm.s32 $0x6;
	[sflag:s30] =	ssyncadd.s32 $0xFFFFD8F0  }
0xaa: {  	_ =	swait.ge [sflag:s31], $0x2710  }
0xab: {  	[sflag:s31] =	ssyncset.done $0x0  }
0xac: {  	s3 =	simm.s32 $0x0;
	[sflag:s31] =	ssyncadd.s32 $0xFFFFD8F0  }
0xad: {  	s6 =	simm.s32 $0x40;
	v2 =	vld [tilespmem:s3+$0xC350]  }
.LBB2_11:
0xae: {  	p0 =	sne.s32 s6, $0x9C00;
	v3 =	vld [tilespmem:s3+$0x11170];
	_ =	sdelay $0x2  }
.Ltmp5:
0xaf: {  	(pc) =	sbr.rel @p0 .LBB2_11-.Ltmp5, $4  }
0xb0: {  	_ = 	snop  }
0xb1: {  	v3 =	vmul.f32 v2, v3  }
0xb2: {  	s9 =	sshra.s32 s6, $0x2  }
0xb3: {  	s6 =	sadd.s32 $0x40, s6;
	v2 =	vld [tilespmem:s9+$0xC350];
	[tilespmem:s3+$0x11170] =	vst v3;
	s3 =	smov.u32 s9  }
0xb4: {  	v3 =	vld [tilespmem:s3+$0x11170];
	_ =	sdelay $0x4  }
0xb5: {  	v2 =	vmul.f32 v2, v3;
	_ =	sdelay $0x1  }
0xb6: {  	s19 =	simm.s32 $0x4;
	[tilespmem:s3+$0x11170] =	vst v2  }
0xb7: {  	_ =	swait.ge [sflag:s19], $0x2710  }
0xb8: {  	s20 =	simm.s32 $0x2710;
	[sflag:s19] =	ssyncset.done $0x0  }
0xb9: {  	s6 =	simm.s32 $0x7530;
	s9 =	simm.s32 $0x11170;
	[sflag:s19] =	ssyncadd.s32 $0xFFFFD8F0  }
0xba: {  	[spmem:s2] =	stream.indirect.scatter.add.f32 [tilespmem:s9], [sflag:$0xA], $0x1, s6, s20, $0xb8;
	[tilespmem:$0x1F2B0] =	vst v63  }
0xbb: {  	s21 =	simm.s32 $0x13880;
	s22 =	simm.s32 $0x1  }
0xbc: {  	[spmem:s15] =	stream.indirect.scatter.add.f32 [tilespmem:s21], [sflag:$0xC], $0x1, s6, s20, $0xb8;
	[tilespmem:$0x1F2B0] =	vst v63  }
0xbd: {  	_ =	swait.ge [sflag:s22], $0x2710  }
0xbe: {  	s23 =	simm.s32 $0x0;
	[sflag:s22] =	ssyncset.done $0x0  }
0xbf: {  	s10 =	simm.s32 $0xEA60;
	s24 =	simm.s32 $0xA;
	[sflag:s22] =	ssyncadd.s32 $0xFFFFD8F0  }
0xc0: {  	[tilespmem:s10], [sflag:$0x7] =	stream.indirect.gather [spmem:s1], $0x1, s23, s20, $0xb8;
	[tilespmem:$0x1F2B0] =	vst v63  }
0xc1: {  	_ =	swait.ge [sflag:s24], $0x2710  }
0xc2: {  	[sflag:s24] =	ssyncset.done $0x0  }
0xc3: {  	s25 =	simm.s32 $0xC;
	s11 =	sadd.s32 $0x186A, s0;
	[sflag:s24] =	ssyncadd.s32 $0xFFFFD8F0  }
0xc4: {  	s12 =	sadd.s32 s7, s11;
	_ =	swait.ge [sflag:s25], $0x2710  }
0xc5: {  	[dreg:$0x15] =	wrdreg s12;
	[sflag:s25] =	ssyncset.done $0x0  }
0xc6: {  	s26 =	sadd.s32 s8, s11;
	s29 =	rddreg [dreg:$0x6];
	[sflag:s25] =	ssyncadd.s32 $0xFFFFD8F0  }
0xc7: {  	[tilespmem:s20], [sflag:$0x2] =	stream.linear.gather [hbm4b:s12+s23], $0x2710, $0x38;
	[tilespmem:$0x1F2B0] =	vst v63  }
0xc8: {  	s28 =	simm.s32 $0xC350;
	[dreg:$0x16] =	wrdreg s26;
	s3 =	sadd.s32 $0x325AA, s29  }
0xc9: {  	[tilespmem:s28], [sflag:$0x6] =	stream.linear.gather [hbm4b:s26+s23], $0x2710, $0x38;
	[tilespmem:$0x1F2B0] =	vst v63  }
0xca: {  	s30 =	simm.s32 $0x7;
	[dreg:$0x17] =	wrdreg s3  }
0xcb: {  	[tilespmem:s6], [sflag:$0x4] =	stream.linear.gather [hbm4b:s3+s23], $0x2710, $0x38;
	[tilespmem:$0x1F2B0] =	vst v63  }
0xcc: {  	_ =	swait.ge [sflag:s30], $0x2710  }
0xcd: {  	[sflag:s30] =	ssyncset.done $0x0  }
0xce: {  	s31 =	simm.s32 $0x5;
	[sflag:s30] =	ssyncadd.s32 $0xFFFFD8F0  }
0xcf: {  	_ =	swait.ge [sflag:s31], $0x2710  }
0xd0: {  	[sflag:s31] =	ssyncset.done $0x0  }
0xd1: {  	s3 =	simm.s32 $0x0;
	[sflag:s31] =	ssyncadd.s32 $0xFFFFD8F0  }
0xd2: {  	s6 =	simm.s32 $0x40;
	v2 =	vld [tilespmem:s3+$0x9C40]  }
.LBB2_13:
0xd3: {  	p0 =	sne.s32 s6, $0x9C00;
	v3 =	vld [tilespmem:s3+$0xEA60];
	_ =	sdelay $0x2  }
.Ltmp6:
0xd4: {  	(pc) =	sbr.rel @p0 .LBB2_13-.Ltmp6, $4  }
0xd5: {  	_ = 	snop  }
0xd6: {  	v3 =	vmul.f32 v2, v3  }
0xd7: {  	s9 =	sshra.s32 s6, $0x2  }
0xd8: {  	s6 =	sadd.s32 $0x40, s6;
	v2 =	vld [tilespmem:s9+$0x9C40];
	[tilespmem:s3+$0xEA60] =	vst v3;
	s3 =	smov.u32 s9  }
0xd9: {  	v3 =	vld [tilespmem:s3+$0xEA60];
	_ =	sdelay $0x4  }
0xda: {  	v2 =	vmul.f32 v2, v3;
	_ =	sdelay $0x1  }
0xdb: {  	s17 =	simm.s32 $0x3;
	[tilespmem:s3+$0xEA60] =	vst v2  }
0xdc: {  	_ =	swait.ge [sflag:s17], $0x2710  }
0xdd: {  	s18 =	simm.s32 $0x2710;
	[sflag:s17] =	ssyncset.done $0x0  }
0xde: {  	s6 =	simm.s32 $0x4E20;
	s9 =	simm.s32 $0xEA60;
	[sflag:s17] =	ssyncadd.s32 $0xFFFFD8F0  }
0xdf: {  	[spmem:s2] =	stream.indirect.scatter.add.f32 [tilespmem:s9], [sflag:$0x9], $0x1, s6, s18, $0xb8;
	[tilespmem:$0x1F2B0] =	vst v63  }
0xe0: {  	s19 =	simm.s32 $0x13880;
	s20 =	simm.s32 $0x2  }
0xe1: {  	[spmem:s15] =	stream.indirect.scatter.add.f32 [tilespmem:s19], [sflag:$0xB], $0x1, s6, s18, $0xb8;
	[tilespmem:$0x1F2B0] =	vst v63  }
0xe2: {  	_ =	swait.ge [sflag:s20], $0x2710  }
0xe3: {  	[sflag:s20] =	ssyncset.done $0x0  }
0xe4: {  	s21 =	simm.s32 $0x11170;
	s22 =	simm.s32 $0x9;
	[sflag:s20] =	ssyncadd.s32 $0xFFFFD8F0  }
0xe5: {  	[tilespmem:s21], [sflag:$0x8] =	stream.indirect.gather [spmem:s1], $0x1, s18, s18, $0xb8;
	[tilespmem:$0x1F2B0] =	vst v63  }
0xe6: {  	_ =	swait.ge [sflag:s22], $0x2710  }
0xe7: {  	[sflag:s22] =	ssyncset.done $0x0  }
0xe8: {  	s23 =	simm.s32 $0xB;
	s24 =	sadd.s32 $0x1D4C, s0;
	[sflag:s22] =	ssyncadd.s32 $0xFFFFD8F0  }
0xe9: {  	s10 =	sadd.s32 s7, s24;
	_ =	swait.ge [sflag:s23], $0x2710  }
0xea: {  	s25 =	simm.s32 $0x0;
	[dreg:$0x18] =	wrdreg s10;
	[sflag:s23] =	ssyncset.done $0x0  }
0xeb: {  	s26 =	sadd.s32 s8, s24;
	s29 =	rddreg [dreg:$0x6];
	[sflag:s23] =	ssyncadd.s32 $0xFFFFD8F0  }
0xec: {  	[tilespmem:s25], [sflag:$0x1] =	stream.linear.gather [hbm4b:s10+s25], $0x2710, $0x38;
	[tilespmem:$0x1F2B0] =	vst v63  }
0xed: {  	s28 =	simm.s32 $0x9C40;
	[dreg:$0x19] =	wrdreg s26;
	s9 =	sadd.s32 $0x32A8C, s29  }
0xee: {  	[tilespmem:s28], [sflag:$0x5] =	stream.linear.gather [hbm4b:s26+s25], $0x2710, $0x38;
	[tilespmem:$0x1F2B0] =	vst v63  }
0xef: {  	s30 =	simm.s32 $0x8;
	[dreg:$0x1a] =	wrdreg s9  }
0xf0: {  	[tilespmem:s6], [sflag:$0x3] =	stream.linear.gather [hbm4b:s9+s25], $0x2710, $0x38;
	[tilespmem:$0x1F2B0] =	vst v63  }
0xf1: {  	_ =	swait.ge [sflag:s30], $0x2710  }
0xf2: {  	[sflag:s30] =	ssyncset.done $0x0  }
0xf3: {  	s31 =	simm.s32 $0x6;
	[sflag:s30] =	ssyncadd.s32 $0xFFFFD8F0  }
0xf4: {  	_ =	swait.ge [sflag:s31], $0x2710  }
0xf5: {  	[sflag:s31] =	ssyncset.done $0x0  }
0xf6: {  	s3 =	simm.s32 $0x0;
	[sflag:s31] =	ssyncadd.s32 $0xFFFFD8F0  }
0xf7: {  	s6 =	simm.s32 $0x40;
	v2 =	vld [tilespmem:s3+$0xC350]  }
.LBB2_15:
0xf8: {  	p0 =	sne.s32 s6, $0x9C00;
	v3 =	vld [tilespmem:s3+$0x11170];
	_ =	sdelay $0x2  }
.Ltmp7:
0xf9: {  	(pc) =	sbr.rel @p0 .LBB2_15-.Ltmp7, $4  }
0xfa: {  	_ = 	snop  }
0xfb: {  	v3 =	vmul.f32 v2, v3  }
0xfc: {  	s9 =	sshra.s32 s6, $0x2  }
0xfd: {  	s6 =	sadd.s32 $0x40, s6;
	v2 =	vld [tilespmem:s9+$0xC350];
	[tilespmem:s3+$0x11170] =	vst v3;
	s3 =	smov.u32 s9  }
0xfe: {  	v3 =	vld [tilespmem:s3+$0x11170];
	_ =	sdelay $0x4  }
0xff: {  	v2 =	vmul.f32 v2, v3;
	_ =	sdelay $0x1  }
0x100: {  	s19 =	simm.s32 $0x4;
	[tilespmem:s3+$0x11170] =	vst v2  }
0x101: {  	_ =	swait.ge [sflag:s19], $0x2710  }
0x102: {  	s20 =	simm.s32 $0x2710;
	[sflag:s19] =	ssyncset.done $0x0  }
0x103: {  	s6 =	simm.s32 $0x7530;
	s9 =	simm.s32 $0x11170;
	[sflag:s19] =	ssyncadd.s32 $0xFFFFD8F0  }
0x104: {  	[spmem:s2] =	stream.indirect.scatter.add.f32 [tilespmem:s9], [sflag:$0xA], $0x1, s6, s20, $0xb8;
	[tilespmem:$0x1F2B0] =	vst v63  }
0x105: {  	s21 =	simm.s32 $0x13880;
	s22 =	simm.s32 $0x1  }
0x106: {  	[spmem:s15] =	stream.indirect.scatter.add.f32 [tilespmem:s21], [sflag:$0xC], $0x1, s6, s20, $0xb8;
	[tilespmem:$0x1F2B0] =	vst v63  }
0x107: {  	_ =	swait.ge [sflag:s22], $0x2710  }
0x108: {  	s23 =	simm.s32 $0x0;
	[sflag:s22] =	ssyncset.done $0x0  }
0x109: {  	s10 =	simm.s32 $0xEA60;
	s24 =	simm.s32 $0xA;
	[sflag:s22] =	ssyncadd.s32 $0xFFFFD8F0  }
0x10a: {  	[tilespmem:s10], [sflag:$0x7] =	stream.indirect.gather [spmem:s1], $0x1, s23, s20, $0xb8;
	[tilespmem:$0x1F2B0] =	vst v63  }
0x10b: {  	_ =	swait.ge [sflag:s24], $0x2710  }
0x10c: {  	[sflag:s24] =	ssyncset.done $0x0  }
0x10d: {  	s25 =	simm.s32 $0xC;
	s11 =	sadd.s32 $0x222E, s0;
	[sflag:s24] =	ssyncadd.s32 $0xFFFFD8F0  }
0x10e: {  	s12 =	sadd.s32 s7, s11;
	_ =	swait.ge [sflag:s25], $0x2710  }
0x10f: {  	[dreg:$0x1b] =	wrdreg s12;
	[sflag:s25] =	ssyncset.done $0x0  }
0x110: {  	s26 =	sadd.s32 s8, s11;
	s29 =	rddreg [dreg:$0x6];
	[sflag:s25] =	ssyncadd.s32 $0xFFFFD8F0  }
0x111: {  	[tilespmem:s20], [sflag:$0x2] =	stream.linear.gather [hbm4b:s12+s23], $0x2710, $0x38;
	[tilespmem:$0x1F2B0] =	vst v63  }
0x112: {  	s28 =	simm.s32 $0xC350;
	[dreg:$0x1c] =	wrdreg s26;
	s3 =	sadd.s32 $0x32F6E, s29  }
0x113: {  	[tilespmem:s28], [sflag:$0x6] =	stream.linear.gather [hbm4b:s26+s23], $0x2710, $0x38;
	[tilespmem:$0x1F2B0] =	vst v63  }
0x114: {  	s30 =	simm.s32 $0x7;
	[dreg:$0x1d] =	wrdreg s3  }
0x115: {  	[tilespmem:s6], [sflag:$0x4] =	stream.linear.gather [hbm4b:s3+s23], $0x2710, $0x38;
	[tilespmem:$0x1F2B0] =	vst v63  }
0x116: {  	_ =	swait.ge [sflag:s30], $0x2710  }
0x117: {  	[sflag:s30] =	ssyncset.done $0x0  }
0x118: {  	s31 =	simm.s32 $0x5;
	[sflag:s30] =	ssyncadd.s32 $0xFFFFD8F0  }
0x119: {  	_ =	swait.ge [sflag:s31], $0x2710  }
0x11a: {  	[sflag:s31] =	ssyncset.done $0x0  }
0x11b: {  	s3 =	simm.s32 $0x0;
	[sflag:s31] =	ssyncadd.s32 $0xFFFFD8F0  }
0x11c: {  	s6 =	simm.s32 $0x40;
	v2 =	vld [tilespmem:s3+$0x9C40]  }
.LBB2_17:
0x11d: {  	p0 =	sne.s32 s6, $0x9C00;
	v3 =	vld [tilespmem:s3+$0xEA60];
	_ =	sdelay $0x2  }
.Ltmp8:
0x11e: {  	(pc) =	sbr.rel @p0 .LBB2_17-.Ltmp8, $4  }
0x11f: {  	_ = 	snop  }
0x120: {  	v3 =	vmul.f32 v2, v3  }
0x121: {  	s9 =	sshra.s32 s6, $0x2  }
0x122: {  	s6 =	sadd.s32 $0x40, s6;
	v2 =	vld [tilespmem:s9+$0x9C40];
	[tilespmem:s3+$0xEA60] =	vst v3;
	s3 =	smov.u32 s9  }
0x123: {  	v3 =	vld [tilespmem:s3+$0xEA60];
	_ =	sdelay $0x4  }
0x124: {  	v2 =	vmul.f32 v2, v3;
	_ =	sdelay $0x1  }
0x125: {  	s17 =	simm.s32 $0x3;
	[tilespmem:s3+$0xEA60] =	vst v2  }
0x126: {  	_ =	swait.ge [sflag:s17], $0x2710  }
0x127: {  	s18 =	simm.s32 $0x2710;
	[sflag:s17] =	ssyncset.done $0x0  }
0x128: {  	s6 =	simm.s32 $0x4E20;
	s9 =	simm.s32 $0xEA60;
	[sflag:s17] =	ssyncadd.s32 $0xFFFFD8F0  }
0x129: {  	[spmem:s2] =	stream.indirect.scatter.add.f32 [tilespmem:s9], [sflag:$0x9], $0x1, s6, s18, $0xb8;
	[tilespmem:$0x1F2B0] =	vst v63  }
0x12a: {  	s19 =	simm.s32 $0x13880;
	s20 =	simm.s32 $0x2  }
0x12b: {  	[spmem:s15] =	stream.indirect.scatter.add.f32 [tilespmem:s19], [sflag:$0xB], $0x1, s6, s18, $0xb8;
	[tilespmem:$0x1F2B0] =	vst v63  }
0x12c: {  	_ =	swait.ge [sflag:s20], $0x2710  }
0x12d: {  	[sflag:s20] =	ssyncset.done $0x0  }
0x12e: {  	s21 =	simm.s32 $0x11170;
	s22 =	simm.s32 $0x9;
	[sflag:s20] =	ssyncadd.s32 $0xFFFFD8F0  }
0x12f: {  	[tilespmem:s21], [sflag:$0x8] =	stream.indirect.gather [spmem:s1], $0x1, s18, s18, $0xb8;
	[tilespmem:$0x1F2B0] =	vst v63  }
0x130: {  	_ =	swait.ge [sflag:s22], $0x2710  }
0x131: {  	[sflag:s22] =	ssyncset.done $0x0  }
0x132: {  	s23 =	simm.s32 $0xB;
	s24 =	sadd.s32 $0x2710, s0;
	[sflag:s22] =	ssyncadd.s32 $0xFFFFD8F0  }
0x133: {  	s10 =	sadd.s32 s7, s24;
	_ =	swait.ge [sflag:s23], $0x2710  }
0x134: {  	s25 =	simm.s32 $0x0;
	[dreg:$0x1e] =	wrdreg s10;
	[sflag:s23] =	ssyncset.done $0x0  }
0x135: {  	s26 =	sadd.s32 s8, s24;
	s29 =	rddreg [dreg:$0x6];
	[sflag:s23] =	ssyncadd.s32 $0xFFFFD8F0  }
0x136: {  	[tilespmem:s25], [sflag:$0x1] =	stream.linear.gather [hbm4b:s10+s25], $0x2710, $0x38;
	[tilespmem:$0x1F2B0] =	vst v63  }
0x137: {  	s28 =	simm.s32 $0x9C40;
	[dreg:$0x1f] =	wrdreg s26;
	s9 =	sadd.s32 $0x33450, s29  }
0x138: {  	[tilespmem:s28], [sflag:$0x5] =	stream.linear.gather [hbm4b:s26+s25], $0x2710, $0x38;
	[tilespmem:$0x1F2B0] =	vst v63  }
0x139: {  	s30 =	simm.s32 $0x8;
	[smem:$0x7FD] =	sst s9  }
0x13a: {  	[tilespmem:s6], [sflag:$0x3] =	stream.linear.gather [hbm4b:s9+s25], $0x2710, $0x38;
	[tilespmem:$0x1F2B0] =	vst v63  }
0x13b: {  	_ =	swait.ge [sflag:s30], $0x2710  }
0x13c: {  	[sflag:s30] =	ssyncset.done $0x0  }
0x13d: {  	s31 =	simm.s32 $0x6;
	[sflag:s30] =	ssyncadd.s32 $0xFFFFD8F0  }
0x13e: {  	_ =	swait.ge [sflag:s31], $0x2710  }
0x13f: {  	[sflag:s31] =	ssyncset.done $0x0  }
0x140: {  	s3 =	simm.s32 $0x0;
	[sflag:s31] =	ssyncadd.s32 $0xFFFFD8F0  }
0x141: {  	s6 =	simm.s32 $0x40;
	v2 =	vld [tilespmem:s3+$0xC350]  }
.LBB2_19:
0x142: {  	p0 =	sne.s32 s6, $0x9C00;
	v3 =	vld [tilespmem:s3+$0x11170];
	_ =	sdelay $0x2  }
.Ltmp9:
0x143: {  	(pc) =	sbr.rel @p0 .LBB2_19-.Ltmp9, $4  }
0x144: {  	_ = 	snop  }
0x145: {  	v3 =	vmul.f32 v2, v3  }
0x146: {  	s9 =	sshra.s32 s6, $0x2  }
0x147: {  	s6 =	sadd.s32 $0x40, s6;
	v2 =	vld [tilespmem:s9+$0xC350];
	[tilespmem:s3+$0x11170] =	vst v3;
	s3 =	smov.u32 s9  }
0x148: {  	v3 =	vld [tilespmem:s3+$0x11170];
	_ =	sdelay $0x4  }
0x149: {  	v2 =	vmul.f32 v2, v3;
	_ =	sdelay $0x1  }
0x14a: {  	s19 =	simm.s32 $0x4;
	[tilespmem:s3+$0x11170] =	vst v2  }
0x14b: {  	_ =	swait.ge [sflag:s19], $0x2710  }
0x14c: {  	s20 =	simm.s32 $0x2710;
	[sflag:s19] =	ssyncset.done $0x0  }
0x14d: {  	s6 =	simm.s32 $0x7530;
	s9 =	simm.s32 $0x11170;
	[sflag:s19] =	ssyncadd.s32 $0xFFFFD8F0  }
0x14e: {  	[spmem:s2] =	stream.indirect.scatter.add.f32 [tilespmem:s9], [sflag:$0xA], $0x1, s6, s20, $0xb8;
	[tilespmem:$0x1F2B0] =	vst v63  }
0x14f: {  	s21 =	simm.s32 $0x13880;
	s22 =	simm.s32 $0x1  }
0x150: {  	[spmem:s15] =	stream.indirect.scatter.add.f32 [tilespmem:s21], [sflag:$0xC], $0x1, s6, s20, $0xb8;
	[tilespmem:$0x1F2B0] =	vst v63  }
0x151: {  	_ =	swait.ge [sflag:s22], $0x2710  }
0x152: {  	s10 =	simm.s32 $0x0;
	[sflag:s22] =	ssyncset.done $0x0  }
0x153: {  	s23 =	simm.s32 $0xEA60;
	s24 =	simm.s32 $0xA;
	[sflag:s22] =	ssyncadd.s32 $0xFFFFD8F0  }
0x154: {  	[tilespmem:s23], [sflag:$0x7] =	stream.indirect.gather [spmem:s1], $0x1, s10, s20, $0xb8;
	[tilespmem:$0x1F2B0] =	vst v63  }
0x155: {  	_ =	swait.ge [sflag:s24], $0x2710  }
0x156: {  	[sflag:s24] =	ssyncset.done $0x0  }
0x157: {  	s25 =	simm.s32 $0xC;
	[sflag:s24] =	ssyncadd.s32 $0xFFFFD8F0  }
0x158: {  	s0 =	sadd.s32 $0x2BF2, s0;
	_ =	swait.ge [sflag:s25], $0x2710  }
0x159: {  	s7 =	sadd.s32 s7, s0;
	[sflag:s25] =	ssyncset.done $0x0  }
0x15a: {  	[smem:$0x7FB] =	sst s7;
	[sflag:s25] =	ssyncadd.s32 $0xFFFFD8F0  }
0x15b: {  	[tilespmem:s20], [sflag:$0x2] =	stream.linear.gather [hbm4b:s7+s10], $0x2710, $0x38;
	[tilespmem:$0x1F2B0] =	vst v63  }
0x15c: {  	s28 =	simm.s32 $0xC350;
	s26 =	sadd.s32 s8, s0;
	s29 =	rddreg [dreg:$0x6]  }
0x15d: {  	[tilespmem:s28], [sflag:$0x6] =	stream.linear.gather [hbm4b:s26+s10], $0x2710, $0x38;
	[tilespmem:$0x1F2B0] =	vst v63  }
0x15e: {  	s30 =	simm.s32 $0x7;
	[smem:$0x7FC] =	sst s26;
	s9 =	sadd.s32 $0x33932, s29  }
0x15f: {  	[tilespmem:s6], [sflag:$0x4] =	stream.linear.gather [hbm4b:s9+s10], $0x2710, $0x38;
	[tilespmem:$0x1F2B0] =	vst v63  }
0x160: {  	_ =	swait.ge [sflag:s30], $0x2710  }
0x161: {  	[sflag:s30] =	ssyncset.done $0x0  }
0x162: {  	s31 =	simm.s32 $0x5;
	[sflag:s30] =	ssyncadd.s32 $0xFFFFD8F0  }
0x163: {  	_ =	swait.ge [sflag:s31], $0x2710  }
0x164: {  	[sflag:s31] =	ssyncset.done $0x0  }
0x165: {  	s0 =	simm.s32 $0x0;
	[sflag:s31] =	ssyncadd.s32 $0xFFFFD8F0  }
0x166: {  	s3 =	simm.s32 $0x40;
	v2 =	vld [tilespmem:s0+$0x9C40]  }
.LBB2_21:
0x167: {  	p0 =	sne.s32 s3, $0x9C00;
	v3 =	vld [tilespmem:s0+$0xEA60];
	_ =	sdelay $0x2  }
.Ltmp10:
0x168: {  	(pc) =	sbr.rel @p0 .LBB2_21-.Ltmp10, $4  }
0x169: {  	_ = 	snop  }
0x16a: {  	v3 =	vmul.f32 v2, v3  }
0x16b: {  	s6 =	sshra.s32 s3, $0x2  }
0x16c: {  	s3 =	sadd.s32 $0x40, s3;
	v2 =	vld [tilespmem:s6+$0x9C40];
	[tilespmem:s0+$0xEA60] =	vst v3;
	s0 =	smov.u32 s6  }
0x16d: {  	v3 =	vld [tilespmem:s0+$0xEA60];
	_ =	sdelay $0x4  }
0x16e: {  	v2 =	vmul.f32 v2, v3;
	_ =	sdelay $0x1  }
0x16f: {  	s22 =	simm.s32 $0x3;
	[tilespmem:s0+$0xEA60] =	vst v2  }
0x170: {  	_ =	swait.ge [sflag:s22], $0x2710  }
0x171: {  	s23 =	simm.s32 $0x2710;
	[sflag:s22] =	ssyncset.done $0x0  }
0x172: {  	s3 =	simm.s32 $0x4E20;
	s6 =	simm.s32 $0xEA60;
	[sflag:s22] =	ssyncadd.s32 $0xFFFFD8F0  }
0x173: {  	[spmem:s2] =	stream.indirect.scatter.add.f32 [tilespmem:s6], [sflag:$0x9], $0x1, s3, s23, $0xb8;
	[tilespmem:$0x1F2B0] =	vst v63  }
0x174: {  	s24 =	simm.s32 $0x13880;
	s25 =	simm.s32 $0x2  }
0x175: {  	[spmem:s15] =	stream.indirect.scatter.add.f32 [tilespmem:s24], [sflag:$0xB], $0x1, s3, s23, $0xb8;
	[tilespmem:$0x1F2B0] =	vst v63  }
0x176: {  	_ =	swait.ge [sflag:s25], $0x2710  }
0x177: {  	[sflag:s25] =	ssyncset.done $0x0  }
0x178: {  	s26 =	simm.s32 $0x11170;
	s28 =	simm.s32 $0x9;
	[sflag:s25] =	ssyncadd.s32 $0xFFFFD8F0  }
0x179: {  	[tilespmem:s26], [sflag:$0x8] =	stream.indirect.gather [spmem:s1], $0x1, s23, s23, $0xb8;
	[tilespmem:$0x1F2B0] =	vst v63  }
0x17a: {  	_ =	swait.ge [sflag:s28], $0x2710  }
0x17b: {  	[sflag:s28] =	ssyncset.done $0x0  }
0x17c: {  	s29 =	simm.s32 $0xB;
	[sflag:s28] =	ssyncadd.s32 $0xFFFFD8F0  }
0x17d: {  	_ =	swait.ge [sflag:s29], $0x2710  }
0x17e: {  	[sflag:s29] =	ssyncset.done $0x0  }
0x17f: {  	s30 =	simm.s32 $0x8;
	[sflag:s29] =	ssyncadd.s32 $0xFFFFD8F0  }
0x180: {  	_ =	swait.ge [sflag:s30], $0x2710  }
0x181: {  	[sflag:s30] =	ssyncset.done $0x0  }
0x182: {  	s31 =	simm.s32 $0x6;
	[sflag:s30] =	ssyncadd.s32 $0xFFFFD8F0  }
0x183: {  	_ =	swait.ge [sflag:s31], $0x2710  }
0x184: {  	[sflag:s31] =	ssyncset.done $0x0  }
0x185: {  	s0 =	simm.s32 $0x0;
	[sflag:s31] =	ssyncadd.s32 $0xFFFFD8F0  }
0x186: {  	s3 =	simm.s32 $0x40;
	v2 =	vld [tilespmem:s0+$0xC350]  }
.LBB2_23:
0x187: {  	p0 =	sne.s32 s3, $0x9C00;
	v3 =	vld [tilespmem:s0+$0x11170];
	_ =	sdelay $0x2  }
.Ltmp11:
0x188: {  	(pc) =	sbr.rel @p0 .LBB2_23-.Ltmp11, $4  }
0x189: {  	_ = 	snop  }
0x18a: {  	v3 =	vmul.f32 v2, v3  }
0x18b: {  	s6 =	sshra.s32 s3, $0x2  }
0x18c: {  	s3 =	sadd.s32 $0x40, s3;
	v2 =	vld [tilespmem:s6+$0xC350];
	[tilespmem:s0+$0x11170] =	vst v3;
	s0 =	smov.u32 s6  }
0x18d: {  	v3 =	vld [tilespmem:s0+$0x11170];
	_ =	sdelay $0x4  }
0x18e: {  	v2 =	vmul.f32 v2, v3;
	_ =	sdelay $0x1  }
0x18f: {  	s24 =	simm.s32 $0x4;
	[tilespmem:s0+$0x11170] =	vst v2  }
0x190: {  	_ =	swait.ge [sflag:s24], $0x2710  }
0x191: {  	s25 =	simm.s32 $0x2710;
	[sflag:s24] =	ssyncset.done $0x0  }
0x192: {  	s3 =	simm.s32 $0x7530;
	s6 =	simm.s32 $0x11170;
	[sflag:s24] =	ssyncadd.s32 $0xFFFFD8F0  }
0x193: {  	[spmem:s2] =	stream.indirect.scatter.add.f32 [tilespmem:s6], [sflag:$0xA], $0x1, s3, s25, $0xb8;
	[tilespmem:$0x1F2B0] =	vst v63  }
0x194: {  	s26 =	simm.s32 $0x13880;
	s28 =	simm.s32 $0xA  }
0x195: {  	[spmem:s15] =	stream.indirect.scatter.add.f32 [tilespmem:s26], [sflag:$0xC], $0x1, s3, s25, $0xb8;
	[tilespmem:$0x1F2B0] =	vst v63  }
0x196: {  	_ =	swait.ge [sflag:s28], $0x2710  }
0x197: {  	[sflag:s28] =	ssyncset.done $0x0  }
0x198: {  	s29 =	simm.s32 $0xC;
	[sflag:s28] =	ssyncadd.s32 $0xFFFFD8F0  }
0x199: {  	_ =	swait.ge [sflag:s29], $0x2710  }
0x19a: {  	[sflag:s29] =	ssyncset.done $0x0  }
0x19b: {  	[sflag:s29] =	ssyncadd.s32 $0xFFFFD8F0  }
0x19c: {  	s30 =	simm.s32 $0x17810;
	s31 =	simm.s32 $0xD;
	[bflag:$0x0] =	sbarrier.arrive $0xFFFF  }
0x19d: {  	[tilespmem:s30], [sflag:$0xD] =	stream.linear.gather [spmem:s16], $0x1880, $0x38;
	[tilespmem:$0x1F2B0] =	vst v63  }
0x19e: {  	_ =	swait.ge [sflag:s31], $0x1880  }
0x19f: {  	[sflag:s31] =	ssyncset.done $0x0  }
0x1a0: {  	s0 =	simm.s32 $0x0;
	s3 =	simm.s32 $0x40;
	[sflag:s31] =	ssyncadd.s32 $0xFFFFE780  }
.LBB2_25:
0x1a1: {  	p0 =	sne.s32 s3, $0x61C0;
	v2 =	vld [tilespmem:s0+$0x17810];
	_ =	sdelay $0x4  }
0x1a2: {  	v2 =	vmax.f32 v2, $1.000000000e+00  }
0x1a3: {  	(erf) = vrcp.f32 v2;
	_ =	sdelay $0x5  }
.Ltmp12:
0x1a4: {  	(pc) =	sbr.rel @p0 .LBB2_25-.Ltmp12, $3  }
0x1a5: {  	_ =	sdelay $0x1  }
0x1a6: {  	v2 =	vpop (erf)  }
0x1a7: {  	[tilespmem:s0+$0x17810] =	vst v2;
	s0 =	sshra.s32 s3, $0x2;
	s3 =	sadd.s32 $0x40, s3  }
0x1a8: {  	v2 =	vld [tilespmem:s0+$0x17810];
	_ =	sdelay $0x4  }
0x1a9: {  	v2 =	vmax.f32 v2, $1.000000000e+00  }
0x1aa: {  	(erf) = vrcp.f32 v2;
	_ =	sdelay $0x8  }
0x1ab: {  	v2 =	vpop (erf)  }
0x1ac: {  	s30 =	simm.s32 $0x15F90;
	s31 =	simm.s32 $0xD;
	[tilespmem:s0+$0x17810] =	vst v2  }
0x1ad: {  	[tilespmem:s30], [sflag:$0xD] =	stream.linear.gather [spmem:s5], $0x1880, $0x38;
	[tilespmem:$0x1F2B0] =	vst v63  }
0x1ae: {  	_ =	swait.ge [sflag:s31], $0x1880  }
0x1af: {  	[sflag:s31] =	ssyncset.done $0x0  }
0x1b0: {  	s3 =	simm.s32 $0x19090;
	[sflag:s31] =	ssyncadd.s32 $0xFFFFE780  }
0x1b1: {  	[tilespmem:s3], [sflag:$0xD] =	stream.linear.gather [spmem:s4], $0x1880, $0x38;
	[tilespmem:$0x1F2B0] =	vst v63  }
0x1b2: {  	_ =	swait.ge [sflag:s31], $0x1880  }
0x1b3: {  	[sflag:s31] =	ssyncset.done $0x0  }
0x1b4: {  	s0 =	simm.s32 $0x0;
	[sflag:s31] =	ssyncadd.s32 $0xFFFFE780  }
0x1b5: {  	v2 =	vld [tilespmem:s0+$0x17810]  }
0x1b6: {  	s3 =	simm.s32 $0x40;
	v3 =	vld [tilespmem:s0+$0x19090]  }
.LBB2_27:
0x1b7: {  	p0 =	sne.s32 s3, $0x61C0;
	v4 =	vld [tilespmem:s0+$0x15F90];
	_ =	sdelay $0x4  }
0x1b8: {  	v3 =	vmul.f32 v3, v0;
	v2 =	vmul.f32 v2, v4;
	_ =	sdelay $0x1  }
0x1b9: {  	v2 =	vadd.f32 v3, v2  }
.Ltmp13:
0x1ba: {  	(pc) =	sbr.rel @p0 .LBB2_27-.Ltmp13, $4  }
0x1bb: {  	v3 =	vadd.f32 v2, v1  }
0x1bc: {  	s6 =	sshra.s32 s3, $0x2  }
0x1bd: {  	v2 =	vld [tilespmem:s6+$0x17810];
	v4 =	vmax.f32 v3, $0.0e+00  }
0x1be: {  	s3 =	sadd.s32 $0x40, s3;
	v3 =	vld [tilespmem:s6+$0x19090];
	[tilespmem:s0+$0x15F90] =	vst v4;
	s0 =	smov.u32 s6  }
0x1bf: {  	v4 =	vld [tilespmem:s0+$0x15F90];
	_ =	sdelay $0x4  }
0x1c0: {  	v3 =	vmul.f32 v3, v0;
	v2 =	vmul.f32 v2, v4;
	_ =	sdelay $0x1  }
0x1c1: {  	v2 =	vadd.f32 v3, v2;
	_ =	sdelay $0x1  }
0x1c2: {  	v2 =	vadd.f32 v2, v1;
	_ =	sdelay $0x1  }
0x1c3: {  	v2 =	vmax.f32 v2, $0.0e+00  }
0x1c4: {  	s3 =	simm.s32 $0x0;
	[tilespmem:s0+$0x15F90] =	vst v2;
	v2 =	vimm.f32 $0.0e+00;
	s0 =	simm.s32 $0x40  }
.LBB2_29:
0x1c5: {  	p0 =	sne.s32 s0, $0x61C0;
	[tilespmem:s3+$0x19090] =	vst v2;
	s3 =	smov.u32 s0;
	s0 =	sadd.s32 $0x40, s0  }
.Ltmp14:
0x1c6: {  	(pc) =	sbr.rel @p0 .LBB2_29-.Ltmp14, $2  }
0x1c7: {  	_ =	sdelay $0x2  }
0x1c8: {  	s3 =	sshra.s32 s3, $0x2  }
0x1c9: {  	[tilespmem:s3+$0x19090] =	vst v2;
	s10 =	simm.s32 $0x19090;
	s11 =	simm.s32 $0xD;
	s12 =	simm.s32 $0x15F90  }
0x1ca: {  	[spmem:s5] =	stream.linear.scatter [tilespmem:s10], [sflag:$0xD], $0x1880, $0x38;
	[tilespmem:$0x1F2B0] =	vst v63  }
0x1cb: {  	s13 =	sadd.s32 s14, s13;
	s14 =	simm.s32 $0x0;
	_ =	swait.ge [sflag:s11], $0x1880  }
0x1cc: {  	s15 =	simm.s32 $0x1;
	s16 =	simm.s32 $0x9C40;
	[sflag:s11] =	ssyncset.done $0x0  }
0x1cd: {  	s17 =	simm.s32 $0x4E20;
	s18 =	simm.s32 $0x2710;
	[sflag:s11] =	ssyncadd.s32 $0xFFFFE780  }
0x1ce: {  	[spmem:s4] =	stream.linear.scatter [tilespmem:s12], [sflag:$0xD], $0x1880, $0x38;
	[tilespmem:$0x1F2B0] =	vst v63  }
0x1cf: {  	s19 =	simm.s32 $0xEA60;
	s20 =	simm.s32 $0xC350;
	_ =	swait.ge [sflag:s11], $0x1880  }
0x1d0: {  	s21 =	simm.s32 $0x7530;
	s22 =	simm.s32 $0x7;
	[sflag:s11] =	ssyncset.done $0x0  }
0x1d1: {  	s23 =	simm.s32 $0x5;
	s6 =	simm.s32 $0x3;
	[sflag:s11] =	ssyncadd.s32 $0xFFFFE780  }
0x1d2: {  	[hbm4b:s13+s14] =	stream.linear.scatter [tilespmem:s12], [sflag:$0xD], $0x1880, $0x38;
	[tilespmem:$0x1F2B0] =	vst v63  }
0x1d3: {  	s24 =	simm.s32 $0x2;
	s25 =	simm.s32 $0x11170;
	_ =	swait.ge [sflag:s11], $0x1880  }
0x1d4: {  	s26 =	simm.s32 $0x9;
	s28 =	simm.s32 $0x8;
	[sflag:s11] =	ssyncset.done $0x0  }
0x1d5: {  	s29 =	simm.s32 $0x6;
	s30 =	simm.s32 $0x4;
	[sflag:s11] =	ssyncadd.s32 $0xFFFFE780  }
0x1d6: {  	s31 =	simm.s32 $0xA;
	v2 =	vimm.f32 $0.0e+00;
	s0 =	simm.s32 $0x1;
	[bflag:$0x0] =	sbarrier.arrive $0xFFFF  }
.LBB2_31:
0x1d7: {  	s3 =	rddreg [dreg:$0x6]  }
0x1d8: {  	[tilespmem:s14], [sflag:$0x1] =	stream.linear.gather [hbm4b:s3+s14], $0x2710, $0x38;
	[tilespmem:$0x1F2B0] =	vst v63  }
0x1d9: {  	s8 =	rddreg [dreg:$0x7]  }
0x1da: {  	[tilespmem:s16], [sflag:$0x5] =	stream.linear.gather [hbm4b:s8+s14], $0x2710, $0x38;
	[tilespmem:$0x1F2B0] =	vst v63  }
0x1db: {  	s7 =	rddreg [dreg:$0x8]  }
0x1dc: {  	[tilespmem:s17], [sflag:$0x3] =	stream.linear.gather [hbm4b:s7+s14], $0x2710, $0x38;
	[tilespmem:$0x1F2B0] =	vst v63  }
0x1dd: {  	_ =	swait.ge [sflag:s15], $0x2710  }
0x1de: {  	[sflag:s15] =	ssyncset.done $0x0  }
0x1df: {  	[sflag:s15] =	ssyncadd.s32 $0xFFFFD8F0  }
0x1e0: {  	[tilespmem:s19], [sflag:$0x7] =	stream.indirect.gather [spmem:s1], $0x1, s14, s18, $0xb8;
	[tilespmem:$0x1F2B0] =	vst v63  }
0x1e1: {  	s8 =	rddreg [dreg:$0x9]  }
0x1e2: {  	[tilespmem:s18], [sflag:$0x2] =	stream.linear.gather [hbm4b:s8+s14], $0x2710, $0x38;
	[tilespmem:$0x1F2B0] =	vst v63  }
0x1e3: {  	s7 =	rddreg [dreg:$0xa]  }
0x1e4: {  	[tilespmem:s20], [sflag:$0x6] =	stream.linear.gather [hbm4b:s7+s14], $0x2710, $0x38;
	[tilespmem:$0x1F2B0] =	vst v63  }
0x1e5: {  	s8 =	rddreg [dreg:$0xb]  }
0x1e6: {  	[tilespmem:s21], [sflag:$0x4] =	stream.linear.gather [hbm4b:s8+s14], $0x2710, $0x38;
	[tilespmem:$0x1F2B0] =	vst v63  }
0x1e7: {  	_ =	swait.ge [sflag:s22], $0x2710  }
0x1e8: {  	[sflag:s22] =	ssyncset.done $0x0  }
0x1e9: {  	[sflag:s22] =	ssyncadd.s32 $0xFFFFD8F0  }
0x1ea: {  	_ =	swait.ge [sflag:s23], $0x2710  }
0x1eb: {  	[sflag:s23] =	ssyncset.done $0x0  }
0x1ec: {  	s3 =	simm.s32 $0x0;
	[sflag:s23] =	ssyncadd.s32 $0xFFFFD8F0  }
0x1ed: {  	s7 =	simm.s32 $0x40;
	v3 =	vld [tilespmem:s3+$0x9C40]  }
.LBB2_32:
0x1ee: {  	p0 =	sne.s32 s7, $0x9C00;
	v4 =	vld [tilespmem:s3+$0xEA60];
	_ =	sdelay $0x2  }
.Ltmp15:
0x1ef: {  	(pc) =	sbr.rel @p0 .LBB2_32-.Ltmp15, $4  }
0x1f0: {  	_ = 	snop  }
0x1f1: {  	v4 =	vmul.f32 v3, v4  }
0x1f2: {  	s8 =	sshra.s32 s7, $0x2  }
0x1f3: {  	s7 =	sadd.s32 $0x40, s7;
	v3 =	vld [tilespmem:s8+$0x9C40];
	[tilespmem:s3+$0xEA60] =	vst v4;
	s3 =	smov.u32 s8  }
0x1f4: {  	v4 =	vld [tilespmem:s3+$0xEA60];
	_ =	sdelay $0x4  }
0x1f5: {  	v3 =	vmul.f32 v3, v4;
	_ =	sdelay $0x1  }
0x1f6: {  	[tilespmem:s3+$0xEA60] =	vst v3  }
0x1f7: {  	_ =	swait.ge [sflag:s6], $0x2710  }
0x1f8: {  	[sflag:s6] =	ssyncset.done $0x0  }
0x1f9: {  	[sflag:s6] =	ssyncadd.s32 $0xFFFFD8F0  }
0x1fa: {  	[spmem:s2] =	stream.indirect.scatter.add.f32 [tilespmem:s19], [sflag:$0x9], $0x1, s17, s18, $0xb8;
	[tilespmem:$0x1F2B0] =	vst v63  }
0x1fb: {  	_ =	swait.ge [sflag:s24], $0x2710  }
0x1fc: {  	[sflag:s24] =	ssyncset.done $0x0  }
0x1fd: {  	[sflag:s24] =	ssyncadd.s32 $0xFFFFD8F0  }
0x1fe: {  	[tilespmem:s25], [sflag:$0x8] =	stream.indirect.gather [spmem:s1], $0x1, s18, s18, $0xb8;
	[tilespmem:$0x1F2B0] =	vst v63  }
0x1ff: {  	_ =	swait.ge [sflag:s26], $0x2710  }
0x200: {  	[sflag:s26] =	ssyncset.done $0x0  }
0x201: {  	s3 =	simm.s32 $0x0;
	s7 =	rddreg [dreg:$0xc];
	[sflag:s26] =	ssyncadd.s32 $0xFFFFD8F0  }
0x202: {  	[tilespmem:s3], [sflag:$0x1] =	stream.linear.gather [hbm4b:s7+s3], $0x2710, $0x38;
	[tilespmem:$0x1F2B0] =	vst v63  }
0x203: {  	s8 =	rddreg [dreg:$0xd]  }
0x204: {  	[tilespmem:s16], [sflag:$0x5] =	stream.linear.gather [hbm4b:s8+s3], $0x2710, $0x38;
	[tilespmem:$0x1F2B0] =	vst v63  }
0x205: {  	s8 =	rddreg [dreg:$0xe]  }
0x206: {  	[tilespmem:s17], [sflag:$0x3] =	stream.linear.gather [hbm4b:s8+s3], $0x2710, $0x38;
	[tilespmem:$0x1F2B0] =	vst v63  }
0x207: {  	_ =	swait.ge [sflag:s28], $0x2710  }
0x208: {  	[sflag:s28] =	ssyncset.done $0x0  }
0x209: {  	[sflag:s28] =	ssyncadd.s32 $0xFFFFD8F0  }
0x20a: {  	_ =	swait.ge [sflag:s29], $0x2710  }
0x20b: {  	[sflag:s29] =	ssyncset.done $0x0  }
0x20c: {  	s3 =	simm.s32 $0x0;
	[sflag:s29] =	ssyncadd.s32 $0xFFFFD8F0  }
0x20d: {  	s7 =	simm.s32 $0x40;
	v3 =	vld [tilespmem:s3+$0xC350]  }
.LBB2_34:
0x20e: {  	p0 =	sne.s32 s7, $0x9C00;
	v4 =	vld [tilespmem:s3+$0x11170];
	_ =	sdelay $0x2  }
.Ltmp16:
0x20f: {  	(pc) =	sbr.rel @p0 .LBB2_34-.Ltmp16, $4  }
0x210: {  	_ = 	snop  }
0x211: {  	v4 =	vmul.f32 v3, v4  }
0x212: {  	s8 =	sshra.s32 s7, $0x2  }
0x213: {  	s7 =	sadd.s32 $0x40, s7;
	v3 =	vld [tilespmem:s8+$0xC350];
	[tilespmem:s3+$0x11170] =	vst v4;
	s3 =	smov.u32 s8  }
0x214: {  	v4 =	vld [tilespmem:s3+$0x11170];
	_ =	sdelay $0x4  }
0x215: {  	v3 =	vmul.f32 v3, v4;
	_ =	sdelay $0x1  }
0x216: {  	[tilespmem:s3+$0x11170] =	vst v3  }
0x217: {  	_ =	swait.ge [sflag:s30], $0x2710  }
0x218: {  	[sflag:s30] =	ssyncset.done $0x0  }
0x219: {  	[sflag:s30] =	ssyncadd.s32 $0xFFFFD8F0  }
0x21a: {  	[spmem:s2] =	stream.indirect.scatter.add.f32 [tilespmem:s25], [sflag:$0xA], $0x1, s21, s18, $0xb8;
	[tilespmem:$0x1F2B0] =	vst v63  }
0x21b: {  	_ =	swait.ge [sflag:s15], $0x2710  }
0x21c: {  	[sflag:s15] =	ssyncset.done $0x0  }
0x21d: {  	s3 =	simm.s32 $0x0;
	[sflag:s15] =	ssyncadd.s32 $0xFFFFD8F0  }
0x21e: {  	[tilespmem:s19], [sflag:$0x7] =	stream.indirect.gather [spmem:s1], $0x1, s3, s18, $0xb8;
	[tilespmem:$0x1F2B0] =	vst v63  }
0x21f: {  	_ =	swait.ge [sflag:s31], $0x2710  }
0x220: {  	[sflag:s31] =	ssyncset.done $0x0  }
0x221: {  	s7 =	rddreg [dreg:$0xf];
	[sflag:s31] =	ssyncadd.s32 $0xFFFFD8F0  }
0x222: {  	[tilespmem:s18], [sflag:$0x2] =	stream.linear.gather [hbm4b:s7+s3], $0x2710, $0x38;
	[tilespmem:$0x1F2B0] =	vst v63  }
0x223: {  	s8 =	rddreg [dreg:$0x10]  }
0x224: {  	[tilespmem:s20], [sflag:$0x6] =	stream.linear.gather [hbm4b:s8+s3], $0x2710, $0x38;
	[tilespmem:$0x1F2B0] =	vst v63  }
0x225: {  	s8 =	rddreg [dreg:$0x11]  }
0x226: {  	[tilespmem:s21], [sflag:$0x4] =	stream.linear.gather [hbm4b:s8+s3], $0x2710, $0x38;
	[tilespmem:$0x1F2B0] =	vst v63  }
0x227: {  	_ =	swait.ge [sflag:s22], $0x2710  }
0x228: {  	[sflag:s22] =	ssyncset.done $0x0  }
0x229: {  	[sflag:s22] =	ssyncadd.s32 $0xFFFFD8F0  }
0x22a: {  	_ =	swait.ge [sflag:s23], $0x2710  }
0x22b: {  	[sflag:s23] =	ssyncset.done $0x0  }
0x22c: {  	s3 =	simm.s32 $0x0;
	[sflag:s23] =	ssyncadd.s32 $0xFFFFD8F0  }
0x22d: {  	s7 =	simm.s32 $0x40;
	v3 =	vld [tilespmem:s3+$0x9C40]  }
.LBB2_36:
0x22e: {  	p0 =	sne.s32 s7, $0x9C00;
	v4 =	vld [tilespmem:s3+$0xEA60];
	_ =	sdelay $0x2  }
.Ltmp17:
0x22f: {  	(pc) =	sbr.rel @p0 .LBB2_36-.Ltmp17, $4  }
0x230: {  	_ = 	snop  }
0x231: {  	v4 =	vmul.f32 v3, v4  }
0x232: {  	s8 =	sshra.s32 s7, $0x2  }
0x233: {  	s7 =	sadd.s32 $0x40, s7;
	v3 =	vld [tilespmem:s8+$0x9C40];
	[tilespmem:s3+$0xEA60] =	vst v4;
	s3 =	smov.u32 s8  }
0x234: {  	v4 =	vld [tilespmem:s3+$0xEA60];
	_ =	sdelay $0x4  }
0x235: {  	v3 =	vmul.f32 v3, v4;
	_ =	sdelay $0x1  }
0x236: {  	[tilespmem:s3+$0xEA60] =	vst v3  }
0x237: {  	_ =	swait.ge [sflag:s6], $0x2710  }
0x238: {  	[sflag:s6] =	ssyncset.done $0x0  }
0x239: {  	[sflag:s6] =	ssyncadd.s32 $0xFFFFD8F0  }
0x23a: {  	[spmem:s2] =	stream.indirect.scatter.add.f32 [tilespmem:s19], [sflag:$0x9], $0x1, s17, s18, $0xb8;
	[tilespmem:$0x1F2B0] =	vst v63  }
0x23b: {  	_ =	swait.ge [sflag:s24], $0x2710  }
0x23c: {  	[sflag:s24] =	ssyncset.done $0x0  }
0x23d: {  	[sflag:s24] =	ssyncadd.s32 $0xFFFFD8F0  }
0x23e: {  	[tilespmem:s25], [sflag:$0x8] =	stream.indirect.gather [spmem:s1], $0x1, s18, s18, $0xb8;
	[tilespmem:$0x1F2B0] =	vst v63  }
0x23f: {  	_ =	swait.ge [sflag:s26], $0x2710  }
0x240: {  	[sflag:s26] =	ssyncset.done $0x0  }
0x241: {  	s3 =	simm.s32 $0x0;
	s7 =	rddreg [dreg:$0x12];
	[sflag:s26] =	ssyncadd.s32 $0xFFFFD8F0  }
0x242: {  	[tilespmem:s3], [sflag:$0x1] =	stream.linear.gather [hbm4b:s7+s3], $0x2710, $0x38;
	[tilespmem:$0x1F2B0] =	vst v63  }
0x243: {  	s8 =	rddreg [dreg:$0x13]  }
0x244: {  	[tilespmem:s16], [sflag:$0x5] =	stream.linear.gather [hbm4b:s8+s3], $0x2710, $0x38;
	[tilespmem:$0x1F2B0] =	vst v63  }
0x245: {  	s8 =	rddreg [dreg:$0x14]  }
0x246: {  	[tilespmem:s17], [sflag:$0x3] =	stream.linear.gather [hbm4b:s8+s3], $0x2710, $0x38;
	[tilespmem:$0x1F2B0] =	vst v63  }
0x247: {  	_ =	swait.ge [sflag:s28], $0x2710  }
0x248: {  	[sflag:s28] =	ssyncset.done $0x0  }
0x249: {  	[sflag:s28] =	ssyncadd.s32 $0xFFFFD8F0  }
0x24a: {  	_ =	swait.ge [sflag:s29], $0x2710  }
0x24b: {  	[sflag:s29] =	ssyncset.done $0x0  }
0x24c: {  	s3 =	simm.s32 $0x0;
	[sflag:s29] =	ssyncadd.s32 $0xFFFFD8F0  }
0x24d: {  	s7 =	simm.s32 $0x40;
	v3 =	vld [tilespmem:s3+$0xC350]  }
.LBB2_38:
0x24e: {  	p0 =	sne.s32 s7, $0x9C00;
	v4 =	vld [tilespmem:s3+$0x11170];
	_ =	sdelay $0x2  }
.Ltmp18:
0x24f: {  	(pc) =	sbr.rel @p0 .LBB2_38-.Ltmp18, $4  }
0x250: {  	_ = 	snop  }
0x251: {  	v4 =	vmul.f32 v3, v4  }
0x252: {  	s8 =	sshra.s32 s7, $0x2  }
0x253: {  	s7 =	sadd.s32 $0x40, s7;
	v3 =	vld [tilespmem:s8+$0xC350];
	[tilespmem:s3+$0x11170] =	vst v4;
	s3 =	smov.u32 s8  }
0x254: {  	v4 =	vld [tilespmem:s3+$0x11170];
	_ =	sdelay $0x4  }
0x255: {  	v3 =	vmul.f32 v3, v4;
	_ =	sdelay $0x1  }
0x256: {  	[tilespmem:s3+$0x11170] =	vst v3  }
0x257: {  	_ =	swait.ge [sflag:s30], $0x2710  }
0x258: {  	[sflag:s30] =	ssyncset.done $0x0  }
0x259: {  	[sflag:s30] =	ssyncadd.s32 $0xFFFFD8F0  }
0x25a: {  	[spmem:s2] =	stream.indirect.scatter.add.f32 [tilespmem:s25], [sflag:$0xA], $0x1, s21, s18, $0xb8;
	[tilespmem:$0x1F2B0] =	vst v63  }
0x25b: {  	_ =	swait.ge [sflag:s15], $0x2710  }
0x25c: {  	[sflag:s15] =	ssyncset.done $0x0  }
0x25d: {  	s3 =	simm.s32 $0x0;
	[sflag:s15] =	ssyncadd.s32 $0xFFFFD8F0  }
0x25e: {  	[tilespmem:s19], [sflag:$0x7] =	stream.indirect.gather [spmem:s1], $0x1, s3, s18, $0xb8;
	[tilespmem:$0x1F2B0] =	vst v63  }
0x25f: {  	_ =	swait.ge [sflag:s31], $0x2710  }
0x260: {  	[sflag:s31] =	ssyncset.done $0x0  }
0x261: {  	s7 =	rddreg [dreg:$0x15];
	[sflag:s31] =	ssyncadd.s32 $0xFFFFD8F0  }
0x262: {  	[tilespmem:s18], [sflag:$0x2] =	stream.linear.gather [hbm4b:s7+s3], $0x2710, $0x38;
	[tilespmem:$0x1F2B0] =	vst v63  }
0x263: {  	s8 =	rddreg [dreg:$0x16]  }
0x264: {  	[tilespmem:s20], [sflag:$0x6] =	stream.linear.gather [hbm4b:s8+s3], $0x2710, $0x38;
	[tilespmem:$0x1F2B0] =	vst v63  }
0x265: {  	s8 =	rddreg [dreg:$0x17]  }
0x266: {  	[tilespmem:s21], [sflag:$0x4] =	stream.linear.gather [hbm4b:s8+s3], $0x2710, $0x38;
	[tilespmem:$0x1F2B0] =	vst v63  }
0x267: {  	_ =	swait.ge [sflag:s22], $0x2710  }
0x268: {  	[sflag:s22] =	ssyncset.done $0x0  }
0x269: {  	[sflag:s22] =	ssyncadd.s32 $0xFFFFD8F0  }
0x26a: {  	_ =	swait.ge [sflag:s23], $0x2710  }
0x26b: {  	[sflag:s23] =	ssyncset.done $0x0  }
0x26c: {  	s3 =	simm.s32 $0x0;
	[sflag:s23] =	ssyncadd.s32 $0xFFFFD8F0  }
0x26d: {  	s7 =	simm.s32 $0x40;
	v3 =	vld [tilespmem:s3+$0x9C40]  }
.LBB2_40:
0x26e: {  	p0 =	sne.s32 s7, $0x9C00;
	v4 =	vld [tilespmem:s3+$0xEA60];
	_ =	sdelay $0x2  }
.Ltmp19:
0x26f: {  	(pc) =	sbr.rel @p0 .LBB2_40-.Ltmp19, $4  }
0x270: {  	_ = 	snop  }
0x271: {  	v4 =	vmul.f32 v3, v4  }
0x272: {  	s8 =	sshra.s32 s7, $0x2  }
0x273: {  	s7 =	sadd.s32 $0x40, s7;
	v3 =	vld [tilespmem:s8+$0x9C40];
	[tilespmem:s3+$0xEA60] =	vst v4;
	s3 =	smov.u32 s8  }
0x274: {  	v4 =	vld [tilespmem:s3+$0xEA60];
	_ =	sdelay $0x4  }
0x275: {  	v3 =	vmul.f32 v3, v4;
	_ =	sdelay $0x1  }
0x276: {  	[tilespmem:s3+$0xEA60] =	vst v3  }
0x277: {  	_ =	swait.ge [sflag:s6], $0x2710  }
0x278: {  	[sflag:s6] =	ssyncset.done $0x0  }
0x279: {  	[sflag:s6] =	ssyncadd.s32 $0xFFFFD8F0  }
0x27a: {  	[spmem:s2] =	stream.indirect.scatter.add.f32 [tilespmem:s19], [sflag:$0x9], $0x1, s17, s18, $0xb8;
	[tilespmem:$0x1F2B0] =	vst v63  }
0x27b: {  	_ =	swait.ge [sflag:s24], $0x2710  }
0x27c: {  	[sflag:s24] =	ssyncset.done $0x0  }
0x27d: {  	[sflag:s24] =	ssyncadd.s32 $0xFFFFD8F0  }
0x27e: {  	[tilespmem:s25], [sflag:$0x8] =	stream.indirect.gather [spmem:s1], $0x1, s18, s18, $0xb8;
	[tilespmem:$0x1F2B0] =	vst v63  }
0x27f: {  	_ =	swait.ge [sflag:s26], $0x2710  }
0x280: {  	[sflag:s26] =	ssyncset.done $0x0  }
0x281: {  	s3 =	simm.s32 $0x0;
	s7 =	rddreg [dreg:$0x18];
	[sflag:s26] =	ssyncadd.s32 $0xFFFFD8F0  }
0x282: {  	[tilespmem:s3], [sflag:$0x1] =	stream.linear.gather [hbm4b:s7+s3], $0x2710, $0x38;
	[tilespmem:$0x1F2B0] =	vst v63  }
0x283: {  	s8 =	rddreg [dreg:$0x19]  }
0x284: {  	[tilespmem:s16], [sflag:$0x5] =	stream.linear.gather [hbm4b:s8+s3], $0x2710, $0x38;
	[tilespmem:$0x1F2B0] =	vst v63  }
0x285: {  	s8 =	rddreg [dreg:$0x1a]  }
0x286: {  	[tilespmem:s17], [sflag:$0x3] =	stream.linear.gather [hbm4b:s8+s3], $0x2710, $0x38;
	[tilespmem:$0x1F2B0] =	vst v63  }
0x287: {  	_ =	swait.ge [sflag:s28], $0x2710  }
0x288: {  	[sflag:s28] =	ssyncset.done $0x0  }
0x289: {  	[sflag:s28] =	ssyncadd.s32 $0xFFFFD8F0  }
0x28a: {  	_ =	swait.ge [sflag:s29], $0x2710  }
0x28b: {  	[sflag:s29] =	ssyncset.done $0x0  }
0x28c: {  	s3 =	simm.s32 $0x0;
	[sflag:s29] =	ssyncadd.s32 $0xFFFFD8F0  }
0x28d: {  	s7 =	simm.s32 $0x40;
	v3 =	vld [tilespmem:s3+$0xC350]  }
.LBB2_42:
0x28e: {  	p0 =	sne.s32 s7, $0x9C00;
	v4 =	vld [tilespmem:s3+$0x11170];
	_ =	sdelay $0x2  }
.Ltmp20:
0x28f: {  	(pc) =	sbr.rel @p0 .LBB2_42-.Ltmp20, $4  }
0x290: {  	_ = 	snop  }
0x291: {  	v4 =	vmul.f32 v3, v4  }
0x292: {  	s8 =	sshra.s32 s7, $0x2  }
0x293: {  	s7 =	sadd.s32 $0x40, s7;
	v3 =	vld [tilespmem:s8+$0xC350];
	[tilespmem:s3+$0x11170] =	vst v4;
	s3 =	smov.u32 s8  }
0x294: {  	v4 =	vld [tilespmem:s3+$0x11170];
	_ =	sdelay $0x4  }
0x295: {  	v3 =	vmul.f32 v3, v4;
	_ =	sdelay $0x1  }
0x296: {  	[tilespmem:s3+$0x11170] =	vst v3  }
0x297: {  	_ =	swait.ge [sflag:s30], $0x2710  }
0x298: {  	[sflag:s30] =	ssyncset.done $0x0  }
0x299: {  	[sflag:s30] =	ssyncadd.s32 $0xFFFFD8F0  }
0x29a: {  	[spmem:s2] =	stream.indirect.scatter.add.f32 [tilespmem:s25], [sflag:$0xA], $0x1, s21, s18, $0xb8;
	[tilespmem:$0x1F2B0] =	vst v63  }
0x29b: {  	_ =	swait.ge [sflag:s15], $0x2710  }
0x29c: {  	[sflag:s15] =	ssyncset.done $0x0  }
0x29d: {  	s3 =	simm.s32 $0x0;
	[sflag:s15] =	ssyncadd.s32 $0xFFFFD8F0  }
0x29e: {  	[tilespmem:s19], [sflag:$0x7] =	stream.indirect.gather [spmem:s1], $0x1, s3, s18, $0xb8;
	[tilespmem:$0x1F2B0] =	vst v63  }
0x29f: {  	_ =	swait.ge [sflag:s31], $0x2710  }
0x2a0: {  	[sflag:s31] =	ssyncset.done $0x0  }
0x2a1: {  	s7 =	rddreg [dreg:$0x1b];
	[sflag:s31] =	ssyncadd.s32 $0xFFFFD8F0  }
0x2a2: {  	[tilespmem:s18], [sflag:$0x2] =	stream.linear.gather [hbm4b:s7+s3], $0x2710, $0x38;
	[tilespmem:$0x1F2B0] =	vst v63  }
0x2a3: {  	s8 =	rddreg [dreg:$0x1c]  }
0x2a4: {  	[tilespmem:s20], [sflag:$0x6] =	stream.linear.gather [hbm4b:s8+s3], $0x2710, $0x38;
	[tilespmem:$0x1F2B0] =	vst v63  }
0x2a5: {  	s8 =	rddreg [dreg:$0x1d]  }
0x2a6: {  	[tilespmem:s21], [sflag:$0x4] =	stream.linear.gather [hbm4b:s8+s3], $0x2710, $0x38;
	[tilespmem:$0x1F2B0] =	vst v63  }
0x2a7: {  	_ =	swait.ge [sflag:s22], $0x2710  }
0x2a8: {  	[sflag:s22] =	ssyncset.done $0x0  }
0x2a9: {  	[sflag:s22] =	ssyncadd.s32 $0xFFFFD8F0  }
0x2aa: {  	_ =	swait.ge [sflag:s23], $0x2710  }
0x2ab: {  	[sflag:s23] =	ssyncset.done $0x0  }
0x2ac: {  	s3 =	simm.s32 $0x0;
	[sflag:s23] =	ssyncadd.s32 $0xFFFFD8F0  }
0x2ad: {  	s7 =	simm.s32 $0x40;
	v3 =	vld [tilespmem:s3+$0x9C40]  }
.LBB2_44:
0x2ae: {  	p0 =	sne.s32 s7, $0x9C00;
	v4 =	vld [tilespmem:s3+$0xEA60];
	_ =	sdelay $0x2  }
.Ltmp21:
0x2af: {  	(pc) =	sbr.rel @p0 .LBB2_44-.Ltmp21, $4  }
0x2b0: {  	_ = 	snop  }
0x2b1: {  	v4 =	vmul.f32 v3, v4  }
0x2b2: {  	s8 =	sshra.s32 s7, $0x2  }
0x2b3: {  	s7 =	sadd.s32 $0x40, s7;
	v3 =	vld [tilespmem:s8+$0x9C40];
	[tilespmem:s3+$0xEA60] =	vst v4;
	s3 =	smov.u32 s8  }
0x2b4: {  	v4 =	vld [tilespmem:s3+$0xEA60];
	_ =	sdelay $0x4  }
0x2b5: {  	v3 =	vmul.f32 v3, v4;
	_ =	sdelay $0x1  }
0x2b6: {  	[tilespmem:s3+$0xEA60] =	vst v3  }
0x2b7: {  	_ =	swait.ge [sflag:s6], $0x2710  }
0x2b8: {  	[sflag:s6] =	ssyncset.done $0x0  }
0x2b9: {  	[sflag:s6] =	ssyncadd.s32 $0xFFFFD8F0  }
0x2ba: {  	[spmem:s2] =	stream.indirect.scatter.add.f32 [tilespmem:s19], [sflag:$0x9], $0x1, s17, s18, $0xb8;
	[tilespmem:$0x1F2B0] =	vst v63  }
0x2bb: {  	_ =	swait.ge [sflag:s24], $0x2710  }
0x2bc: {  	[sflag:s24] =	ssyncset.done $0x0  }
0x2bd: {  	[sflag:s24] =	ssyncadd.s32 $0xFFFFD8F0  }
0x2be: {  	[tilespmem:s25], [sflag:$0x8] =	stream.indirect.gather [spmem:s1], $0x1, s18, s18, $0xb8;
	[tilespmem:$0x1F2B0] =	vst v63  }
0x2bf: {  	_ =	swait.ge [sflag:s26], $0x2710  }
0x2c0: {  	[sflag:s26] =	ssyncset.done $0x0  }
0x2c1: {  	s3 =	simm.s32 $0x0;
	s7 =	rddreg [dreg:$0x1e];
	[sflag:s26] =	ssyncadd.s32 $0xFFFFD8F0  }
0x2c2: {  	[tilespmem:s3], [sflag:$0x1] =	stream.linear.gather [hbm4b:s7+s3], $0x2710, $0x38;
	[tilespmem:$0x1F2B0] =	vst v63  }
0x2c3: {  	s8 =	rddreg [dreg:$0x1f]  }
0x2c4: {  	[tilespmem:s16], [sflag:$0x5] =	stream.linear.gather [hbm4b:s8+s3], $0x2710, $0x38;
	[tilespmem:$0x1F2B0] =	vst v63  }
0x2c5: {  	s8 =	sld [smem:$0x7FD];
	_ =	sdelay $0x2  }
0x2c6: {  	[tilespmem:s17], [sflag:$0x3] =	stream.linear.gather [hbm4b:s8+s3], $0x2710, $0x38;
	[tilespmem:$0x1F2B0] =	vst v63  }
0x2c7: {  	_ =	swait.ge [sflag:s28], $0x2710  }
0x2c8: {  	[sflag:s28] =	ssyncset.done $0x0  }
0x2c9: {  	[sflag:s28] =	ssyncadd.s32 $0xFFFFD8F0  }
0x2ca: {  	_ =	swait.ge [sflag:s29], $0x2710  }
0x2cb: {  	[sflag:s29] =	ssyncset.done $0x0  }
0x2cc: {  	s3 =	simm.s32 $0x0;
	[sflag:s29] =	ssyncadd.s32 $0xFFFFD8F0  }
0x2cd: {  	s7 =	simm.s32 $0x40;
	v3 =	vld [tilespmem:s3+$0xC350]  }
.LBB2_46:
0x2ce: {  	p0 =	sne.s32 s7, $0x9C00;
	v4 =	vld [tilespmem:s3+$0x11170];
	_ =	sdelay $0x2  }
.Ltmp22:
0x2cf: {  	(pc) =	sbr.rel @p0 .LBB2_46-.Ltmp22, $4  }
0x2d0: {  	_ = 	snop  }
0x2d1: {  	v4 =	vmul.f32 v3, v4  }
0x2d2: {  	s8 =	sshra.s32 s7, $0x2  }
0x2d3: {  	s7 =	sadd.s32 $0x40, s7;
	v3 =	vld [tilespmem:s8+$0xC350];
	[tilespmem:s3+$0x11170] =	vst v4;
	s3 =	smov.u32 s8  }
0x2d4: {  	v4 =	vld [tilespmem:s3+$0x11170];
	_ =	sdelay $0x4  }
0x2d5: {  	v3 =	vmul.f32 v3, v4;
	_ =	sdelay $0x1  }
0x2d6: {  	[tilespmem:s3+$0x11170] =	vst v3  }
0x2d7: {  	_ =	swait.ge [sflag:s30], $0x2710  }
0x2d8: {  	[sflag:s30] =	ssyncset.done $0x0  }
0x2d9: {  	[sflag:s30] =	ssyncadd.s32 $0xFFFFD8F0  }
0x2da: {  	[spmem:s2] =	stream.indirect.scatter.add.f32 [tilespmem:s25], [sflag:$0xA], $0x1, s21, s18, $0xb8;
	[tilespmem:$0x1F2B0] =	vst v63  }
0x2db: {  	_ =	swait.ge [sflag:s15], $0x2710  }
0x2dc: {  	[sflag:s15] =	ssyncset.done $0x0  }
0x2dd: {  	s3 =	simm.s32 $0x0;
	[sflag:s15] =	ssyncadd.s32 $0xFFFFD8F0  }
0x2de: {  	[tilespmem:s19], [sflag:$0x7] =	stream.indirect.gather [spmem:s1], $0x1, s3, s18, $0xb8;
	[tilespmem:$0x1F2B0] =	vst v63  }
0x2df: {  	_ =	swait.ge [sflag:s31], $0x2710  }
0x2e0: {  	s7 =	sld [smem:$0x7FB]  }
0x2e1: {  	[sflag:s31] =	ssyncset.done $0x0  }
0x2e2: {  	s8 =	sld [smem:$0x7FC];
	[sflag:s31] =	ssyncadd.s32 $0xFFFFD8F0  }
0x2e3: {  	[tilespmem:s18], [sflag:$0x2] =	stream.linear.gather [hbm4b:s7+s3], $0x2710, $0x38;
	[tilespmem:$0x1F2B0] =	vst v63  }
0x2e4: {  	_ = 	snop  }
0x2e5: {  	[tilespmem:s20], [sflag:$0x6] =	stream.linear.gather [hbm4b:s8+s3], $0x2710, $0x38;
	[tilespmem:$0x1F2B0] =	vst v63  }
0x2e6: {  	_ = 	snop  }
0x2e7: {  	[tilespmem:s21], [sflag:$0x4] =	stream.linear.gather [hbm4b:s9+s3], $0x2710, $0x38;
	[tilespmem:$0x1F2B0] =	vst v63  }
0x2e8: {  	_ =	swait.ge [sflag:s22], $0x2710  }
0x2e9: {  	[sflag:s22] =	ssyncset.done $0x0  }
0x2ea: {  	[sflag:s22] =	ssyncadd.s32 $0xFFFFD8F0  }
0x2eb: {  	_ =	swait.ge [sflag:s23], $0x2710  }
0x2ec: {  	[sflag:s23] =	ssyncset.done $0x0  }
0x2ed: {  	s3 =	simm.s32 $0x0;
	[sflag:s23] =	ssyncadd.s32 $0xFFFFD8F0  }
0x2ee: {  	s7 =	simm.s32 $0x40;
	v3 =	vld [tilespmem:s3+$0x9C40]  }
.LBB2_48:
0x2ef: {  	p0 =	sne.s32 s7, $0x9C00;
	v4 =	vld [tilespmem:s3+$0xEA60];
	_ =	sdelay $0x2  }
.Ltmp23:
0x2f0: {  	(pc) =	sbr.rel @p0 .LBB2_48-.Ltmp23, $4  }
0x2f1: {  	_ = 	snop  }
0x2f2: {  	v4 =	vmul.f32 v3, v4  }
0x2f3: {  	s8 =	sshra.s32 s7, $0x2  }
0x2f4: {  	s7 =	sadd.s32 $0x40, s7;
	v3 =	vld [tilespmem:s8+$0x9C40];
	[tilespmem:s3+$0xEA60] =	vst v4;
	s3 =	smov.u32 s8  }
0x2f5: {  	v4 =	vld [tilespmem:s3+$0xEA60];
	_ =	sdelay $0x4  }
0x2f6: {  	v3 =	vmul.f32 v3, v4;
	_ =	sdelay $0x1  }
0x2f7: {  	[tilespmem:s3+$0xEA60] =	vst v3  }
0x2f8: {  	_ =	swait.ge [sflag:s6], $0x2710  }
0x2f9: {  	[sflag:s6] =	ssyncset.done $0x0  }
0x2fa: {  	[sflag:s6] =	ssyncadd.s32 $0xFFFFD8F0  }
0x2fb: {  	[spmem:s2] =	stream.indirect.scatter.add.f32 [tilespmem:s19], [sflag:$0x9], $0x1, s17, s18, $0xb8;
	[tilespmem:$0x1F2B0] =	vst v63  }
0x2fc: {  	_ =	swait.ge [sflag:s24], $0x2710  }
0x2fd: {  	[sflag:s24] =	ssyncset.done $0x0  }
0x2fe: {  	[sflag:s24] =	ssyncadd.s32 $0xFFFFD8F0  }
0x2ff: {  	[tilespmem:s25], [sflag:$0x8] =	stream.indirect.gather [spmem:s1], $0x1, s18, s18, $0xb8;
	[tilespmem:$0x1F2B0] =	vst v63  }
0x300: {  	_ =	swait.ge [sflag:s26], $0x2710  }
0x301: {  	[sflag:s26] =	ssyncset.done $0x0  }
0x302: {  	[sflag:s26] =	ssyncadd.s32 $0xFFFFD8F0  }
0x303: {  	_ =	swait.ge [sflag:s28], $0x2710  }
0x304: {  	[sflag:s28] =	ssyncset.done $0x0  }
0x305: {  	[sflag:s28] =	ssyncadd.s32 $0xFFFFD8F0  }
0x306: {  	_ =	swait.ge [sflag:s29], $0x2710  }
0x307: {  	[sflag:s29] =	ssyncset.done $0x0  }
0x308: {  	s3 =	simm.s32 $0x0;
	[sflag:s29] =	ssyncadd.s32 $0xFFFFD8F0  }
0x309: {  	s7 =	simm.s32 $0x40;
	v3 =	vld [tilespmem:s3+$0xC350]  }
.LBB2_50:
0x30a: {  	p0 =	sne.s32 s7, $0x9C00;
	v4 =	vld [tilespmem:s3+$0x11170];
	_ =	sdelay $0x2  }
.Ltmp24:
0x30b: {  	(pc) =	sbr.rel @p0 .LBB2_50-.Ltmp24, $4  }
0x30c: {  	_ = 	snop  }
0x30d: {  	v4 =	vmul.f32 v3, v4  }
0x30e: {  	s8 =	sshra.s32 s7, $0x2  }
0x30f: {  	s7 =	sadd.s32 $0x40, s7;
	v3 =	vld [tilespmem:s8+$0xC350];
	[tilespmem:s3+$0x11170] =	vst v4;
	s3 =	smov.u32 s8  }
0x310: {  	v4 =	vld [tilespmem:s3+$0x11170];
	_ =	sdelay $0x4  }
0x311: {  	v3 =	vmul.f32 v3, v4;
	_ =	sdelay $0x1  }
0x312: {  	[tilespmem:s3+$0x11170] =	vst v3  }
0x313: {  	_ =	swait.ge [sflag:s30], $0x2710  }
0x314: {  	[sflag:s30] =	ssyncset.done $0x0  }
0x315: {  	[sflag:s30] =	ssyncadd.s32 $0xFFFFD8F0  }
0x316: {  	[spmem:s2] =	stream.indirect.scatter.add.f32 [tilespmem:s25], [sflag:$0xA], $0x1, s21, s18, $0xb8;
	[tilespmem:$0x1F2B0] =	vst v63  }
0x317: {  	_ =	swait.ge [sflag:s31], $0x2710  }
0x318: {  	[sflag:s31] =	ssyncset.done $0x0  }
0x319: {  	[sflag:s31] =	ssyncadd.s32 $0xFFFFD8F0  }
0x31a: {  	[bflag:$0x0] =	sbarrier.arrive $0xFFFF  }
0x31b: {  	[tilespmem:s12], [sflag:$0xD] =	stream.linear.gather [spmem:s5], $0x1880, $0x38;
	[tilespmem:$0x1F2B0] =	vst v63  }
0x31c: {  	_ =	swait.ge [sflag:s11], $0x1880  }
0x31d: {  	[sflag:s11] =	ssyncset.done $0x0  }
0x31e: {  	[sflag:s11] =	ssyncadd.s32 $0xFFFFE780  }
0x31f: {  	[tilespmem:s10], [sflag:$0xD] =	stream.linear.gather [spmem:s4], $0x1880, $0x38;
	[tilespmem:$0x1F2B0] =	vst v63  }
0x320: {  	_ =	swait.ge [sflag:s11], $0x1880  }
0x321: {  	[sflag:s11] =	ssyncset.done $0x0  }
0x322: {  	s3 =	simm.s32 $0x0;
	[sflag:s11] =	ssyncadd.s32 $0xFFFFE780  }
0x323: {  	v3 =	vld [tilespmem:s3+$0x17810]  }
0x324: {  	s7 =	simm.s32 $0x40;
	v4 =	vld [tilespmem:s3+$0x19090]  }
.LBB2_52:
0x325: {  	p0 =	sne.s32 s7, $0x61C0;
	v5 =	vld [tilespmem:s3+$0x15F90];
	_ =	sdelay $0x4  }
0x326: {  	v4 =	vmul.f32 v4, v0;
	v3 =	vmul.f32 v3, v5;
	_ =	sdelay $0x1  }
0x327: {  	v3 =	vadd.f32 v4, v3  }
.Ltmp25:
0x328: {  	(pc) =	sbr.rel @p0 .LBB2_52-.Ltmp25, $4  }
0x329: {  	v4 =	vadd.f32 v3, v1  }
0x32a: {  	s8 =	sshra.s32 s7, $0x2  }
0x32b: {  	v3 =	vld [tilespmem:s8+$0x17810];
	v5 =	vmax.f32 v4, $0.0e+00  }
0x32c: {  	s7 =	sadd.s32 $0x40, s7;
	v4 =	vld [tilespmem:s8+$0x19090];
	[tilespmem:s3+$0x15F90] =	vst v5;
	s3 =	smov.u32 s8  }
0x32d: {  	v5 =	vld [tilespmem:s3+$0x15F90];
	_ =	sdelay $0x4  }
0x32e: {  	v4 =	vmul.f32 v4, v0;
	v3 =	vmul.f32 v3, v5;
	_ =	sdelay $0x1  }
0x32f: {  	v3 =	vadd.f32 v4, v3;
	_ =	sdelay $0x1  }
0x330: {  	v3 =	vadd.f32 v3, v1;
	_ =	sdelay $0x1  }
0x331: {  	v3 =	vmax.f32 v3, $0.0e+00  }
0x332: {  	s7 =	simm.s32 $0x0;
	[tilespmem:s3+$0x15F90] =	vst v3;
	s3 =	simm.s32 $0x40  }
.LBB2_54:
0x333: {  	p0 =	sne.s32 s3, $0x61C0;
	[tilespmem:s7+$0x19090] =	vst v2;
	s7 =	smov.u32 s3;
	s3 =	sadd.s32 $0x40, s3  }
.Ltmp26:
0x334: {  	(pc) =	sbr.rel @p0 .LBB2_54-.Ltmp26, $2  }
0x335: {  	_ =	sdelay $0x2  }
0x336: {  	s7 =	sshra.s32 s7, $0x2  }
0x337: {  	[tilespmem:s7+$0x19090] =	vst v2  }
0x338: {  	[spmem:s5] =	stream.linear.scatter [tilespmem:s10], [sflag:$0xD], $0x1880, $0x38;
	[tilespmem:$0x1F2B0] =	vst v63  }
0x339: {  	_ =	swait.ge [sflag:s11], $0x1880  }
0x33a: {  	[sflag:s11] =	ssyncset.done $0x0  }
0x33b: {  	[sflag:s11] =	ssyncadd.s32 $0xFFFFE780  }
0x33c: {  	[spmem:s4] =	stream.linear.scatter [tilespmem:s12], [sflag:$0xD], $0x1880, $0x38;
	[tilespmem:$0x1F2B0] =	vst v63  }
0x33d: {  	_ =	swait.ge [sflag:s11], $0x1880  }
0x33e: {  	s0 =	sadd.s32 $0x1, s0;
	[sflag:s11] =	ssyncset.done $0x0  }
0x33f: {  	p0 =	sne.s32 s0, $0x4;
	[sflag:s11] =	ssyncadd.s32 $0xFFFFE780  }
0x340: {  	[hbm4b:s13+s14] =	stream.linear.scatter [tilespmem:s12], [sflag:$0xD], $0x1880, $0x38;
	[tilespmem:$0x1F2B0] =	vst v63  }
.Ltmp27:
0x341: {  	_ =	swait.ge [sflag:s11], $0x1880;
	(pc) =	sbr.rel @p0 .LBB2_31-.Ltmp27, $3  }
0x342: {  	[sflag:s11] =	ssyncset.done $0x0  }
0x343: {  	[sflag:s11] =	ssyncadd.s32 $0xFFFFE780  }
0x344: {  	[bflag:$0x0] =	sbarrier.arrive $0xFFFF;
	_ =	sdelay $0x1  }
0x345: {  	_ =	sfence.sel $0x180000  }
0x346: {  	[bflag:$0x0] =	sbarrier.arrive $0xFFFF  }
0x347: {  	_ =	strace $0x90000047  }
0x348: {  	s0 =	stileid.u32;
	[bflag:$0x2] =	sbarrier.arrive $0xFFFF  }
0x349: {  	p0 =	sne.s32 s0, $0x0;
	s0 =	rddreg [dreg:$0x5]  }
0x34a: {  	s0 =	sadd.s32 @!p0 $0x100000, s0  }
0x34b: {  	[sflag:s0] =	ssyncadd.tile.s32 @!p0 $0x1;
	_ =	shalt  }
.Lfunc_end2:
_tile_overlayer_lowered:
.L_overlay_start_2:
0x34c: {  	(tag) =	ssettag $0x2  }
0x34d: {  	s0 =	rddreg [dreg:$0x0];
	s2 =	stileid.u32  }
0x34e: {  	s1 =	rddreg [dreg:$0x1];
	p0 =	sne.s32 s2, $0x0  }
0x34f: {  	s3 =	rddreg [dreg:$0x2];
	[bflag:$0x3] =	sbarrier.arrive $0xFFFF;
	s2 =	simm.s32 @!p0 $0x1C0D  }
0x350: {  	[timem:s3], [sflag:s2] =	dma.local @!p0 [hbm:s0], s1  }
0x351: {  	s0 =	simm.s32 @!p0 $0xD  }
0x352: {  	_ =	swait.ge @!p0 [sflag:s0], s1  }
0x353: {  	s1 =	ssub.s32 @!p0 $0x0, s1;
	[sflag:s0] =	ssyncset.done @!p0 $0x0  }
0x354: {  	[sflag:s0] =	ssyncadd.s32 @!p0 s1  }
0x355: {  	[bflag:$0x3] =	sbarrier.arrive $0xFFFF  }
0x356: {  	_ =	shalt  }

</sc_bundles>
